<compile_context>
chip_gen: v7x
topology: tpu7x:2x2x1
jax: 0.10.2.dev20260603
libtpu: 0.0.44.dev20260713+nightly
codegen_flags: <defaults>
</compile_context>

<pallas_src>
import functools

import numpy as np
import jax
import jax.numpy as jnp
from jax import lax
from jax.experimental import pallas as pl
from jax.experimental.pallas import tpu as pltpu
from jax.experimental.pallas import tpu_sc as plsc

F32 = jnp.float32


_CLS_ROWS = 4096


def _cls_body(x_ref, w1, b1, w2, b2, w3, b3, w4, b4, w5, b5, lwt, lb, out_ref):
    h = jnp.dot(x_ref[...], w1[...], preferred_element_type=F32) + b1[...]
    h = jnp.where(h >= 0, h, 0.1 * h)
    h = jnp.dot(h, w2[...], preferred_element_type=F32) + b2[...]
    h = jnp.where(h >= 0, h, 0.1 * h)
    h = jnp.dot(h, w3[...], preferred_element_type=F32) + b3[...]
    h = jnp.where(h >= 0, h, 0.1 * h)
    h = jnp.dot(h, w4[...], preferred_element_type=F32) + b4[...]
    h = jnp.where(h >= 0, h, 0.1 * h)
    h = jnp.dot(h, w5[...], preferred_element_type=F32) + b5[...]
    g = _CLS_ROWS // 64
    m = jnp.mean(h.reshape(g, 64, 32), axis=1)
    out_ref[...] = jnp.dot(m, lwt[...], preferred_element_type=F32) + lb[...]


def _classifier(x, cls):
    B = x.shape[0]
    xc = x.reshape(B, 3, 8, 4, 8, 4).transpose(0, 2, 4, 1, 3, 5).reshape(B * 64, 48)
    w1 = cls['c1w'].reshape(128, 48).T
    w2 = cls['c2w'].reshape(128, 128).T
    w3 = cls['c3w'].reshape(128, 128).T
    w4 = cls['c4w'].reshape(128, 128).T
    w5 = cls['c5w'].reshape(32, 128).T
    lwt = cls['lw'].T
    args = (xc,
            w1, cls['c1b'].reshape(1, 128), w2, cls['c2b'].reshape(1, 128),
            w3, cls['c3b'].reshape(1, 128), w4, cls['c4b'].reshape(1, 128),
            w5, cls['c5b'].reshape(1, 32), lwt, cls['lb'].reshape(1, 3))
    n_steps = (B * 64) // _CLS_ROWS
    g = _CLS_ROWS // 64

    def full(a):
        return pl.BlockSpec(a.shape, lambda i: (0,) * a.ndim)

    in_specs = [pl.BlockSpec((_CLS_ROWS, 48), lambda i: (i, 0))]
    in_specs += [full(a) for a in args[1:]]
    return pl.pallas_call(
        _cls_body,
        grid=(n_steps,),
        in_specs=in_specs,
        out_specs=pl.BlockSpec((g, 3), lambda i: (i, 0)),
        out_shape=jax.ShapeDtypeStruct((B, 3), F32),
    )(*args)



def _route(l0, l1, l2):
    n = l0.shape[0]
    mesh = plsc.VectorSubcoreMesh(core_axis_name="c", subcore_axis_name="s")

    @functools.partial(
        pl.kernel, mesh=mesh,
        out_type=[jax.ShapeDtypeStruct((n,), jnp.int32),
                  jax.ShapeDtypeStruct((48,), jnp.int32)],
        scratch_types=[pltpu.VMEM((n,), F32),
                       pltpu.VMEM((n,), F32),
                       pltpu.VMEM((n,), F32),
                       pltpu.VMEM((n,), jnp.int32),
                       pltpu.VMEM((48,), jnp.int32)],
    )
    def k(l0_hbm, l1_hbm, l2_hbm, idx_hbm, cnt_hbm, v0, v1, v2, vidx, vcnt):
        @pl.when((lax.axis_index("c") == 0) & (lax.axis_index("s") == 0))
        def _():
            pltpu.sync_copy(l0_hbm, v0)
            pltpu.sync_copy(l1_hbm, v1)
            pltpu.sync_copy(l2_hbm, v2)

            def body(t, carry):
                c0, c1, c2 = carry
                a0 = v0[pl.ds(t * 16, 16)]
                a1 = v1[pl.ds(t * 16, 16)]
                a2 = v2[pl.ds(t * 16, 16)]
                one = jnp.ones((16,), jnp.int32)
                zero = jnp.zeros((16,), jnp.int32)
                e = jnp.where((a0 >= a1) & (a0 >= a2), 0,
                              jnp.where(a1 >= a2, 1, 2))
                vidx[pl.ds(t * 16, 16)] = e
                c0 = c0 + jnp.where(e == 0, one, zero)
                c1 = c1 + jnp.where(e == 1, one, zero)
                c2 = c2 + jnp.where(e == 2, one, zero)
                return c0, c1, c2

            z = jnp.zeros((16,), jnp.int32)
            c0, c1, c2 = lax.fori_loop(0, n // 16, body, (z, z, z))
            vcnt[pl.ds(0, 16)] = c0
            vcnt[pl.ds(16, 16)] = c1
            vcnt[pl.ds(32, 16)] = c2
            pltpu.sync_copy(vidx, idx_hbm)
            pltpu.sync_copy(vcnt, cnt_hbm)

    return k(l0, l1, l2)



_G = 8
_W = 34
_NPIX = _W * _W
_NAL = 1280


def _np_padmask():
    m = np.zeros((1, _NAL), np.float32)
    for i in range(1, 33):
        m[0, i * _W + 1:i * _W + 33] = 1.0
    return np.tile(m, (1, _G))


def _im2col(xb, k, pad):
    cols = []
    for dy in range(k):
        for dx in range(k):
            shift = _W * (dy - pad) + (dx - pad)
            cols.append(jnp.roll(xb, -shift, axis=1) if shift else xb)
    return jnp.concatenate(cols, axis=0)


def _prelu(h, a):
    return jnp.where(h >= 0, h, a * h)


BF16 = jnp.bfloat16


def _branch_net(xc5, pm, refs):
    (wh, hb, ha, ws, sb, sa, wm, mb, ma, we, eb, ea, wt, tb) = refs
    h = (jnp.dot(wh[...], xc5, preferred_element_type=F32) + hb[...]) * pm
    h = _prelu(h, ha[...])
    h = (jnp.dot(ws[...], h, preferred_element_type=F32) + sb[...]) * pm
    h = _prelu(h, sa[...])
    for kk in range(4):
        xc = _im2col(h.astype(BF16), 3, 1)
        h = (jnp.dot(wm[kk], xc, preferred_element_type=F32) + mb[kk]) * pm
    h = _prelu(h, ma[...])
    h = (jnp.dot(we[...], h, preferred_element_type=F32) + eb[...]) * pm
    h = _prelu(h, ea[...])
    xc = _im2col(h.astype(BF16), 3, 1)
    y = jnp.dot(wt[...], xc, preferred_element_type=F32) + tb[...]
    return y.astype(BF16)


def _expert_body(idx_ref, x_ref, pm_ref, *args):
    refs, out_ref = args[:-1], args[-1]
    i = pl.program_id(0)
    base = i * _G
    pm = pm_ref[...]
    xb = x_ref[0]
    xc5 = _im2col(xb, 5, 2)
    for de in range(3):
        cond = idx_ref[base] == de
        for g in range(1, _G):
            cond = cond | (idx_ref[base + g] == de)

        @pl.when(cond)
        def _(de=de):
            y = _branch_net(xc5, pm, refs[de * 14:(de + 1) * 14])
            for g in range(_G):
                @pl.when(idx_ref[base + g] == de)
                def _(g=g, y=y):
                    out_ref[g] = y[:, g * _NAL:(g + 1) * _NAL]


def _make_wt_index(d):
    zslot = d * 3 * 81
    idxm = np.full((48, 9 * d), zslot, np.int64)
    for a in range(4):
        for ty in range(3):
            ky = 1 - a + 4 * ty
            if not 0 <= ky <= 8:
                continue
            for b in range(4):
                for tx in range(3):
                    kx = 1 - b + 4 * tx
                    if not 0 <= kx <= 8:
                        continue
                    for co in range(3):
                        r = (a * 4 + b) * 3 + co
                        for c in range(d):
                            idxm[r, (ty * 3 + tx) * d + c] = (
                                (c * 3 + co) * 9 + (8 - ky)) * 9 + (8 - kx)
    return idxm


_WT_IDX = {d: _make_wt_index(d) for d in (16, 36, 56)}


def _expert_weights(p):
    d = p['hw'].shape[0]
    wh = p['hw'].transpose(0, 2, 3, 1).reshape(d, 75)
    hb = p['hb'].reshape(d, 1)
    ha = p['ha'].reshape(d, 1)
    ws = p['sw'].reshape(12, d)
    sb = p['sb'].reshape(12, 1)
    sa = p['sa'].reshape(12, 1)
    wm = jnp.stack([p['mw%d' % i].transpose(0, 2, 3, 1).reshape(12, 108)
                    for i in range(4)]).astype(BF16)
    mb = jnp.stack([p['mb%d' % i].reshape(12, 1) for i in range(4)])
    ma = p['ma'].reshape(12, 1)
    we = p['ew'].reshape(d, 12)
    eb = p['eb'].reshape(d, 1)
    ea = p['ea'].reshape(d, 1)
    flat = jnp.concatenate([p['tw'].reshape(-1), jnp.zeros((1,), F32)])
    wt = flat[_WT_IDX[d]].astype(BF16)
    tb = jnp.tile(p['tb'], 16).reshape(48, 1)
    return (wh, hb, ha, ws, sb, sa, wm, mb, ma, we, eb, ea, wt, tb)


def _experts(x, params, idx):
    B = x.shape[0]
    perm = jnp.argsort(idx, stable=True)
    inv = jnp.argsort(perm, stable=True)
    idx_s = idx[perm]
    xp = jnp.pad(x, ((0, 0), (0, 0), (1, 1), (1, 1))).reshape(B, 3, _NPIX)
    xp = jnp.pad(xp, ((0, 0), (0, 0), (0, _NAL - _NPIX)))
    xs = (xp[perm].reshape(B // _G, _G, 3, _NAL).transpose(0, 2, 1, 3)
          .reshape(B // _G, 3, _G * _NAL))
    pm = jnp.asarray(_np_padmask())
    flat_w = []
    for n in ('net1', 'net2', 'net3'):
        flat_w.extend(_expert_weights(params[n]))

    def full(a):
        return pl.BlockSpec(a.shape, lambda i, s: (0,) * a.ndim)

    grid_spec = pltpu.PrefetchScalarGridSpec(
        num_scalar_prefetch=1,
        grid=(B // _G,),
        in_specs=[pl.BlockSpec((1, 3, _G * _NAL), lambda i, s: (i, 0, 0)),
                  full(pm)] + [full(a) for a in flat_w],
        out_specs=pl.BlockSpec((_G, 48, _NAL), lambda i, s: (i, 0, 0)),
    )
    y = pl.pallas_call(
        _expert_body,
        grid_spec=grid_spec,
        out_shape=jax.ShapeDtypeStruct((B, 48, _NAL), BF16),
    )(idx_s, xs, pm, *flat_w)
    y = y[inv][:, :, :_NPIX].reshape(B, 48, _W, _W)[:, :, 1:33, 1:33]
    out = y.reshape(B, 4, 4, 3, 32, 32).transpose(0, 3, 4, 1, 5, 2)
    return out.reshape(B, 3, 128, 128).astype(F32)


def kernel(x, params):
    B = x.shape[0]
    logits = _classifier(x, params['cls'])
    l0 = logits[:, 0]
    l1 = logits[:, 1]
    l2 = logits[:, 2]
    idx, cnt48 = _route(l0, l1, l2)
    counts = cnt48.reshape(3, 16).sum(axis=1).astype(jnp.int32)
    out = _experts(x, params, idx)
    return out, counts

# --- scband reference (transcript-rebuilt; emitter-appended) ---
"""Pipeline reference for scband-class-sr-3class-fsrcnn-net-51771535786326 (READ-ONLY COPY).

The authoritative reference and input builder live on the scoring server;
editing this copy changes nothing except your own understanding.
"""

import jax, jax.numpy as jnp
import numpy as np
from jax import lax


def conv2d(x, w, b, stride=1, pad=0):
    out = lax.conv_general_dilated(x, w, (stride, stride), [(pad, pad), (pad, pad)],
                                   dimension_numbers=('NCHW', 'OIHW', 'NCHW'))
    return out + b[None, :, None, None]


def prelu(x, a):
    return jnp.where(x >= 0, x, a[None, :, None, None] * x)


def leaky(x):
    return jnp.where(x >= 0, x, 0.1 * x)


def classifier_fwd(x, p):
    h = leaky(conv2d(x, p['c1w'], p['c1b'], stride=4))
    h = leaky(conv2d(h, p['c2w'], p['c2b']))
    h = leaky(conv2d(h, p['c3w'], p['c3b']))
    h = leaky(conv2d(h, p['c4w'], p['c4b']))
    h = conv2d(h, p['c5w'], p['c5b'])
    h = jnp.mean(h, axis=(2, 3))  # AvgPool2d(8) over the 8x8 map -> 1x1
    return h @ p['lw'].T + p['lb']


def fsrcnn_fwd(x, p):
    h = prelu(conv2d(x, p['hw'], p['hb'], pad=2), p['ha'])
    h = prelu(conv2d(h, p['sw'], p['sb']), p['sa'])
    for i in range(4):
        h = conv2d(h, p['mw%d' % i], p['mb%d' % i], pad=1)
    h = prelu(h, p['ma'])
    h = prelu(conv2d(h, p['ew'], p['eb']), p['ea'])
    # ConvTranspose2d(d, 3, kernel=9, stride=4, padding=3, output_padding=1)
    wt = jnp.flip(p['tw'], axis=(2, 3)).transpose(1, 0, 2, 3)
    out = lax.conv_general_dilated(h, wt, (1, 1), [(5, 6), (5, 6)],
                                   lhs_dilation=(4, 4),
                                   dimension_numbers=('NCHW', 'OIHW', 'NCHW'))
    return out + p['tb'][None, :, None, None]


def _fsrcnn_params(key, d):
    ks = jax.random.split(key, 8)
    p = {}
    p['hw'] = jax.random.normal(ks[0], (d, 3, 5, 5), dtype=jnp.float32) * 0.05
    p['hb'] = jnp.zeros((d,), jnp.float32)
    p['ha'] = jnp.full((d,), 0.25, jnp.float32)
    p['sw'] = jax.random.normal(ks[1], (12, d, 1, 1), dtype=jnp.float32) * 0.1
    p['sb'] = jnp.zeros((12,), jnp.float32)
    p['sa'] = jnp.full((12,), 0.25, jnp.float32)
    for i in range(4):
        p['mw%d' % i] = jax.random.normal(ks[2 + i], (12, 12, 3, 3), dtype=jnp.float32) * 0.1
        p['mb%d' % i] = jnp.zeros((12,), jnp.float32)
    p['ma'] = jnp.full((12,), 0.25, jnp.float32)
    p['ew'] = jax.random.normal(ks[6], (d, 12, 1, 1), dtype=jnp.float32) * 0.1
    p['eb'] = jnp.zeros((d,), jnp.float32)
    p['ea'] = jnp.full((d,), 0.25, jnp.float32)
    p['tw'] = jax.random.normal(ks[7], (d, 3, 9, 9), dtype=jnp.float32) * 0.02
    p['tb'] = jnp.zeros((3,), jnp.float32)
    return p


def _cls_params(key):
    ks = jax.random.split(key, 6)
    p = {}
    p['c1w'] = jax.random.normal(ks[0], (128, 3, 4, 4), dtype=jnp.float32) * 0.05
    p['c1b'] = jnp.zeros((128,), jnp.float32)
    p['c2w'] = jax.random.normal(ks[1], (128, 128, 1, 1), dtype=jnp.float32) * 0.05
    p['c2b'] = jnp.zeros((128,), jnp.float32)
    p['c3w'] = jax.random.normal(ks[2], (128, 128, 1, 1), dtype=jnp.float32) * 0.05
    p['c3b'] = jnp.zeros((128,), jnp.float32)
    p['c4w'] = jax.random.normal(ks[3], (128, 128, 1, 1), dtype=jnp.float32) * 0.05
    p['c4b'] = jnp.zeros((128,), jnp.float32)
    p['c5w'] = jax.random.normal(ks[4], (32, 128, 1, 1), dtype=jnp.float32) * 0.05
    p['c5b'] = jnp.zeros((32,), jnp.float32)
    p['lw'] = jax.random.normal(ks[5], (3, 32), dtype=jnp.float32) * 0.1
    p['lb'] = jnp.zeros((3,), jnp.float32)
    return p


def setup_inputs(seed: int = 0) -> dict:
    key = jax.random.key(seed)
    kx, k1, k2, k3, k4 = jax.random.split(key, 5)
    x = jax.random.normal(kx, (1024, 3, 32, 32), dtype=jnp.float32)
    params = {'cls': _cls_params(k1),
              'net1': _fsrcnn_params(k2, 16),
              'net2': _fsrcnn_params(k3, 36),
              'net3': _fsrcnn_params(k4, 56)}
    return {'x': x, 'params': params}


def reference(x, params):
    # classifier -> per-patch routing weights
    w = classifier_fwd(x, params['cls'])
    # ScatterRouter(topk, top_k=1): hard dispatch by argmax
    idx = jnp.argmax(w, axis=1)
    B, _, H, W = x.shape
    out = jnp.zeros((B, 3, H * 4, W * 4), dtype=x.dtype)
    counts = []
    for e, name in enumerate(['net1', 'net2', 'net3']):
        sel = idx == e
        counts.append(jnp.sum(sel).astype(jnp.int32))
        y = fsrcnn_fwd(x, params[name])
        # GatherRouter(combine): restore original patch order
        out = jnp.where(sel[:, None, None, None], y, out)
    return out, jnp.stack(counts)

if __name__ == "__main__":
    import jax
    _d = setup_inputs()
    print(jax.jit(kernel)(*tuple(_d.values())))

</pallas_src>

<mosaic_0001>
#map = affine_map<(d0, d1) -> (0)>
module attributes {stable_mosaic.version = 14 : i64} {
  func.func @k(%arg0: i32, %arg1: i32, %arg2: memref<1024xf32, #tpu.memory_space<hbm>>, %arg3: memref<1024xf32, #tpu.memory_space<hbm>>, %arg4: memref<1024xf32, #tpu.memory_space<hbm>>, %arg5: memref<1024xi32, #tpu.memory_space<hbm>>, %arg6: memref<48xi32, #tpu.memory_space<hbm>>, %arg7: memref<1024xf32, #tpu.memory_space<vmem>>, %arg8: memref<1024xf32, #tpu.memory_space<vmem>>, %arg9: memref<1024xf32, #tpu.memory_space<vmem>>, %arg10: memref<1024xi32, #tpu.memory_space<vmem>>, %arg11: memref<48xi32, #tpu.memory_space<vmem>>) attributes {dimension_semantics = [#tpu.dimension_semantics<core_parallel>, #tpu.dimension_semantics<subcore_parallel>], iteration_bounds = array<i64: 2, 16>, scalar_prefetch = 0 : i64, scratch_operands = 5 : i64, tpu.core_type = #tpu.core_type<sc_vector_subcore>, window_params = [{transform_indices = #map}, {transform_indices = #map}, {transform_indices = #map}, {transform_indices = #map}, {transform_indices = #map}]} {
    %eq3A = arith.constant 0 : i32
    %eq3A_0 = arith.cmpi eq, %arg0, %eq3A : i32
    %eq3A_1 = arith.constant 0 : i32
    %eq3A_2 = arith.cmpi eq, %arg1, %eq3A_1 : i32
    %and3A = arith.andi %eq3A_0, %eq3A_2 : i1
    %convert_element_type3A = arith.extui %and3A : i1 to i32
    %cond3A = arith.constant 0 : i32
    %cond3A_3 = arith.cmpi ne, %convert_element_type3A, %cond3A : i32
    scf.if %cond3A_3 {
      "tpu.region"() ({
        %run_scoped3A = tpu.sem_alloc : memref<!tpu.dma_semaphore, #tpu.memory_space<semaphore_mem>>
        tpu.enqueue_dma source(%arg2 : memref<1024xf32, #tpu.memory_space<hbm>>) target(%arg7 : memref<1024xf32, #tpu.memory_space<vmem>>) target_semaphore(%run_scoped3A : memref<!tpu.dma_semaphore, #tpu.memory_space<semaphore_mem>>)
        tpu.wait_dma2 semaphore(%run_scoped3A : memref<!tpu.dma_semaphore, #tpu.memory_space<semaphore_mem>>) src(%arg2 : memref<1024xf32, #tpu.memory_space<hbm>>) dst(%arg7 : memref<1024xf32, #tpu.memory_space<vmem>>)
        tpu.yield
      }) : () -> ()
      "tpu.region"() ({
        %run_scoped3A = tpu.sem_alloc : memref<!tpu.dma_semaphore, #tpu.memory_space<semaphore_mem>>
        tpu.enqueue_dma source(%arg3 : memref<1024xf32, #tpu.memory_space<hbm>>) target(%arg8 : memref<1024xf32, #tpu.memory_space<vmem>>) target_semaphore(%run_scoped3A : memref<!tpu.dma_semaphore, #tpu.memory_space<semaphore_mem>>)
        tpu.wait_dma2 semaphore(%run_scoped3A : memref<!tpu.dma_semaphore, #tpu.memory_space<semaphore_mem>>) src(%arg3 : memref<1024xf32, #tpu.memory_space<hbm>>) dst(%arg8 : memref<1024xf32, #tpu.memory_space<vmem>>)
        tpu.yield
      }) : () -> ()
      "tpu.region"() ({
        %run_scoped3A = tpu.sem_alloc : memref<!tpu.dma_semaphore, #tpu.memory_space<semaphore_mem>>
        tpu.enqueue_dma source(%arg4 : memref<1024xf32, #tpu.memory_space<hbm>>) target(%arg9 : memref<1024xf32, #tpu.memory_space<vmem>>) target_semaphore(%run_scoped3A : memref<!tpu.dma_semaphore, #tpu.memory_space<semaphore_mem>>)
        tpu.wait_dma2 semaphore(%run_scoped3A : memref<!tpu.dma_semaphore, #tpu.memory_space<semaphore_mem>>) src(%arg4 : memref<1024xf32, #tpu.memory_space<hbm>>) dst(%arg9 : memref<1024xf32, #tpu.memory_space<vmem>>)
        tpu.yield
      }) : () -> ()
      %broadcast_in_dim3A = arith.constant 0 : i32
      %broadcast_in_dim3A_4 = vector.broadcast %broadcast_in_dim3A : i32 to vector<16xi32>
      %scan3A = arith.constant 0 : i32
      %scan3A_5 = arith.constant 64 : i32
      %scan3A_6 = arith.addi %scan3A, %scan3A_5 : i32
      %scan3A_7 = arith.constant 1 : i32
      %scan3A_8:3 = scf.for %scan3A_21 = %scan3A to %scan3A_6 step %scan3A_7 iter_args(%scan3A_22 = %broadcast_in_dim3A_4, %scan3A_23 = %broadcast_in_dim3A_4, %scan3A_24 = %broadcast_in_dim3A_4) -> (vector<16xi32>, vector<16xi32>, vector<16xi32>)  : i32 {
        %mul3A = arith.constant 16 : i32
        %mul3A_25 = arith.muli %scan3A_21, %mul3A : i32
        %get3A = arith.index_cast %mul3A_25 : i32 to index
        %get3A_26 = tpu.vector_load %arg7[%get3A] {strides = array<i32>} : memref<1024xf32, #tpu.memory_space<vmem>>, vector<16xf32>,
        %get3A_27 = vector.shape_cast %get3A_26 : vector<16xf32> to vector<16xf32>
        %mul3A_28 = arith.constant 16 : i32
        %mul3A_29 = arith.muli %scan3A_21, %mul3A_28 : i32
        %get3A_30 = arith.index_cast %mul3A_29 : i32 to index
        %get3A_31 = tpu.vector_load %arg8[%get3A_30] {strides = array<i32>} : memref<1024xf32, #tpu.memory_space<vmem>>, vector<16xf32>,
        %get3A_32 = vector.shape_cast %get3A_31 : vector<16xf32> to vector<16xf32>
        %mul3A_33 = arith.constant 16 : i32
        %mul3A_34 = arith.muli %scan3A_21, %mul3A_33 : i32
        %get3A_35 = arith.index_cast %mul3A_34 : i32 to index
        %get3A_36 = tpu.vector_load %arg9[%get3A_35] {strides = array<i32>} : memref<1024xf32, #tpu.memory_space<vmem>>, vector<16xf32>,
        %get3A_37 = vector.shape_cast %get3A_36 : vector<16xf32> to vector<16xf32>
        %broadcast_in_dim3A_38 = arith.constant 1 : i32
        %broadcast_in_dim3A_39 = vector.broadcast %broadcast_in_dim3A_38 : i32 to vector<16xi32>
        %broadcast_in_dim3A_40 = arith.constant 0 : i32
        %broadcast_in_dim3A_41 = vector.broadcast %broadcast_in_dim3A_40 : i32 to vector<16xi32>
        %ge3A = arith.cmpf oge, %get3A_27, %get3A_32 : vector<16xf32>
        %ge3A_42 = arith.cmpf oge, %get3A_27, %get3A_37 : vector<16xf32>
        %and3A_43 = arith.andi %ge3A, %ge3A_42 : vector<16xi1>
        %ge3A_44 = arith.cmpf oge, %get3A_32, %get3A_37 : vector<16xf32>
        %jit3A = arith.constant 1 : i32
        %jit3A_45 = arith.constant 2 : i32
        %broadcast_in_dim3A_46 = vector.broadcast %jit3A : i32 to vector<16xi32>
        %broadcast_in_dim3A_47 = vector.broadcast %jit3A_45 : i32 to vector<16xi32>
        %select_n3A = arith.select %ge3A_44, %broadcast_in_dim3A_46, %broadcast_in_dim3A_47 : vector<16xi1>, vector<16xi32>
        %jit3A_48 = arith.constant 0 : i32
        %broadcast_in_dim3A_49 = vector.broadcast %jit3A_48 : i32 to vector<16xi32>
        %select_n3A_50 = arith.select %and3A_43, %broadcast_in_dim3A_49, %select_n3A : vector<16xi1>, vector<16xi32>
        %mul3A_51 = arith.constant 16 : i32
        %mul3A_52 = arith.muli %scan3A_21, %mul3A_51 : i32
        %swap3A_53 = arith.index_cast %mul3A_52 : i32 to index
        %swap3A_54 = tpu.vector_load %arg10[%swap3A_53] {strides = array<i32>} : memref<1024xi32, #tpu.memory_space<vmem>>, vector<16xi32>,
        %swap3A_55 = vector.shape_cast %swap3A_54 : vector<16xi32> to vector<16xi32>
        %swap3A_56 = vector.shape_cast %select_n3A_50 : vector<16xi32> to vector<16xi32>
        tpu.vector_store %arg10[%swap3A_53], %swap3A_56 {strides = array<i32>} : memref<1024xi32, #tpu.memory_space<vmem>>, vector<16xi32>,
        %eq3A_57 = arith.constant 0 : i32
        %eq3A_58 = vector.broadcast %eq3A_57 : i32 to vector<16xi32>
        %eq3A_59 = arith.cmpi eq, %select_n3A_50, %eq3A_58 : vector<16xi32>
        %select_n3A_60 = arith.select %eq3A_59, %broadcast_in_dim3A_39, %broadcast_in_dim3A_41 : vector<16xi1>, vector<16xi32>
        %add3A = arith.addi %scan3A_22, %select_n3A_60 : vector<16xi32>
        %eq3A_61 = arith.constant 1 : i32
        %eq3A_62 = vector.broadcast %eq3A_61 : i32 to vector<16xi32>
        %eq3A_63 = arith.cmpi eq, %select_n3A_50, %eq3A_62 : vector<16xi32>
        %select_n3A_64 = arith.select %eq3A_63, %broadcast_in_dim3A_39, %broadcast_in_dim3A_41 : vector<16xi1>, vector<16xi32>
        %add3A_65 = arith.addi %scan3A_23, %select_n3A_64 : vector<16xi32>
        %eq3A_66 = arith.constant 2 : i32
        %eq3A_67 = vector.broadcast %eq3A_66 : i32 to vector<16xi32>
        %eq3A_68 = arith.cmpi eq, %select_n3A_50, %eq3A_67 : vector<16xi32>
        %select_n3A_69 = arith.select %eq3A_68, %broadcast_in_dim3A_39, %broadcast_in_dim3A_41 : vector<16xi1>, vector<16xi32>
        %add3A_70 = arith.addi %scan3A_24, %select_n3A_69 : vector<16xi32>
        scf.yield %add3A, %add3A_65, %add3A_70 : vector<16xi32>, vector<16xi32>, vector<16xi32>
      }
      %scan3A_9 = arith.constant 64 : i32
      %swap3A = arith.constant 0 : index
      %swap3A_10 = tpu.vector_load %arg11[%swap3A] {strides = array<i32>} : memref<48xi32, #tpu.memory_space<vmem>>, vector<16xi32>,
      %swap3A_11 = vector.shape_cast %swap3A_10 : vector<16xi32> to vector<16xi32>
      %swap3A_12 = vector.shape_cast %scan3A_8#0 : vector<16xi32> to vector<16xi32>
      tpu.vector_store %arg11[%swap3A], %swap3A_12 {strides = array<i32>} : memref<48xi32, #tpu.memory_space<vmem>>, vector<16xi32>,
      %swap3A_13 = arith.constant 16 : index
      %swap3A_14 = tpu.vector_load %arg11[%swap3A_13] {strides = array<i32>} : memref<48xi32, #tpu.memory_space<vmem>>, vector<16xi32>,
      %swap3A_15 = vector.shape_cast %swap3A_14 : vector<16xi32> to vector<16xi32>
      %swap3A_16 = vector.shape_cast %scan3A_8#1 : vector<16xi32> to vector<16xi32>
      tpu.vector_store %arg11[%swap3A_13], %swap3A_16 {strides = array<i32>} : memref<48xi32, #tpu.memory_space<vmem>>, vector<16xi32>,
      %swap3A_17 = arith.constant 32 : index
      %swap3A_18 = tpu.vector_load %arg11[%swap3A_17] {strides = array<i32>} : memref<48xi32, #tpu.memory_space<vmem>>, vector<16xi32>,
      %swap3A_19 = vector.shape_cast %swap3A_18 : vector<16xi32> to vector<16xi32>
      %swap3A_20 = vector.shape_cast %scan3A_8#2 : vector<16xi32> to vector<16xi32>
      tpu.vector_store %arg11[%swap3A_17], %swap3A_20 {strides = array<i32>} : memref<48xi32, #tpu.memory_space<vmem>>, vector<16xi32>,
      "tpu.region"() ({
        %run_scoped3A = tpu.sem_alloc : memref<!tpu.dma_semaphore, #tpu.memory_space<semaphore_mem>>
        tpu.enqueue_dma source(%arg10 : memref<1024xi32, #tpu.memory_space<vmem>>) target(%arg5 : memref<1024xi32, #tpu.memory_space<hbm>>) target_semaphore(%run_scoped3A : memref<!tpu.dma_semaphore, #tpu.memory_space<semaphore_mem>>)
        tpu.wait_dma2 semaphore(%run_scoped3A : memref<!tpu.dma_semaphore, #tpu.memory_space<semaphore_mem>>) src(%arg10 : memref<1024xi32, #tpu.memory_space<vmem>>) dst(%arg5 : memref<1024xi32, #tpu.memory_space<hbm>>)
        tpu.yield
      }) : () -> ()
      "tpu.region"() ({
        %run_scoped3A = tpu.sem_alloc : memref<!tpu.dma_semaphore, #tpu.memory_space<semaphore_mem>>
        tpu.enqueue_dma source(%arg11 : memref<48xi32, #tpu.memory_space<vmem>>) target(%arg6 : memref<48xi32, #tpu.memory_space<hbm>>) target_semaphore(%run_scoped3A : memref<!tpu.dma_semaphore, #tpu.memory_space<semaphore_mem>>)
        tpu.wait_dma2 semaphore(%run_scoped3A : memref<!tpu.dma_semaphore, #tpu.memory_space<semaphore_mem>>) src(%arg11 : memref<48xi32, #tpu.memory_space<vmem>>) dst(%arg6 : memref<48xi32, #tpu.memory_space<hbm>>)
        tpu.yield
      }) : () -> ()
    } else {
    }
    return
  }
}

module attributes {stable_mosaic.version = 14 : i64} {
  func.func @_cls_body(%arg0: i32, %arg1: memref<4096x48xf32, #tpu.memory_space<vmem>>, %arg2: memref<48x128xf32, #tpu.memory_space<vmem>>, %arg3: memref<1x128xf32, #tpu.memory_space<vmem>>, %arg4: memref<128x128xf32, #tpu.memory_space<vmem>>, %arg5: memref<1x128xf32, #tpu.memory_space<vmem>>, %arg6: memref<128x128xf32, #tpu.memory_space<vmem>>, %arg7: memref<1x128xf32, #tpu.memory_space<vmem>>, %arg8: memref<128x128xf32, #tpu.memory_space<vmem>>, %arg9: memref<1x128xf32, #tpu.memory_space<vmem>>, %arg10: memref<128x32xf32, #tpu.memory_space<vmem>>, %arg11: memref<1x32xf32, #tpu.memory_space<vmem>>, %arg12: memref<32x3xf32, #tpu.memory_space<vmem>>, %arg13: memref<1x3xf32, #tpu.memory_space<vmem>>, %arg14: memref<64x3xf32, #tpu.memory_space<vmem>>) attributes {dimension_semantics = [#tpu.dimension_semantics<arbitrary>], iteration_bounds = array<i64: 16>, scalar_prefetch = 0 : i64, scratch_operands = 0 : i64, tpu.core_type = #tpu.core_type<tc>, window_params = [{transform_indices = @transform_0, window_bounds = array<i64: 4096, 48>}, {pipeline_mode = #tpu.pipeline_mode<synchronous>, transform_indices = @transform_1, window_bounds = array<i64: 48, 128>}, {pipeline_mode = #tpu.pipeline_mode<synchronous>, transform_indices = @transform_2, window_bounds = array<i64: 1, 128>}, {pipeline_mode = #tpu.pipeline_mode<synchronous>, transform_indices = @transform_3, window_bounds = array<i64: 128, 128>}, {pipeline_mode = #tpu.pipeline_mode<synchronous>, transform_indices = @transform_4, window_bounds = array<i64: 1, 128>}, {pipeline_mode = #tpu.pipeline_mode<synchronous>, transform_indices = @transform_5, window_bounds = array<i64: 128, 128>}, {pipeline_mode = #tpu.pipeline_mode<synchronous>, transform_indices = @transform_6, window_bounds = array<i64: 1, 128>}, {pipeline_mode = #tpu.pipeline_mode<synchronous>, transform_indices = @transform_7, window_bounds = array<i64: 128, 128>}, {pipeline_mode = #tpu.pipeline_mode<synchronous>, transform_indices = @transform_8, window_bounds = array<i64: 1, 128>}, {pipeline_mode = #tpu.pipeline_mode<synchronous>, transform_indices = @transform_9, window_bounds = array<i64: 128, 32>}, {pipeline_mode = #tpu.pipeline_mode<synchronous>, transform_indices = @transform_10, window_bounds = array<i64: 1, 32>}, {pipeline_mode = #tpu.pipeline_mode<synchronous>, transform_indices = @transform_11, window_bounds = array<i64: 32, 3>}, {pipeline_mode = #tpu.pipeline_mode<synchronous>, transform_indices = @transform_12, window_bounds = array<i64: 1, 3>}, {transform_indices = @transform_13, window_bounds = array<i64: 64, 3>}]} {
    %get3A = arith.constant 0 : index
    %get3A_0 = arith.constant 0 : index
    %get3A_1 = vector.load %arg1[%get3A, %get3A_0] : memref<4096x48xf32, #tpu.memory_space<vmem>>, vector<4096x48xf32>
    %get3A_2 = arith.constant 0 : index
    %get3A_3 = arith.constant 0 : index
    %get3A_4 = vector.load %arg2[%get3A_2, %get3A_3] : memref<48x128xf32, #tpu.memory_space<vmem>>, vector<48x128xf32>
    %dot_general3A = arith.constant dense<0.000000e+00> : vector<4096x128xf32>
    %dot_general3A_5 = tpu.matmul %get3A_1, %get3A_4, %dot_general3A {dimension_numbers = #tpu.dot_dimension_numbers<[1], [0], [0], [1], [0, 0, 1, 1], [], []>, transpose_lhs_hint = false} : vector<4096x48xf32>, vector<48x128xf32>, vector<4096x128xf32> -> vector<4096x128xf32>
    %get3A_6 = arith.constant 0 : index
    %get3A_7 = arith.constant 0 : index
    %get3A_8 = vector.load %arg3[%get3A_6, %get3A_7] : memref<1x128xf32, #tpu.memory_space<vmem>>, vector<1x128xf32>
    %add3A = vector.broadcast %get3A_8 : vector<1x128xf32> to vector<4096x128xf32>
    %add3A_9 = arith.addf %dot_general3A_5, %add3A : vector<4096x128xf32>
    %ge3A = arith.constant 0.000000e+00 : f32
    %ge3A_10 = vector.broadcast %ge3A : f32 to vector<4096x128xf32>
    %ge3A_11 = arith.cmpf oge, %add3A_9, %ge3A_10 : vector<4096x128xf32>
    %mul3A = arith.constant 1.000000e-01 : f32
    %mul3A_12 = vector.broadcast %mul3A : f32 to vector<4096x128xf32>
    %mul3A_13 = arith.mulf %mul3A_12, %add3A_9 : vector<4096x128xf32>
    %select_n3A = arith.select %ge3A_11, %add3A_9, %mul3A_13 : vector<4096x128xi1>, vector<4096x128xf32>
    %get3A_14 = arith.constant 0 : index
    %get3A_15 = arith.constant 0 : index
    %get3A_16 = vector.load %arg4[%get3A_14, %get3A_15] : memref<128x128xf32, #tpu.memory_space<vmem>>, vector<128x128xf32>
    %dot_general3A_17 = arith.constant dense<0.000000e+00> : vector<4096x128xf32>
    %dot_general3A_18 = tpu.matmul %select_n3A, %get3A_16, %dot_general3A_17 {dimension_numbers = #tpu.dot_dimension_numbers<[1], [0], [0], [1], [0, 0, 1, 1], [], []>, transpose_lhs_hint = false} : vector<4096x128xf32>, vector<128x128xf32>, vector<4096x128xf32> -> vector<4096x128xf32>
    %get3A_19 = arith.constant 0 : index
    %get3A_20 = arith.constant 0 : index
    %get3A_21 = vector.load %arg5[%get3A_19, %get3A_20] : memref<1x128xf32, #tpu.memory_space<vmem>>, vector<1x128xf32>
    %add3A_22 = vector.broadcast %get3A_21 : vector<1x128xf32> to vector<4096x128xf32>
    %add3A_23 = arith.addf %dot_general3A_18, %add3A_22 : vector<4096x128xf32>
    %ge3A_24 = arith.constant 0.000000e+00 : f32
    %ge3A_25 = vector.broadcast %ge3A_24 : f32 to vector<4096x128xf32>
    %ge3A_26 = arith.cmpf oge, %add3A_23, %ge3A_25 : vector<4096x128xf32>
    %mul3A_27 = arith.constant 1.000000e-01 : f32
    %mul3A_28 = vector.broadcast %mul3A_27 : f32 to vector<4096x128xf32>
    %mul3A_29 = arith.mulf %mul3A_28, %add3A_23 : vector<4096x128xf32>
    %select_n3A_30 = arith.select %ge3A_26, %add3A_23, %mul3A_29 : vector<4096x128xi1>, vector<4096x128xf32>
    %get3A_31 = arith.constant 0 : index
    %get3A_32 = arith.constant 0 : index
    %get3A_33 = vector.load %arg6[%get3A_31, %get3A_32] : memref<128x128xf32, #tpu.memory_space<vmem>>, vector<128x128xf32>
    %dot_general3A_34 = arith.constant dense<0.000000e+00> : vector<4096x128xf32>
    %dot_general3A_35 = tpu.matmul %select_n3A_30, %get3A_33, %dot_general3A_34 {dimension_numbers = #tpu.dot_dimension_numbers<[1], [0], [0], [1], [0, 0, 1, 1], [], []>, transpose_lhs_hint = false} : vector<4096x128xf32>, vector<128x128xf32>, vector<4096x128xf32> -> vector<4096x128xf32>
    %get3A_36 = arith.constant 0 : index
    %get3A_37 = arith.constant 0 : index
    %get3A_38 = vector.load %arg7[%get3A_36, %get3A_37] : memref<1x128xf32, #tpu.memory_space<vmem>>, vector<1x128xf32>
    %add3A_39 = vector.broadcast %get3A_38 : vector<1x128xf32> to vector<4096x128xf32>
    %add3A_40 = arith.addf %dot_general3A_35, %add3A_39 : vector<4096x128xf32>
    %ge3A_41 = arith.constant 0.000000e+00 : f32
    %ge3A_42 = vector.broadcast %ge3A_41 : f32 to vector<4096x128xf32>
    %ge3A_43 = arith.cmpf oge, %add3A_40, %ge3A_42 : vector<4096x128xf32>
    %mul3A_44 = arith.constant 1.000000e-01 : f32
    %mul3A_45 = vector.broadcast %mul3A_44 : f32 to vector<4096x128xf32>
    %mul3A_46 = arith.mulf %mul3A_45, %add3A_40 : vector<4096x128xf32>
    %select_n3A_47 = arith.select %ge3A_43, %add3A_40, %mul3A_46 : vector<4096x128xi1>, vector<4096x128xf32>
    %get3A_48 = arith.constant 0 : index
    %get3A_49 = arith.constant 0 : index
    %get3A_50 = vector.load %arg8[%get3A_48, %get3A_49] : memref<128x128xf32, #tpu.memory_space<vmem>>, vector<128x128xf32>
    %dot_general3A_51 = arith.constant dense<0.000000e+00> : vector<4096x128xf32>
    %dot_general3A_52 = tpu.matmul %select_n3A_47, %get3A_50, %dot_general3A_51 {dimension_numbers = #tpu.dot_dimension_numbers<[1], [0], [0], [1], [0, 0, 1, 1], [], []>, transpose_lhs_hint = false} : vector<4096x128xf32>, vector<128x128xf32>, vector<4096x128xf32> -> vector<4096x128xf32>
    %get3A_53 = arith.constant 0 : index
    %get3A_54 = arith.constant 0 : index
    %get3A_55 = vector.load %arg9[%get3A_53, %get3A_54] : memref<1x128xf32, #tpu.memory_space<vmem>>, vector<1x128xf32>
    %add3A_56 = vector.broadcast %get3A_55 : vector<1x128xf32> to vector<4096x128xf32>
    %add3A_57 = arith.addf %dot_general3A_52, %add3A_56 : vector<4096x128xf32>
    %ge3A_58 = arith.constant 0.000000e+00 : f32
    %ge3A_59 = vector.broadcast %ge3A_58 : f32 to vector<4096x128xf32>
    %ge3A_60 = arith.cmpf oge, %add3A_57, %ge3A_59 : vector<4096x128xf32>
    %mul3A_61 = arith.constant 1.000000e-01 : f32
    %mul3A_62 = vector.broadcast %mul3A_61 : f32 to vector<4096x128xf32>
    %mul3A_63 = arith.mulf %mul3A_62, %add3A_57 : vector<4096x128xf32>
    %select_n3A_64 = arith.select %ge3A_60, %add3A_57, %mul3A_63 : vector<4096x128xi1>, vector<4096x128xf32>
    %get3A_65 = arith.constant 0 : index
    %get3A_66 = arith.constant 0 : index
    %get3A_67 = vector.load %arg10[%get3A_65, %get3A_66] : memref<128x32xf32, #tpu.memory_space<vmem>>, vector<128x32xf32>
    %dot_general3A_68 = arith.constant dense<0.000000e+00> : vector<4096x32xf32>
    %dot_general3A_69 = tpu.matmul %select_n3A_64, %get3A_67, %dot_general3A_68 {dimension_numbers = #tpu.dot_dimension_numbers<[1], [0], [0], [1], [0, 0, 1, 1], [], []>, transpose_lhs_hint = false} : vector<4096x128xf32>, vector<128x32xf32>, vector<4096x32xf32> -> vector<4096x32xf32>
    %get3A_70 = arith.constant 0 : index
    %get3A_71 = arith.constant 0 : index
    %get3A_72 = vector.load %arg11[%get3A_70, %get3A_71] : memref<1x32xf32, #tpu.memory_space<vmem>>, vector<1x32xf32>
    %add3A_73 = vector.broadcast %get3A_72 : vector<1x32xf32> to vector<4096x32xf32>
    %add3A_74 = arith.addf %dot_general3A_69, %add3A_73 : vector<4096x32xf32>
    %reshape3A = vector.shape_cast %add3A_74 : vector<4096x32xf32> to vector<64x64x32xf32>
    %reduce_sum3A = arith.constant dense<0.000000e+00> : vector<64x32xf32>
    %reduce_sum3A_75 = vector.multi_reduction <add>, %reshape3A, %reduce_sum3A [1] : vector<64x64x32xf32> to vector<64x32xf32>
    %div3A = arith.constant 6.400000e+01 : f32
    %div3A_76 = vector.broadcast %div3A : f32 to vector<64x32xf32>
    %div3A_77 = arith.divf %reduce_sum3A_75, %div3A_76 : vector<64x32xf32>
    %get3A_78 = arith.constant 0 : index
    %get3A_79 = arith.constant 0 : index
    %get3A_80 = vector.load %arg12[%get3A_78, %get3A_79] : memref<32x3xf32, #tpu.memory_space<vmem>>, vector<32x3xf32>
    %dot_general3A_81 = arith.constant dense<0.000000e+00> : vector<64x3xf32>
    %dot_general3A_82 = tpu.matmul %div3A_77, %get3A_80, %dot_general3A_81 {dimension_numbers = #tpu.dot_dimension_numbers<[1], [0], [0], [1], [0, 0, 1, 1], [], []>, transpose_lhs_hint = false} : vector<64x32xf32>, vector<32x3xf32>, vector<64x3xf32> -> vector<64x3xf32>
    %get3A_83 = arith.constant 0 : index
    %get3A_84 = arith.constant 0 : index
    %get3A_85 = vector.load %arg13[%get3A_83, %get3A_84] : memref<1x3xf32, #tpu.memory_space<vmem>>, vector<1x3xf32>
    %add3A_86 = vector.broadcast %get3A_85 : vector<1x3xf32> to vector<64x3xf32>
    %add3A_87 = arith.addf %dot_general3A_82, %add3A_86 : vector<64x3xf32>
    %swap3A = arith.constant 0 : index
    %swap3A_88 = arith.constant 0 : index
    %swap3A_89 = vector.load %arg14[%swap3A, %swap3A_88] : memref<64x3xf32, #tpu.memory_space<vmem>>, vector<64x3xf32>
    tpu.vector_store %arg14[%swap3A, %swap3A_88], %add3A_87 {strides = array<i32>} : memref<64x3xf32, #tpu.memory_space<vmem>>, vector<64x3xf32>,
    return
  }
  func.func @transform_0(%arg0: i32) -> (i32, i32) {
    %c0_i32 = arith.constant 0 : i32
    %c0_i32_0 = arith.constant 0 : i32
    return %arg0, %c0_i32 : i32, i32
  }
  func.func @transform_1(%arg0: i32) -> (i32, i32) {
    %c0_i32 = arith.constant 0 : i32
    %c0_i32_0 = arith.constant 0 : i32
    %c0_i32_1 = arith.constant 0 : i32
    return %c0_i32, %c0_i32_0 : i32, i32
  }
  func.func @transform_2(%arg0: i32) -> (i32, i32) {
    %c0_i32 = arith.constant 0 : i32
    %c0_i32_0 = arith.constant 0 : i32
    %c0_i32_1 = arith.constant 0 : i32
    return %c0_i32, %c0_i32_0 : i32, i32
  }
  func.func @transform_3(%arg0: i32) -> (i32, i32) {
    %c0_i32 = arith.constant 0 : i32
    %c0_i32_0 = arith.constant 0 : i32
    %c0_i32_1 = arith.constant 0 : i32
    return %c0_i32, %c0_i32_0 : i32, i32
  }
  func.func @transform_4(%arg0: i32) -> (i32, i32) {
    %c0_i32 = arith.constant 0 : i32
    %c0_i32_0 = arith.constant 0 : i32
    %c0_i32_1 = arith.constant 0 : i32
    return %c0_i32, %c0_i32_0 : i32, i32
  }
  func.func @transform_5(%arg0: i32) -> (i32, i32) {
    %c0_i32 = arith.constant 0 : i32
    %c0_i32_0 = arith.constant 0 : i32
    %c0_i32_1 = arith.constant 0 : i32
    return %c0_i32, %c0_i32_0 : i32, i32
  }
  func.func @transform_6(%arg0: i32) -> (i32, i32) {
    %c0_i32 = arith.constant 0 : i32
    %c0_i32_0 = arith.constant 0 : i32
    %c0_i32_1 = arith.constant 0 : i32
    return %c0_i32, %c0_i32_0 : i32, i32
  }
  func.func @transform_7(%arg0: i32) -> (i32, i32) {
    %c0_i32 = arith.constant 0 : i32
    %c0_i32_0 = arith.constant 0 : i32
    %c0_i32_1 = arith.constant 0 : i32
    return %c0_i32, %c0_i32_0 : i32, i32
  }
  func.func @transform_8(%arg0: i32) -> (i32, i32) {
    %c0_i32 = arith.constant 0 : i32
    %c0_i32_0 = arith.constant 0 : i32
    %c0_i32_1 = arith.constant 0 : i32
    return %c0_i32, %c0_i32_0 : i32, i32
  }
  func.func @transform_9(%arg0: i32) -> (i32, i32) {
    %c0_i32 = arith.constant 0 : i32
    %c0_i32_0 = arith.constant 0 : i32
    %c0_i32_1 = arith.constant 0 : i32
    return %c0_i32, %c0_i32_0 : i32, i32
  }
  func.func @transform_10(%arg0: i32) -> (i32, i32) {
    %c0_i32 = arith.constant 0 : i32
    %c0_i32_0 = arith.constant 0 : i32
    %c0_i32_1 = arith.constant 0 : i32
    return %c0_i32, %c0_i32_0 : i32, i32
  }
  func.func @transform_11(%arg0: i32) -> (i32, i32) {
    %c0_i32 = arith.constant 0 : i32
    %c0_i32_0 = arith.constant 0 : i32
    %c0_i32_1 = arith.constant 0 : i32
    return %c0_i32, %c0_i32_0 : i32, i32
  }
  func.func @transform_12(%arg0: i32) -> (i32, i32) {
    %c0_i32 = arith.constant 0 : i32
    %c0_i32_0 = arith.constant 0 : i32
    %c0_i32_1 = arith.constant 0 : i32
    return %c0_i32, %c0_i32_0 : i32, i32
  }
  func.func @transform_13(%arg0: i32) -> (i32, i32) {
    %c0_i32 = arith.constant 0 : i32
    %c0_i32_0 = arith.constant 0 : i32
    return %arg0, %c0_i32 : i32, i32
  }
}

module attributes {stable_mosaic.version = 14 : i64} {
  func.func @_expert_body(%arg0: i32, %arg1: memref<1024xi32, #tpu.memory_space<smem>>, %arg2: memref<1x3x10240xf32, #tpu.memory_space<vmem>>, %arg3: memref<1x10240xf32, #tpu.memory_space<vmem>>, %arg4: memref<16x75xf32, #tpu.memory_space<vmem>>, %arg5: memref<16x1xf32, #tpu.memory_space<vmem>>, %arg6: memref<16x1xf32, #tpu.memory_space<vmem>>, %arg7: memref<12x16xf32, #tpu.memory_space<vmem>>, %arg8: memref<12x1xf32, #tpu.memory_space<vmem>>, %arg9: memref<12x1xf32, #tpu.memory_space<vmem>>, %arg10: memref<4x12x108xbf16, #tpu.memory_space<vmem>>, %arg11: memref<4x12x1xf32, #tpu.memory_space<vmem>>, %arg12: memref<12x1xf32, #tpu.memory_space<vmem>>, %arg13: memref<16x12xf32, #tpu.memory_space<vmem>>, %arg14: memref<16x1xf32, #tpu.memory_space<vmem>>, %arg15: memref<16x1xf32, #tpu.memory_space<vmem>>, %arg16: memref<48x144xbf16, #tpu.memory_space<vmem>>, %arg17: memref<48x1xf32, #tpu.memory_space<vmem>>, %arg18: memref<36x75xf32, #tpu.memory_space<vmem>>, %arg19: memref<36x1xf32, #tpu.memory_space<vmem>>, %arg20: memref<36x1xf32, #tpu.memory_space<vmem>>, %arg21: memref<12x36xf32, #tpu.memory_space<vmem>>, %arg22: memref<12x1xf32, #tpu.memory_space<vmem>>, %arg23: memref<12x1xf32, #tpu.memory_space<vmem>>, %arg24: memref<4x12x108xbf16, #tpu.memory_space<vmem>>, %arg25: memref<4x12x1xf32, #tpu.memory_space<vmem>>, %arg26: memref<12x1xf32, #tpu.memory_space<vmem>>, %arg27: memref<36x12xf32, #tpu.memory_space<vmem>>, %arg28: memref<36x1xf32, #tpu.memory_space<vmem>>, %arg29: memref<36x1xf32, #tpu.memory_space<vmem>>, %arg30: memref<48x324xbf16, #tpu.memory_space<vmem>>, %arg31: memref<48x1xf32, #tpu.memory_space<vmem>>, %arg32: memref<56x75xf32, #tpu.memory_space<vmem>>, %arg33: memref<56x1xf32, #tpu.memory_space<vmem>>, %arg34: memref<56x1xf32, #tpu.memory_space<vmem>>, %arg35: memref<12x56xf32, #tpu.memory_space<vmem>>, %arg36: memref<12x1xf32, #tpu.memory_space<vmem>>, %arg37: memref<12x1xf32, #tpu.memory_space<vmem>>, %arg38: memref<4x12x108xbf16, #tpu.memory_space<vmem>>, %arg39: memref<4x12x1xf32, #tpu.memory_space<vmem>>, %arg40: memref<12x1xf32, #tpu.memory_space<vmem>>, %arg41: memref<56x12xf32, #tpu.memory_space<vmem>>, %arg42: memref<56x1xf32, #tpu.memory_space<vmem>>, %arg43: memref<56x1xf32, #tpu.memory_space<vmem>>, %arg44: memref<48x504xbf16, #tpu.memory_space<vmem>>, %arg45: memref<48x1xf32, #tpu.memory_space<vmem>>, %arg46: memref<8x48x1280xbf16, #tpu.memory_space<vmem>>) attributes {dimension_semantics = [#tpu.dimension_semantics<arbitrary>], iteration_bounds = array<i64: 128>, scalar_prefetch = 1 : i64, scratch_operands = 0 : i64, tpu.core_type = #tpu.core_type<tc>, window_params = [{transform_indices = @transform_0, window_bounds = array<i64: 1, 3, 10240>}, {pipeline_mode = #tpu.pipeline_mode<synchronous>, transform_indices = @transform_1, window_bounds = array<i64: 1, 10240>}, {pipeline_mode = #tpu.pipeline_mode<synchronous>, transform_indices = @transform_2, window_bounds = array<i64: 16, 75>}, {pipeline_mode = #tpu.pipeline_mode<synchronous>, transform_indices = @transform_3, window_bounds = array<i64: 16, 1>}, {pipeline_mode = #tpu.pipeline_mode<synchronous>, transform_indices = @transform_4, window_bounds = array<i64: 16, 1>}, {pipeline_mode = #tpu.pipeline_mode<synchronous>, transform_indices = @transform_5, window_bounds = array<i64: 12, 16>}, {pipeline_mode = #tpu.pipeline_mode<synchronous>, transform_indices = @transform_6, window_bounds = array<i64: 12, 1>}, {pipeline_mode = #tpu.pipeline_mode<synchronous>, transform_indices = @transform_7, window_bounds = array<i64: 12, 1>}, {pipeline_mode = #tpu.pipeline_mode<synchronous>, transform_indices = @transform_8, window_bounds = array<i64: 4, 12, 108>}, {pipeline_mode = #tpu.pipeline_mode<synchronous>, transform_indices = @transform_9, window_bounds = array<i64: 4, 12, 1>}, {pipeline_mode = #tpu.pipeline_mode<synchronous>, transform_indices = @transform_10, window_bounds = array<i64: 12, 1>}, {pipeline_mode = #tpu.pipeline_mode<synchronous>, transform_indices = @transform_11, window_bounds = array<i64: 16, 12>}, {pipeline_mode = #tpu.pipeline_mode<synchronous>, transform_indices = @transform_12, window_bounds = array<i64: 16, 1>}, {pipeline_mode = #tpu.pipeline_mode<synchronous>, transform_indices = @transform_13, window_bounds = array<i64: 16, 1>}, {pipeline_mode = #tpu.pipeline_mode<synchronous>, transform_indices = @transform_14, window_bounds = array<i64: 48, 144>}, {pipeline_mode = #tpu.pipeline_mode<synchronous>, transform_indices = @transform_15, window_bounds = array<i64: 48, 1>}, {pipeline_mode = #tpu.pipeline_mode<synchronous>, transform_indices = @transform_16, window_bounds = array<i64: 36, 75>}, {pipeline_mode = #tpu.pipeline_mode<synchronous>, transform_indices = @transform_17, window_bounds = array<i64: 36, 1>}, {pipeline_mode = #tpu.pipeline_mode<synchronous>, transform_indices = @transform_18, window_bounds = array<i64: 36, 1>}, {pipeline_mode = #tpu.pipeline_mode<synchronous>, transform_indices = @transform_19, window_bounds = array<i64: 12, 36>}, {pipeline_mode = #tpu.pipeline_mode<synchronous>, transform_indices = @transform_20, window_bounds = array<i64: 12, 1>}, {pipeline_mode = #tpu.pipeline_mode<synchronous>, transform_indices = @transform_21, window_bounds = array<i64: 12, 1>}, {pipeline_mode = #tpu.pipeline_mode<synchronous>, transform_indices = @transform_22, window_bounds = array<i64: 4, 12, 108>}, {pipeline_mode = #tpu.pipeline_mode<synchronous>, transform_indices = @transform_23, window_bounds = array<i64: 4, 12, 1>}, {pipeline_mode = #tpu.pipeline_mode<synchronous>, transform_indices = @transform_24, window_bounds = array<i64: 12, 1>}, {pipeline_mode = #tpu.pipeline_mode<synchronous>, transform_indices = @transform_25, window_bounds = array<i64: 36, 12>}, {pipeline_mode = #tpu.pipeline_mode<synchronous>, transform_indices = @transform_26, window_bounds = array<i64: 36, 1>}, {pipeline_mode = #tpu.pipeline_mode<synchronous>, transform_indices = @transform_27, window_bounds = array<i64: 36, 1>}, {pipeline_mode = #tpu.pipeline_mode<synchronous>, transform_indices = @transform_28, window_bounds = array<i64: 48, 324>}, {pipeline_mode = #tpu.pipeline_mode<synchronous>, transform_indices = @transform_29, window_bounds = array<i64: 48, 1>}, {pipeline_mode = #tpu.pipeline_mode<synchronous>, transform_indices = @transform_30, window_bounds = array<i64: 56, 75>}, {pipeline_mode = #tpu.pipeline_mode<synchronous>, transform_indices = @transform_31, window_bounds = array<i64: 56, 1>}, {pipeline_mode = #tpu.pipeline_mode<synchronous>, transform_indices = @transform_32, window_bounds = array<i64: 56, 1>}, {pipeline_mode = #tpu.pipeline_mode<synchronous>, transform_indices = @transform_33, window_bounds = array<i64: 12, 56>}, {pipeline_mode = #tpu.pipeline_mode<synchronous>, transform_indices = @transform_34, window_bounds = array<i64: 12, 1>}, {pipeline_mode = #tpu.pipeline_mode<synchronous>, transform_indices = @transform_35, window_bounds = array<i64: 12, 1>}, {pipeline_mode = #tpu.pipeline_mode<synchronous>, transform_indices = @transform_36, window_bounds = array<i64: 4, 12, 108>}, {pipeline_mode = #tpu.pipeline_mode<synchronous>, transform_indices = @transform_37, window_bounds = array<i64: 4, 12, 1>}, {pipeline_mode = #tpu.pipeline_mode<synchronous>, transform_indices = @transform_38, window_bounds = array<i64: 12, 1>}, {pipeline_mode = #tpu.pipeline_mode<synchronous>, transform_indices = @transform_39, window_bounds = array<i64: 56, 12>}, {pipeline_mode = #tpu.pipeline_mode<synchronous>, transform_indices = @transform_40, window_bounds = array<i64: 56, 1>}, {pipeline_mode = #tpu.pipeline_mode<synchronous>, transform_indices = @transform_41, window_bounds = array<i64: 56, 1>}, {pipeline_mode = #tpu.pipeline_mode<synchronous>, transform_indices = @transform_42, window_bounds = array<i64: 48, 504>}, {pipeline_mode = #tpu.pipeline_mode<synchronous>, transform_indices = @transform_43, window_bounds = array<i64: 48, 1>}, {transform_indices = @transform_44, window_bounds = array<i64: 8, 48, 1280>}]} {
    %mul3A = arith.constant 8 : i32
    %mul3A_0 = arith.muli %arg0, %mul3A : i32
    %get3A = arith.constant 0 : index
    %get3A_1 = arith.constant 0 : index
    %get3A_2 = vector.load %arg3[%get3A, %get3A_1] : memref<1x10240xf32, #tpu.memory_space<vmem>>, vector<1x10240xf32>
    %get3A_3 = arith.constant 0 : index
    %get3A_4 = arith.constant 0 : index
    %get3A_5 = arith.constant 0 : index
    %get3A_6 = vector.load %arg2[%get3A_3, %get3A_4, %get3A_5] : memref<1x3x10240xf32, #tpu.memory_space<vmem>>, vector<1x3x10240xf32>
    %get3A_7 = vector.shape_cast %get3A_6 : vector<1x3x10240xf32> to vector<3x10240xf32>
    %slice3A = vector.extract_strided_slice %get3A_7 {offsets = [0, 10170], sizes = [3, 70], strides = [1, 1]} : vector<3x10240xf32> to vector<3x70xf32>
    %slice3A_8 = vector.extract_strided_slice %get3A_7 {offsets = [0, 0], sizes = [3, 10170], strides = [1, 1]} : vector<3x10240xf32> to vector<3x10170xf32>
    %concatenate3A = tpu.concatenate %slice3A, %slice3A_8 in 1 : vector<3x70xf32>, vector<3x10170xf32> -> vector<3x10240xf32>
    %slice3A_9 = vector.extract_strided_slice %get3A_7 {offsets = [0, 10171], sizes = [3, 69], strides = [1, 1]} : vector<3x10240xf32> to vector<3x69xf32>
    %slice3A_10 = vector.extract_strided_slice %get3A_7 {offsets = [0, 0], sizes = [3, 10171], strides = [1, 1]} : vector<3x10240xf32> to vector<3x10171xf32>
    %concatenate3A_11 = tpu.concatenate %slice3A_9, %slice3A_10 in 1 : vector<3x69xf32>, vector<3x10171xf32> -> vector<3x10240xf32>
    %slice3A_12 = vector.extract_strided_slice %get3A_7 {offsets = [0, 10172], sizes = [3, 68], strides = [1, 1]} : vector<3x10240xf32> to vector<3x68xf32>
    %slice3A_13 = vector.extract_strided_slice %get3A_7 {offsets = [0, 0], sizes = [3, 10172], strides = [1, 1]} : vector<3x10240xf32> to vector<3x10172xf32>
    %concatenate3A_14 = tpu.concatenate %slice3A_12, %slice3A_13 in 1 : vector<3x68xf32>, vector<3x10172xf32> -> vector<3x10240xf32>
    %slice3A_15 = vector.extract_strided_slice %get3A_7 {offsets = [0, 10173], sizes = [3, 67], strides = [1, 1]} : vector<3x10240xf32> to vector<3x67xf32>
    %slice3A_16 = vector.extract_strided_slice %get3A_7 {offsets = [0, 0], sizes = [3, 10173], strides = [1, 1]} : vector<3x10240xf32> to vector<3x10173xf32>
    %concatenate3A_17 = tpu.concatenate %slice3A_15, %slice3A_16 in 1 : vector<3x67xf32>, vector<3x10173xf32> -> vector<3x10240xf32>
    %slice3A_18 = vector.extract_strided_slice %get3A_7 {offsets = [0, 10174], sizes = [3, 66], strides = [1, 1]} : vector<3x10240xf32> to vector<3x66xf32>
    %slice3A_19 = vector.extract_strided_slice %get3A_7 {offsets = [0, 0], sizes = [3, 10174], strides = [1, 1]} : vector<3x10240xf32> to vector<3x10174xf32>
    %concatenate3A_20 = tpu.concatenate %slice3A_18, %slice3A_19 in 1 : vector<3x66xf32>, vector<3x10174xf32> -> vector<3x10240xf32>
    %slice3A_21 = vector.extract_strided_slice %get3A_7 {offsets = [0, 10204], sizes = [3, 36], strides = [1, 1]} : vector<3x10240xf32> to vector<3x36xf32>
    %slice3A_22 = vector.extract_strided_slice %get3A_7 {offsets = [0, 0], sizes = [3, 10204], strides = [1, 1]} : vector<3x10240xf32> to vector<3x10204xf32>
    %concatenate3A_23 = tpu.concatenate %slice3A_21, %slice3A_22 in 1 : vector<3x36xf32>, vector<3x10204xf32> -> vector<3x10240xf32>
    %slice3A_24 = vector.extract_strided_slice %get3A_7 {offsets = [0, 10205], sizes = [3, 35], strides = [1, 1]} : vector<3x10240xf32> to vector<3x35xf32>
    %slice3A_25 = vector.extract_strided_slice %get3A_7 {offsets = [0, 0], sizes = [3, 10205], strides = [1, 1]} : vector<3x10240xf32> to vector<3x10205xf32>
    %concatenate3A_26 = tpu.concatenate %slice3A_24, %slice3A_25 in 1 : vector<3x35xf32>, vector<3x10205xf32> -> vector<3x10240xf32>
    %slice3A_27 = vector.extract_strided_slice %get3A_7 {offsets = [0, 10206], sizes = [3, 34], strides = [1, 1]} : vector<3x10240xf32> to vector<3x34xf32>
    %slice3A_28 = vector.extract_strided_slice %get3A_7 {offsets = [0, 0], sizes = [3, 10206], strides = [1, 1]} : vector<3x10240xf32> to vector<3x10206xf32>
    %concatenate3A_29 = tpu.concatenate %slice3A_27, %slice3A_28 in 1 : vector<3x34xf32>, vector<3x10206xf32> -> vector<3x10240xf32>
    %slice3A_30 = vector.extract_strided_slice %get3A_7 {offsets = [0, 10207], sizes = [3, 33], strides = [1, 1]} : vector<3x10240xf32> to vector<3x33xf32>
    %slice3A_31 = vector.extract_strided_slice %get3A_7 {offsets = [0, 0], sizes = [3, 10207], strides = [1, 1]} : vector<3x10240xf32> to vector<3x10207xf32>
    %concatenate3A_32 = tpu.concatenate %slice3A_30, %slice3A_31 in 1 : vector<3x33xf32>, vector<3x10207xf32> -> vector<3x10240xf32>
    %slice3A_33 = vector.extract_strided_slice %get3A_7 {offsets = [0, 10208], sizes = [3, 32], strides = [1, 1]} : vector<3x10240xf32> to vector<3x32xf32>
    %slice3A_34 = vector.extract_strided_slice %get3A_7 {offsets = [0, 0], sizes = [3, 10208], strides = [1, 1]} : vector<3x10240xf32> to vector<3x10208xf32>
    %concatenate3A_35 = tpu.concatenate %slice3A_33, %slice3A_34 in 1 : vector<3x32xf32>, vector<3x10208xf32> -> vector<3x10240xf32>
    %slice3A_36 = vector.extract_strided_slice %get3A_7 {offsets = [0, 10238], sizes = [3, 2], strides = [1, 1]} : vector<3x10240xf32> to vector<3x2xf32>
    %slice3A_37 = vector.extract_strided_slice %get3A_7 {offsets = [0, 0], sizes = [3, 10238], strides = [1, 1]} : vector<3x10240xf32> to vector<3x10238xf32>
    %concatenate3A_38 = tpu.concatenate %slice3A_36, %slice3A_37 in 1 : vector<3x2xf32>, vector<3x10238xf32> -> vector<3x10240xf32>
    %slice3A_39 = vector.extract_strided_slice %get3A_7 {offsets = [0, 10239], sizes = [3, 1], strides = [1, 1]} : vector<3x10240xf32> to vector<3x1xf32>
    %slice3A_40 = vector.extract_strided_slice %get3A_7 {offsets = [0, 0], sizes = [3, 10239], strides = [1, 1]} : vector<3x10240xf32> to vector<3x10239xf32>
    %concatenate3A_41 = tpu.concatenate %slice3A_39, %slice3A_40 in 1 : vector<3x1xf32>, vector<3x10239xf32> -> vector<3x10240xf32>
    %slice3A_42 = vector.extract_strided_slice %get3A_7 {offsets = [0, 1], sizes = [3, 10239], strides = [1, 1]} : vector<3x10240xf32> to vector<3x10239xf32>
    %slice3A_43 = vector.extract_strided_slice %get3A_7 {offsets = [0, 0], sizes = [3, 1], strides = [1, 1]} : vector<3x10240xf32> to vector<3x1xf32>
    %concatenate3A_44 = tpu.concatenate %slice3A_42, %slice3A_43 in 1 : vector<3x10239xf32>, vector<3x1xf32> -> vector<3x10240xf32>
    %slice3A_45 = vector.extract_strided_slice %get3A_7 {offsets = [0, 2], sizes = [3, 10238], strides = [1, 1]} : vector<3x10240xf32> to vector<3x10238xf32>
    %slice3A_46 = vector.extract_strided_slice %get3A_7 {offsets = [0, 0], sizes = [3, 2], strides = [1, 1]} : vector<3x10240xf32> to vector<3x2xf32>
    %concatenate3A_47 = tpu.concatenate %slice3A_45, %slice3A_46 in 1 : vector<3x10238xf32>, vector<3x2xf32> -> vector<3x10240xf32>
    %slice3A_48 = vector.extract_strided_slice %get3A_7 {offsets = [0, 32], sizes = [3, 10208], strides = [1, 1]} : vector<3x10240xf32> to vector<3x10208xf32>
    %slice3A_49 = vector.extract_strided_slice %get3A_7 {offsets = [0, 0], sizes = [3, 32], strides = [1, 1]} : vector<3x10240xf32> to vector<3x32xf32>
    %concatenate3A_50 = tpu.concatenate %slice3A_48, %slice3A_49 in 1 : vector<3x10208xf32>, vector<3x32xf32> -> vector<3x10240xf32>
    %slice3A_51 = vector.extract_strided_slice %get3A_7 {offsets = [0, 33], sizes = [3, 10207], strides = [1, 1]} : vector<3x10240xf32> to vector<3x10207xf32>
    %slice3A_52 = vector.extract_strided_slice %get3A_7 {offsets = [0, 0], sizes = [3, 33], strides = [1, 1]} : vector<3x10240xf32> to vector<3x33xf32>
    %concatenate3A_53 = tpu.concatenate %slice3A_51, %slice3A_52 in 1 : vector<3x10207xf32>, vector<3x33xf32> -> vector<3x10240xf32>
    %slice3A_54 = vector.extract_strided_slice %get3A_7 {offsets = [0, 34], sizes = [3, 10206], strides = [1, 1]} : vector<3x10240xf32> to vector<3x10206xf32>
    %slice3A_55 = vector.extract_strided_slice %get3A_7 {offsets = [0, 0], sizes = [3, 34], strides = [1, 1]} : vector<3x10240xf32> to vector<3x34xf32>
    %concatenate3A_56 = tpu.concatenate %slice3A_54, %slice3A_55 in 1 : vector<3x10206xf32>, vector<3x34xf32> -> vector<3x10240xf32>
    %slice3A_57 = vector.extract_strided_slice %get3A_7 {offsets = [0, 35], sizes = [3, 10205], strides = [1, 1]} : vector<3x10240xf32> to vector<3x10205xf32>
    %slice3A_58 = vector.extract_strided_slice %get3A_7 {offsets = [0, 0], sizes = [3, 35], strides = [1, 1]} : vector<3x10240xf32> to vector<3x35xf32>
    %concatenate3A_59 = tpu.concatenate %slice3A_57, %slice3A_58 in 1 : vector<3x10205xf32>, vector<3x35xf32> -> vector<3x10240xf32>
    %slice3A_60 = vector.extract_strided_slice %get3A_7 {offsets = [0, 36], sizes = [3, 10204], strides = [1, 1]} : vector<3x10240xf32> to vector<3x10204xf32>
    %slice3A_61 = vector.extract_strided_slice %get3A_7 {offsets = [0, 0], sizes = [3, 36], strides = [1, 1]} : vector<3x10240xf32> to vector<3x36xf32>
    %concatenate3A_62 = tpu.concatenate %slice3A_60, %slice3A_61 in 1 : vector<3x10204xf32>, vector<3x36xf32> -> vector<3x10240xf32>
    %slice3A_63 = vector.extract_strided_slice %get3A_7 {offsets = [0, 66], sizes = [3, 10174], strides = [1, 1]} : vector<3x10240xf32> to vector<3x10174xf32>
    %slice3A_64 = vector.extract_strided_slice %get3A_7 {offsets = [0, 0], sizes = [3, 66], strides = [1, 1]} : vector<3x10240xf32> to vector<3x66xf32>
    %concatenate3A_65 = tpu.concatenate %slice3A_63, %slice3A_64 in 1 : vector<3x10174xf32>, vector<3x66xf32> -> vector<3x10240xf32>
    %slice3A_66 = vector.extract_strided_slice %get3A_7 {offsets = [0, 67], sizes = [3, 10173], strides = [1, 1]} : vector<3x10240xf32> to vector<3x10173xf32>
    %slice3A_67 = vector.extract_strided_slice %get3A_7 {offsets = [0, 0], sizes = [3, 67], strides = [1, 1]} : vector<3x10240xf32> to vector<3x67xf32>
    %concatenate3A_68 = tpu.concatenate %slice3A_66, %slice3A_67 in 1 : vector<3x10173xf32>, vector<3x67xf32> -> vector<3x10240xf32>
    %slice3A_69 = vector.extract_strided_slice %get3A_7 {offsets = [0, 68], sizes = [3, 10172], strides = [1, 1]} : vector<3x10240xf32> to vector<3x10172xf32>
    %slice3A_70 = vector.extract_strided_slice %get3A_7 {offsets = [0, 0], sizes = [3, 68], strides = [1, 1]} : vector<3x10240xf32> to vector<3x68xf32>
    %concatenate3A_71 = tpu.concatenate %slice3A_69, %slice3A_70 in 1 : vector<3x10172xf32>, vector<3x68xf32> -> vector<3x10240xf32>
    %slice3A_72 = vector.extract_strided_slice %get3A_7 {offsets = [0, 69], sizes = [3, 10171], strides = [1, 1]} : vector<3x10240xf32> to vector<3x10171xf32>
    %slice3A_73 = vector.extract_strided_slice %get3A_7 {offsets = [0, 0], sizes = [3, 69], strides = [1, 1]} : vector<3x10240xf32> to vector<3x69xf32>
    %concatenate3A_74 = tpu.concatenate %slice3A_72, %slice3A_73 in 1 : vector<3x10171xf32>, vector<3x69xf32> -> vector<3x10240xf32>
    %slice3A_75 = vector.extract_strided_slice %get3A_7 {offsets = [0, 70], sizes = [3, 10170], strides = [1, 1]} : vector<3x10240xf32> to vector<3x10170xf32>
    %slice3A_76 = vector.extract_strided_slice %get3A_7 {offsets = [0, 0], sizes = [3, 70], strides = [1, 1]} : vector<3x10240xf32> to vector<3x70xf32>
    %concatenate3A_77 = tpu.concatenate %slice3A_75, %slice3A_76 in 1 : vector<3x10170xf32>, vector<3x70xf32> -> vector<3x10240xf32>
    %concatenate3A_78 = tpu.concatenate %concatenate3A, %concatenate3A_11, %concatenate3A_14, %concatenate3A_17, %concatenate3A_20, %concatenate3A_23, %concatenate3A_26, %concatenate3A_29, %concatenate3A_32, %concatenate3A_35, %concatenate3A_38, %concatenate3A_41, %get3A_7, %concatenate3A_44, %concatenate3A_47, %concatenate3A_50, %concatenate3A_53, %concatenate3A_56, %concatenate3A_59, %concatenate3A_62, %concatenate3A_65, %concatenate3A_68, %concatenate3A_71, %concatenate3A_74, %concatenate3A_77 in 0 : vector<3x10240xf32>, vector<3x10240xf32>, vector<3x10240xf32>, vector<3x10240xf32>, vector<3x10240xf32>, vector<3x10240xf32>, vector<3x10240xf32>, vector<3x10240xf32>, vector<3x10240xf32>, vector<3x10240xf32>, vector<3x10240xf32>, vector<3x10240xf32>, vector<3x10240xf32>, vector<3x10240xf32>, vector<3x10240xf32>, vector<3x10240xf32>, vector<3x10240xf32>, vector<3x10240xf32>, vector<3x10240xf32>, vector<3x10240xf32>, vector<3x10240xf32>, vector<3x10240xf32>, vector<3x10240xf32>, vector<3x10240xf32>, vector<3x10240xf32> -> vector<75x10240xf32>
    %get3A_79 = arith.index_cast %mul3A_0 : i32 to index
    %get3A_80 = memref.load %arg1[%get3A_79] : memref<1024xi32, #tpu.memory_space<smem>>
    %eq3A = arith.constant 0 : i32
    %eq3A_81 = arith.cmpi eq, %get3A_80, %eq3A : i32
    %add3A = arith.constant 1 : i32
    %add3A_82 = arith.addi %mul3A_0, %add3A : i32
    %get3A_83 = arith.index_cast %add3A_82 : i32 to index
    %get3A_84 = memref.load %arg1[%get3A_83] : memref<1024xi32, #tpu.memory_space<smem>>
    %eq3A_85 = arith.constant 0 : i32
    %eq3A_86 = arith.cmpi eq, %get3A_84, %eq3A_85 : i32
    %or3A = arith.ori %eq3A_81, %eq3A_86 : i1
    %add3A_87 = arith.constant 2 : i32
    %add3A_88 = arith.addi %mul3A_0, %add3A_87 : i32
    %get3A_89 = arith.index_cast %add3A_88 : i32 to index
    %get3A_90 = memref.load %arg1[%get3A_89] : memref<1024xi32, #tpu.memory_space<smem>>
    %eq3A_91 = arith.constant 0 : i32
    %eq3A_92 = arith.cmpi eq, %get3A_90, %eq3A_91 : i32
    %or3A_93 = arith.ori %or3A, %eq3A_92 : i1
    %add3A_94 = arith.constant 3 : i32
    %add3A_95 = arith.addi %mul3A_0, %add3A_94 : i32
    %get3A_96 = arith.index_cast %add3A_95 : i32 to index
    %get3A_97 = memref.load %arg1[%get3A_96] : memref<1024xi32, #tpu.memory_space<smem>>
    %eq3A_98 = arith.constant 0 : i32
    %eq3A_99 = arith.cmpi eq, %get3A_97, %eq3A_98 : i32
    %or3A_100 = arith.ori %or3A_93, %eq3A_99 : i1
    %add3A_101 = arith.constant 4 : i32
    %add3A_102 = arith.addi %mul3A_0, %add3A_101 : i32
    %get3A_103 = arith.index_cast %add3A_102 : i32 to index
    %get3A_104 = memref.load %arg1[%get3A_103] : memref<1024xi32, #tpu.memory_space<smem>>
    %eq3A_105 = arith.constant 0 : i32
    %eq3A_106 = arith.cmpi eq, %get3A_104, %eq3A_105 : i32
    %or3A_107 = arith.ori %or3A_100, %eq3A_106 : i1
    %add3A_108 = arith.constant 5 : i32
    %add3A_109 = arith.addi %mul3A_0, %add3A_108 : i32
    %get3A_110 = arith.index_cast %add3A_109 : i32 to index
    %get3A_111 = memref.load %arg1[%get3A_110] : memref<1024xi32, #tpu.memory_space<smem>>
    %eq3A_112 = arith.constant 0 : i32
    %eq3A_113 = arith.cmpi eq, %get3A_111, %eq3A_112 : i32
    %or3A_114 = arith.ori %or3A_107, %eq3A_113 : i1
    %add3A_115 = arith.constant 6 : i32
    %add3A_116 = arith.addi %mul3A_0, %add3A_115 : i32
    %get3A_117 = arith.index_cast %add3A_116 : i32 to index
    %get3A_118 = memref.load %arg1[%get3A_117] : memref<1024xi32, #tpu.memory_space<smem>>
    %eq3A_119 = arith.constant 0 : i32
    %eq3A_120 = arith.cmpi eq, %get3A_118, %eq3A_119 : i32
    %or3A_121 = arith.ori %or3A_114, %eq3A_120 : i1
    %add3A_122 = arith.constant 7 : i32
    %add3A_123 = arith.addi %mul3A_0, %add3A_122 : i32
    %get3A_124 = arith.index_cast %add3A_123 : i32 to index
    %get3A_125 = memref.load %arg1[%get3A_124] : memref<1024xi32, #tpu.memory_space<smem>>
    %eq3A_126 = arith.constant 0 : i32
    %eq3A_127 = arith.cmpi eq, %get3A_125, %eq3A_126 : i32
    %or3A_128 = arith.ori %or3A_121, %eq3A_127 : i1
    %convert_element_type3A = arith.extui %or3A_128 : i1 to i32
    %cond3A = arith.constant 0 : i32
    %cond3A_129 = arith.cmpi ne, %convert_element_type3A, %cond3A : i32
    scf.if %cond3A_129 {
      %get3A_242 = arith.constant 0 : index
      %get3A_243 = arith.constant 0 : index
      %get3A_244 = vector.load %arg4[%get3A_242, %get3A_243] : memref<16x75xf32, #tpu.memory_space<vmem>>, vector<16x75xf32>
      %dot_general3A = arith.constant dense<0.000000e+00> : vector<16x10240xf32>
      %dot_general3A_245 = tpu.matmul %get3A_244, %concatenate3A_78, %dot_general3A {dimension_numbers = #tpu.dot_dimension_numbers<[1], [0], [0], [1], [0, 0, 1, 1], [], []>, transpose_lhs_hint = false} : vector<16x75xf32>, vector<75x10240xf32>, vector<16x10240xf32> -> vector<16x10240xf32>
      %get3A_246 = arith.constant 0 : index
      %get3A_247 = arith.constant 0 : index
      %get3A_248 = vector.load %arg5[%get3A_246, %get3A_247] : memref<16x1xf32, #tpu.memory_space<vmem>>, vector<16x1xf32>
      %add3A_249 = vector.broadcast %get3A_248 : vector<16x1xf32> to vector<16x10240xf32>
      %add3A_250 = arith.addf %dot_general3A_245, %add3A_249 : vector<16x10240xf32>
      %mul3A_251 = vector.broadcast %get3A_2 : vector<1x10240xf32> to vector<16x10240xf32>
      %mul3A_252 = arith.mulf %add3A_250, %mul3A_251 : vector<16x10240xf32>
      %get3A_253 = arith.constant 0 : index
      %get3A_254 = arith.constant 0 : index
      %get3A_255 = vector.load %arg6[%get3A_253, %get3A_254] : memref<16x1xf32, #tpu.memory_space<vmem>>, vector<16x1xf32>
      %ge3A = arith.constant 0.000000e+00 : f32
      %ge3A_256 = vector.broadcast %ge3A : f32 to vector<16x10240xf32>
      %ge3A_257 = arith.cmpf oge, %mul3A_252, %ge3A_256 : vector<16x10240xf32>
      %mul3A_258 = vector.broadcast %get3A_255 : vector<16x1xf32> to vector<16x10240xf32>
      %mul3A_259 = arith.mulf %mul3A_258, %mul3A_252 : vector<16x10240xf32>
      %select_n3A = arith.select %ge3A_257, %mul3A_252, %mul3A_259 : vector<16x10240xi1>, vector<16x10240xf32>
      %get3A_260 = arith.constant 0 : index
      %get3A_261 = arith.constant 0 : index
      %get3A_262 = vector.load %arg7[%get3A_260, %get3A_261] : memref<12x16xf32, #tpu.memory_space<vmem>>, vector<12x16xf32>
      %dot_general3A_263 = arith.constant dense<0.000000e+00> : vector<12x10240xf32>
      %dot_general3A_264 = tpu.matmul %get3A_262, %select_n3A, %dot_general3A_263 {dimension_numbers = #tpu.dot_dimension_numbers<[1], [0], [0], [1], [0, 0, 1, 1], [], []>, transpose_lhs_hint = false} : vector<12x16xf32>, vector<16x10240xf32>, vector<12x10240xf32> -> vector<12x10240xf32>
      %get3A_265 = arith.constant 0 : index
      %get3A_266 = arith.constant 0 : index
      %get3A_267 = vector.load %arg8[%get3A_265, %get3A_266] : memref<12x1xf32, #tpu.memory_space<vmem>>, vector<12x1xf32>
      %add3A_268 = vector.broadcast %get3A_267 : vector<12x1xf32> to vector<12x10240xf32>
      %add3A_269 = arith.addf %dot_general3A_264, %add3A_268 : vector<12x10240xf32>
      %mul3A_270 = vector.broadcast %get3A_2 : vector<1x10240xf32> to vector<12x10240xf32>
      %mul3A_271 = arith.mulf %add3A_269, %mul3A_270 : vector<12x10240xf32>
      %get3A_272 = arith.constant 0 : index
      %get3A_273 = arith.constant 0 : index
      %get3A_274 = vector.load %arg9[%get3A_272, %get3A_273] : memref<12x1xf32, #tpu.memory_space<vmem>>, vector<12x1xf32>
      %ge3A_275 = arith.constant 0.000000e+00 : f32
      %ge3A_276 = vector.broadcast %ge3A_275 : f32 to vector<12x10240xf32>
      %ge3A_277 = arith.cmpf oge, %mul3A_271, %ge3A_276 : vector<12x10240xf32>
      %mul3A_278 = vector.broadcast %get3A_274 : vector<12x1xf32> to vector<12x10240xf32>
      %mul3A_279 = arith.mulf %mul3A_278, %mul3A_271 : vector<12x10240xf32>
      %select_n3A_280 = arith.select %ge3A_277, %mul3A_271, %mul3A_279 : vector<12x10240xi1>, vector<12x10240xf32>
      %convert_element_type3A_281 = arith.truncf %select_n3A_280 : vector<12x10240xf32> to vector<12x10240xbf16>
      %slice3A_282 = vector.extract_strided_slice %convert_element_type3A_281 {offsets = [0, 10205], sizes = [12, 35], strides = [1, 1]} : vector<12x10240xbf16> to vector<12x35xbf16>
      %slice3A_283 = vector.extract_strided_slice %convert_element_type3A_281 {offsets = [0, 0], sizes = [12, 10205], strides = [1, 1]} : vector<12x10240xbf16> to vector<12x10205xbf16>
      %concatenate3A_284 = tpu.concatenate %slice3A_282, %slice3A_283 in 1 : vector<12x35xbf16>, vector<12x10205xbf16> -> vector<12x10240xbf16>
      %slice3A_285 = vector.extract_strided_slice %convert_element_type3A_281 {offsets = [0, 10206], sizes = [12, 34], strides = [1, 1]} : vector<12x10240xbf16> to vector<12x34xbf16>
      %slice3A_286 = vector.extract_strided_slice %convert_element_type3A_281 {offsets = [0, 0], sizes = [12, 10206], strides = [1, 1]} : vector<12x10240xbf16> to vector<12x10206xbf16>
      %concatenate3A_287 = tpu.concatenate %slice3A_285, %slice3A_286 in 1 : vector<12x34xbf16>, vector<12x10206xbf16> -> vector<12x10240xbf16>
      %slice3A_288 = vector.extract_strided_slice %convert_element_type3A_281 {offsets = [0, 10207], sizes = [12, 33], strides = [1, 1]} : vector<12x10240xbf16> to vector<12x33xbf16>
      %slice3A_289 = vector.extract_strided_slice %convert_element_type3A_281 {offsets = [0, 0], sizes = [12, 10207], strides = [1, 1]} : vector<12x10240xbf16> to vector<12x10207xbf16>
      %concatenate3A_290 = tpu.concatenate %slice3A_288, %slice3A_289 in 1 : vector<12x33xbf16>, vector<12x10207xbf16> -> vector<12x10240xbf16>
      %slice3A_291 = vector.extract_strided_slice %convert_element_type3A_281 {offsets = [0, 10239], sizes = [12, 1], strides = [1, 1]} : vector<12x10240xbf16> to vector<12x1xbf16>
      %slice3A_292 = vector.extract_strided_slice %convert_element_type3A_281 {offsets = [0, 0], sizes = [12, 10239], strides = [1, 1]} : vector<12x10240xbf16> to vector<12x10239xbf16>
      %concatenate3A_293 = tpu.concatenate %slice3A_291, %slice3A_292 in 1 : vector<12x1xbf16>, vector<12x10239xbf16> -> vector<12x10240xbf16>
      %slice3A_294 = vector.extract_strided_slice %convert_element_type3A_281 {offsets = [0, 1], sizes = [12, 10239], strides = [1, 1]} : vector<12x10240xbf16> to vector<12x10239xbf16>
      %slice3A_295 = vector.extract_strided_slice %convert_element_type3A_281 {offsets = [0, 0], sizes = [12, 1], strides = [1, 1]} : vector<12x10240xbf16> to vector<12x1xbf16>
      %concatenate3A_296 = tpu.concatenate %slice3A_294, %slice3A_295 in 1 : vector<12x10239xbf16>, vector<12x1xbf16> -> vector<12x10240xbf16>
      %slice3A_297 = vector.extract_strided_slice %convert_element_type3A_281 {offsets = [0, 33], sizes = [12, 10207], strides = [1, 1]} : vector<12x10240xbf16> to vector<12x10207xbf16>
      %slice3A_298 = vector.extract_strided_slice %convert_element_type3A_281 {offsets = [0, 0], sizes = [12, 33], strides = [1, 1]} : vector<12x10240xbf16> to vector<12x33xbf16>
      %concatenate3A_299 = tpu.concatenate %slice3A_297, %slice3A_298 in 1 : vector<12x10207xbf16>, vector<12x33xbf16> -> vector<12x10240xbf16>
      %slice3A_300 = vector.extract_strided_slice %convert_element_type3A_281 {offsets = [0, 34], sizes = [12, 10206], strides = [1, 1]} : vector<12x10240xbf16> to vector<12x10206xbf16>
      %slice3A_301 = vector.extract_strided_slice %convert_element_type3A_281 {offsets = [0, 0], sizes = [12, 34], strides = [1, 1]} : vector<12x10240xbf16> to vector<12x34xbf16>
      %concatenate3A_302 = tpu.concatenate %slice3A_300, %slice3A_301 in 1 : vector<12x10206xbf16>, vector<12x34xbf16> -> vector<12x10240xbf16>
      %slice3A_303 = vector.extract_strided_slice %convert_element_type3A_281 {offsets = [0, 35], sizes = [12, 10205], strides = [1, 1]} : vector<12x10240xbf16> to vector<12x10205xbf16>
      %slice3A_304 = vector.extract_strided_slice %convert_element_type3A_281 {offsets = [0, 0], sizes = [12, 35], strides = [1, 1]} : vector<12x10240xbf16> to vector<12x35xbf16>
      %concatenate3A_305 = tpu.concatenate %slice3A_303, %slice3A_304 in 1 : vector<12x10205xbf16>, vector<12x35xbf16> -> vector<12x10240xbf16>
      %concatenate3A_306 = tpu.concatenate %concatenate3A_284, %concatenate3A_287, %concatenate3A_290, %concatenate3A_293, %convert_element_type3A_281, %concatenate3A_296, %concatenate3A_299, %concatenate3A_302, %concatenate3A_305 in 0 : vector<12x10240xbf16>, vector<12x10240xbf16>, vector<12x10240xbf16>, vector<12x10240xbf16>, vector<12x10240xbf16>, vector<12x10240xbf16>, vector<12x10240xbf16>, vector<12x10240xbf16>, vector<12x10240xbf16> -> vector<108x10240xbf16>
      %get3A_307 = arith.constant 0 : index
      %get3A_308 = arith.constant 0 : index
      %get3A_309 = arith.constant 0 : index
      %get3A_310 = vector.load %arg10[%get3A_307, %get3A_308, %get3A_309] : memref<4x12x108xbf16, #tpu.memory_space<vmem>>, vector<1x12x108xbf16>
      %get3A_311 = vector.shape_cast %get3A_310 : vector<1x12x108xbf16> to vector<12x108xbf16>
      %dot_general3A_312 = arith.constant dense<0.000000e+00> : vector<12x10240xf32>
      %dot_general3A_313 = tpu.matmul %get3A_311, %concatenate3A_306, %dot_general3A_312 {dimension_numbers = #tpu.dot_dimension_numbers<[1], [0], [0], [1], [0, 0, 1, 1], [], []>, transpose_lhs_hint = false} : vector<12x108xbf16>, vector<108x10240xbf16>, vector<12x10240xf32> -> vector<12x10240xf32>
      %get3A_314 = arith.constant 0 : index
      %get3A_315 = arith.constant 0 : index
      %get3A_316 = arith.constant 0 : index
      %get3A_317 = vector.load %arg11[%get3A_314, %get3A_315, %get3A_316] : memref<4x12x1xf32, #tpu.memory_space<vmem>>, vector<1x12x1xf32>
      %get3A_318 = vector.shape_cast %get3A_317 : vector<1x12x1xf32> to vector<12x1xf32>
      %add3A_319 = vector.broadcast %get3A_318 : vector<12x1xf32> to vector<12x10240xf32>
      %add3A_320 = arith.addf %dot_general3A_313, %add3A_319 : vector<12x10240xf32>
      %mul3A_321 = vector.broadcast %get3A_2 : vector<1x10240xf32> to vector<12x10240xf32>
      %mul3A_322 = arith.mulf %add3A_320, %mul3A_321 : vector<12x10240xf32>
      %convert_element_type3A_323 = arith.truncf %mul3A_322 : vector<12x10240xf32> to vector<12x10240xbf16>
      %slice3A_324 = vector.extract_strided_slice %convert_element_type3A_323 {offsets = [0, 10205], sizes = [12, 35], strides = [1, 1]} : vector<12x10240xbf16> to vector<12x35xbf16>
      %slice3A_325 = vector.extract_strided_slice %convert_element_type3A_323 {offsets = [0, 0], sizes = [12, 10205], strides = [1, 1]} : vector<12x10240xbf16> to vector<12x10205xbf16>
      %concatenate3A_326 = tpu.concatenate %slice3A_324, %slice3A_325 in 1 : vector<12x35xbf16>, vector<12x10205xbf16> -> vector<12x10240xbf16>
      %slice3A_327 = vector.extract_strided_slice %convert_element_type3A_323 {offsets = [0, 10206], sizes = [12, 34], strides = [1, 1]} : vector<12x10240xbf16> to vector<12x34xbf16>
      %slice3A_328 = vector.extract_strided_slice %convert_element_type3A_323 {offsets = [0, 0], sizes = [12, 10206], strides = [1, 1]} : vector<12x10240xbf16> to vector<12x10206xbf16>
      %concatenate3A_329 = tpu.concatenate %slice3A_327, %slice3A_328 in 1 : vector<12x34xbf16>, vector<12x10206xbf16> -> vector<12x10240xbf16>
      %slice3A_330 = vector.extract_strided_slice %convert_element_type3A_323 {offsets = [0, 10207], sizes = [12, 33], strides = [1, 1]} : vector<12x10240xbf16> to vector<12x33xbf16>
      %slice3A_331 = vector.extract_strided_slice %convert_element_type3A_323 {offsets = [0, 0], sizes = [12, 10207], strides = [1, 1]} : vector<12x10240xbf16> to vector<12x10207xbf16>
      %concatenate3A_332 = tpu.concatenate %slice3A_330, %slice3A_331 in 1 : vector<12x33xbf16>, vector<12x10207xbf16> -> vector<12x10240xbf16>
      %slice3A_333 = vector.extract_strided_slice %convert_element_type3A_323 {offsets = [0, 10239], sizes = [12, 1], strides = [1, 1]} : vector<12x10240xbf16> to vector<12x1xbf16>
      %slice3A_334 = vector.extract_strided_slice %convert_element_type3A_323 {offsets = [0, 0], sizes = [12, 10239], strides = [1, 1]} : vector<12x10240xbf16> to vector<12x10239xbf16>
      %concatenate3A_335 = tpu.concatenate %slice3A_333, %slice3A_334 in 1 : vector<12x1xbf16>, vector<12x10239xbf16> -> vector<12x10240xbf16>
      %slice3A_336 = vector.extract_strided_slice %convert_element_type3A_323 {offsets = [0, 1], sizes = [12, 10239], strides = [1, 1]} : vector<12x10240xbf16> to vector<12x10239xbf16>
      %slice3A_337 = vector.extract_strided_slice %convert_element_type3A_323 {offsets = [0, 0], sizes = [12, 1], strides = [1, 1]} : vector<12x10240xbf16> to vector<12x1xbf16>
      %concatenate3A_338 = tpu.concatenate %slice3A_336, %slice3A_337 in 1 : vector<12x10239xbf16>, vector<12x1xbf16> -> vector<12x10240xbf16>
      %slice3A_339 = vector.extract_strided_slice %convert_element_type3A_323 {offsets = [0, 33], sizes = [12, 10207], strides = [1, 1]} : vector<12x10240xbf16> to vector<12x10207xbf16>
      %slice3A_340 = vector.extract_strided_slice %convert_element_type3A_323 {offsets = [0, 0], sizes = [12, 33], strides = [1, 1]} : vector<12x10240xbf16> to vector<12x33xbf16>
      %concatenate3A_341 = tpu.concatenate %slice3A_339, %slice3A_340 in 1 : vector<12x10207xbf16>, vector<12x33xbf16> -> vector<12x10240xbf16>
      %slice3A_342 = vector.extract_strided_slice %convert_element_type3A_323 {offsets = [0, 34], sizes = [12, 10206], strides = [1, 1]} : vector<12x10240xbf16> to vector<12x10206xbf16>
      %slice3A_343 = vector.extract_strided_slice %convert_element_type3A_323 {offsets = [0, 0], sizes = [12, 34], strides = [1, 1]} : vector<12x10240xbf16> to vector<12x34xbf16>
      %concatenate3A_344 = tpu.concatenate %slice3A_342, %slice3A_343 in 1 : vector<12x10206xbf16>, vector<12x34xbf16> -> vector<12x10240xbf16>
      %slice3A_345 = vector.extract_strided_slice %convert_element_type3A_323 {offsets = [0, 35], sizes = [12, 10205], strides = [1, 1]} : vector<12x10240xbf16> to vector<12x10205xbf16>
      %slice3A_346 = vector.extract_strided_slice %convert_element_type3A_323 {offsets = [0, 0], sizes = [12, 35], strides = [1, 1]} : vector<12x10240xbf16> to vector<12x35xbf16>
      %concatenate3A_347 = tpu.concatenate %slice3A_345, %slice3A_346 in 1 : vector<12x10205xbf16>, vector<12x35xbf16> -> vector<12x10240xbf16>
      %concatenate3A_348 = tpu.concatenate %concatenate3A_326, %concatenate3A_329, %concatenate3A_332, %concatenate3A_335, %convert_element_type3A_323, %concatenate3A_338, %concatenate3A_341, %concatenate3A_344, %concatenate3A_347 in 0 : vector<12x10240xbf16>, vector<12x10240xbf16>, vector<12x10240xbf16>, vector<12x10240xbf16>, vector<12x10240xbf16>, vector<12x10240xbf16>, vector<12x10240xbf16>, vector<12x10240xbf16>, vector<12x10240xbf16> -> vector<108x10240xbf16>
      %get3A_349 = arith.constant 1 : index
      %get3A_350 = arith.constant 0 : index
      %get3A_351 = arith.constant 0 : index
      %get3A_352 = vector.load %arg10[%get3A_349, %get3A_350, %get3A_351] : memref<4x12x108xbf16, #tpu.memory_space<vmem>>, vector<1x12x108xbf16>
      %get3A_353 = vector.shape_cast %get3A_352 : vector<1x12x108xbf16> to vector<12x108xbf16>
      %dot_general3A_354 = arith.constant dense<0.000000e+00> : vector<12x10240xf32>
      %dot_general3A_355 = tpu.matmul %get3A_353, %concatenate3A_348, %dot_general3A_354 {dimension_numbers = #tpu.dot_dimension_numbers<[1], [0], [0], [1], [0, 0, 1, 1], [], []>, transpose_lhs_hint = false} : vector<12x108xbf16>, vector<108x10240xbf16>, vector<12x10240xf32> -> vector<12x10240xf32>
      %get3A_356 = arith.constant 1 : index
      %get3A_357 = arith.constant 0 : index
      %get3A_358 = arith.constant 0 : index
      %get3A_359 = vector.load %arg11[%get3A_356, %get3A_357, %get3A_358] : memref<4x12x1xf32, #tpu.memory_space<vmem>>, vector<1x12x1xf32>
      %get3A_360 = vector.shape_cast %get3A_359 : vector<1x12x1xf32> to vector<12x1xf32>
      %add3A_361 = vector.broadcast %get3A_360 : vector<12x1xf32> to vector<12x10240xf32>
      %add3A_362 = arith.addf %dot_general3A_355, %add3A_361 : vector<12x10240xf32>
      %mul3A_363 = vector.broadcast %get3A_2 : vector<1x10240xf32> to vector<12x10240xf32>
      %mul3A_364 = arith.mulf %add3A_362, %mul3A_363 : vector<12x10240xf32>
      %convert_element_type3A_365 = arith.truncf %mul3A_364 : vector<12x10240xf32> to vector<12x10240xbf16>
      %slice3A_366 = vector.extract_strided_slice %convert_element_type3A_365 {offsets = [0, 10205], sizes = [12, 35], strides = [1, 1]} : vector<12x10240xbf16> to vector<12x35xbf16>
      %slice3A_367 = vector.extract_strided_slice %convert_element_type3A_365 {offsets = [0, 0], sizes = [12, 10205], strides = [1, 1]} : vector<12x10240xbf16> to vector<12x10205xbf16>
      %concatenate3A_368 = tpu.concatenate %slice3A_366, %slice3A_367 in 1 : vector<12x35xbf16>, vector<12x10205xbf16> -> vector<12x10240xbf16>
      %slice3A_369 = vector.extract_strided_slice %convert_element_type3A_365 {offsets = [0, 10206], sizes = [12, 34], strides = [1, 1]} : vector<12x10240xbf16> to vector<12x34xbf16>
      %slice3A_370 = vector.extract_strided_slice %convert_element_type3A_365 {offsets = [0, 0], sizes = [12, 10206], strides = [1, 1]} : vector<12x10240xbf16> to vector<12x10206xbf16>
      %concatenate3A_371 = tpu.concatenate %slice3A_369, %slice3A_370 in 1 : vector<12x34xbf16>, vector<12x10206xbf16> -> vector<12x10240xbf16>
      %slice3A_372 = vector.extract_strided_slice %convert_element_type3A_365 {offsets = [0, 10207], sizes = [12, 33], strides = [1, 1]} : vector<12x10240xbf16> to vector<12x33xbf16>
      %slice3A_373 = vector.extract_strided_slice %convert_element_type3A_365 {offsets = [0, 0], sizes = [12, 10207], strides = [1, 1]} : vector<12x10240xbf16> to vector<12x10207xbf16>
      %concatenate3A_374 = tpu.concatenate %slice3A_372, %slice3A_373 in 1 : vector<12x33xbf16>, vector<12x10207xbf16> -> vector<12x10240xbf16>
      %slice3A_375 = vector.extract_strided_slice %convert_element_type3A_365 {offsets = [0, 10239], sizes = [12, 1], strides = [1, 1]} : vector<12x10240xbf16> to vector<12x1xbf16>
      %slice3A_376 = vector.extract_strided_slice %convert_element_type3A_365 {offsets = [0, 0], sizes = [12, 10239], strides = [1, 1]} : vector<12x10240xbf16> to vector<12x10239xbf16>
      %concatenate3A_377 = tpu.concatenate %slice3A_375, %slice3A_376 in 1 : vector<12x1xbf16>, vector<12x10239xbf16> -> vector<12x10240xbf16>
      %slice3A_378 = vector.extract_strided_slice %convert_element_type3A_365 {offsets = [0, 1], sizes = [12, 10239], strides = [1, 1]} : vector<12x10240xbf16> to vector<12x10239xbf16>
      %slice3A_379 = vector.extract_strided_slice %convert_element_type3A_365 {offsets = [0, 0], sizes = [12, 1], strides = [1, 1]} : vector<12x10240xbf16> to vector<12x1xbf16>
      %concatenate3A_380 = tpu.concatenate %slice3A_378, %slice3A_379 in 1 : vector<12x10239xbf16>, vector<12x1xbf16> -> vector<12x10240xbf16>
      %slice3A_381 = vector.extract_strided_slice %convert_element_type3A_365 {offsets = [0, 33], sizes = [12, 10207], strides = [1, 1]} : vector<12x10240xbf16> to vector<12x10207xbf16>
      %slice3A_382 = vector.extract_strided_slice %convert_element_type3A_365 {offsets = [0, 0], sizes = [12, 33], strides = [1, 1]} : vector<12x10240xbf16> to vector<12x33xbf16>
      %concatenate3A_383 = tpu.concatenate %slice3A_381, %slice3A_382 in 1 : vector<12x10207xbf16>, vector<12x33xbf16> -> vector<12x10240xbf16>
      %slice3A_384 = vector.extract_strided_slice %convert_element_type3A_365 {offsets = [0, 34], sizes = [12, 10206], strides = [1, 1]} : vector<12x10240xbf16> to vector<12x10206xbf16>
      %slice3A_385 = vector.extract_strided_slice %convert_element_type3A_365 {offsets = [0, 0], sizes = [12, 34], strides = [1, 1]} : vector<12x10240xbf16> to vector<12x34xbf16>
      %concatenate3A_386 = tpu.concatenate %slice3A_384, %slice3A_385 in 1 : vector<12x10206xbf16>, vector<12x34xbf16> -> vector<12x10240xbf16>
      %slice3A_387 = vector.extract_strided_slice %convert_element_type3A_365 {offsets = [0, 35], sizes = [12, 10205], strides = [1, 1]} : vector<12x10240xbf16> to vector<12x10205xbf16>
      %slice3A_388 = vector.extract_strided_slice %convert_element_type3A_365 {offsets = [0, 0], sizes = [12, 35], strides = [1, 1]} : vector<12x10240xbf16> to vector<12x35xbf16>
      %concatenate3A_389 = tpu.concatenate %slice3A_387, %slice3A_388 in 1 : vector<12x10205xbf16>, vector<12x35xbf16> -> vector<12x10240xbf16>
      %concatenate3A_390 = tpu.concatenate %concatenate3A_368, %concatenate3A_371, %concatenate3A_374, %concatenate3A_377, %convert_element_type3A_365, %concatenate3A_380, %concatenate3A_383, %concatenate3A_386, %concatenate3A_389 in 0 : vector<12x10240xbf16>, vector<12x10240xbf16>, vector<12x10240xbf16>, vector<12x10240xbf16>, vector<12x10240xbf16>, vector<12x10240xbf16>, vector<12x10240xbf16>, vector<12x10240xbf16>, vector<12x10240xbf16> -> vector<108x10240xbf16>
      %get3A_391 = arith.constant 2 : index
      %get3A_392 = arith.constant 0 : index
      %get3A_393 = arith.constant 0 : index
      %get3A_394 = vector.load %arg10[%get3A_391, %get3A_392, %get3A_393] : memref<4x12x108xbf16, #tpu.memory_space<vmem>>, vector<1x12x108xbf16>
      %get3A_395 = vector.shape_cast %get3A_394 : vector<1x12x108xbf16> to vector<12x108xbf16>
      %dot_general3A_396 = arith.constant dense<0.000000e+00> : vector<12x10240xf32>
      %dot_general3A_397 = tpu.matmul %get3A_395, %concatenate3A_390, %dot_general3A_396 {dimension_numbers = #tpu.dot_dimension_numbers<[1], [0], [0], [1], [0, 0, 1, 1], [], []>, transpose_lhs_hint = false} : vector<12x108xbf16>, vector<108x10240xbf16>, vector<12x10240xf32> -> vector<12x10240xf32>
      %get3A_398 = arith.constant 2 : index
      %get3A_399 = arith.constant 0 : index
      %get3A_400 = arith.constant 0 : index
      %get3A_401 = vector.load %arg11[%get3A_398, %get3A_399, %get3A_400] : memref<4x12x1xf32, #tpu.memory_space<vmem>>, vector<1x12x1xf32>
      %get3A_402 = vector.shape_cast %get3A_401 : vector<1x12x1xf32> to vector<12x1xf32>
      %add3A_403 = vector.broadcast %get3A_402 : vector<12x1xf32> to vector<12x10240xf32>
      %add3A_404 = arith.addf %dot_general3A_397, %add3A_403 : vector<12x10240xf32>
      %mul3A_405 = vector.broadcast %get3A_2 : vector<1x10240xf32> to vector<12x10240xf32>
      %mul3A_406 = arith.mulf %add3A_404, %mul3A_405 : vector<12x10240xf32>
      %convert_element_type3A_407 = arith.truncf %mul3A_406 : vector<12x10240xf32> to vector<12x10240xbf16>
      %slice3A_408 = vector.extract_strided_slice %convert_element_type3A_407 {offsets = [0, 10205], sizes = [12, 35], strides = [1, 1]} : vector<12x10240xbf16> to vector<12x35xbf16>
      %slice3A_409 = vector.extract_strided_slice %convert_element_type3A_407 {offsets = [0, 0], sizes = [12, 10205], strides = [1, 1]} : vector<12x10240xbf16> to vector<12x10205xbf16>
      %concatenate3A_410 = tpu.concatenate %slice3A_408, %slice3A_409 in 1 : vector<12x35xbf16>, vector<12x10205xbf16> -> vector<12x10240xbf16>
      %slice3A_411 = vector.extract_strided_slice %convert_element_type3A_407 {offsets = [0, 10206], sizes = [12, 34], strides = [1, 1]} : vector<12x10240xbf16> to vector<12x34xbf16>
      %slice3A_412 = vector.extract_strided_slice %convert_element_type3A_407 {offsets = [0, 0], sizes = [12, 10206], strides = [1, 1]} : vector<12x10240xbf16> to vector<12x10206xbf16>
      %concatenate3A_413 = tpu.concatenate %slice3A_411, %slice3A_412 in 1 : vector<12x34xbf16>, vector<12x10206xbf16> -> vector<12x10240xbf16>
      %slice3A_414 = vector.extract_strided_slice %convert_element_type3A_407 {offsets = [0, 10207], sizes = [12, 33], strides = [1, 1]} : vector<12x10240xbf16> to vector<12x33xbf16>
      %slice3A_415 = vector.extract_strided_slice %convert_element_type3A_407 {offsets = [0, 0], sizes = [12, 10207], strides = [1, 1]} : vector<12x10240xbf16> to vector<12x10207xbf16>
      %concatenate3A_416 = tpu.concatenate %slice3A_414, %slice3A_415 in 1 : vector<12x33xbf16>, vector<12x10207xbf16> -> vector<12x10240xbf16>
      %slice3A_417 = vector.extract_strided_slice %convert_element_type3A_407 {offsets = [0, 10239], sizes = [12, 1], strides = [1, 1]} : vector<12x10240xbf16> to vector<12x1xbf16>
      %slice3A_418 = vector.extract_strided_slice %convert_element_type3A_407 {offsets = [0, 0], sizes = [12, 10239], strides = [1, 1]} : vector<12x10240xbf16> to vector<12x10239xbf16>
      %concatenate3A_419 = tpu.concatenate %slice3A_417, %slice3A_418 in 1 : vector<12x1xbf16>, vector<12x10239xbf16> -> vector<12x10240xbf16>
      %slice3A_420 = vector.extract_strided_slice %convert_element_type3A_407 {offsets = [0, 1], sizes = [12, 10239], strides = [1, 1]} : vector<12x10240xbf16> to vector<12x10239xbf16>
      %slice3A_421 = vector.extract_strided_slice %convert_element_type3A_407 {offsets = [0, 0], sizes = [12, 1], strides = [1, 1]} : vector<12x10240xbf16> to vector<12x1xbf16>
      %concatenate3A_422 = tpu.concatenate %slice3A_420, %slice3A_421 in 1 : vector<12x10239xbf16>, vector<12x1xbf16> -> vector<12x10240xbf16>
      %slice3A_423 = vector.extract_strided_slice %convert_element_type3A_407 {offsets = [0, 33], sizes = [12, 10207], strides = [1, 1]} : vector<12x10240xbf16> to vector<12x10207xbf16>
      %slice3A_424 = vector.extract_strided_slice %convert_element_type3A_407 {offsets = [0, 0], sizes = [12, 33], strides = [1, 1]} : vector<12x10240xbf16> to vector<12x33xbf16>
      %concatenate3A_425 = tpu.concatenate %slice3A_423, %slice3A_424 in 1 : vector<12x10207xbf16>, vector<12x33xbf16> -> vector<12x10240xbf16>
      %slice3A_426 = vector.extract_strided_slice %convert_element_type3A_407 {offsets = [0, 34], sizes = [12, 10206], strides = [1, 1]} : vector<12x10240xbf16> to vector<12x10206xbf16>
      %slice3A_427 = vector.extract_strided_slice %convert_element_type3A_407 {offsets = [0, 0], sizes = [12, 34], strides = [1, 1]} : vector<12x10240xbf16> to vector<12x34xbf16>
      %concatenate3A_428 = tpu.concatenate %slice3A_426, %slice3A_427 in 1 : vector<12x10206xbf16>, vector<12x34xbf16> -> vector<12x10240xbf16>
      %slice3A_429 = vector.extract_strided_slice %convert_element_type3A_407 {offsets = [0, 35], sizes = [12, 10205], strides = [1, 1]} : vector<12x10240xbf16> to vector<12x10205xbf16>
      %slice3A_430 = vector.extract_strided_slice %convert_element_type3A_407 {offsets = [0, 0], sizes = [12, 35], strides = [1, 1]} : vector<12x10240xbf16> to vector<12x35xbf16>
      %concatenate3A_431 = tpu.concatenate %slice3A_429, %slice3A_430 in 1 : vector<12x10205xbf16>, vector<12x35xbf16> -> vector<12x10240xbf16>
      %concatenate3A_432 = tpu.concatenate %concatenate3A_410, %concatenate3A_413, %concatenate3A_416, %concatenate3A_419, %convert_element_type3A_407, %concatenate3A_422, %concatenate3A_425, %concatenate3A_428, %concatenate3A_431 in 0 : vector<12x10240xbf16>, vector<12x10240xbf16>, vector<12x10240xbf16>, vector<12x10240xbf16>, vector<12x10240xbf16>, vector<12x10240xbf16>, vector<12x10240xbf16>, vector<12x10240xbf16>, vector<12x10240xbf16> -> vector<108x10240xbf16>
      %get3A_433 = arith.constant 3 : index
      %get3A_434 = arith.constant 0 : index
      %get3A_435 = arith.constant 0 : index
      %get3A_436 = vector.load %arg10[%get3A_433, %get3A_434, %get3A_435] : memref<4x12x108xbf16, #tpu.memory_space<vmem>>, vector<1x12x108xbf16>
      %get3A_437 = vector.shape_cast %get3A_436 : vector<1x12x108xbf16> to vector<12x108xbf16>
      %dot_general3A_438 = arith.constant dense<0.000000e+00> : vector<12x10240xf32>
      %dot_general3A_439 = tpu.matmul %get3A_437, %concatenate3A_432, %dot_general3A_438 {dimension_numbers = #tpu.dot_dimension_numbers<[1], [0], [0], [1], [0, 0, 1, 1], [], []>, transpose_lhs_hint = false} : vector<12x108xbf16>, vector<108x10240xbf16>, vector<12x10240xf32> -> vector<12x10240xf32>
      %get3A_440 = arith.constant 3 : index
      %get3A_441 = arith.constant 0 : index
      %get3A_442 = arith.constant 0 : index
      %get3A_443 = vector.load %arg11[%get3A_440, %get3A_441, %get3A_442] : memref<4x12x1xf32, #tpu.memory_space<vmem>>, vector<1x12x1xf32>
      %get3A_444 = vector.shape_cast %get3A_443 : vector<1x12x1xf32> to vector<12x1xf32>
      %add3A_445 = vector.broadcast %get3A_444 : vector<12x1xf32> to vector<12x10240xf32>
      %add3A_446 = arith.addf %dot_general3A_439, %add3A_445 : vector<12x10240xf32>
      %mul3A_447 = vector.broadcast %get3A_2 : vector<1x10240xf32> to vector<12x10240xf32>
      %mul3A_448 = arith.mulf %add3A_446, %mul3A_447 : vector<12x10240xf32>
      %get3A_449 = arith.constant 0 : index
      %get3A_450 = arith.constant 0 : index
      %get3A_451 = vector.load %arg12[%get3A_449, %get3A_450] : memref<12x1xf32, #tpu.memory_space<vmem>>, vector<12x1xf32>
      %ge3A_452 = arith.constant 0.000000e+00 : f32
      %ge3A_453 = vector.broadcast %ge3A_452 : f32 to vector<12x10240xf32>
      %ge3A_454 = arith.cmpf oge, %mul3A_448, %ge3A_453 : vector<12x10240xf32>
      %mul3A_455 = vector.broadcast %get3A_451 : vector<12x1xf32> to vector<12x10240xf32>
      %mul3A_456 = arith.mulf %mul3A_455, %mul3A_448 : vector<12x10240xf32>
      %select_n3A_457 = arith.select %ge3A_454, %mul3A_448, %mul3A_456 : vector<12x10240xi1>, vector<12x10240xf32>
      %get3A_458 = arith.constant 0 : index
      %get3A_459 = arith.constant 0 : index
      %get3A_460 = vector.load %arg13[%get3A_458, %get3A_459] : memref<16x12xf32, #tpu.memory_space<vmem>>, vector<16x12xf32>
      %dot_general3A_461 = arith.constant dense<0.000000e+00> : vector<16x10240xf32>
      %dot_general3A_462 = tpu.matmul %get3A_460, %select_n3A_457, %dot_general3A_461 {dimension_numbers = #tpu.dot_dimension_numbers<[1], [0], [0], [1], [0, 0, 1, 1], [], []>, transpose_lhs_hint = false} : vector<16x12xf32>, vector<12x10240xf32>, vector<16x10240xf32> -> vector<16x10240xf32>
      %get3A_463 = arith.constant 0 : index
      %get3A_464 = arith.constant 0 : index
      %get3A_465 = vector.load %arg14[%get3A_463, %get3A_464] : memref<16x1xf32, #tpu.memory_space<vmem>>, vector<16x1xf32>
      %add3A_466 = vector.broadcast %get3A_465 : vector<16x1xf32> to vector<16x10240xf32>
      %add3A_467 = arith.addf %dot_general3A_462, %add3A_466 : vector<16x10240xf32>
      %mul3A_468 = vector.broadcast %get3A_2 : vector<1x10240xf32> to vector<16x10240xf32>
      %mul3A_469 = arith.mulf %add3A_467, %mul3A_468 : vector<16x10240xf32>
      %get3A_470 = arith.constant 0 : index
      %get3A_471 = arith.constant 0 : index
      %get3A_472 = vector.load %arg15[%get3A_470, %get3A_471] : memref<16x1xf32, #tpu.memory_space<vmem>>, vector<16x1xf32>
      %ge3A_473 = arith.constant 0.000000e+00 : f32
      %ge3A_474 = vector.broadcast %ge3A_473 : f32 to vector<16x10240xf32>
      %ge3A_475 = arith.cmpf oge, %mul3A_469, %ge3A_474 : vector<16x10240xf32>
      %mul3A_476 = vector.broadcast %get3A_472 : vector<16x1xf32> to vector<16x10240xf32>
      %mul3A_477 = arith.mulf %mul3A_476, %mul3A_469 : vector<16x10240xf32>
      %select_n3A_478 = arith.select %ge3A_475, %mul3A_469, %mul3A_477 : vector<16x10240xi1>, vector<16x10240xf32>
      %convert_element_type3A_479 = arith.truncf %select_n3A_478 : vector<16x10240xf32> to vector<16x10240xbf16>
      %slice3A_480 = vector.extract_strided_slice %convert_element_type3A_479 {offsets = [0, 10205], sizes = [16, 35], strides = [1, 1]} : vector<16x10240xbf16> to vector<16x35xbf16>
      %slice3A_481 = vector.extract_strided_slice %convert_element_type3A_479 {offsets = [0, 0], sizes = [16, 10205], strides = [1, 1]} : vector<16x10240xbf16> to vector<16x10205xbf16>
      %concatenate3A_482 = tpu.concatenate %slice3A_480, %slice3A_481 in 1 : vector<16x35xbf16>, vector<16x10205xbf16> -> vector<16x10240xbf16>
      %slice3A_483 = vector.extract_strided_slice %convert_element_type3A_479 {offsets = [0, 10206], sizes = [16, 34], strides = [1, 1]} : vector<16x10240xbf16> to vector<16x34xbf16>
      %slice3A_484 = vector.extract_strided_slice %convert_element_type3A_479 {offsets = [0, 0], sizes = [16, 10206], strides = [1, 1]} : vector<16x10240xbf16> to vector<16x10206xbf16>
      %concatenate3A_485 = tpu.concatenate %slice3A_483, %slice3A_484 in 1 : vector<16x34xbf16>, vector<16x10206xbf16> -> vector<16x10240xbf16>
      %slice3A_486 = vector.extract_strided_slice %convert_element_type3A_479 {offsets = [0, 10207], sizes = [16, 33], strides = [1, 1]} : vector<16x10240xbf16> to vector<16x33xbf16>
      %slice3A_487 = vector.extract_strided_slice %convert_element_type3A_479 {offsets = [0, 0], sizes = [16, 10207], strides = [1, 1]} : vector<16x10240xbf16> to vector<16x10207xbf16>
      %concatenate3A_488 = tpu.concatenate %slice3A_486, %slice3A_487 in 1 : vector<16x33xbf16>, vector<16x10207xbf16> -> vector<16x10240xbf16>
      %slice3A_489 = vector.extract_strided_slice %convert_element_type3A_479 {offsets = [0, 10239], sizes = [16, 1], strides = [1, 1]} : vector<16x10240xbf16> to vector<16x1xbf16>
      %slice3A_490 = vector.extract_strided_slice %convert_element_type3A_479 {offsets = [0, 0], sizes = [16, 10239], strides = [1, 1]} : vector<16x10240xbf16> to vector<16x10239xbf16>
      %concatenate3A_491 = tpu.concatenate %slice3A_489, %slice3A_490 in 1 : vector<16x1xbf16>, vector<16x10239xbf16> -> vector<16x10240xbf16>
      %slice3A_492 = vector.extract_strided_slice %convert_element_type3A_479 {offsets = [0, 1], sizes = [16, 10239], strides = [1, 1]} : vector<16x10240xbf16> to vector<16x10239xbf16>
      %slice3A_493 = vector.extract_strided_slice %convert_element_type3A_479 {offsets = [0, 0], sizes = [16, 1], strides = [1, 1]} : vector<16x10240xbf16> to vector<16x1xbf16>
      %concatenate3A_494 = tpu.concatenate %slice3A_492, %slice3A_493 in 1 : vector<16x10239xbf16>, vector<16x1xbf16> -> vector<16x10240xbf16>
      %slice3A_495 = vector.extract_strided_slice %convert_element_type3A_479 {offsets = [0, 33], sizes = [16, 10207], strides = [1, 1]} : vector<16x10240xbf16> to vector<16x10207xbf16>
      %slice3A_496 = vector.extract_strided_slice %convert_element_type3A_479 {offsets = [0, 0], sizes = [16, 33], strides = [1, 1]} : vector<16x10240xbf16> to vector<16x33xbf16>
      %concatenate3A_497 = tpu.concatenate %slice3A_495, %slice3A_496 in 1 : vector<16x10207xbf16>, vector<16x33xbf16> -> vector<16x10240xbf16>
      %slice3A_498 = vector.extract_strided_slice %convert_element_type3A_479 {offsets = [0, 34], sizes = [16, 10206], strides = [1, 1]} : vector<16x10240xbf16> to vector<16x10206xbf16>
      %slice3A_499 = vector.extract_strided_slice %convert_element_type3A_479 {offsets = [0, 0], sizes = [16, 34], strides = [1, 1]} : vector<16x10240xbf16> to vector<16x34xbf16>
      %concatenate3A_500 = tpu.concatenate %slice3A_498, %slice3A_499 in 1 : vector<16x10206xbf16>, vector<16x34xbf16> -> vector<16x10240xbf16>
      %slice3A_501 = vector.extract_strided_slice %convert_element_type3A_479 {offsets = [0, 35], sizes = [16, 10205], strides = [1, 1]} : vector<16x10240xbf16> to vector<16x10205xbf16>
      %slice3A_502 = vector.extract_strided_slice %convert_element_type3A_479 {offsets = [0, 0], sizes = [16, 35], strides = [1, 1]} : vector<16x10240xbf16> to vector<16x35xbf16>
      %concatenate3A_503 = tpu.concatenate %slice3A_501, %slice3A_502 in 1 : vector<16x10205xbf16>, vector<16x35xbf16> -> vector<16x10240xbf16>
      %concatenate3A_504 = tpu.concatenate %concatenate3A_482, %concatenate3A_485, %concatenate3A_488, %concatenate3A_491, %convert_element_type3A_479, %concatenate3A_494, %concatenate3A_497, %concatenate3A_500, %concatenate3A_503 in 0 : vector<16x10240xbf16>, vector<16x10240xbf16>, vector<16x10240xbf16>, vector<16x10240xbf16>, vector<16x10240xbf16>, vector<16x10240xbf16>, vector<16x10240xbf16>, vector<16x10240xbf16>, vector<16x10240xbf16> -> vector<144x10240xbf16>
      %get3A_505 = arith.constant 0 : index
      %get3A_506 = arith.constant 0 : index
      %get3A_507 = vector.load %arg16[%get3A_505, %get3A_506] : memref<48x144xbf16, #tpu.memory_space<vmem>>, vector<48x144xbf16>
      %dot_general3A_508 = arith.constant dense<0.000000e+00> : vector<48x10240xf32>
      %dot_general3A_509 = tpu.matmul %get3A_507, %concatenate3A_504, %dot_general3A_508 {dimension_numbers = #tpu.dot_dimension_numbers<[1], [0], [0], [1], [0, 0, 1, 1], [], []>, transpose_lhs_hint = false} : vector<48x144xbf16>, vector<144x10240xbf16>, vector<48x10240xf32> -> vector<48x10240xf32>
      %get3A_510 = arith.constant 0 : index
      %get3A_511 = arith.constant 0 : index
      %get3A_512 = vector.load %arg17[%get3A_510, %get3A_511] : memref<48x1xf32, #tpu.memory_space<vmem>>, vector<48x1xf32>
      %add3A_513 = vector.broadcast %get3A_512 : vector<48x1xf32> to vector<48x10240xf32>
      %add3A_514 = arith.addf %dot_general3A_509, %add3A_513 : vector<48x10240xf32>
      %convert_element_type3A_515 = arith.truncf %add3A_514 : vector<48x10240xf32> to vector<48x10240xbf16>
      %add3A_516 = arith.constant 0 : i32
      %add3A_517 = arith.addi %mul3A_0, %add3A_516 : i32
      %get3A_518 = arith.index_cast %add3A_517 : i32 to index
      %get3A_519 = memref.load %arg1[%get3A_518] : memref<1024xi32, #tpu.memory_space<smem>>
      %eq3A_520 = arith.constant 0 : i32
      %eq3A_521 = arith.cmpi eq, %get3A_519, %eq3A_520 : i32
      %convert_element_type3A_522 = arith.extui %eq3A_521 : i1 to i32
      %cond3A_523 = arith.constant 0 : i32
      %cond3A_524 = arith.cmpi ne, %convert_element_type3A_522, %cond3A_523 : i32
      scf.if %cond3A_524 {
        %slice3A_588 = vector.extract_strided_slice %convert_element_type3A_515 {offsets = [0, 0], sizes = [48, 1280], strides = [1, 1]} : vector<48x10240xbf16> to vector<48x1280xbf16>
        %swap3A = arith.constant 0 : index
        %swap3A_589 = arith.constant 0 : index
        %swap3A_590 = arith.constant 0 : index
        %swap3A_591 = vector.load %arg46[%swap3A, %swap3A_589, %swap3A_590] : memref<8x48x1280xbf16, #tpu.memory_space<vmem>>, vector<1x48x1280xbf16>
        %swap3A_592 = vector.shape_cast %swap3A_591 : vector<1x48x1280xbf16> to vector<48x1280xbf16>
        %swap3A_593 = vector.shape_cast %slice3A_588 : vector<48x1280xbf16> to vector<1x48x1280xbf16>
        tpu.vector_store %arg46[%swap3A, %swap3A_589, %swap3A_590], %swap3A_593 {strides = array<i32>} : memref<8x48x1280xbf16, #tpu.memory_space<vmem>>, vector<1x48x1280xbf16>,
      } else {
      }
      %add3A_525 = arith.constant 1 : i32
      %add3A_526 = arith.addi %mul3A_0, %add3A_525 : i32
      %get3A_527 = arith.index_cast %add3A_526 : i32 to index
      %get3A_528 = memref.load %arg1[%get3A_527] : memref<1024xi32, #tpu.memory_space<smem>>
      %eq3A_529 = arith.constant 0 : i32
      %eq3A_530 = arith.cmpi eq, %get3A_528, %eq3A_529 : i32
      %convert_element_type3A_531 = arith.extui %eq3A_530 : i1 to i32
      %cond3A_532 = arith.constant 0 : i32
      %cond3A_533 = arith.cmpi ne, %convert_element_type3A_531, %cond3A_532 : i32
      scf.if %cond3A_533 {
        %slice3A_588 = vector.extract_strided_slice %convert_element_type3A_515 {offsets = [0, 1280], sizes = [48, 1280], strides = [1, 1]} : vector<48x10240xbf16> to vector<48x1280xbf16>
        %swap3A = arith.constant 1 : index
        %swap3A_589 = arith.constant 0 : index
        %swap3A_590 = arith.constant 0 : index
        %swap3A_591 = vector.load %arg46[%swap3A, %swap3A_589, %swap3A_590] : memref<8x48x1280xbf16, #tpu.memory_space<vmem>>, vector<1x48x1280xbf16>
        %swap3A_592 = vector.shape_cast %swap3A_591 : vector<1x48x1280xbf16> to vector<48x1280xbf16>
        %swap3A_593 = vector.shape_cast %slice3A_588 : vector<48x1280xbf16> to vector<1x48x1280xbf16>
        tpu.vector_store %arg46[%swap3A, %swap3A_589, %swap3A_590], %swap3A_593 {strides = array<i32>} : memref<8x48x1280xbf16, #tpu.memory_space<vmem>>, vector<1x48x1280xbf16>,
      } else {
      }
      %add3A_534 = arith.constant 2 : i32
      %add3A_535 = arith.addi %mul3A_0, %add3A_534 : i32
      %get3A_536 = arith.index_cast %add3A_535 : i32 to index
      %get3A_537 = memref.load %arg1[%get3A_536] : memref<1024xi32, #tpu.memory_space<smem>>
      %eq3A_538 = arith.constant 0 : i32
      %eq3A_539 = arith.cmpi eq, %get3A_537, %eq3A_538 : i32
      %convert_element_type3A_540 = arith.extui %eq3A_539 : i1 to i32
      %cond3A_541 = arith.constant 0 : i32
      %cond3A_542 = arith.cmpi ne, %convert_element_type3A_540, %cond3A_541 : i32
      scf.if %cond3A_542 {
        %slice3A_588 = vector.extract_strided_slice %convert_element_type3A_515 {offsets = [0, 2560], sizes = [48, 1280], strides = [1, 1]} : vector<48x10240xbf16> to vector<48x1280xbf16>
        %swap3A = arith.constant 2 : index
        %swap3A_589 = arith.constant 0 : index
        %swap3A_590 = arith.constant 0 : index
        %swap3A_591 = vector.load %arg46[%swap3A, %swap3A_589, %swap3A_590] : memref<8x48x1280xbf16, #tpu.memory_space<vmem>>, vector<1x48x1280xbf16>
        %swap3A_592 = vector.shape_cast %swap3A_591 : vector<1x48x1280xbf16> to vector<48x1280xbf16>
        %swap3A_593 = vector.shape_cast %slice3A_588 : vector<48x1280xbf16> to vector<1x48x1280xbf16>
        tpu.vector_store %arg46[%swap3A, %swap3A_589, %swap3A_590], %swap3A_593 {strides = array<i32>} : memref<8x48x1280xbf16, #tpu.memory_space<vmem>>, vector<1x48x1280xbf16>,
      } else {
      }
      %add3A_543 = arith.constant 3 : i32
      %add3A_544 = arith.addi %mul3A_0, %add3A_543 : i32
      %get3A_545 = arith.index_cast %add3A_544 : i32 to index
      %get3A_546 = memref.load %arg1[%get3A_545] : memref<1024xi32, #tpu.memory_space<smem>>
      %eq3A_547 = arith.constant 0 : i32
      %eq3A_548 = arith.cmpi eq, %get3A_546, %eq3A_547 : i32
      %convert_element_type3A_549 = arith.extui %eq3A_548 : i1 to i32
      %cond3A_550 = arith.constant 0 : i32
      %cond3A_551 = arith.cmpi ne, %convert_element_type3A_549, %cond3A_550 : i32
      scf.if %cond3A_551 {
        %slice3A_588 = vector.extract_strided_slice %convert_element_type3A_515 {offsets = [0, 3840], sizes = [48, 1280], strides = [1, 1]} : vector<48x10240xbf16> to vector<48x1280xbf16>
        %swap3A = arith.constant 3 : index
        %swap3A_589 = arith.constant 0 : index
        %swap3A_590 = arith.constant 0 : index
        %swap3A_591 = vector.load %arg46[%swap3A, %swap3A_589, %swap3A_590] : memref<8x48x1280xbf16, #tpu.memory_space<vmem>>, vector<1x48x1280xbf16>
        %swap3A_592 = vector.shape_cast %swap3A_591 : vector<1x48x1280xbf16> to vector<48x1280xbf16>
        %swap3A_593 = vector.shape_cast %slice3A_588 : vector<48x1280xbf16> to vector<1x48x1280xbf16>
        tpu.vector_store %arg46[%swap3A, %swap3A_589, %swap3A_590], %swap3A_593 {strides = array<i32>} : memref<8x48x1280xbf16, #tpu.memory_space<vmem>>, vector<1x48x1280xbf16>,
      } else {
      }
      %add3A_552 = arith.constant 4 : i32
      %add3A_553 = arith.addi %mul3A_0, %add3A_552 : i32
      %get3A_554 = arith.index_cast %add3A_553 : i32 to index
      %get3A_555 = memref.load %arg1[%get3A_554] : memref<1024xi32, #tpu.memory_space<smem>>
      %eq3A_556 = arith.constant 0 : i32
      %eq3A_557 = arith.cmpi eq, %get3A_555, %eq3A_556 : i32
      %convert_element_type3A_558 = arith.extui %eq3A_557 : i1 to i32
      %cond3A_559 = arith.constant 0 : i32
      %cond3A_560 = arith.cmpi ne, %convert_element_type3A_558, %cond3A_559 : i32
      scf.if %cond3A_560 {
        %slice3A_588 = vector.extract_strided_slice %convert_element_type3A_515 {offsets = [0, 5120], sizes = [48, 1280], strides = [1, 1]} : vector<48x10240xbf16> to vector<48x1280xbf16>
        %swap3A = arith.constant 4 : index
        %swap3A_589 = arith.constant 0 : index
        %swap3A_590 = arith.constant 0 : index
        %swap3A_591 = vector.load %arg46[%swap3A, %swap3A_589, %swap3A_590] : memref<8x48x1280xbf16, #tpu.memory_space<vmem>>, vector<1x48x1280xbf16>
        %swap3A_592 = vector.shape_cast %swap3A_591 : vector<1x48x1280xbf16> to vector<48x1280xbf16>
        %swap3A_593 = vector.shape_cast %slice3A_588 : vector<48x1280xbf16> to vector<1x48x1280xbf16>
        tpu.vector_store %arg46[%swap3A, %swap3A_589, %swap3A_590], %swap3A_593 {strides = array<i32>} : memref<8x48x1280xbf16, #tpu.memory_space<vmem>>, vector<1x48x1280xbf16>,
      } else {
      }
      %add3A_561 = arith.constant 5 : i32
      %add3A_562 = arith.addi %mul3A_0, %add3A_561 : i32
      %get3A_563 = arith.index_cast %add3A_562 : i32 to index
      %get3A_564 = memref.load %arg1[%get3A_563] : memref<1024xi32, #tpu.memory_space<smem>>
      %eq3A_565 = arith.constant 0 : i32
      %eq3A_566 = arith.cmpi eq, %get3A_564, %eq3A_565 : i32
      %convert_element_type3A_567 = arith.extui %eq3A_566 : i1 to i32
      %cond3A_568 = arith.constant 0 : i32
      %cond3A_569 = arith.cmpi ne, %convert_element_type3A_567, %cond3A_568 : i32
      scf.if %cond3A_569 {
        %slice3A_588 = vector.extract_strided_slice %convert_element_type3A_515 {offsets = [0, 6400], sizes = [48, 1280], strides = [1, 1]} : vector<48x10240xbf16> to vector<48x1280xbf16>
        %swap3A = arith.constant 5 : index
        %swap3A_589 = arith.constant 0 : index
        %swap3A_590 = arith.constant 0 : index
        %swap3A_591 = vector.load %arg46[%swap3A, %swap3A_589, %swap3A_590] : memref<8x48x1280xbf16, #tpu.memory_space<vmem>>, vector<1x48x1280xbf16>
        %swap3A_592 = vector.shape_cast %swap3A_591 : vector<1x48x1280xbf16> to vector<48x1280xbf16>
        %swap3A_593 = vector.shape_cast %slice3A_588 : vector<48x1280xbf16> to vector<1x48x1280xbf16>
        tpu.vector_store %arg46[%swap3A, %swap3A_589, %swap3A_590], %swap3A_593 {strides = array<i32>} : memref<8x48x1280xbf16, #tpu.memory_space<vmem>>, vector<1x48x1280xbf16>,
      } else {
      }
      %add3A_570 = arith.constant 6 : i32
      %add3A_571 = arith.addi %mul3A_0, %add3A_570 : i32
      %get3A_572 = arith.index_cast %add3A_571 : i32 to index
      %get3A_573 = memref.load %arg1[%get3A_572] : memref<1024xi32, #tpu.memory_space<smem>>
      %eq3A_574 = arith.constant 0 : i32
      %eq3A_575 = arith.cmpi eq, %get3A_573, %eq3A_574 : i32
      %convert_element_type3A_576 = arith.extui %eq3A_575 : i1 to i32
      %cond3A_577 = arith.constant 0 : i32
      %cond3A_578 = arith.cmpi ne, %convert_element_type3A_576, %cond3A_577 : i32
      scf.if %cond3A_578 {
        %slice3A_588 = vector.extract_strided_slice %convert_element_type3A_515 {offsets = [0, 7680], sizes = [48, 1280], strides = [1, 1]} : vector<48x10240xbf16> to vector<48x1280xbf16>
        %swap3A = arith.constant 6 : index
        %swap3A_589 = arith.constant 0 : index
        %swap3A_590 = arith.constant 0 : index
        %swap3A_591 = vector.load %arg46[%swap3A, %swap3A_589, %swap3A_590] : memref<8x48x1280xbf16, #tpu.memory_space<vmem>>, vector<1x48x1280xbf16>
        %swap3A_592 = vector.shape_cast %swap3A_591 : vector<1x48x1280xbf16> to vector<48x1280xbf16>
        %swap3A_593 = vector.shape_cast %slice3A_588 : vector<48x1280xbf16> to vector<1x48x1280xbf16>
        tpu.vector_store %arg46[%swap3A, %swap3A_589, %swap3A_590], %swap3A_593 {strides = array<i32>} : memref<8x48x1280xbf16, #tpu.memory_space<vmem>>, vector<1x48x1280xbf16>,
      } else {
      }
      %add3A_579 = arith.constant 7 : i32
      %add3A_580 = arith.addi %mul3A_0, %add3A_579 : i32
      %get3A_581 = arith.index_cast %add3A_580 : i32 to index
      %get3A_582 = memref.load %arg1[%get3A_581] : memref<1024xi32, #tpu.memory_space<smem>>
      %eq3A_583 = arith.constant 0 : i32
      %eq3A_584 = arith.cmpi eq, %get3A_582, %eq3A_583 : i32
      %convert_element_type3A_585 = arith.extui %eq3A_584 : i1 to i32
      %cond3A_586 = arith.constant 0 : i32
      %cond3A_587 = arith.cmpi ne, %convert_element_type3A_585, %cond3A_586 : i32
      scf.if %cond3A_587 {
        %slice3A_588 = vector.extract_strided_slice %convert_element_type3A_515 {offsets = [0, 8960], sizes = [48, 1280], strides = [1, 1]} : vector<48x10240xbf16> to vector<48x1280xbf16>
        %swap3A = arith.constant 7 : index
        %swap3A_589 = arith.constant 0 : index
        %swap3A_590 = arith.constant 0 : index
        %swap3A_591 = vector.load %arg46[%swap3A, %swap3A_589, %swap3A_590] : memref<8x48x1280xbf16, #tpu.memory_space<vmem>>, vector<1x48x1280xbf16>
        %swap3A_592 = vector.shape_cast %swap3A_591 : vector<1x48x1280xbf16> to vector<48x1280xbf16>
        %swap3A_593 = vector.shape_cast %slice3A_588 : vector<48x1280xbf16> to vector<1x48x1280xbf16>
        tpu.vector_store %arg46[%swap3A, %swap3A_589, %swap3A_590], %swap3A_593 {strides = array<i32>} : memref<8x48x1280xbf16, #tpu.memory_space<vmem>>, vector<1x48x1280xbf16>,
      } else {
      }
    } else {
    }
    %get3A_130 = arith.index_cast %mul3A_0 : i32 to index
    %get3A_131 = memref.load %arg1[%get3A_130] : memref<1024xi32, #tpu.memory_space<smem>>
    %eq3A_132 = arith.constant 1 : i32
    %eq3A_133 = arith.cmpi eq, %get3A_131, %eq3A_132 : i32
    %add3A_134 = arith.constant 1 : i32
    %add3A_135 = arith.addi %mul3A_0, %add3A_134 : i32
    %get3A_136 = arith.index_cast %add3A_135 : i32 to index
    %get3A_137 = memref.load %arg1[%get3A_136] : memref<1024xi32, #tpu.memory_space<smem>>
    %eq3A_138 = arith.constant 1 : i32
    %eq3A_139 = arith.cmpi eq, %get3A_137, %eq3A_138 : i32
    %or3A_140 = arith.ori %eq3A_133, %eq3A_139 : i1
    %add3A_141 = arith.constant 2 : i32
    %add3A_142 = arith.addi %mul3A_0, %add3A_141 : i32
    %get3A_143 = arith.index_cast %add3A_142 : i32 to index
    %get3A_144 = memref.load %arg1[%get3A_143] : memref<1024xi32, #tpu.memory_space<smem>>
    %eq3A_145 = arith.constant 1 : i32
    %eq3A_146 = arith.cmpi eq, %get3A_144, %eq3A_145 : i32
    %or3A_147 = arith.ori %or3A_140, %eq3A_146 : i1
    %add3A_148 = arith.constant 3 : i32
    %add3A_149 = arith.addi %mul3A_0, %add3A_148 : i32
    %get3A_150 = arith.index_cast %add3A_149 : i32 to index
    %get3A_151 = memref.load %arg1[%get3A_150] : memref<1024xi32, #tpu.memory_space<smem>>
    %eq3A_152 = arith.constant 1 : i32
    %eq3A_153 = arith.cmpi eq, %get3A_151, %eq3A_152 : i32
    %or3A_154 = arith.ori %or3A_147, %eq3A_153 : i1
    %add3A_155 = arith.constant 4 : i32
    %add3A_156 = arith.addi %mul3A_0, %add3A_155 : i32
    %get3A_157 = arith.index_cast %add3A_156 : i32 to index
    %get3A_158 = memref.load %arg1[%get3A_157] : memref<1024xi32, #tpu.memory_space<smem>>
    %eq3A_159 = arith.constant 1 : i32
    %eq3A_160 = arith.cmpi eq, %get3A_158, %eq3A_159 : i32
    %or3A_161 = arith.ori %or3A_154, %eq3A_160 : i1
    %add3A_162 = arith.constant 5 : i32
    %add3A_163 = arith.addi %mul3A_0, %add3A_162 : i32
    %get3A_164 = arith.index_cast %add3A_163 : i32 to index
    %get3A_165 = memref.load %arg1[%get3A_164] : memref<1024xi32, #tpu.memory_space<smem>>
    %eq3A_166 = arith.constant 1 : i32
    %eq3A_167 = arith.cmpi eq, %get3A_165, %eq3A_166 : i32
    %or3A_168 = arith.ori %or3A_161, %eq3A_167 : i1
    %add3A_169 = arith.constant 6 : i32
    %add3A_170 = arith.addi %mul3A_0, %add3A_169 : i32
    %get3A_171 = arith.index_cast %add3A_170 : i32 to index
    %get3A_172 = memref.load %arg1[%get3A_171] : memref<1024xi32, #tpu.memory_space<smem>>
    %eq3A_173 = arith.constant 1 : i32
    %eq3A_174 = arith.cmpi eq, %get3A_172, %eq3A_173 : i32
    %or3A_175 = arith.ori %or3A_168, %eq3A_174 : i1
    %add3A_176 = arith.constant 7 : i32
    %add3A_177 = arith.addi %mul3A_0, %add3A_176 : i32
    %get3A_178 = arith.index_cast %add3A_177 : i32 to index
    %get3A_179 = memref.load %arg1[%get3A_178] : memref<1024xi32, #tpu.memory_space<smem>>
    %eq3A_180 = arith.constant 1 : i32
    %eq3A_181 = arith.cmpi eq, %get3A_179, %eq3A_180 : i32
    %or3A_182 = arith.ori %or3A_175, %eq3A_181 : i1
    %convert_element_type3A_183 = arith.extui %or3A_182 : i1 to i32
    %cond3A_184 = arith.constant 0 : i32
    %cond3A_185 = arith.cmpi ne, %convert_element_type3A_183, %cond3A_184 : i32
    scf.if %cond3A_185 {
      %get3A_242 = arith.constant 0 : index
      %get3A_243 = arith.constant 0 : index
      %get3A_244 = vector.load %arg18[%get3A_242, %get3A_243] : memref<36x75xf32, #tpu.memory_space<vmem>>, vector<36x75xf32>
      %dot_general3A = arith.constant dense<0.000000e+00> : vector<36x10240xf32>
      %dot_general3A_245 = tpu.matmul %get3A_244, %concatenate3A_78, %dot_general3A {dimension_numbers = #tpu.dot_dimension_numbers<[1], [0], [0], [1], [0, 0, 1, 1], [], []>, transpose_lhs_hint = false} : vector<36x75xf32>, vector<75x10240xf32>, vector<36x10240xf32> -> vector<36x10240xf32>
      %get3A_246 = arith.constant 0 : index
      %get3A_247 = arith.constant 0 : index
      %get3A_248 = vector.load %arg19[%get3A_246, %get3A_247] : memref<36x1xf32, #tpu.memory_space<vmem>>, vector<36x1xf32>
      %add3A_249 = vector.broadcast %get3A_248 : vector<36x1xf32> to vector<36x10240xf32>
      %add3A_250 = arith.addf %dot_general3A_245, %add3A_249 : vector<36x10240xf32>
      %mul3A_251 = vector.broadcast %get3A_2 : vector<1x10240xf32> to vector<36x10240xf32>
      %mul3A_252 = arith.mulf %add3A_250, %mul3A_251 : vector<36x10240xf32>
      %get3A_253 = arith.constant 0 : index
      %get3A_254 = arith.constant 0 : index
      %get3A_255 = vector.load %arg20[%get3A_253, %get3A_254] : memref<36x1xf32, #tpu.memory_space<vmem>>, vector<36x1xf32>
      %ge3A = arith.constant 0.000000e+00 : f32
      %ge3A_256 = vector.broadcast %ge3A : f32 to vector<36x10240xf32>
      %ge3A_257 = arith.cmpf oge, %mul3A_252, %ge3A_256 : vector<36x10240xf32>
      %mul3A_258 = vector.broadcast %get3A_255 : vector<36x1xf32> to vector<36x10240xf32>
      %mul3A_259 = arith.mulf %mul3A_258, %mul3A_252 : vector<36x10240xf32>
      %select_n3A = arith.select %ge3A_257, %mul3A_252, %mul3A_259 : vector<36x10240xi1>, vector<36x10240xf32>
      %get3A_260 = arith.constant 0 : index
      %get3A_261 = arith.constant 0 : index
      %get3A_262 = vector.load %arg21[%get3A_260, %get3A_261] : memref<12x36xf32, #tpu.memory_space<vmem>>, vector<12x36xf32>
      %dot_general3A_263 = arith.constant dense<0.000000e+00> : vector<12x10240xf32>
      %dot_general3A_264 = tpu.matmul %get3A_262, %select_n3A, %dot_general3A_263 {dimension_numbers = #tpu.dot_dimension_numbers<[1], [0], [0], [1], [0, 0, 1, 1], [], []>, transpose_lhs_hint = false} : vector<12x36xf32>, vector<36x10240xf32>, vector<12x10240xf32> -> vector<12x10240xf32>
      %get3A_265 = arith.constant 0 : index
      %get3A_266 = arith.constant 0 : index
      %get3A_267 = vector.load %arg22[%get3A_265, %get3A_266] : memref<12x1xf32, #tpu.memory_space<vmem>>, vector<12x1xf32>
      %add3A_268 = vector.broadcast %get3A_267 : vector<12x1xf32> to vector<12x10240xf32>
      %add3A_269 = arith.addf %dot_general3A_264, %add3A_268 : vector<12x10240xf32>
      %mul3A_270 = vector.broadcast %get3A_2 : vector<1x10240xf32> to vector<12x10240xf32>
      %mul3A_271 = arith.mulf %add3A_269, %mul3A_270 : vector<12x10240xf32>
      %get3A_272 = arith.constant 0 : index
      %get3A_273 = arith.constant 0 : index
      %get3A_274 = vector.load %arg23[%get3A_272, %get3A_273] : memref<12x1xf32, #tpu.memory_space<vmem>>, vector<12x1xf32>
      %ge3A_275 = arith.constant 0.000000e+00 : f32
      %ge3A_276 = vector.broadcast %ge3A_275 : f32 to vector<12x10240xf32>
      %ge3A_277 = arith.cmpf oge, %mul3A_271, %ge3A_276 : vector<12x10240xf32>
      %mul3A_278 = vector.broadcast %get3A_274 : vector<12x1xf32> to vector<12x10240xf32>
      %mul3A_279 = arith.mulf %mul3A_278, %mul3A_271 : vector<12x10240xf32>
      %select_n3A_280 = arith.select %ge3A_277, %mul3A_271, %mul3A_279 : vector<12x10240xi1>, vector<12x10240xf32>
      %convert_element_type3A_281 = arith.truncf %select_n3A_280 : vector<12x10240xf32> to vector<12x10240xbf16>
      %slice3A_282 = vector.extract_strided_slice %convert_element_type3A_281 {offsets = [0, 10205], sizes = [12, 35], strides = [1, 1]} : vector<12x10240xbf16> to vector<12x35xbf16>
      %slice3A_283 = vector.extract_strided_slice %convert_element_type3A_281 {offsets = [0, 0], sizes = [12, 10205], strides = [1, 1]} : vector<12x10240xbf16> to vector<12x10205xbf16>
      %concatenate3A_284 = tpu.concatenate %slice3A_282, %slice3A_283 in 1 : vector<12x35xbf16>, vector<12x10205xbf16> -> vector<12x10240xbf16>
      %slice3A_285 = vector.extract_strided_slice %convert_element_type3A_281 {offsets = [0, 10206], sizes = [12, 34], strides = [1, 1]} : vector<12x10240xbf16> to vector<12x34xbf16>
      %slice3A_286 = vector.extract_strided_slice %convert_element_type3A_281 {offsets = [0, 0], sizes = [12, 10206], strides = [1, 1]} : vector<12x10240xbf16> to vector<12x10206xbf16>
      %concatenate3A_287 = tpu.concatenate %slice3A_285, %slice3A_286 in 1 : vector<12x34xbf16>, vector<12x10206xbf16> -> vector<12x10240xbf16>
      %slice3A_288 = vector.extract_strided_slice %convert_element_type3A_281 {offsets = [0, 10207], sizes = [12, 33], strides = [1, 1]} : vector<12x10240xbf16> to vector<12x33xbf16>
      %slice3A_289 = vector.extract_strided_slice %convert_element_type3A_281 {offsets = [0, 0], sizes = [12, 10207], strides = [1, 1]} : vector<12x10240xbf16> to vector<12x10207xbf16>
      %concatenate3A_290 = tpu.concatenate %slice3A_288, %slice3A_289 in 1 : vector<12x33xbf16>, vector<12x10207xbf16> -> vector<12x10240xbf16>
      %slice3A_291 = vector.extract_strided_slice %convert_element_type3A_281 {offsets = [0, 10239], sizes = [12, 1], strides = [1, 1]} : vector<12x10240xbf16> to vector<12x1xbf16>
      %slice3A_292 = vector.extract_strided_slice %convert_element_type3A_281 {offsets = [0, 0], sizes = [12, 10239], strides = [1, 1]} : vector<12x10240xbf16> to vector<12x10239xbf16>
      %concatenate3A_293 = tpu.concatenate %slice3A_291, %slice3A_292 in 1 : vector<12x1xbf16>, vector<12x10239xbf16> -> vector<12x10240xbf16>
      %slice3A_294 = vector.extract_strided_slice %convert_element_type3A_281 {offsets = [0, 1], sizes = [12, 10239], strides = [1, 1]} : vector<12x10240xbf16> to vector<12x10239xbf16>
      %slice3A_295 = vector.extract_strided_slice %convert_element_type3A_281 {offsets = [0, 0], sizes = [12, 1], strides = [1, 1]} : vector<12x10240xbf16> to vector<12x1xbf16>
      %concatenate3A_296 = tpu.concatenate %slice3A_294, %slice3A_295 in 1 : vector<12x10239xbf16>, vector<12x1xbf16> -> vector<12x10240xbf16>
      %slice3A_297 = vector.extract_strided_slice %convert_element_type3A_281 {offsets = [0, 33], sizes = [12, 10207], strides = [1, 1]} : vector<12x10240xbf16> to vector<12x10207xbf16>
      %slice3A_298 = vector.extract_strided_slice %convert_element_type3A_281 {offsets = [0, 0], sizes = [12, 33], strides = [1, 1]} : vector<12x10240xbf16> to vector<12x33xbf16>
      %concatenate3A_299 = tpu.concatenate %slice3A_297, %slice3A_298 in 1 : vector<12x10207xbf16>, vector<12x33xbf16> -> vector<12x10240xbf16>
      %slice3A_300 = vector.extract_strided_slice %convert_element_type3A_281 {offsets = [0, 34], sizes = [12, 10206], strides = [1, 1]} : vector<12x10240xbf16> to vector<12x10206xbf16>
      %slice3A_301 = vector.extract_strided_slice %convert_element_type3A_281 {offsets = [0, 0], sizes = [12, 34], strides = [1, 1]} : vector<12x10240xbf16> to vector<12x34xbf16>
      %concatenate3A_302 = tpu.concatenate %slice3A_300, %slice3A_301 in 1 : vector<12x10206xbf16>, vector<12x34xbf16> -> vector<12x10240xbf16>
      %slice3A_303 = vector.extract_strided_slice %convert_element_type3A_281 {offsets = [0, 35], sizes = [12, 10205], strides = [1, 1]} : vector<12x10240xbf16> to vector<12x10205xbf16>
      %slice3A_304 = vector.extract_strided_slice %convert_element_type3A_281 {offsets = [0, 0], sizes = [12, 35], strides = [1, 1]} : vector<12x10240xbf16> to vector<12x35xbf16>
      %concatenate3A_305 = tpu.concatenate %slice3A_303, %slice3A_304 in 1 : vector<12x10205xbf16>, vector<12x35xbf16> -> vector<12x10240xbf16>
      %concatenate3A_306 = tpu.concatenate %concatenate3A_284, %concatenate3A_287, %concatenate3A_290, %concatenate3A_293, %convert_element_type3A_281, %concatenate3A_296, %concatenate3A_299, %concatenate3A_302, %concatenate3A_305 in 0 : vector<12x10240xbf16>, vector<12x10240xbf16>, vector<12x10240xbf16>, vector<12x10240xbf16>, vector<12x10240xbf16>, vector<12x10240xbf16>, vector<12x10240xbf16>, vector<12x10240xbf16>, vector<12x10240xbf16> -> vector<108x10240xbf16>
      %get3A_307 = arith.constant 0 : index
      %get3A_308 = arith.constant 0 : index
      %get3A_309 = arith.constant 0 : index
      %get3A_310 = vector.load %arg24[%get3A_307, %get3A_308, %get3A_309] : memref<4x12x108xbf16, #tpu.memory_space<vmem>>, vector<1x12x108xbf16>
      %get3A_311 = vector.shape_cast %get3A_310 : vector<1x12x108xbf16> to vector<12x108xbf16>
      %dot_general3A_312 = arith.constant dense<0.000000e+00> : vector<12x10240xf32>
      %dot_general3A_313 = tpu.matmul %get3A_311, %concatenate3A_306, %dot_general3A_312 {dimension_numbers = #tpu.dot_dimension_numbers<[1], [0], [0], [1], [0, 0, 1, 1], [], []>, transpose_lhs_hint = false} : vector<12x108xbf16>, vector<108x10240xbf16>, vector<12x10240xf32> -> vector<12x10240xf32>
      %get3A_314 = arith.constant 0 : index
      %get3A_315 = arith.constant 0 : index
      %get3A_316 = arith.constant 0 : index
      %get3A_317 = vector.load %arg25[%get3A_314, %get3A_315, %get3A_316] : memref<4x12x1xf32, #tpu.memory_space<vmem>>, vector<1x12x1xf32>
      %get3A_318 = vector.shape_cast %get3A_317 : vector<1x12x1xf32> to vector<12x1xf32>
      %add3A_319 = vector.broadcast %get3A_318 : vector<12x1xf32> to vector<12x10240xf32>
      %add3A_320 = arith.addf %dot_general3A_313, %add3A_319 : vector<12x10240xf32>
      %mul3A_321 = vector.broadcast %get3A_2 : vector<1x10240xf32> to vector<12x10240xf32>
      %mul3A_322 = arith.mulf %add3A_320, %mul3A_321 : vector<12x10240xf32>
      %convert_element_type3A_323 = arith.truncf %mul3A_322 : vector<12x10240xf32> to vector<12x10240xbf16>
      %slice3A_324 = vector.extract_strided_slice %convert_element_type3A_323 {offsets = [0, 10205], sizes = [12, 35], strides = [1, 1]} : vector<12x10240xbf16> to vector<12x35xbf16>
      %slice3A_325 = vector.extract_strided_slice %convert_element_type3A_323 {offsets = [0, 0], sizes = [12, 10205], strides = [1, 1]} : vector<12x10240xbf16> to vector<12x10205xbf16>
      %concatenate3A_326 = tpu.concatenate %slice3A_324, %slice3A_325 in 1 : vector<12x35xbf16>, vector<12x10205xbf16> -> vector<12x10240xbf16>
      %slice3A_327 = vector.extract_strided_slice %convert_element_type3A_323 {offsets = [0, 10206], sizes = [12, 34], strides = [1, 1]} : vector<12x10240xbf16> to vector<12x34xbf16>
      %slice3A_328 = vector.extract_strided_slice %convert_element_type3A_323 {offsets = [0, 0], sizes = [12, 10206], strides = [1, 1]} : vector<12x10240xbf16> to vector<12x10206xbf16>
      %concatenate3A_329 = tpu.concatenate %slice3A_327, %slice3A_328 in 1 : vector<12x34xbf16>, vector<12x10206xbf16> -> vector<12x10240xbf16>
      %slice3A_330 = vector.extract_strided_slice %convert_element_type3A_323 {offsets = [0, 10207], sizes = [12, 33], strides = [1, 1]} : vector<12x10240xbf16> to vector<12x33xbf16>
      %slice3A_331 = vector.extract_strided_slice %convert_element_type3A_323 {offsets = [0, 0], sizes = [12, 10207], strides = [1, 1]} : vector<12x10240xbf16> to vector<12x10207xbf16>
      %concatenate3A_332 = tpu.concatenate %slice3A_330, %slice3A_331 in 1 : vector<12x33xbf16>, vector<12x10207xbf16> -> vector<12x10240xbf16>
      %slice3A_333 = vector.extract_strided_slice %convert_element_type3A_323 {offsets = [0, 10239], sizes = [12, 1], strides = [1, 1]} : vector<12x10240xbf16> to vector<12x1xbf16>
      %slice3A_334 = vector.extract_strided_slice %convert_element_type3A_323 {offsets = [0, 0], sizes = [12, 10239], strides = [1, 1]} : vector<12x10240xbf16> to vector<12x10239xbf16>
      %concatenate3A_335 = tpu.concatenate %slice3A_333, %slice3A_334 in 1 : vector<12x1xbf16>, vector<12x10239xbf16> -> vector<12x10240xbf16>
      %slice3A_336 = vector.extract_strided_slice %convert_element_type3A_323 {offsets = [0, 1], sizes = [12, 10239], strides = [1, 1]} : vector<12x10240xbf16> to vector<12x10239xbf16>
      %slice3A_337 = vector.extract_strided_slice %convert_element_type3A_323 {offsets = [0, 0], sizes = [12, 1], strides = [1, 1]} : vector<12x10240xbf16> to vector<12x1xbf16>
      %concatenate3A_338 = tpu.concatenate %slice3A_336, %slice3A_337 in 1 : vector<12x10239xbf16>, vector<12x1xbf16> -> vector<12x10240xbf16>
      %slice3A_339 = vector.extract_strided_slice %convert_element_type3A_323 {offsets = [0, 33], sizes = [12, 10207], strides = [1, 1]} : vector<12x10240xbf16> to vector<12x10207xbf16>
      %slice3A_340 = vector.extract_strided_slice %convert_element_type3A_323 {offsets = [0, 0], sizes = [12, 33], strides = [1, 1]} : vector<12x10240xbf16> to vector<12x33xbf16>
      %concatenate3A_341 = tpu.concatenate %slice3A_339, %slice3A_340 in 1 : vector<12x10207xbf16>, vector<12x33xbf16> -> vector<12x10240xbf16>
      %slice3A_342 = vector.extract_strided_slice %convert_element_type3A_323 {offsets = [0, 34], sizes = [12, 10206], strides = [1, 1]} : vector<12x10240xbf16> to vector<12x10206xbf16>
      %slice3A_343 = vector.extract_strided_slice %convert_element_type3A_323 {offsets = [0, 0], sizes = [12, 34], strides = [1, 1]} : vector<12x10240xbf16> to vector<12x34xbf16>
      %concatenate3A_344 = tpu.concatenate %slice3A_342, %slice3A_343 in 1 : vector<12x10206xbf16>, vector<12x34xbf16> -> vector<12x10240xbf16>
      %slice3A_345 = vector.extract_strided_slice %convert_element_type3A_323 {offsets = [0, 35], sizes = [12, 10205], strides = [1, 1]} : vector<12x10240xbf16> to vector<12x10205xbf16>
      %slice3A_346 = vector.extract_strided_slice %convert_element_type3A_323 {offsets = [0, 0], sizes = [12, 35], strides = [1, 1]} : vector<12x10240xbf16> to vector<12x35xbf16>
      %concatenate3A_347 = tpu.concatenate %slice3A_345, %slice3A_346 in 1 : vector<12x10205xbf16>, vector<12x35xbf16> -> vector<12x10240xbf16>
      %concatenate3A_348 = tpu.concatenate %concatenate3A_326, %concatenate3A_329, %concatenate3A_332, %concatenate3A_335, %convert_element_type3A_323, %concatenate3A_338, %concatenate3A_341, %concatenate3A_344, %concatenate3A_347 in 0 : vector<12x10240xbf16>, vector<12x10240xbf16>, vector<12x10240xbf16>, vector<12x10240xbf16>, vector<12x10240xbf16>, vector<12x10240xbf16>, vector<12x10240xbf16>, vector<12x10240xbf16>, vector<12x10240xbf16> -> vector<108x10240xbf16>
      %get3A_349 = arith.constant 1 : index
      %get3A_350 = arith.constant 0 : index
      %get3A_351 = arith.constant 0 : index
      %get3A_352 = vector.load %arg24[%get3A_349, %get3A_350, %get3A_351] : memref<4x12x108xbf16, #tpu.memory_space<vmem>>, vector<1x12x108xbf16>
      %get3A_353 = vector.shape_cast %get3A_352 : vector<1x12x108xbf16> to vector<12x108xbf16>
      %dot_general3A_354 = arith.constant dense<0.000000e+00> : vector<12x10240xf32>
      %dot_general3A_355 = tpu.matmul %get3A_353, %concatenate3A_348, %dot_general3A_354 {dimension_numbers = #tpu.dot_dimension_numbers<[1], [0], [0], [1], [0, 0, 1, 1], [], []>, transpose_lhs_hint = false} : vector<12x108xbf16>, vector<108x10240xbf16>, vector<12x10240xf32> -> vector<12x10240xf32>
      %get3A_356 = arith.constant 1 : index
      %get3A_357 = arith.constant 0 : index
      %get3A_358 = arith.constant 0 : index
      %get3A_359 = vector.load %arg25[%get3A_356, %get3A_357, %get3A_358] : memref<4x12x1xf32, #tpu.memory_space<vmem>>, vector<1x12x1xf32>
      %get3A_360 = vector.shape_cast %get3A_359 : vector<1x12x1xf32> to vector<12x1xf32>
      %add3A_361 = vector.broadcast %get3A_360 : vector<12x1xf32> to vector<12x10240xf32>
      %add3A_362 = arith.addf %dot_general3A_355, %add3A_361 : vector<12x10240xf32>
      %mul3A_363 = vector.broadcast %get3A_2 : vector<1x10240xf32> to vector<12x10240xf32>
      %mul3A_364 = arith.mulf %add3A_362, %mul3A_363 : vector<12x10240xf32>
      %convert_element_type3A_365 = arith.truncf %mul3A_364 : vector<12x10240xf32> to vector<12x10240xbf16>
      %slice3A_366 = vector.extract_strided_slice %convert_element_type3A_365 {offsets = [0, 10205], sizes = [12, 35], strides = [1, 1]} : vector<12x10240xbf16> to vector<12x35xbf16>
      %slice3A_367 = vector.extract_strided_slice %convert_element_type3A_365 {offsets = [0, 0], sizes = [12, 10205], strides = [1, 1]} : vector<12x10240xbf16> to vector<12x10205xbf16>
      %concatenate3A_368 = tpu.concatenate %slice3A_366, %slice3A_367 in 1 : vector<12x35xbf16>, vector<12x10205xbf16> -> vector<12x10240xbf16>
      %slice3A_369 = vector.extract_strided_slice %convert_element_type3A_365 {offsets = [0, 10206], sizes = [12, 34], strides = [1, 1]} : vector<12x10240xbf16> to vector<12x34xbf16>
      %slice3A_370 = vector.extract_strided_slice %convert_element_type3A_365 {offsets = [0, 0], sizes = [12, 10206], strides = [1, 1]} : vector<12x10240xbf16> to vector<12x10206xbf16>
      %concatenate3A_371 = tpu.concatenate %slice3A_369, %slice3A_370 in 1 : vector<12x34xbf16>, vector<12x10206xbf16> -> vector<12x10240xbf16>
      %slice3A_372 = vector.extract_strided_slice %convert_element_type3A_365 {offsets = [0, 10207], sizes = [12, 33], strides = [1, 1]} : vector<12x10240xbf16> to vector<12x33xbf16>
      %slice3A_373 = vector.extract_strided_slice %convert_element_type3A_365 {offsets = [0, 0], sizes = [12, 10207], strides = [1, 1]} : vector<12x10240xbf16> to vector<12x10207xbf16>
      %concatenate3A_374 = tpu.concatenate %slice3A_372, %slice3A_373 in 1 : vector<12x33xbf16>, vector<12x10207xbf16> -> vector<12x10240xbf16>
      %slice3A_375 = vector.extract_strided_slice %convert_element_type3A_365 {offsets = [0, 10239], sizes = [12, 1], strides = [1, 1]} : vector<12x10240xbf16> to vector<12x1xbf16>
      %slice3A_376 = vector.extract_strided_slice %convert_element_type3A_365 {offsets = [0, 0], sizes = [12, 10239], strides = [1, 1]} : vector<12x10240xbf16> to vector<12x10239xbf16>
      %concatenate3A_377 = tpu.concatenate %slice3A_375, %slice3A_376 in 1 : vector<12x1xbf16>, vector<12x10239xbf16> -> vector<12x10240xbf16>
      %slice3A_378 = vector.extract_strided_slice %convert_element_type3A_365 {offsets = [0, 1], sizes = [12, 10239], strides = [1, 1]} : vector<12x10240xbf16> to vector<12x10239xbf16>
      %slice3A_379 = vector.extract_strided_slice %convert_element_type3A_365 {offsets = [0, 0], sizes = [12, 1], strides = [1, 1]} : vector<12x10240xbf16> to vector<12x1xbf16>
      %concatenate3A_380 = tpu.concatenate %slice3A_378, %slice3A_379 in 1 : vector<12x10239xbf16>, vector<12x1xbf16> -> vector<12x10240xbf16>
      %slice3A_381 = vector.extract_strided_slice %convert_element_type3A_365 {offsets = [0, 33], sizes = [12, 10207], strides = [1, 1]} : vector<12x10240xbf16> to vector<12x10207xbf16>
      %slice3A_382 = vector.extract_strided_slice %convert_element_type3A_365 {offsets = [0, 0], sizes = [12, 33], strides = [1, 1]} : vector<12x10240xbf16> to vector<12x33xbf16>
      %concatenate3A_383 = tpu.concatenate %slice3A_381, %slice3A_382 in 1 : vector<12x10207xbf16>, vector<12x33xbf16> -> vector<12x10240xbf16>
      %slice3A_384 = vector.extract_strided_slice %convert_element_type3A_365 {offsets = [0, 34], sizes = [12, 10206], strides = [1, 1]} : vector<12x10240xbf16> to vector<12x10206xbf16>
      %slice3A_385 = vector.extract_strided_slice %convert_element_type3A_365 {offsets = [0, 0], sizes = [12, 34], strides = [1, 1]} : vector<12x10240xbf16> to vector<12x34xbf16>
      %concatenate3A_386 = tpu.concatenate %slice3A_384, %slice3A_385 in 1 : vector<12x10206xbf16>, vector<12x34xbf16> -> vector<12x10240xbf16>
      %slice3A_387 = vector.extract_strided_slice %convert_element_type3A_365 {offsets = [0, 35], sizes = [12, 10205], strides = [1, 1]} : vector<12x10240xbf16> to vector<12x10205xbf16>
      %slice3A_388 = vector.extract_strided_slice %convert_element_type3A_365 {offsets = [0, 0], sizes = [12, 35], strides = [1, 1]} : vector<12x10240xbf16> to vector<12x35xbf16>
      %concatenate3A_389 = tpu.concatenate %slice3A_387, %slice3A_388 in 1 : vector<12x10205xbf16>, vector<12x35xbf16> -> vector<12x10240xbf16>
      %concatenate3A_390 = tpu.concatenate %concatenate3A_368, %concatenate3A_371, %concatenate3A_374, %concatenate3A_377, %convert_element_type3A_365, %concatenate3A_380, %concatenate3A_383, %concatenate3A_386, %concatenate3A_389 in 0 : vector<12x10240xbf16>, vector<12x10240xbf16>, vector<12x10240xbf16>, vector<12x10240xbf16>, vector<12x10240xbf16>, vector<12x10240xbf16>, vector<12x10240xbf16>, vector<12x10240xbf16>, vector<12x10240xbf16> -> vector<108x10240xbf16>
      %get3A_391 = arith.constant 2 : index
      %get3A_392 = arith.constant 0 : index
      %get3A_393 = arith.constant 0 : index
      %get3A_394 = vector.load %arg24[%get3A_391, %get3A_392, %get3A_393] : memref<4x12x108xbf16, #tpu.memory_space<vmem>>, vector<1x12x108xbf16>
      %get3A_395 = vector.shape_cast %get3A_394 : vector<1x12x108xbf16> to vector<12x108xbf16>
      %dot_general3A_396 = arith.constant dense<0.000000e+00> : vector<12x10240xf32>
      %dot_general3A_397 = tpu.matmul %get3A_395, %concatenate3A_390, %dot_general3A_396 {dimension_numbers = #tpu.dot_dimension_numbers<[1], [0], [0], [1], [0, 0, 1, 1], [], []>, transpose_lhs_hint = false} : vector<12x108xbf16>, vector<108x10240xbf16>, vector<12x10240xf32> -> vector<12x10240xf32>
      %get3A_398 = arith.constant 2 : index
      %get3A_399 = arith.constant 0 : index
      %get3A_400 = arith.constant 0 : index
      %get3A_401 = vector.load %arg25[%get3A_398, %get3A_399, %get3A_400] : memref<4x12x1xf32, #tpu.memory_space<vmem>>, vector<1x12x1xf32>
      %get3A_402 = vector.shape_cast %get3A_401 : vector<1x12x1xf32> to vector<12x1xf32>
      %add3A_403 = vector.broadcast %get3A_402 : vector<12x1xf32> to vector<12x10240xf32>
      %add3A_404 = arith.addf %dot_general3A_397, %add3A_403 : vector<12x10240xf32>
      %mul3A_405 = vector.broadcast %get3A_2 : vector<1x10240xf32> to vector<12x10240xf32>
      %mul3A_406 = arith.mulf %add3A_404, %mul3A_405 : vector<12x10240xf32>
      %convert_element_type3A_407 = arith.truncf %mul3A_406 : vector<12x10240xf32> to vector<12x10240xbf16>
      %slice3A_408 = vector.extract_strided_slice %convert_element_type3A_407 {offsets = [0, 10205], sizes = [12, 35], strides = [1, 1]} : vector<12x10240xbf16> to vector<12x35xbf16>
      %slice3A_409 = vector.extract_strided_slice %convert_element_type3A_407 {offsets = [0, 0], sizes = [12, 10205], strides = [1, 1]} : vector<12x10240xbf16> to vector<12x10205xbf16>
      %concatenate3A_410 = tpu.concatenate %slice3A_408, %slice3A_409 in 1 : vector<12x35xbf16>, vector<12x10205xbf16> -> vector<12x10240xbf16>
      %slice3A_411 = vector.extract_strided_slice %convert_element_type3A_407 {offsets = [0, 10206], sizes = [12, 34], strides = [1, 1]} : vector<12x10240xbf16> to vector<12x34xbf16>
      %slice3A_412 = vector.extract_strided_slice %convert_element_type3A_407 {offsets = [0, 0], sizes = [12, 10206], strides = [1, 1]} : vector<12x10240xbf16> to vector<12x10206xbf16>
      %concatenate3A_413 = tpu.concatenate %slice3A_411, %slice3A_412 in 1 : vector<12x34xbf16>, vector<12x10206xbf16> -> vector<12x10240xbf16>
      %slice3A_414 = vector.extract_strided_slice %convert_element_type3A_407 {offsets = [0, 10207], sizes = [12, 33], strides = [1, 1]} : vector<12x10240xbf16> to vector<12x33xbf16>
      %slice3A_415 = vector.extract_strided_slice %convert_element_type3A_407 {offsets = [0, 0], sizes = [12, 10207], strides = [1, 1]} : vector<12x10240xbf16> to vector<12x10207xbf16>
      %concatenate3A_416 = tpu.concatenate %slice3A_414, %slice3A_415 in 1 : vector<12x33xbf16>, vector<12x10207xbf16> -> vector<12x10240xbf16>
      %slice3A_417 = vector.extract_strided_slice %convert_element_type3A_407 {offsets = [0, 10239], sizes = [12, 1], strides = [1, 1]} : vector<12x10240xbf16> to vector<12x1xbf16>
      %slice3A_418 = vector.extract_strided_slice %convert_element_type3A_407 {offsets = [0, 0], sizes = [12, 10239], strides = [1, 1]} : vector<12x10240xbf16> to vector<12x10239xbf16>
      %concatenate3A_419 = tpu.concatenate %slice3A_417, %slice3A_418 in 1 : vector<12x1xbf16>, vector<12x10239xbf16> -> vector<12x10240xbf16>
      %slice3A_420 = vector.extract_strided_slice %convert_element_type3A_407 {offsets = [0, 1], sizes = [12, 10239], strides = [1, 1]} : vector<12x10240xbf16> to vector<12x10239xbf16>
      %slice3A_421 = vector.extract_strided_slice %convert_element_type3A_407 {offsets = [0, 0], sizes = [12, 1], strides = [1, 1]} : vector<12x10240xbf16> to vector<12x1xbf16>
      %concatenate3A_422 = tpu.concatenate %slice3A_420, %slice3A_421 in 1 : vector<12x10239xbf16>, vector<12x1xbf16> -> vector<12x10240xbf16>
      %slice3A_423 = vector.extract_strided_slice %convert_element_type3A_407 {offsets = [0, 33], sizes = [12, 10207], strides = [1, 1]} : vector<12x10240xbf16> to vector<12x10207xbf16>
      %slice3A_424 = vector.extract_strided_slice %convert_element_type3A_407 {offsets = [0, 0], sizes = [12, 33], strides = [1, 1]} : vector<12x10240xbf16> to vector<12x33xbf16>
      %concatenate3A_425 = tpu.concatenate %slice3A_423, %slice3A_424 in 1 : vector<12x10207xbf16>, vector<12x33xbf16> -> vector<12x10240xbf16>
      %slice3A_426 = vector.extract_strided_slice %convert_element_type3A_407 {offsets = [0, 34], sizes = [12, 10206], strides = [1, 1]} : vector<12x10240xbf16> to vector<12x10206xbf16>
      %slice3A_427 = vector.extract_strided_slice %convert_element_type3A_407 {offsets = [0, 0], sizes = [12, 34], strides = [1, 1]} : vector<12x10240xbf16> to vector<12x34xbf16>
      %concatenate3A_428 = tpu.concatenate %slice3A_426, %slice3A_427 in 1 : vector<12x10206xbf16>, vector<12x34xbf16> -> vector<12x10240xbf16>
      %slice3A_429 = vector.extract_strided_slice %convert_element_type3A_407 {offsets = [0, 35], sizes = [12, 10205], strides = [1, 1]} : vector<12x10240xbf16> to vector<12x10205xbf16>
      %slice3A_430 = vector.extract_strided_slice %convert_element_type3A_407 {offsets = [0, 0], sizes = [12, 35], strides = [1, 1]} : vector<12x10240xbf16> to vector<12x35xbf16>
      %concatenate3A_431 = tpu.concatenate %slice3A_429, %slice3A_430 in 1 : vector<12x10205xbf16>, vector<12x35xbf16> -> vector<12x10240xbf16>
      %concatenate3A_432 = tpu.concatenate %concatenate3A_410, %concatenate3A_413, %concatenate3A_416, %concatenate3A_419, %convert_element_type3A_407, %concatenate3A_422, %concatenate3A_425, %concatenate3A_428, %concatenate3A_431 in 0 : vector<12x10240xbf16>, vector<12x10240xbf16>, vector<12x10240xbf16>, vector<12x10240xbf16>, vector<12x10240xbf16>, vector<12x10240xbf16>, vector<12x10240xbf16>, vector<12x10240xbf16>, vector<12x10240xbf16> -> vector<108x10240xbf16>
      %get3A_433 = arith.constant 3 : index
      %get3A_434 = arith.constant 0 : index
      %get3A_435 = arith.constant 0 : index
      %get3A_436 = vector.load %arg24[%get3A_433, %get3A_434, %get3A_435] : memref<4x12x108xbf16, #tpu.memory_space<vmem>>, vector<1x12x108xbf16>
      %get3A_437 = vector.shape_cast %get3A_436 : vector<1x12x108xbf16> to vector<12x108xbf16>
      %dot_general3A_438 = arith.constant dense<0.000000e+00> : vector<12x10240xf32>
      %dot_general3A_439 = tpu.matmul %get3A_437, %concatenate3A_432, %dot_general3A_438 {dimension_numbers = #tpu.dot_dimension_numbers<[1], [0], [0], [1], [0, 0, 1, 1], [], []>, transpose_lhs_hint = false} : vector<12x108xbf16>, vector<108x10240xbf16>, vector<12x10240xf32> -> vector<12x10240xf32>
      %get3A_440 = arith.constant 3 : index
      %get3A_441 = arith.constant 0 : index
      %get3A_442 = arith.constant 0 : index
      %get3A_443 = vector.load %arg25[%get3A_440, %get3A_441, %get3A_442] : memref<4x12x1xf32, #tpu.memory_space<vmem>>, vector<1x12x1xf32>
      %get3A_444 = vector.shape_cast %get3A_443 : vector<1x12x1xf32> to vector<12x1xf32>
      %add3A_445 = vector.broadcast %get3A_444 : vector<12x1xf32> to vector<12x10240xf32>
      %add3A_446 = arith.addf %dot_general3A_439, %add3A_445 : vector<12x10240xf32>
      %mul3A_447 = vector.broadcast %get3A_2 : vector<1x10240xf32> to vector<12x10240xf32>
      %mul3A_448 = arith.mulf %add3A_446, %mul3A_447 : vector<12x10240xf32>
      %get3A_449 = arith.constant 0 : index
      %get3A_450 = arith.constant 0 : index
      %get3A_451 = vector.load %arg26[%get3A_449, %get3A_450] : memref<12x1xf32, #tpu.memory_space<vmem>>, vector<12x1xf32>
      %ge3A_452 = arith.constant 0.000000e+00 : f32
      %ge3A_453 = vector.broadcast %ge3A_452 : f32 to vector<12x10240xf32>
      %ge3A_454 = arith.cmpf oge, %mul3A_448, %ge3A_453 : vector<12x10240xf32>
      %mul3A_455 = vector.broadcast %get3A_451 : vector<12x1xf32> to vector<12x10240xf32>
      %mul3A_456 = arith.mulf %mul3A_455, %mul3A_448 : vector<12x10240xf32>
      %select_n3A_457 = arith.select %ge3A_454, %mul3A_448, %mul3A_456 : vector<12x10240xi1>, vector<12x10240xf32>
      %get3A_458 = arith.constant 0 : index
      %get3A_459 = arith.constant 0 : index
      %get3A_460 = vector.load %arg27[%get3A_458, %get3A_459] : memref<36x12xf32, #tpu.memory_space<vmem>>, vector<36x12xf32>
      %dot_general3A_461 = arith.constant dense<0.000000e+00> : vector<36x10240xf32>
      %dot_general3A_462 = tpu.matmul %get3A_460, %select_n3A_457, %dot_general3A_461 {dimension_numbers = #tpu.dot_dimension_numbers<[1], [0], [0], [1], [0, 0, 1, 1], [], []>, transpose_lhs_hint = false} : vector<36x12xf32>, vector<12x10240xf32>, vector<36x10240xf32> -> vector<36x10240xf32>
      %get3A_463 = arith.constant 0 : index
      %get3A_464 = arith.constant 0 : index
      %get3A_465 = vector.load %arg28[%get3A_463, %get3A_464] : memref<36x1xf32, #tpu.memory_space<vmem>>, vector<36x1xf32>
      %add3A_466 = vector.broadcast %get3A_465 : vector<36x1xf32> to vector<36x10240xf32>
      %add3A_467 = arith.addf %dot_general3A_462, %add3A_466 : vector<36x10240xf32>
      %mul3A_468 = vector.broadcast %get3A_2 : vector<1x10240xf32> to vector<36x10240xf32>
      %mul3A_469 = arith.mulf %add3A_467, %mul3A_468 : vector<36x10240xf32>
      %get3A_470 = arith.constant 0 : index
      %get3A_471 = arith.constant 0 : index
      %get3A_472 = vector.load %arg29[%get3A_470, %get3A_471] : memref<36x1xf32, #tpu.memory_space<vmem>>, vector<36x1xf32>
      %ge3A_473 = arith.constant 0.000000e+00 : f32
      %ge3A_474 = vector.broadcast %ge3A_473 : f32 to vector<36x10240xf32>
      %ge3A_475 = arith.cmpf oge, %mul3A_469, %ge3A_474 : vector<36x10240xf32>
      %mul3A_476 = vector.broadcast %get3A_472 : vector<36x1xf32> to vector<36x10240xf32>
      %mul3A_477 = arith.mulf %mul3A_476, %mul3A_469 : vector<36x10240xf32>
      %select_n3A_478 = arith.select %ge3A_475, %mul3A_469, %mul3A_477 : vector<36x10240xi1>, vector<36x10240xf32>
      %convert_element_type3A_479 = arith.truncf %select_n3A_478 : vector<36x10240xf32> to vector<36x10240xbf16>
      %slice3A_480 = vector.extract_strided_slice %convert_element_type3A_479 {offsets = [0, 10205], sizes = [36, 35], strides = [1, 1]} : vector<36x10240xbf16> to vector<36x35xbf16>
      %slice3A_481 = vector.extract_strided_slice %convert_element_type3A_479 {offsets = [0, 0], sizes = [36, 10205], strides = [1, 1]} : vector<36x10240xbf16> to vector<36x10205xbf16>
      %concatenate3A_482 = tpu.concatenate %slice3A_480, %slice3A_481 in 1 : vector<36x35xbf16>, vector<36x10205xbf16> -> vector<36x10240xbf16>
      %slice3A_483 = vector.extract_strided_slice %convert_element_type3A_479 {offsets = [0, 10206], sizes = [36, 34], strides = [1, 1]} : vector<36x10240xbf16> to vector<36x34xbf16>
      %slice3A_484 = vector.extract_strided_slice %convert_element_type3A_479 {offsets = [0, 0], sizes = [36, 10206], strides = [1, 1]} : vector<36x10240xbf16> to vector<36x10206xbf16>
      %concatenate3A_485 = tpu.concatenate %slice3A_483, %slice3A_484 in 1 : vector<36x34xbf16>, vector<36x10206xbf16> -> vector<36x10240xbf16>
      %slice3A_486 = vector.extract_strided_slice %convert_element_type3A_479 {offsets = [0, 10207], sizes = [36, 33], strides = [1, 1]} : vector<36x10240xbf16> to vector<36x33xbf16>
      %slice3A_487 = vector.extract_strided_slice %convert_element_type3A_479 {offsets = [0, 0], sizes = [36, 10207], strides = [1, 1]} : vector<36x10240xbf16> to vector<36x10207xbf16>
      %concatenate3A_488 = tpu.concatenate %slice3A_486, %slice3A_487 in 1 : vector<36x33xbf16>, vector<36x10207xbf16> -> vector<36x10240xbf16>
      %slice3A_489 = vector.extract_strided_slice %convert_element_type3A_479 {offsets = [0, 10239], sizes = [36, 1], strides = [1, 1]} : vector<36x10240xbf16> to vector<36x1xbf16>
      %slice3A_490 = vector.extract_strided_slice %convert_element_type3A_479 {offsets = [0, 0], sizes = [36, 10239], strides = [1, 1]} : vector<36x10240xbf16> to vector<36x10239xbf16>
      %concatenate3A_491 = tpu.concatenate %slice3A_489, %slice3A_490 in 1 : vector<36x1xbf16>, vector<36x10239xbf16> -> vector<36x10240xbf16>
      %slice3A_492 = vector.extract_strided_slice %convert_element_type3A_479 {offsets = [0, 1], sizes = [36, 10239], strides = [1, 1]} : vector<36x10240xbf16> to vector<36x10239xbf16>
      %slice3A_493 = vector.extract_strided_slice %convert_element_type3A_479 {offsets = [0, 0], sizes = [36, 1], strides = [1, 1]} : vector<36x10240xbf16> to vector<36x1xbf16>
      %concatenate3A_494 = tpu.concatenate %slice3A_492, %slice3A_493 in 1 : vector<36x10239xbf16>, vector<36x1xbf16> -> vector<36x10240xbf16>
      %slice3A_495 = vector.extract_strided_slice %convert_element_type3A_479 {offsets = [0, 33], sizes = [36, 10207], strides = [1, 1]} : vector<36x10240xbf16> to vector<36x10207xbf16>
      %slice3A_496 = vector.extract_strided_slice %convert_element_type3A_479 {offsets = [0, 0], sizes = [36, 33], strides = [1, 1]} : vector<36x10240xbf16> to vector<36x33xbf16>
      %concatenate3A_497 = tpu.concatenate %slice3A_495, %slice3A_496 in 1 : vector<36x10207xbf16>, vector<36x33xbf16> -> vector<36x10240xbf16>
      %slice3A_498 = vector.extract_strided_slice %convert_element_type3A_479 {offsets = [0, 34], sizes = [36, 10206], strides = [1, 1]} : vector<36x10240xbf16> to vector<36x10206xbf16>
      %slice3A_499 = vector.extract_strided_slice %convert_element_type3A_479 {offsets = [0, 0], sizes = [36, 34], strides = [1, 1]} : vector<36x10240xbf16> to vector<36x34xbf16>
      %concatenate3A_500 = tpu.concatenate %slice3A_498, %slice3A_499 in 1 : vector<36x10206xbf16>, vector<36x34xbf16> -> vector<36x10240xbf16>
      %slice3A_501 = vector.extract_strided_slice %convert_element_type3A_479 {offsets = [0, 35], sizes = [36, 10205], strides = [1, 1]} : vector<36x10240xbf16> to vector<36x10205xbf16>
      %slice3A_502 = vector.extract_strided_slice %convert_element_type3A_479 {offsets = [0, 0], sizes = [36, 35], strides = [1, 1]} : vector<36x10240xbf16> to vector<36x35xbf16>
      %concatenate3A_503 = tpu.concatenate %slice3A_501, %slice3A_502 in 1 : vector<36x10205xbf16>, vector<36x35xbf16> -> vector<36x10240xbf16>
      %concatenate3A_504 = tpu.concatenate %concatenate3A_482, %concatenate3A_485, %concatenate3A_488, %concatenate3A_491, %convert_element_type3A_479, %concatenate3A_494, %concatenate3A_497, %concatenate3A_500, %concatenate3A_503 in 0 : vector<36x10240xbf16>, vector<36x10240xbf16>, vector<36x10240xbf16>, vector<36x10240xbf16>, vector<36x10240xbf16>, vector<36x10240xbf16>, vector<36x10240xbf16>, vector<36x10240xbf16>, vector<36x10240xbf16> -> vector<324x10240xbf16>
      %get3A_505 = arith.constant 0 : index
      %get3A_506 = arith.constant 0 : index
      %get3A_507 = vector.load %arg30[%get3A_505, %get3A_506] : memref<48x324xbf16, #tpu.memory_space<vmem>>, vector<48x324xbf16>
      %dot_general3A_508 = arith.constant dense<0.000000e+00> : vector<48x10240xf32>
      %dot_general3A_509 = tpu.matmul %get3A_507, %concatenate3A_504, %dot_general3A_508 {dimension_numbers = #tpu.dot_dimension_numbers<[1], [0], [0], [1], [0, 0, 1, 1], [], []>, transpose_lhs_hint = false} : vector<48x324xbf16>, vector<324x10240xbf16>, vector<48x10240xf32> -> vector<48x10240xf32>
      %get3A_510 = arith.constant 0 : index
      %get3A_511 = arith.constant 0 : index
      %get3A_512 = vector.load %arg31[%get3A_510, %get3A_511] : memref<48x1xf32, #tpu.memory_space<vmem>>, vector<48x1xf32>
      %add3A_513 = vector.broadcast %get3A_512 : vector<48x1xf32> to vector<48x10240xf32>
      %add3A_514 = arith.addf %dot_general3A_509, %add3A_513 : vector<48x10240xf32>
      %convert_element_type3A_515 = arith.truncf %add3A_514 : vector<48x10240xf32> to vector<48x10240xbf16>
      %add3A_516 = arith.constant 0 : i32
      %add3A_517 = arith.addi %mul3A_0, %add3A_516 : i32
      %get3A_518 = arith.index_cast %add3A_517 : i32 to index
      %get3A_519 = memref.load %arg1[%get3A_518] : memref<1024xi32, #tpu.memory_space<smem>>
      %eq3A_520 = arith.constant 1 : i32
      %eq3A_521 = arith.cmpi eq, %get3A_519, %eq3A_520 : i32
      %convert_element_type3A_522 = arith.extui %eq3A_521 : i1 to i32
      %cond3A_523 = arith.constant 0 : i32
      %cond3A_524 = arith.cmpi ne, %convert_element_type3A_522, %cond3A_523 : i32
      scf.if %cond3A_524 {
        %slice3A_588 = vector.extract_strided_slice %convert_element_type3A_515 {offsets = [0, 0], sizes = [48, 1280], strides = [1, 1]} : vector<48x10240xbf16> to vector<48x1280xbf16>
        %swap3A = arith.constant 0 : index
        %swap3A_589 = arith.constant 0 : index
        %swap3A_590 = arith.constant 0 : index
        %swap3A_591 = vector.load %arg46[%swap3A, %swap3A_589, %swap3A_590] : memref<8x48x1280xbf16, #tpu.memory_space<vmem>>, vector<1x48x1280xbf16>
        %swap3A_592 = vector.shape_cast %swap3A_591 : vector<1x48x1280xbf16> to vector<48x1280xbf16>
        %swap3A_593 = vector.shape_cast %slice3A_588 : vector<48x1280xbf16> to vector<1x48x1280xbf16>
        tpu.vector_store %arg46[%swap3A, %swap3A_589, %swap3A_590], %swap3A_593 {strides = array<i32>} : memref<8x48x1280xbf16, #tpu.memory_space<vmem>>, vector<1x48x1280xbf16>,
      } else {
      }
      %add3A_525 = arith.constant 1 : i32
      %add3A_526 = arith.addi %mul3A_0, %add3A_525 : i32
      %get3A_527 = arith.index_cast %add3A_526 : i32 to index
      %get3A_528 = memref.load %arg1[%get3A_527] : memref<1024xi32, #tpu.memory_space<smem>>
      %eq3A_529 = arith.constant 1 : i32
      %eq3A_530 = arith.cmpi eq, %get3A_528, %eq3A_529 : i32
      %convert_element_type3A_531 = arith.extui %eq3A_530 : i1 to i32
      %cond3A_532 = arith.constant 0 : i32
      %cond3A_533 = arith.cmpi ne, %convert_element_type3A_531, %cond3A_532 : i32
      scf.if %cond3A_533 {
        %slice3A_588 = vector.extract_strided_slice %convert_element_type3A_515 {offsets = [0, 1280], sizes = [48, 1280], strides = [1, 1]} : vector<48x10240xbf16> to vector<48x1280xbf16>
        %swap3A = arith.constant 1 : index
        %swap3A_589 = arith.constant 0 : index
        %swap3A_590 = arith.constant 0 : index
        %swap3A_591 = vector.load %arg46[%swap3A, %swap3A_589, %swap3A_590] : memref<8x48x1280xbf16, #tpu.memory_space<vmem>>, vector<1x48x1280xbf16>
        %swap3A_592 = vector.shape_cast %swap3A_591 : vector<1x48x1280xbf16> to vector<48x1280xbf16>
        %swap3A_593 = vector.shape_cast %slice3A_588 : vector<48x1280xbf16> to vector<1x48x1280xbf16>
        tpu.vector_store %arg46[%swap3A, %swap3A_589, %swap3A_590], %swap3A_593 {strides = array<i32>} : memref<8x48x1280xbf16, #tpu.memory_space<vmem>>, vector<1x48x1280xbf16>,
      } else {
      }
      %add3A_534 = arith.constant 2 : i32
      %add3A_535 = arith.addi %mul3A_0, %add3A_534 : i32
      %get3A_536 = arith.index_cast %add3A_535 : i32 to index
      %get3A_537 = memref.load %arg1[%get3A_536] : memref<1024xi32, #tpu.memory_space<smem>>
      %eq3A_538 = arith.constant 1 : i32
      %eq3A_539 = arith.cmpi eq, %get3A_537, %eq3A_538 : i32
      %convert_element_type3A_540 = arith.extui %eq3A_539 : i1 to i32
      %cond3A_541 = arith.constant 0 : i32
      %cond3A_542 = arith.cmpi ne, %convert_element_type3A_540, %cond3A_541 : i32
      scf.if %cond3A_542 {
        %slice3A_588 = vector.extract_strided_slice %convert_element_type3A_515 {offsets = [0, 2560], sizes = [48, 1280], strides = [1, 1]} : vector<48x10240xbf16> to vector<48x1280xbf16>
        %swap3A = arith.constant 2 : index
        %swap3A_589 = arith.constant 0 : index
        %swap3A_590 = arith.constant 0 : index
        %swap3A_591 = vector.load %arg46[%swap3A, %swap3A_589, %swap3A_590] : memref<8x48x1280xbf16, #tpu.memory_space<vmem>>, vector<1x48x1280xbf16>
        %swap3A_592 = vector.shape_cast %swap3A_591 : vector<1x48x1280xbf16> to vector<48x1280xbf16>
        %swap3A_593 = vector.shape_cast %slice3A_588 : vector<48x1280xbf16> to vector<1x48x1280xbf16>
        tpu.vector_store %arg46[%swap3A, %swap3A_589, %swap3A_590], %swap3A_593 {strides = array<i32>} : memref<8x48x1280xbf16, #tpu.memory_space<vmem>>, vector<1x48x1280xbf16>,
      } else {
      }
      %add3A_543 = arith.constant 3 : i32
      %add3A_544 = arith.addi %mul3A_0, %add3A_543 : i32
      %get3A_545 = arith.index_cast %add3A_544 : i32 to index
      %get3A_546 = memref.load %arg1[%get3A_545] : memref<1024xi32, #tpu.memory_space<smem>>
      %eq3A_547 = arith.constant 1 : i32
      %eq3A_548 = arith.cmpi eq, %get3A_546, %eq3A_547 : i32
      %convert_element_type3A_549 = arith.extui %eq3A_548 : i1 to i32
      %cond3A_550 = arith.constant 0 : i32
      %cond3A_551 = arith.cmpi ne, %convert_element_type3A_549, %cond3A_550 : i32
      scf.if %cond3A_551 {
        %slice3A_588 = vector.extract_strided_slice %convert_element_type3A_515 {offsets = [0, 3840], sizes = [48, 1280], strides = [1, 1]} : vector<48x10240xbf16> to vector<48x1280xbf16>
        %swap3A = arith.constant 3 : index
        %swap3A_589 = arith.constant 0 : index
        %swap3A_590 = arith.constant 0 : index
        %swap3A_591 = vector.load %arg46[%swap3A, %swap3A_589, %swap3A_590] : memref<8x48x1280xbf16, #tpu.memory_space<vmem>>, vector<1x48x1280xbf16>
        %swap3A_592 = vector.shape_cast %swap3A_591 : vector<1x48x1280xbf16> to vector<48x1280xbf16>
        %swap3A_593 = vector.shape_cast %slice3A_588 : vector<48x1280xbf16> to vector<1x48x1280xbf16>
        tpu.vector_store %arg46[%swap3A, %swap3A_589, %swap3A_590], %swap3A_593 {strides = array<i32>} : memref<8x48x1280xbf16, #tpu.memory_space<vmem>>, vector<1x48x1280xbf16>,
      } else {
      }
      %add3A_552 = arith.constant 4 : i32
      %add3A_553 = arith.addi %mul3A_0, %add3A_552 : i32
      %get3A_554 = arith.index_cast %add3A_553 : i32 to index
      %get3A_555 = memref.load %arg1[%get3A_554] : memref<1024xi32, #tpu.memory_space<smem>>
      %eq3A_556 = arith.constant 1 : i32
      %eq3A_557 = arith.cmpi eq, %get3A_555, %eq3A_556 : i32
      %convert_element_type3A_558 = arith.extui %eq3A_557 : i1 to i32
      %cond3A_559 = arith.constant 0 : i32
      %cond3A_560 = arith.cmpi ne, %convert_element_type3A_558, %cond3A_559 : i32
      scf.if %cond3A_560 {
        %slice3A_588 = vector.extract_strided_slice %convert_element_type3A_515 {offsets = [0, 5120], sizes = [48, 1280], strides = [1, 1]} : vector<48x10240xbf16> to vector<48x1280xbf16>
        %swap3A = arith.constant 4 : index
        %swap3A_589 = arith.constant 0 : index
        %swap3A_590 = arith.constant 0 : index
        %swap3A_591 = vector.load %arg46[%swap3A, %swap3A_589, %swap3A_590] : memref<8x48x1280xbf16, #tpu.memory_space<vmem>>, vector<1x48x1280xbf16>
        %swap3A_592 = vector.shape_cast %swap3A_591 : vector<1x48x1280xbf16> to vector<48x1280xbf16>
        %swap3A_593 = vector.shape_cast %slice3A_588 : vector<48x1280xbf16> to vector<1x48x1280xbf16>
        tpu.vector_store %arg46[%swap3A, %swap3A_589, %swap3A_590], %swap3A_593 {strides = array<i32>} : memref<8x48x1280xbf16, #tpu.memory_space<vmem>>, vector<1x48x1280xbf16>,
      } else {
      }
      %add3A_561 = arith.constant 5 : i32
      %add3A_562 = arith.addi %mul3A_0, %add3A_561 : i32
      %get3A_563 = arith.index_cast %add3A_562 : i32 to index
      %get3A_564 = memref.load %arg1[%get3A_563] : memref<1024xi32, #tpu.memory_space<smem>>
      %eq3A_565 = arith.constant 1 : i32
      %eq3A_566 = arith.cmpi eq, %get3A_564, %eq3A_565 : i32
      %convert_element_type3A_567 = arith.extui %eq3A_566 : i1 to i32
      %cond3A_568 = arith.constant 0 : i32
      %cond3A_569 = arith.cmpi ne, %convert_element_type3A_567, %cond3A_568 : i32
      scf.if %cond3A_569 {
        %slice3A_588 = vector.extract_strided_slice %convert_element_type3A_515 {offsets = [0, 6400], sizes = [48, 1280], strides = [1, 1]} : vector<48x10240xbf16> to vector<48x1280xbf16>
        %swap3A = arith.constant 5 : index
        %swap3A_589 = arith.constant 0 : index
        %swap3A_590 = arith.constant 0 : index
        %swap3A_591 = vector.load %arg46[%swap3A, %swap3A_589, %swap3A_590] : memref<8x48x1280xbf16, #tpu.memory_space<vmem>>, vector<1x48x1280xbf16>
        %swap3A_592 = vector.shape_cast %swap3A_591 : vector<1x48x1280xbf16> to vector<48x1280xbf16>
        %swap3A_593 = vector.shape_cast %slice3A_588 : vector<48x1280xbf16> to vector<1x48x1280xbf16>
        tpu.vector_store %arg46[%swap3A, %swap3A_589, %swap3A_590], %swap3A_593 {strides = array<i32>} : memref<8x48x1280xbf16, #tpu.memory_space<vmem>>, vector<1x48x1280xbf16>,
      } else {
      }
      %add3A_570 = arith.constant 6 : i32
      %add3A_571 = arith.addi %mul3A_0, %add3A_570 : i32
      %get3A_572 = arith.index_cast %add3A_571 : i32 to index
      %get3A_573 = memref.load %arg1[%get3A_572] : memref<1024xi32, #tpu.memory_space<smem>>
      %eq3A_574 = arith.constant 1 : i32
      %eq3A_575 = arith.cmpi eq, %get3A_573, %eq3A_574 : i32
      %convert_element_type3A_576 = arith.extui %eq3A_575 : i1 to i32
      %cond3A_577 = arith.constant 0 : i32
      %cond3A_578 = arith.cmpi ne, %convert_element_type3A_576, %cond3A_577 : i32
      scf.if %cond3A_578 {
        %slice3A_588 = vector.extract_strided_slice %convert_element_type3A_515 {offsets = [0, 7680], sizes = [48, 1280], strides = [1, 1]} : vector<48x10240xbf16> to vector<48x1280xbf16>
        %swap3A = arith.constant 6 : index
        %swap3A_589 = arith.constant 0 : index
        %swap3A_590 = arith.constant 0 : index
        %swap3A_591 = vector.load %arg46[%swap3A, %swap3A_589, %swap3A_590] : memref<8x48x1280xbf16, #tpu.memory_space<vmem>>, vector<1x48x1280xbf16>
        %swap3A_592 = vector.shape_cast %swap3A_591 : vector<1x48x1280xbf16> to vector<48x1280xbf16>
        %swap3A_593 = vector.shape_cast %slice3A_588 : vector<48x1280xbf16> to vector<1x48x1280xbf16>
        tpu.vector_store %arg46[%swap3A, %swap3A_589, %swap3A_590], %swap3A_593 {strides = array<i32>} : memref<8x48x1280xbf16, #tpu.memory_space<vmem>>, vector<1x48x1280xbf16>,
      } else {
      }
      %add3A_579 = arith.constant 7 : i32
      %add3A_580 = arith.addi %mul3A_0, %add3A_579 : i32
      %get3A_581 = arith.index_cast %add3A_580 : i32 to index
      %get3A_582 = memref.load %arg1[%get3A_581] : memref<1024xi32, #tpu.memory_space<smem>>
      %eq3A_583 = arith.constant 1 : i32
      %eq3A_584 = arith.cmpi eq, %get3A_582, %eq3A_583 : i32
      %convert_element_type3A_585 = arith.extui %eq3A_584 : i1 to i32
      %cond3A_586 = arith.constant 0 : i32
      %cond3A_587 = arith.cmpi ne, %convert_element_type3A_585, %cond3A_586 : i32
      scf.if %cond3A_587 {
        %slice3A_588 = vector.extract_strided_slice %convert_element_type3A_515 {offsets = [0, 8960], sizes = [48, 1280], strides = [1, 1]} : vector<48x10240xbf16> to vector<48x1280xbf16>
        %swap3A = arith.constant 7 : index
        %swap3A_589 = arith.constant 0 : index
        %swap3A_590 = arith.constant 0 : index
        %swap3A_591 = vector.load %arg46[%swap3A, %swap3A_589, %swap3A_590] : memref<8x48x1280xbf16, #tpu.memory_space<vmem>>, vector<1x48x1280xbf16>
        %swap3A_592 = vector.shape_cast %swap3A_591 : vector<1x48x1280xbf16> to vector<48x1280xbf16>
        %swap3A_593 = vector.shape_cast %slice3A_588 : vector<48x1280xbf16> to vector<1x48x1280xbf16>
        tpu.vector_store %arg46[%swap3A, %swap3A_589, %swap3A_590], %swap3A_593 {strides = array<i32>} : memref<8x48x1280xbf16, #tpu.memory_space<vmem>>, vector<1x48x1280xbf16>,
      } else {
      }
    } else {
    }
    %get3A_186 = arith.index_cast %mul3A_0 : i32 to index
    %get3A_187 = memref.load %arg1[%get3A_186] : memref<1024xi32, #tpu.memory_space<smem>>
    %eq3A_188 = arith.constant 2 : i32
    %eq3A_189 = arith.cmpi eq, %get3A_187, %eq3A_188 : i32
    %add3A_190 = arith.constant 1 : i32
    %add3A_191 = arith.addi %mul3A_0, %add3A_190 : i32
    %get3A_192 = arith.index_cast %add3A_191 : i32 to index
    %get3A_193 = memref.load %arg1[%get3A_192] : memref<1024xi32, #tpu.memory_space<smem>>
    %eq3A_194 = arith.constant 2 : i32
    %eq3A_195 = arith.cmpi eq, %get3A_193, %eq3A_194 : i32
    %or3A_196 = arith.ori %eq3A_189, %eq3A_195 : i1
    %add3A_197 = arith.constant 2 : i32
    %add3A_198 = arith.addi %mul3A_0, %add3A_197 : i32
    %get3A_199 = arith.index_cast %add3A_198 : i32 to index
    %get3A_200 = memref.load %arg1[%get3A_199] : memref<1024xi32, #tpu.memory_space<smem>>
    %eq3A_201 = arith.constant 2 : i32
    %eq3A_202 = arith.cmpi eq, %get3A_200, %eq3A_201 : i32
    %or3A_203 = arith.ori %or3A_196, %eq3A_202 : i1
    %add3A_204 = arith.constant 3 : i32
    %add3A_205 = arith.addi %mul3A_0, %add3A_204 : i32
    %get3A_206 = arith.index_cast %add3A_205 : i32 to index
    %get3A_207 = memref.load %arg1[%get3A_206] : memref<1024xi32, #tpu.memory_space<smem>>
    %eq3A_208 = arith.constant 2 : i32
    %eq3A_209 = arith.cmpi eq, %get3A_207, %eq3A_208 : i32
    %or3A_210 = arith.ori %or3A_203, %eq3A_209 : i1
    %add3A_211 = arith.constant 4 : i32
    %add3A_212 = arith.addi %mul3A_0, %add3A_211 : i32
    %get3A_213 = arith.index_cast %add3A_212 : i32 to index
    %get3A_214 = memref.load %arg1[%get3A_213] : memref<1024xi32, #tpu.memory_space<smem>>
    %eq3A_215 = arith.constant 2 : i32
    %eq3A_216 = arith.cmpi eq, %get3A_214, %eq3A_215 : i32
    %or3A_217 = arith.ori %or3A_210, %eq3A_216 : i1
    %add3A_218 = arith.constant 5 : i32
    %add3A_219 = arith.addi %mul3A_0, %add3A_218 : i32
    %get3A_220 = arith.index_cast %add3A_219 : i32 to index
    %get3A_221 = memref.load %arg1[%get3A_220] : memref<1024xi32, #tpu.memory_space<smem>>
    %eq3A_222 = arith.constant 2 : i32
    %eq3A_223 = arith.cmpi eq, %get3A_221, %eq3A_222 : i32
    %or3A_224 = arith.ori %or3A_217, %eq3A_223 : i1
    %add3A_225 = arith.constant 6 : i32
    %add3A_226 = arith.addi %mul3A_0, %add3A_225 : i32
    %get3A_227 = arith.index_cast %add3A_226 : i32 to index
    %get3A_228 = memref.load %arg1[%get3A_227] : memref<1024xi32, #tpu.memory_space<smem>>
    %eq3A_229 = arith.constant 2 : i32
    %eq3A_230 = arith.cmpi eq, %get3A_228, %eq3A_229 : i32
    %or3A_231 = arith.ori %or3A_224, %eq3A_230 : i1
    %add3A_232 = arith.constant 7 : i32
    %add3A_233 = arith.addi %mul3A_0, %add3A_232 : i32
    %get3A_234 = arith.index_cast %add3A_233 : i32 to index
    %get3A_235 = memref.load %arg1[%get3A_234] : memref<1024xi32, #tpu.memory_space<smem>>
    %eq3A_236 = arith.constant 2 : i32
    %eq3A_237 = arith.cmpi eq, %get3A_235, %eq3A_236 : i32
    %or3A_238 = arith.ori %or3A_231, %eq3A_237 : i1
    %convert_element_type3A_239 = arith.extui %or3A_238 : i1 to i32
    %cond3A_240 = arith.constant 0 : i32
    %cond3A_241 = arith.cmpi ne, %convert_element_type3A_239, %cond3A_240 : i32
    scf.if %cond3A_241 {
      %get3A_242 = arith.constant 0 : index
      %get3A_243 = arith.constant 0 : index
      %get3A_244 = vector.load %arg32[%get3A_242, %get3A_243] : memref<56x75xf32, #tpu.memory_space<vmem>>, vector<56x75xf32>
      %dot_general3A = arith.constant dense<0.000000e+00> : vector<56x10240xf32>
      %dot_general3A_245 = tpu.matmul %get3A_244, %concatenate3A_78, %dot_general3A {dimension_numbers = #tpu.dot_dimension_numbers<[1], [0], [0], [1], [0, 0, 1, 1], [], []>, transpose_lhs_hint = false} : vector<56x75xf32>, vector<75x10240xf32>, vector<56x10240xf32> -> vector<56x10240xf32>
      %get3A_246 = arith.constant 0 : index
      %get3A_247 = arith.constant 0 : index
      %get3A_248 = vector.load %arg33[%get3A_246, %get3A_247] : memref<56x1xf32, #tpu.memory_space<vmem>>, vector<56x1xf32>
      %add3A_249 = vector.broadcast %get3A_248 : vector<56x1xf32> to vector<56x10240xf32>
      %add3A_250 = arith.addf %dot_general3A_245, %add3A_249 : vector<56x10240xf32>
      %mul3A_251 = vector.broadcast %get3A_2 : vector<1x10240xf32> to vector<56x10240xf32>
      %mul3A_252 = arith.mulf %add3A_250, %mul3A_251 : vector<56x10240xf32>
      %get3A_253 = arith.constant 0 : index
      %get3A_254 = arith.constant 0 : index
      %get3A_255 = vector.load %arg34[%get3A_253, %get3A_254] : memref<56x1xf32, #tpu.memory_space<vmem>>, vector<56x1xf32>
      %ge3A = arith.constant 0.000000e+00 : f32
      %ge3A_256 = vector.broadcast %ge3A : f32 to vector<56x10240xf32>
      %ge3A_257 = arith.cmpf oge, %mul3A_252, %ge3A_256 : vector<56x10240xf32>
      %mul3A_258 = vector.broadcast %get3A_255 : vector<56x1xf32> to vector<56x10240xf32>
      %mul3A_259 = arith.mulf %mul3A_258, %mul3A_252 : vector<56x10240xf32>
      %select_n3A = arith.select %ge3A_257, %mul3A_252, %mul3A_259 : vector<56x10240xi1>, vector<56x10240xf32>
      %get3A_260 = arith.constant 0 : index
      %get3A_261 = arith.constant 0 : index
      %get3A_262 = vector.load %arg35[%get3A_260, %get3A_261] : memref<12x56xf32, #tpu.memory_space<vmem>>, vector<12x56xf32>
      %dot_general3A_263 = arith.constant dense<0.000000e+00> : vector<12x10240xf32>
      %dot_general3A_264 = tpu.matmul %get3A_262, %select_n3A, %dot_general3A_263 {dimension_numbers = #tpu.dot_dimension_numbers<[1], [0], [0], [1], [0, 0, 1, 1], [], []>, transpose_lhs_hint = false} : vector<12x56xf32>, vector<56x10240xf32>, vector<12x10240xf32> -> vector<12x10240xf32>
      %get3A_265 = arith.constant 0 : index
      %get3A_266 = arith.constant 0 : index
      %get3A_267 = vector.load %arg36[%get3A_265, %get3A_266] : memref<12x1xf32, #tpu.memory_space<vmem>>, vector<12x1xf32>
      %add3A_268 = vector.broadcast %get3A_267 : vector<12x1xf32> to vector<12x10240xf32>
      %add3A_269 = arith.addf %dot_general3A_264, %add3A_268 : vector<12x10240xf32>
      %mul3A_270 = vector.broadcast %get3A_2 : vector<1x10240xf32> to vector<12x10240xf32>
      %mul3A_271 = arith.mulf %add3A_269, %mul3A_270 : vector<12x10240xf32>
      %get3A_272 = arith.constant 0 : index
      %get3A_273 = arith.constant 0 : index
      %get3A_274 = vector.load %arg37[%get3A_272, %get3A_273] : memref<12x1xf32, #tpu.memory_space<vmem>>, vector<12x1xf32>
      %ge3A_275 = arith.constant 0.000000e+00 : f32
      %ge3A_276 = vector.broadcast %ge3A_275 : f32 to vector<12x10240xf32>
      %ge3A_277 = arith.cmpf oge, %mul3A_271, %ge3A_276 : vector<12x10240xf32>
      %mul3A_278 = vector.broadcast %get3A_274 : vector<12x1xf32> to vector<12x10240xf32>
      %mul3A_279 = arith.mulf %mul3A_278, %mul3A_271 : vector<12x10240xf32>
      %select_n3A_280 = arith.select %ge3A_277, %mul3A_271, %mul3A_279 : vector<12x10240xi1>, vector<12x10240xf32>
      %convert_element_type3A_281 = arith.truncf %select_n3A_280 : vector<12x10240xf32> to vector<12x10240xbf16>
      %slice3A_282 = vector.extract_strided_slice %convert_element_type3A_281 {offsets = [0, 10205], sizes = [12, 35], strides = [1, 1]} : vector<12x10240xbf16> to vector<12x35xbf16>
      %slice3A_283 = vector.extract_strided_slice %convert_element_type3A_281 {offsets = [0, 0], sizes = [12, 10205], strides = [1, 1]} : vector<12x10240xbf16> to vector<12x10205xbf16>
      %concatenate3A_284 = tpu.concatenate %slice3A_282, %slice3A_283 in 1 : vector<12x35xbf16>, vector<12x10205xbf16> -> vector<12x10240xbf16>
      %slice3A_285 = vector.extract_strided_slice %convert_element_type3A_281 {offsets = [0, 10206], sizes = [12, 34], strides = [1, 1]} : vector<12x10240xbf16> to vector<12x34xbf16>
      %slice3A_286 = vector.extract_strided_slice %convert_element_type3A_281 {offsets = [0, 0], sizes = [12, 10206], strides = [1, 1]} : vector<12x10240xbf16> to vector<12x10206xbf16>
      %concatenate3A_287 = tpu.concatenate %slice3A_285, %slice3A_286 in 1 : vector<12x34xbf16>, vector<12x10206xbf16> -> vector<12x10240xbf16>
      %slice3A_288 = vector.extract_strided_slice %convert_element_type3A_281 {offsets = [0, 10207], sizes = [12, 33], strides = [1, 1]} : vector<12x10240xbf16> to vector<12x33xbf16>
      %slice3A_289 = vector.extract_strided_slice %convert_element_type3A_281 {offsets = [0, 0], sizes = [12, 10207], strides = [1, 1]} : vector<12x10240xbf16> to vector<12x10207xbf16>
      %concatenate3A_290 = tpu.concatenate %slice3A_288, %slice3A_289 in 1 : vector<12x33xbf16>, vector<12x10207xbf16> -> vector<12x10240xbf16>
      %slice3A_291 = vector.extract_strided_slice %convert_element_type3A_281 {offsets = [0, 10239], sizes = [12, 1], strides = [1, 1]} : vector<12x10240xbf16> to vector<12x1xbf16>
      %slice3A_292 = vector.extract_strided_slice %convert_element_type3A_281 {offsets = [0, 0], sizes = [12, 10239], strides = [1, 1]} : vector<12x10240xbf16> to vector<12x10239xbf16>
      %concatenate3A_293 = tpu.concatenate %slice3A_291, %slice3A_292 in 1 : vector<12x1xbf16>, vector<12x10239xbf16> -> vector<12x10240xbf16>
      %slice3A_294 = vector.extract_strided_slice %convert_element_type3A_281 {offsets = [0, 1], sizes = [12, 10239], strides = [1, 1]} : vector<12x10240xbf16> to vector<12x10239xbf16>
      %slice3A_295 = vector.extract_strided_slice %convert_element_type3A_281 {offsets = [0, 0], sizes = [12, 1], strides = [1, 1]} : vector<12x10240xbf16> to vector<12x1xbf16>
      %concatenate3A_296 = tpu.concatenate %slice3A_294, %slice3A_295 in 1 : vector<12x10239xbf16>, vector<12x1xbf16> -> vector<12x10240xbf16>
      %slice3A_297 = vector.extract_strided_slice %convert_element_type3A_281 {offsets = [0, 33], sizes = [12, 10207], strides = [1, 1]} : vector<12x10240xbf16> to vector<12x10207xbf16>
      %slice3A_298 = vector.extract_strided_slice %convert_element_type3A_281 {offsets = [0, 0], sizes = [12, 33], strides = [1, 1]} : vector<12x10240xbf16> to vector<12x33xbf16>
      %concatenate3A_299 = tpu.concatenate %slice3A_297, %slice3A_298 in 1 : vector<12x10207xbf16>, vector<12x33xbf16> -> vector<12x10240xbf16>
      %slice3A_300 = vector.extract_strided_slice %convert_element_type3A_281 {offsets = [0, 34], sizes = [12, 10206], strides = [1, 1]} : vector<12x10240xbf16> to vector<12x10206xbf16>
      %slice3A_301 = vector.extract_strided_slice %convert_element_type3A_281 {offsets = [0, 0], sizes = [12, 34], strides = [1, 1]} : vector<12x10240xbf16> to vector<12x34xbf16>
      %concatenate3A_302 = tpu.concatenate %slice3A_300, %slice3A_301 in 1 : vector<12x10206xbf16>, vector<12x34xbf16> -> vector<12x10240xbf16>
      %slice3A_303 = vector.extract_strided_slice %convert_element_type3A_281 {offsets = [0, 35], sizes = [12, 10205], strides = [1, 1]} : vector<12x10240xbf16> to vector<12x10205xbf16>
      %slice3A_304 = vector.extract_strided_slice %convert_element_type3A_281 {offsets = [0, 0], sizes = [12, 35], strides = [1, 1]} : vector<12x10240xbf16> to vector<12x35xbf16>
      %concatenate3A_305 = tpu.concatenate %slice3A_303, %slice3A_304 in 1 : vector<12x10205xbf16>, vector<12x35xbf16> -> vector<12x10240xbf16>
      %concatenate3A_306 = tpu.concatenate %concatenate3A_284, %concatenate3A_287, %concatenate3A_290, %concatenate3A_293, %convert_element_type3A_281, %concatenate3A_296, %concatenate3A_299, %concatenate3A_302, %concatenate3A_305 in 0 : vector<12x10240xbf16>, vector<12x10240xbf16>, vector<12x10240xbf16>, vector<12x10240xbf16>, vector<12x10240xbf16>, vector<12x10240xbf16>, vector<12x10240xbf16>, vector<12x10240xbf16>, vector<12x10240xbf16> -> vector<108x10240xbf16>
      %get3A_307 = arith.constant 0 : index
      %get3A_308 = arith.constant 0 : index
      %get3A_309 = arith.constant 0 : index
      %get3A_310 = vector.load %arg38[%get3A_307, %get3A_308, %get3A_309] : memref<4x12x108xbf16, #tpu.memory_space<vmem>>, vector<1x12x108xbf16>
      %get3A_311 = vector.shape_cast %get3A_310 : vector<1x12x108xbf16> to vector<12x108xbf16>
      %dot_general3A_312 = arith.constant dense<0.000000e+00> : vector<12x10240xf32>
      %dot_general3A_313 = tpu.matmul %get3A_311, %concatenate3A_306, %dot_general3A_312 {dimension_numbers = #tpu.dot_dimension_numbers<[1], [0], [0], [1], [0, 0, 1, 1], [], []>, transpose_lhs_hint = false} : vector<12x108xbf16>, vector<108x10240xbf16>, vector<12x10240xf32> -> vector<12x10240xf32>
      %get3A_314 = arith.constant 0 : index
      %get3A_315 = arith.constant 0 : index
      %get3A_316 = arith.constant 0 : index
      %get3A_317 = vector.load %arg39[%get3A_314, %get3A_315, %get3A_316] : memref<4x12x1xf32, #tpu.memory_space<vmem>>, vector<1x12x1xf32>
      %get3A_318 = vector.shape_cast %get3A_317 : vector<1x12x1xf32> to vector<12x1xf32>
      %add3A_319 = vector.broadcast %get3A_318 : vector<12x1xf32> to vector<12x10240xf32>
      %add3A_320 = arith.addf %dot_general3A_313, %add3A_319 : vector<12x10240xf32>
      %mul3A_321 = vector.broadcast %get3A_2 : vector<1x10240xf32> to vector<12x10240xf32>
      %mul3A_322 = arith.mulf %add3A_320, %mul3A_321 : vector<12x10240xf32>
      %convert_element_type3A_323 = arith.truncf %mul3A_322 : vector<12x10240xf32> to vector<12x10240xbf16>
      %slice3A_324 = vector.extract_strided_slice %convert_element_type3A_323 {offsets = [0, 10205], sizes = [12, 35], strides = [1, 1]} : vector<12x10240xbf16> to vector<12x35xbf16>
      %slice3A_325 = vector.extract_strided_slice %convert_element_type3A_323 {offsets = [0, 0], sizes = [12, 10205], strides = [1, 1]} : vector<12x10240xbf16> to vector<12x10205xbf16>
      %concatenate3A_326 = tpu.concatenate %slice3A_324, %slice3A_325 in 1 : vector<12x35xbf16>, vector<12x10205xbf16> -> vector<12x10240xbf16>
      %slice3A_327 = vector.extract_strided_slice %convert_element_type3A_323 {offsets = [0, 10206], sizes = [12, 34], strides = [1, 1]} : vector<12x10240xbf16> to vector<12x34xbf16>
      %slice3A_328 = vector.extract_strided_slice %convert_element_type3A_323 {offsets = [0, 0], sizes = [12, 10206], strides = [1, 1]} : vector<12x10240xbf16> to vector<12x10206xbf16>
      %concatenate3A_329 = tpu.concatenate %slice3A_327, %slice3A_328 in 1 : vector<12x34xbf16>, vector<12x10206xbf16> -> vector<12x10240xbf16>
      %slice3A_330 = vector.extract_strided_slice %convert_element_type3A_323 {offsets = [0, 10207], sizes = [12, 33], strides = [1, 1]} : vector<12x10240xbf16> to vector<12x33xbf16>
      %slice3A_331 = vector.extract_strided_slice %convert_element_type3A_323 {offsets = [0, 0], sizes = [12, 10207], strides = [1, 1]} : vector<12x10240xbf16> to vector<12x10207xbf16>
      %concatenate3A_332 = tpu.concatenate %slice3A_330, %slice3A_331 in 1 : vector<12x33xbf16>, vector<12x10207xbf16> -> vector<12x10240xbf16>
      %slice3A_333 = vector.extract_strided_slice %convert_element_type3A_323 {offsets = [0, 10239], sizes = [12, 1], strides = [1, 1]} : vector<12x10240xbf16> to vector<12x1xbf16>
      %slice3A_334 = vector.extract_strided_slice %convert_element_type3A_323 {offsets = [0, 0], sizes = [12, 10239], strides = [1, 1]} : vector<12x10240xbf16> to vector<12x10239xbf16>
      %concatenate3A_335 = tpu.concatenate %slice3A_333, %slice3A_334 in 1 : vector<12x1xbf16>, vector<12x10239xbf16> -> vector<12x10240xbf16>
      %slice3A_336 = vector.extract_strided_slice %convert_element_type3A_323 {offsets = [0, 1], sizes = [12, 10239], strides = [1, 1]} : vector<12x10240xbf16> to vector<12x10239xbf16>
      %slice3A_337 = vector.extract_strided_slice %convert_element_type3A_323 {offsets = [0, 0], sizes = [12, 1], strides = [1, 1]} : vector<12x10240xbf16> to vector<12x1xbf16>
      %concatenate3A_338 = tpu.concatenate %slice3A_336, %slice3A_337 in 1 : vector<12x10239xbf16>, vector<12x1xbf16> -> vector<12x10240xbf16>
      %slice3A_339 = vector.extract_strided_slice %convert_element_type3A_323 {offsets = [0, 33], sizes = [12, 10207], strides = [1, 1]} : vector<12x10240xbf16> to vector<12x10207xbf16>
      %slice3A_340 = vector.extract_strided_slice %convert_element_type3A_323 {offsets = [0, 0], sizes = [12, 33], strides = [1, 1]} : vector<12x10240xbf16> to vector<12x33xbf16>
      %concatenate3A_341 = tpu.concatenate %slice3A_339, %slice3A_340 in 1 : vector<12x10207xbf16>, vector<12x33xbf16> -> vector<12x10240xbf16>
      %slice3A_342 = vector.extract_strided_slice %convert_element_type3A_323 {offsets = [0, 34], sizes = [12, 10206], strides = [1, 1]} : vector<12x10240xbf16> to vector<12x10206xbf16>
      %slice3A_343 = vector.extract_strided_slice %convert_element_type3A_323 {offsets = [0, 0], sizes = [12, 34], strides = [1, 1]} : vector<12x10240xbf16> to vector<12x34xbf16>
      %concatenate3A_344 = tpu.concatenate %slice3A_342, %slice3A_343 in 1 : vector<12x10206xbf16>, vector<12x34xbf16> -> vector<12x10240xbf16>
      %slice3A_345 = vector.extract_strided_slice %convert_element_type3A_323 {offsets = [0, 35], sizes = [12, 10205], strides = [1, 1]} : vector<12x10240xbf16> to vector<12x10205xbf16>
      %slice3A_346 = vector.extract_strided_slice %convert_element_type3A_323 {offsets = [0, 0], sizes = [12, 35], strides = [1, 1]} : vector<12x10240xbf16> to vector<12x35xbf16>
      %concatenate3A_347 = tpu.concatenate %slice3A_345, %slice3A_346 in 1 : vector<12x10205xbf16>, vector<12x35xbf16> -> vector<12x10240xbf16>
      %concatenate3A_348 = tpu.concatenate %concatenate3A_326, %concatenate3A_329, %concatenate3A_332, %concatenate3A_335, %convert_element_type3A_323, %concatenate3A_338, %concatenate3A_341, %concatenate3A_344, %concatenate3A_347 in 0 : vector<12x10240xbf16>, vector<12x10240xbf16>, vector<12x10240xbf16>, vector<12x10240xbf16>, vector<12x10240xbf16>, vector<12x10240xbf16>, vector<12x10240xbf16>, vector<12x10240xbf16>, vector<12x10240xbf16> -> vector<108x10240xbf16>
      %get3A_349 = arith.constant 1 : index
      %get3A_350 = arith.constant 0 : index
      %get3A_351 = arith.constant 0 : index
      %get3A_352 = vector.load %arg38[%get3A_349, %get3A_350, %get3A_351] : memref<4x12x108xbf16, #tpu.memory_space<vmem>>, vector<1x12x108xbf16>
      %get3A_353 = vector.shape_cast %get3A_352 : vector<1x12x108xbf16> to vector<12x108xbf16>
      %dot_general3A_354 = arith.constant dense<0.000000e+00> : vector<12x10240xf32>
      %dot_general3A_355 = tpu.matmul %get3A_353, %concatenate3A_348, %dot_general3A_354 {dimension_numbers = #tpu.dot_dimension_numbers<[1], [0], [0], [1], [0, 0, 1, 1], [], []>, transpose_lhs_hint = false} : vector<12x108xbf16>, vector<108x10240xbf16>, vector<12x10240xf32> -> vector<12x10240xf32>
      %get3A_356 = arith.constant 1 : index
      %get3A_357 = arith.constant 0 : index
      %get3A_358 = arith.constant 0 : index
      %get3A_359 = vector.load %arg39[%get3A_356, %get3A_357, %get3A_358] : memref<4x12x1xf32, #tpu.memory_space<vmem>>, vector<1x12x1xf32>
      %get3A_360 = vector.shape_cast %get3A_359 : vector<1x12x1xf32> to vector<12x1xf32>
      %add3A_361 = vector.broadcast %get3A_360 : vector<12x1xf32> to vector<12x10240xf32>
      %add3A_362 = arith.addf %dot_general3A_355, %add3A_361 : vector<12x10240xf32>
      %mul3A_363 = vector.broadcast %get3A_2 : vector<1x10240xf32> to vector<12x10240xf32>
      %mul3A_364 = arith.mulf %add3A_362, %mul3A_363 : vector<12x10240xf32>
      %convert_element_type3A_365 = arith.truncf %mul3A_364 : vector<12x10240xf32> to vector<12x10240xbf16>
      %slice3A_366 = vector.extract_strided_slice %convert_element_type3A_365 {offsets = [0, 10205], sizes = [12, 35], strides = [1, 1]} : vector<12x10240xbf16> to vector<12x35xbf16>
      %slice3A_367 = vector.extract_strided_slice %convert_element_type3A_365 {offsets = [0, 0], sizes = [12, 10205], strides = [1, 1]} : vector<12x10240xbf16> to vector<12x10205xbf16>
      %concatenate3A_368 = tpu.concatenate %slice3A_366, %slice3A_367 in 1 : vector<12x35xbf16>, vector<12x10205xbf16> -> vector<12x10240xbf16>
      %slice3A_369 = vector.extract_strided_slice %convert_element_type3A_365 {offsets = [0, 10206], sizes = [12, 34], strides = [1, 1]} : vector<12x10240xbf16> to vector<12x34xbf16>
      %slice3A_370 = vector.extract_strided_slice %convert_element_type3A_365 {offsets = [0, 0], sizes = [12, 10206], strides = [1, 1]} : vector<12x10240xbf16> to vector<12x10206xbf16>
      %concatenate3A_371 = tpu.concatenate %slice3A_369, %slice3A_370 in 1 : vector<12x34xbf16>, vector<12x10206xbf16> -> vector<12x10240xbf16>
      %slice3A_372 = vector.extract_strided_slice %convert_element_type3A_365 {offsets = [0, 10207], sizes = [12, 33], strides = [1, 1]} : vector<12x10240xbf16> to vector<12x33xbf16>
      %slice3A_373 = vector.extract_strided_slice %convert_element_type3A_365 {offsets = [0, 0], sizes = [12, 10207], strides = [1, 1]} : vector<12x10240xbf16> to vector<12x10207xbf16>
      %concatenate3A_374 = tpu.concatenate %slice3A_372, %slice3A_373 in 1 : vector<12x33xbf16>, vector<12x10207xbf16> -> vector<12x10240xbf16>
      %slice3A_375 = vector.extract_strided_slice %convert_element_type3A_365 {offsets = [0, 10239], sizes = [12, 1], strides = [1, 1]} : vector<12x10240xbf16> to vector<12x1xbf16>
      %slice3A_376 = vector.extract_strided_slice %convert_element_type3A_365 {offsets = [0, 0], sizes = [12, 10239], strides = [1, 1]} : vector<12x10240xbf16> to vector<12x10239xbf16>
      %concatenate3A_377 = tpu.concatenate %slice3A_375, %slice3A_376 in 1 : vector<12x1xbf16>, vector<12x10239xbf16> -> vector<12x10240xbf16>
      %slice3A_378 = vector.extract_strided_slice %convert_element_type3A_365 {offsets = [0, 1], sizes = [12, 10239], strides = [1, 1]} : vector<12x10240xbf16> to vector<12x10239xbf16>
      %slice3A_379 = vector.extract_strided_slice %convert_element_type3A_365 {offsets = [0, 0], sizes = [12, 1], strides = [1, 1]} : vector<12x10240xbf16> to vector<12x1xbf16>
      %concatenate3A_380 = tpu.concatenate %slice3A_378, %slice3A_379 in 1 : vector<12x10239xbf16>, vector<12x1xbf16> -> vector<12x10240xbf16>
      %slice3A_381 = vector.extract_strided_slice %convert_element_type3A_365 {offsets = [0, 33], sizes = [12, 10207], strides = [1, 1]} : vector<12x10240xbf16> to vector<12x10207xbf16>
      %slice3A_382 = vector.extract_strided_slice %convert_element_type3A_365 {offsets = [0, 0], sizes = [12, 33], strides = [1, 1]} : vector<12x10240xbf16> to vector<12x33xbf16>
      %concatenate3A_383 = tpu.concatenate %slice3A_381, %slice3A_382 in 1 : vector<12x10207xbf16>, vector<12x33xbf16> -> vector<12x10240xbf16>
      %slice3A_384 = vector.extract_strided_slice %convert_element_type3A_365 {offsets = [0, 34], sizes = [12, 10206], strides = [1, 1]} : vector<12x10240xbf16> to vector<12x10206xbf16>
      %slice3A_385 = vector.extract_strided_slice %convert_element_type3A_365 {offsets = [0, 0], sizes = [12, 34], strides = [1, 1]} : vector<12x10240xbf16> to vector<12x34xbf16>
      %concatenate3A_386 = tpu.concatenate %slice3A_384, %slice3A_385 in 1 : vector<12x10206xbf16>, vector<12x34xbf16> -> vector<12x10240xbf16>
      %slice3A_387 = vector.extract_strided_slice %convert_element_type3A_365 {offsets = [0, 35], sizes = [12, 10205], strides = [1, 1]} : vector<12x10240xbf16> to vector<12x10205xbf16>
      %slice3A_388 = vector.extract_strided_slice %convert_element_type3A_365 {offsets = [0, 0], sizes = [12, 35], strides = [1, 1]} : vector<12x10240xbf16> to vector<12x35xbf16>
      %concatenate3A_389 = tpu.concatenate %slice3A_387, %slice3A_388 in 1 : vector<12x10205xbf16>, vector<12x35xbf16> -> vector<12x10240xbf16>
      %concatenate3A_390 = tpu.concatenate %concatenate3A_368, %concatenate3A_371, %concatenate3A_374, %concatenate3A_377, %convert_element_type3A_365, %concatenate3A_380, %concatenate3A_383, %concatenate3A_386, %concatenate3A_389 in 0 : vector<12x10240xbf16>, vector<12x10240xbf16>, vector<12x10240xbf16>, vector<12x10240xbf16>, vector<12x10240xbf16>, vector<12x10240xbf16>, vector<12x10240xbf16>, vector<12x10240xbf16>, vector<12x10240xbf16> -> vector<108x10240xbf16>
      %get3A_391 = arith.constant 2 : index
      %get3A_392 = arith.constant 0 : index
      %get3A_393 = arith.constant 0 : index
      %get3A_394 = vector.load %arg38[%get3A_391, %get3A_392, %get3A_393] : memref<4x12x108xbf16, #tpu.memory_space<vmem>>, vector<1x12x108xbf16>
      %get3A_395 = vector.shape_cast %get3A_394 : vector<1x12x108xbf16> to vector<12x108xbf16>
      %dot_general3A_396 = arith.constant dense<0.000000e+00> : vector<12x10240xf32>
      %dot_general3A_397 = tpu.matmul %get3A_395, %concatenate3A_390, %dot_general3A_396 {dimension_numbers = #tpu.dot_dimension_numbers<[1], [0], [0], [1], [0, 0, 1, 1], [], []>, transpose_lhs_hint = false} : vector<12x108xbf16>, vector<108x10240xbf16>, vector<12x10240xf32> -> vector<12x10240xf32>
      %get3A_398 = arith.constant 2 : index
      %get3A_399 = arith.constant 0 : index
      %get3A_400 = arith.constant 0 : index
      %get3A_401 = vector.load %arg39[%get3A_398, %get3A_399, %get3A_400] : memref<4x12x1xf32, #tpu.memory_space<vmem>>, vector<1x12x1xf32>
      %get3A_402 = vector.shape_cast %get3A_401 : vector<1x12x1xf32> to vector<12x1xf32>
      %add3A_403 = vector.broadcast %get3A_402 : vector<12x1xf32> to vector<12x10240xf32>
      %add3A_404 = arith.addf %dot_general3A_397, %add3A_403 : vector<12x10240xf32>
      %mul3A_405 = vector.broadcast %get3A_2 : vector<1x10240xf32> to vector<12x10240xf32>
      %mul3A_406 = arith.mulf %add3A_404, %mul3A_405 : vector<12x10240xf32>
      %convert_element_type3A_407 = arith.truncf %mul3A_406 : vector<12x10240xf32> to vector<12x10240xbf16>
      %slice3A_408 = vector.extract_strided_slice %convert_element_type3A_407 {offsets = [0, 10205], sizes = [12, 35], strides = [1, 1]} : vector<12x10240xbf16> to vector<12x35xbf16>
      %slice3A_409 = vector.extract_strided_slice %convert_element_type3A_407 {offsets = [0, 0], sizes = [12, 10205], strides = [1, 1]} : vector<12x10240xbf16> to vector<12x10205xbf16>
      %concatenate3A_410 = tpu.concatenate %slice3A_408, %slice3A_409 in 1 : vector<12x35xbf16>, vector<12x10205xbf16> -> vector<12x10240xbf16>
      %slice3A_411 = vector.extract_strided_slice %convert_element_type3A_407 {offsets = [0, 10206], sizes = [12, 34], strides = [1, 1]} : vector<12x10240xbf16> to vector<12x34xbf16>
      %slice3A_412 = vector.extract_strided_slice %convert_element_type3A_407 {offsets = [0, 0], sizes = [12, 10206], strides = [1, 1]} : vector<12x10240xbf16> to vector<12x10206xbf16>
      %concatenate3A_413 = tpu.concatenate %slice3A_411, %slice3A_412 in 1 : vector<12x34xbf16>, vector<12x10206xbf16> -> vector<12x10240xbf16>
      %slice3A_414 = vector.extract_strided_slice %convert_element_type3A_407 {offsets = [0, 10207], sizes = [12, 33], strides = [1, 1]} : vector<12x10240xbf16> to vector<12x33xbf16>
      %slice3A_415 = vector.extract_strided_slice %convert_element_type3A_407 {offsets = [0, 0], sizes = [12, 10207], strides = [1, 1]} : vector<12x10240xbf16> to vector<12x10207xbf16>
      %concatenate3A_416 = tpu.concatenate %slice3A_414, %slice3A_415 in 1 : vector<12x33xbf16>, vector<12x10207xbf16> -> vector<12x10240xbf16>
      %slice3A_417 = vector.extract_strided_slice %convert_element_type3A_407 {offsets = [0, 10239], sizes = [12, 1], strides = [1, 1]} : vector<12x10240xbf16> to vector<12x1xbf16>
      %slice3A_418 = vector.extract_strided_slice %convert_element_type3A_407 {offsets = [0, 0], sizes = [12, 10239], strides = [1, 1]} : vector<12x10240xbf16> to vector<12x10239xbf16>
      %concatenate3A_419 = tpu.concatenate %slice3A_417, %slice3A_418 in 1 : vector<12x1xbf16>, vector<12x10239xbf16> -> vector<12x10240xbf16>
      %slice3A_420 = vector.extract_strided_slice %convert_element_type3A_407 {offsets = [0, 1], sizes = [12, 10239], strides = [1, 1]} : vector<12x10240xbf16> to vector<12x10239xbf16>
      %slice3A_421 = vector.extract_strided_slice %convert_element_type3A_407 {offsets = [0, 0], sizes = [12, 1], strides = [1, 1]} : vector<12x10240xbf16> to vector<12x1xbf16>
      %concatenate3A_422 = tpu.concatenate %slice3A_420, %slice3A_421 in 1 : vector<12x10239xbf16>, vector<12x1xbf16> -> vector<12x10240xbf16>
      %slice3A_423 = vector.extract_strided_slice %convert_element_type3A_407 {offsets = [0, 33], sizes = [12, 10207], strides = [1, 1]} : vector<12x10240xbf16> to vector<12x10207xbf16>
      %slice3A_424 = vector.extract_strided_slice %convert_element_type3A_407 {offsets = [0, 0], sizes = [12, 33], strides = [1, 1]} : vector<12x10240xbf16> to vector<12x33xbf16>
      %concatenate3A_425 = tpu.concatenate %slice3A_423, %slice3A_424 in 1 : vector<12x10207xbf16>, vector<12x33xbf16> -> vector<12x10240xbf16>
      %slice3A_426 = vector.extract_strided_slice %convert_element_type3A_407 {offsets = [0, 34], sizes = [12, 10206], strides = [1, 1]} : vector<12x10240xbf16> to vector<12x10206xbf16>
      %slice3A_427 = vector.extract_strided_slice %convert_element_type3A_407 {offsets = [0, 0], sizes = [12, 34], strides = [1, 1]} : vector<12x10240xbf16> to vector<12x34xbf16>
      %concatenate3A_428 = tpu.concatenate %slice3A_426, %slice3A_427 in 1 : vector<12x10206xbf16>, vector<12x34xbf16> -> vector<12x10240xbf16>
      %slice3A_429 = vector.extract_strided_slice %convert_element_type3A_407 {offsets = [0, 35], sizes = [12, 10205], strides = [1, 1]} : vector<12x10240xbf16> to vector<12x10205xbf16>
      %slice3A_430 = vector.extract_strided_slice %convert_element_type3A_407 {offsets = [0, 0], sizes = [12, 35], strides = [1, 1]} : vector<12x10240xbf16> to vector<12x35xbf16>
      %concatenate3A_431 = tpu.concatenate %slice3A_429, %slice3A_430 in 1 : vector<12x10205xbf16>, vector<12x35xbf16> -> vector<12x10240xbf16>
      %concatenate3A_432 = tpu.concatenate %concatenate3A_410, %concatenate3A_413, %concatenate3A_416, %concatenate3A_419, %convert_element_type3A_407, %concatenate3A_422, %concatenate3A_425, %concatenate3A_428, %concatenate3A_431 in 0 : vector<12x10240xbf16>, vector<12x10240xbf16>, vector<12x10240xbf16>, vector<12x10240xbf16>, vector<12x10240xbf16>, vector<12x10240xbf16>, vector<12x10240xbf16>, vector<12x10240xbf16>, vector<12x10240xbf16> -> vector<108x10240xbf16>
      %get3A_433 = arith.constant 3 : index
      %get3A_434 = arith.constant 0 : index
      %get3A_435 = arith.constant 0 : index
      %get3A_436 = vector.load %arg38[%get3A_433, %get3A_434, %get3A_435] : memref<4x12x108xbf16, #tpu.memory_space<vmem>>, vector<1x12x108xbf16>
      %get3A_437 = vector.shape_cast %get3A_436 : vector<1x12x108xbf16> to vector<12x108xbf16>
      %dot_general3A_438 = arith.constant dense<0.000000e+00> : vector<12x10240xf32>
      %dot_general3A_439 = tpu.matmul %get3A_437, %concatenate3A_432, %dot_general3A_438 {dimension_numbers = #tpu.dot_dimension_numbers<[1], [0], [0], [1], [0, 0, 1, 1], [], []>, transpose_lhs_hint = false} : vector<12x108xbf16>, vector<108x10240xbf16>, vector<12x10240xf32> -> vector<12x10240xf32>
      %get3A_440 = arith.constant 3 : index
      %get3A_441 = arith.constant 0 : index
      %get3A_442 = arith.constant 0 : index
      %get3A_443 = vector.load %arg39[%get3A_440, %get3A_441, %get3A_442] : memref<4x12x1xf32, #tpu.memory_space<vmem>>, vector<1x12x1xf32>
      %get3A_444 = vector.shape_cast %get3A_443 : vector<1x12x1xf32> to vector<12x1xf32>
      %add3A_445 = vector.broadcast %get3A_444 : vector<12x1xf32> to vector<12x10240xf32>
      %add3A_446 = arith.addf %dot_general3A_439, %add3A_445 : vector<12x10240xf32>
      %mul3A_447 = vector.broadcast %get3A_2 : vector<1x10240xf32> to vector<12x10240xf32>
      %mul3A_448 = arith.mulf %add3A_446, %mul3A_447 : vector<12x10240xf32>
      %get3A_449 = arith.constant 0 : index
      %get3A_450 = arith.constant 0 : index
      %get3A_451 = vector.load %arg40[%get3A_449, %get3A_450] : memref<12x1xf32, #tpu.memory_space<vmem>>, vector<12x1xf32>
      %ge3A_452 = arith.constant 0.000000e+00 : f32
      %ge3A_453 = vector.broadcast %ge3A_452 : f32 to vector<12x10240xf32>
      %ge3A_454 = arith.cmpf oge, %mul3A_448, %ge3A_453 : vector<12x10240xf32>
      %mul3A_455 = vector.broadcast %get3A_451 : vector<12x1xf32> to vector<12x10240xf32>
      %mul3A_456 = arith.mulf %mul3A_455, %mul3A_448 : vector<12x10240xf32>
      %select_n3A_457 = arith.select %ge3A_454, %mul3A_448, %mul3A_456 : vector<12x10240xi1>, vector<12x10240xf32>
      %get3A_458 = arith.constant 0 : index
      %get3A_459 = arith.constant 0 : index
      %get3A_460 = vector.load %arg41[%get3A_458, %get3A_459] : memref<56x12xf32, #tpu.memory_space<vmem>>, vector<56x12xf32>
      %dot_general3A_461 = arith.constant dense<0.000000e+00> : vector<56x10240xf32>
      %dot_general3A_462 = tpu.matmul %get3A_460, %select_n3A_457, %dot_general3A_461 {dimension_numbers = #tpu.dot_dimension_numbers<[1], [0], [0], [1], [0, 0, 1, 1], [], []>, transpose_lhs_hint = false} : vector<56x12xf32>, vector<12x10240xf32>, vector<56x10240xf32> -> vector<56x10240xf32>
      %get3A_463 = arith.constant 0 : index
      %get3A_464 = arith.constant 0 : index
      %get3A_465 = vector.load %arg42[%get3A_463, %get3A_464] : memref<56x1xf32, #tpu.memory_space<vmem>>, vector<56x1xf32>
      %add3A_466 = vector.broadcast %get3A_465 : vector<56x1xf32> to vector<56x10240xf32>
      %add3A_467 = arith.addf %dot_general3A_462, %add3A_466 : vector<56x10240xf32>
      %mul3A_468 = vector.broadcast %get3A_2 : vector<1x10240xf32> to vector<56x10240xf32>
      %mul3A_469 = arith.mulf %add3A_467, %mul3A_468 : vector<56x10240xf32>
      %get3A_470 = arith.constant 0 : index
      %get3A_471 = arith.constant 0 : index
      %get3A_472 = vector.load %arg43[%get3A_470, %get3A_471] : memref<56x1xf32, #tpu.memory_space<vmem>>, vector<56x1xf32>
      %ge3A_473 = arith.constant 0.000000e+00 : f32
      %ge3A_474 = vector.broadcast %ge3A_473 : f32 to vector<56x10240xf32>
      %ge3A_475 = arith.cmpf oge, %mul3A_469, %ge3A_474 : vector<56x10240xf32>
      %mul3A_476 = vector.broadcast %get3A_472 : vector<56x1xf32> to vector<56x10240xf32>
      %mul3A_477 = arith.mulf %mul3A_476, %mul3A_469 : vector<56x10240xf32>
      %select_n3A_478 = arith.select %ge3A_475, %mul3A_469, %mul3A_477 : vector<56x10240xi1>, vector<56x10240xf32>
      %convert_element_type3A_479 = arith.truncf %select_n3A_478 : vector<56x10240xf32> to vector<56x10240xbf16>
      %slice3A_480 = vector.extract_strided_slice %convert_element_type3A_479 {offsets = [0, 10205], sizes = [56, 35], strides = [1, 1]} : vector<56x10240xbf16> to vector<56x35xbf16>
      %slice3A_481 = vector.extract_strided_slice %convert_element_type3A_479 {offsets = [0, 0], sizes = [56, 10205], strides = [1, 1]} : vector<56x10240xbf16> to vector<56x10205xbf16>
      %concatenate3A_482 = tpu.concatenate %slice3A_480, %slice3A_481 in 1 : vector<56x35xbf16>, vector<56x10205xbf16> -> vector<56x10240xbf16>
      %slice3A_483 = vector.extract_strided_slice %convert_element_type3A_479 {offsets = [0, 10206], sizes = [56, 34], strides = [1, 1]} : vector<56x10240xbf16> to vector<56x34xbf16>
      %slice3A_484 = vector.extract_strided_slice %convert_element_type3A_479 {offsets = [0, 0], sizes = [56, 10206], strides = [1, 1]} : vector<56x10240xbf16> to vector<56x10206xbf16>
      %concatenate3A_485 = tpu.concatenate %slice3A_483, %slice3A_484 in 1 : vector<56x34xbf16>, vector<56x10206xbf16> -> vector<56x10240xbf16>
      %slice3A_486 = vector.extract_strided_slice %convert_element_type3A_479 {offsets = [0, 10207], sizes = [56, 33], strides = [1, 1]} : vector<56x10240xbf16> to vector<56x33xbf16>
      %slice3A_487 = vector.extract_strided_slice %convert_element_type3A_479 {offsets = [0, 0], sizes = [56, 10207], strides = [1, 1]} : vector<56x10240xbf16> to vector<56x10207xbf16>
      %concatenate3A_488 = tpu.concatenate %slice3A_486, %slice3A_487 in 1 : vector<56x33xbf16>, vector<56x10207xbf16> -> vector<56x10240xbf16>
      %slice3A_489 = vector.extract_strided_slice %convert_element_type3A_479 {offsets = [0, 10239], sizes = [56, 1], strides = [1, 1]} : vector<56x10240xbf16> to vector<56x1xbf16>
      %slice3A_490 = vector.extract_strided_slice %convert_element_type3A_479 {offsets = [0, 0], sizes = [56, 10239], strides = [1, 1]} : vector<56x10240xbf16> to vector<56x10239xbf16>
      %concatenate3A_491 = tpu.concatenate %slice3A_489, %slice3A_490 in 1 : vector<56x1xbf16>, vector<56x10239xbf16> -> vector<56x10240xbf16>
      %slice3A_492 = vector.extract_strided_slice %convert_element_type3A_479 {offsets = [0, 1], sizes = [56, 10239], strides = [1, 1]} : vector<56x10240xbf16> to vector<56x10239xbf16>
      %slice3A_493 = vector.extract_strided_slice %convert_element_type3A_479 {offsets = [0, 0], sizes = [56, 1], strides = [1, 1]} : vector<56x10240xbf16> to vector<56x1xbf16>
      %concatenate3A_494 = tpu.concatenate %slice3A_492, %slice3A_493 in 1 : vector<56x10239xbf16>, vector<56x1xbf16> -> vector<56x10240xbf16>
      %slice3A_495 = vector.extract_strided_slice %convert_element_type3A_479 {offsets = [0, 33], sizes = [56, 10207], strides = [1, 1]} : vector<56x10240xbf16> to vector<56x10207xbf16>
      %slice3A_496 = vector.extract_strided_slice %convert_element_type3A_479 {offsets = [0, 0], sizes = [56, 33], strides = [1, 1]} : vector<56x10240xbf16> to vector<56x33xbf16>
      %concatenate3A_497 = tpu.concatenate %slice3A_495, %slice3A_496 in 1 : vector<56x10207xbf16>, vector<56x33xbf16> -> vector<56x10240xbf16>
      %slice3A_498 = vector.extract_strided_slice %convert_element_type3A_479 {offsets = [0, 34], sizes = [56, 10206], strides = [1, 1]} : vector<56x10240xbf16> to vector<56x10206xbf16>
      %slice3A_499 = vector.extract_strided_slice %convert_element_type3A_479 {offsets = [0, 0], sizes = [56, 34], strides = [1, 1]} : vector<56x10240xbf16> to vector<56x34xbf16>
      %concatenate3A_500 = tpu.concatenate %slice3A_498, %slice3A_499 in 1 : vector<56x10206xbf16>, vector<56x34xbf16> -> vector<56x10240xbf16>
      %slice3A_501 = vector.extract_strided_slice %convert_element_type3A_479 {offsets = [0, 35], sizes = [56, 10205], strides = [1, 1]} : vector<56x10240xbf16> to vector<56x10205xbf16>
      %slice3A_502 = vector.extract_strided_slice %convert_element_type3A_479 {offsets = [0, 0], sizes = [56, 35], strides = [1, 1]} : vector<56x10240xbf16> to vector<56x35xbf16>
      %concatenate3A_503 = tpu.concatenate %slice3A_501, %slice3A_502 in 1 : vector<56x10205xbf16>, vector<56x35xbf16> -> vector<56x10240xbf16>
      %concatenate3A_504 = tpu.concatenate %concatenate3A_482, %concatenate3A_485, %concatenate3A_488, %concatenate3A_491, %convert_element_type3A_479, %concatenate3A_494, %concatenate3A_497, %concatenate3A_500, %concatenate3A_503 in 0 : vector<56x10240xbf16>, vector<56x10240xbf16>, vector<56x10240xbf16>, vector<56x10240xbf16>, vector<56x10240xbf16>, vector<56x10240xbf16>, vector<56x10240xbf16>, vector<56x10240xbf16>, vector<56x10240xbf16> -> vector<504x10240xbf16>
      %get3A_505 = arith.constant 0 : index
      %get3A_506 = arith.constant 0 : index
      %get3A_507 = vector.load %arg44[%get3A_505, %get3A_506] : memref<48x504xbf16, #tpu.memory_space<vmem>>, vector<48x504xbf16>
      %dot_general3A_508 = arith.constant dense<0.000000e+00> : vector<48x10240xf32>
      %dot_general3A_509 = tpu.matmul %get3A_507, %concatenate3A_504, %dot_general3A_508 {dimension_numbers = #tpu.dot_dimension_numbers<[1], [0], [0], [1], [0, 0, 1, 1], [], []>, transpose_lhs_hint = false} : vector<48x504xbf16>, vector<504x10240xbf16>, vector<48x10240xf32> -> vector<48x10240xf32>
      %get3A_510 = arith.constant 0 : index
      %get3A_511 = arith.constant 0 : index
      %get3A_512 = vector.load %arg45[%get3A_510, %get3A_511] : memref<48x1xf32, #tpu.memory_space<vmem>>, vector<48x1xf32>
      %add3A_513 = vector.broadcast %get3A_512 : vector<48x1xf32> to vector<48x10240xf32>
      %add3A_514 = arith.addf %dot_general3A_509, %add3A_513 : vector<48x10240xf32>
      %convert_element_type3A_515 = arith.truncf %add3A_514 : vector<48x10240xf32> to vector<48x10240xbf16>
      %add3A_516 = arith.constant 0 : i32
      %add3A_517 = arith.addi %mul3A_0, %add3A_516 : i32
      %get3A_518 = arith.index_cast %add3A_517 : i32 to index
      %get3A_519 = memref.load %arg1[%get3A_518] : memref<1024xi32, #tpu.memory_space<smem>>
      %eq3A_520 = arith.constant 2 : i32
      %eq3A_521 = arith.cmpi eq, %get3A_519, %eq3A_520 : i32
      %convert_element_type3A_522 = arith.extui %eq3A_521 : i1 to i32
      %cond3A_523 = arith.constant 0 : i32
      %cond3A_524 = arith.cmpi ne, %convert_element_type3A_522, %cond3A_523 : i32
      scf.if %cond3A_524 {
        %slice3A_588 = vector.extract_strided_slice %convert_element_type3A_515 {offsets = [0, 0], sizes = [48, 1280], strides = [1, 1]} : vector<48x10240xbf16> to vector<48x1280xbf16>
        %swap3A = arith.constant 0 : index
        %swap3A_589 = arith.constant 0 : index
        %swap3A_590 = arith.constant 0 : index
        %swap3A_591 = vector.load %arg46[%swap3A, %swap3A_589, %swap3A_590] : memref<8x48x1280xbf16, #tpu.memory_space<vmem>>, vector<1x48x1280xbf16>
        %swap3A_592 = vector.shape_cast %swap3A_591 : vector<1x48x1280xbf16> to vector<48x1280xbf16>
        %swap3A_593 = vector.shape_cast %slice3A_588 : vector<48x1280xbf16> to vector<1x48x1280xbf16>
        tpu.vector_store %arg46[%swap3A, %swap3A_589, %swap3A_590], %swap3A_593 {strides = array<i32>} : memref<8x48x1280xbf16, #tpu.memory_space<vmem>>, vector<1x48x1280xbf16>,
      } else {
      }
      %add3A_525 = arith.constant 1 : i32
      %add3A_526 = arith.addi %mul3A_0, %add3A_525 : i32
      %get3A_527 = arith.index_cast %add3A_526 : i32 to index
      %get3A_528 = memref.load %arg1[%get3A_527] : memref<1024xi32, #tpu.memory_space<smem>>
      %eq3A_529 = arith.constant 2 : i32
      %eq3A_530 = arith.cmpi eq, %get3A_528, %eq3A_529 : i32
      %convert_element_type3A_531 = arith.extui %eq3A_530 : i1 to i32
      %cond3A_532 = arith.constant 0 : i32
      %cond3A_533 = arith.cmpi ne, %convert_element_type3A_531, %cond3A_532 : i32
      scf.if %cond3A_533 {
        %slice3A_588 = vector.extract_strided_slice %convert_element_type3A_515 {offsets = [0, 1280], sizes = [48, 1280], strides = [1, 1]} : vector<48x10240xbf16> to vector<48x1280xbf16>
        %swap3A = arith.constant 1 : index
        %swap3A_589 = arith.constant 0 : index
        %swap3A_590 = arith.constant 0 : index
        %swap3A_591 = vector.load %arg46[%swap3A, %swap3A_589, %swap3A_590] : memref<8x48x1280xbf16, #tpu.memory_space<vmem>>, vector<1x48x1280xbf16>
        %swap3A_592 = vector.shape_cast %swap3A_591 : vector<1x48x1280xbf16> to vector<48x1280xbf16>
        %swap3A_593 = vector.shape_cast %slice3A_588 : vector<48x1280xbf16> to vector<1x48x1280xbf16>
        tpu.vector_store %arg46[%swap3A, %swap3A_589, %swap3A_590], %swap3A_593 {strides = array<i32>} : memref<8x48x1280xbf16, #tpu.memory_space<vmem>>, vector<1x48x1280xbf16>,
      } else {
      }
      %add3A_534 = arith.constant 2 : i32
      %add3A_535 = arith.addi %mul3A_0, %add3A_534 : i32
      %get3A_536 = arith.index_cast %add3A_535 : i32 to index
      %get3A_537 = memref.load %arg1[%get3A_536] : memref<1024xi32, #tpu.memory_space<smem>>
      %eq3A_538 = arith.constant 2 : i32
      %eq3A_539 = arith.cmpi eq, %get3A_537, %eq3A_538 : i32
      %convert_element_type3A_540 = arith.extui %eq3A_539 : i1 to i32
      %cond3A_541 = arith.constant 0 : i32
      %cond3A_542 = arith.cmpi ne, %convert_element_type3A_540, %cond3A_541 : i32
      scf.if %cond3A_542 {
        %slice3A_588 = vector.extract_strided_slice %convert_element_type3A_515 {offsets = [0, 2560], sizes = [48, 1280], strides = [1, 1]} : vector<48x10240xbf16> to vector<48x1280xbf16>
        %swap3A = arith.constant 2 : index
        %swap3A_589 = arith.constant 0 : index
        %swap3A_590 = arith.constant 0 : index
        %swap3A_591 = vector.load %arg46[%swap3A, %swap3A_589, %swap3A_590] : memref<8x48x1280xbf16, #tpu.memory_space<vmem>>, vector<1x48x1280xbf16>
        %swap3A_592 = vector.shape_cast %swap3A_591 : vector<1x48x1280xbf16> to vector<48x1280xbf16>
        %swap3A_593 = vector.shape_cast %slice3A_588 : vector<48x1280xbf16> to vector<1x48x1280xbf16>
        tpu.vector_store %arg46[%swap3A, %swap3A_589, %swap3A_590], %swap3A_593 {strides = array<i32>} : memref<8x48x1280xbf16, #tpu.memory_space<vmem>>, vector<1x48x1280xbf16>,
      } else {
      }
      %add3A_543 = arith.constant 3 : i32
      %add3A_544 = arith.addi %mul3A_0, %add3A_543 : i32
      %get3A_545 = arith.index_cast %add3A_544 : i32 to index
      %get3A_546 = memref.load %arg1[%get3A_545] : memref<1024xi32, #tpu.memory_space<smem>>
      %eq3A_547 = arith.constant 2 : i32
      %eq3A_548 = arith.cmpi eq, %get3A_546, %eq3A_547 : i32
      %convert_element_type3A_549 = arith.extui %eq3A_548 : i1 to i32
      %cond3A_550 = arith.constant 0 : i32
      %cond3A_551 = arith.cmpi ne, %convert_element_type3A_549, %cond3A_550 : i32
      scf.if %cond3A_551 {
        %slice3A_588 = vector.extract_strided_slice %convert_element_type3A_515 {offsets = [0, 3840], sizes = [48, 1280], strides = [1, 1]} : vector<48x10240xbf16> to vector<48x1280xbf16>
        %swap3A = arith.constant 3 : index
        %swap3A_589 = arith.constant 0 : index
        %swap3A_590 = arith.constant 0 : index
        %swap3A_591 = vector.load %arg46[%swap3A, %swap3A_589, %swap3A_590] : memref<8x48x1280xbf16, #tpu.memory_space<vmem>>, vector<1x48x1280xbf16>
        %swap3A_592 = vector.shape_cast %swap3A_591 : vector<1x48x1280xbf16> to vector<48x1280xbf16>
        %swap3A_593 = vector.shape_cast %slice3A_588 : vector<48x1280xbf16> to vector<1x48x1280xbf16>
        tpu.vector_store %arg46[%swap3A, %swap3A_589, %swap3A_590], %swap3A_593 {strides = array<i32>} : memref<8x48x1280xbf16, #tpu.memory_space<vmem>>, vector<1x48x1280xbf16>,
      } else {
      }
      %add3A_552 = arith.constant 4 : i32
      %add3A_553 = arith.addi %mul3A_0, %add3A_552 : i32
      %get3A_554 = arith.index_cast %add3A_553 : i32 to index
      %get3A_555 = memref.load %arg1[%get3A_554] : memref<1024xi32, #tpu.memory_space<smem>>
      %eq3A_556 = arith.constant 2 : i32
      %eq3A_557 = arith.cmpi eq, %get3A_555, %eq3A_556 : i32
      %convert_element_type3A_558 = arith.extui %eq3A_557 : i1 to i32
      %cond3A_559 = arith.constant 0 : i32
      %cond3A_560 = arith.cmpi ne, %convert_element_type3A_558, %cond3A_559 : i32
      scf.if %cond3A_560 {
        %slice3A_588 = vector.extract_strided_slice %convert_element_type3A_515 {offsets = [0, 5120], sizes = [48, 1280], strides = [1, 1]} : vector<48x10240xbf16> to vector<48x1280xbf16>
        %swap3A = arith.constant 4 : index
        %swap3A_589 = arith.constant 0 : index
        %swap3A_590 = arith.constant 0 : index
        %swap3A_591 = vector.load %arg46[%swap3A, %swap3A_589, %swap3A_590] : memref<8x48x1280xbf16, #tpu.memory_space<vmem>>, vector<1x48x1280xbf16>
        %swap3A_592 = vector.shape_cast %swap3A_591 : vector<1x48x1280xbf16> to vector<48x1280xbf16>
        %swap3A_593 = vector.shape_cast %slice3A_588 : vector<48x1280xbf16> to vector<1x48x1280xbf16>
        tpu.vector_store %arg46[%swap3A, %swap3A_589, %swap3A_590], %swap3A_593 {strides = array<i32>} : memref<8x48x1280xbf16, #tpu.memory_space<vmem>>, vector<1x48x1280xbf16>,
      } else {
      }
      %add3A_561 = arith.constant 5 : i32
      %add3A_562 = arith.addi %mul3A_0, %add3A_561 : i32
      %get3A_563 = arith.index_cast %add3A_562 : i32 to index
      %get3A_564 = memref.load %arg1[%get3A_563] : memref<1024xi32, #tpu.memory_space<smem>>
      %eq3A_565 = arith.constant 2 : i32
      %eq3A_566 = arith.cmpi eq, %get3A_564, %eq3A_565 : i32
      %convert_element_type3A_567 = arith.extui %eq3A_566 : i1 to i32
      %cond3A_568 = arith.constant 0 : i32
      %cond3A_569 = arith.cmpi ne, %convert_element_type3A_567, %cond3A_568 : i32
      scf.if %cond3A_569 {
        %slice3A_588 = vector.extract_strided_slice %convert_element_type3A_515 {offsets = [0, 6400], sizes = [48, 1280], strides = [1, 1]} : vector<48x10240xbf16> to vector<48x1280xbf16>
        %swap3A = arith.constant 5 : index
        %swap3A_589 = arith.constant 0 : index
        %swap3A_590 = arith.constant 0 : index
        %swap3A_591 = vector.load %arg46[%swap3A, %swap3A_589, %swap3A_590] : memref<8x48x1280xbf16, #tpu.memory_space<vmem>>, vector<1x48x1280xbf16>
        %swap3A_592 = vector.shape_cast %swap3A_591 : vector<1x48x1280xbf16> to vector<48x1280xbf16>
        %swap3A_593 = vector.shape_cast %slice3A_588 : vector<48x1280xbf16> to vector<1x48x1280xbf16>
        tpu.vector_store %arg46[%swap3A, %swap3A_589, %swap3A_590], %swap3A_593 {strides = array<i32>} : memref<8x48x1280xbf16, #tpu.memory_space<vmem>>, vector<1x48x1280xbf16>,
      } else {
      }
      %add3A_570 = arith.constant 6 : i32
      %add3A_571 = arith.addi %mul3A_0, %add3A_570 : i32
      %get3A_572 = arith.index_cast %add3A_571 : i32 to index
      %get3A_573 = memref.load %arg1[%get3A_572] : memref<1024xi32, #tpu.memory_space<smem>>
      %eq3A_574 = arith.constant 2 : i32
      %eq3A_575 = arith.cmpi eq, %get3A_573, %eq3A_574 : i32
      %convert_element_type3A_576 = arith.extui %eq3A_575 : i1 to i32
      %cond3A_577 = arith.constant 0 : i32
      %cond3A_578 = arith.cmpi ne, %convert_element_type3A_576, %cond3A_577 : i32
      scf.if %cond3A_578 {
        %slice3A_588 = vector.extract_strided_slice %convert_element_type3A_515 {offsets = [0, 7680], sizes = [48, 1280], strides = [1, 1]} : vector<48x10240xbf16> to vector<48x1280xbf16>
        %swap3A = arith.constant 6 : index
        %swap3A_589 = arith.constant 0 : index
        %swap3A_590 = arith.constant 0 : index
        %swap3A_591 = vector.load %arg46[%swap3A, %swap3A_589, %swap3A_590] : memref<8x48x1280xbf16, #tpu.memory_space<vmem>>, vector<1x48x1280xbf16>
        %swap3A_592 = vector.shape_cast %swap3A_591 : vector<1x48x1280xbf16> to vector<48x1280xbf16>
        %swap3A_593 = vector.shape_cast %slice3A_588 : vector<48x1280xbf16> to vector<1x48x1280xbf16>
        tpu.vector_store %arg46[%swap3A, %swap3A_589, %swap3A_590], %swap3A_593 {strides = array<i32>} : memref<8x48x1280xbf16, #tpu.memory_space<vmem>>, vector<1x48x1280xbf16>,
      } else {
      }
      %add3A_579 = arith.constant 7 : i32
      %add3A_580 = arith.addi %mul3A_0, %add3A_579 : i32
      %get3A_581 = arith.index_cast %add3A_580 : i32 to index
      %get3A_582 = memref.load %arg1[%get3A_581] : memref<1024xi32, #tpu.memory_space<smem>>
      %eq3A_583 = arith.constant 2 : i32
      %eq3A_584 = arith.cmpi eq, %get3A_582, %eq3A_583 : i32
      %convert_element_type3A_585 = arith.extui %eq3A_584 : i1 to i32
      %cond3A_586 = arith.constant 0 : i32
      %cond3A_587 = arith.cmpi ne, %convert_element_type3A_585, %cond3A_586 : i32
      scf.if %cond3A_587 {
        %slice3A_588 = vector.extract_strided_slice %convert_element_type3A_515 {offsets = [0, 8960], sizes = [48, 1280], strides = [1, 1]} : vector<48x10240xbf16> to vector<48x1280xbf16>
        %swap3A = arith.constant 7 : index
        %swap3A_589 = arith.constant 0 : index
        %swap3A_590 = arith.constant 0 : index
        %swap3A_591 = vector.load %arg46[%swap3A, %swap3A_589, %swap3A_590] : memref<8x48x1280xbf16, #tpu.memory_space<vmem>>, vector<1x48x1280xbf16>
        %swap3A_592 = vector.shape_cast %swap3A_591 : vector<1x48x1280xbf16> to vector<48x1280xbf16>
        %swap3A_593 = vector.shape_cast %slice3A_588 : vector<48x1280xbf16> to vector<1x48x1280xbf16>
        tpu.vector_store %arg46[%swap3A, %swap3A_589, %swap3A_590], %swap3A_593 {strides = array<i32>} : memref<8x48x1280xbf16, #tpu.memory_space<vmem>>, vector<1x48x1280xbf16>,
      } else {
      }
    } else {
    }
    return
  }
  func.func @transform_0(%arg0: i32, %arg1: memref<1024xi32, #tpu.memory_space<smem>>) -> (i32, i32, i32) {
    %c0_i32 = arith.constant 0 : i32
    %c0_i32_0 = arith.constant 0 : i32
    %c0_i32_1 = arith.constant 0 : i32
    return %arg0, %c0_i32, %c0_i32_0 : i32, i32, i32
  }
  func.func @transform_1(%arg0: i32, %arg1: memref<1024xi32, #tpu.memory_space<smem>>) -> (i32, i32) {
    %c0_i32 = arith.constant 0 : i32
    %c0_i32_0 = arith.constant 0 : i32
    %c0_i32_1 = arith.constant 0 : i32
    return %c0_i32, %c0_i32_0 : i32, i32
  }
  func.func @transform_2(%arg0: i32, %arg1: memref<1024xi32, #tpu.memory_space<smem>>) -> (i32, i32) {
    %c0_i32 = arith.constant 0 : i32
    %c0_i32_0 = arith.constant 0 : i32
    %c0_i32_1 = arith.constant 0 : i32
    return %c0_i32, %c0_i32_0 : i32, i32
  }
  func.func @transform_3(%arg0: i32, %arg1: memref<1024xi32, #tpu.memory_space<smem>>) -> (i32, i32) {
    %c0_i32 = arith.constant 0 : i32
    %c0_i32_0 = arith.constant 0 : i32
    %c0_i32_1 = arith.constant 0 : i32
    return %c0_i32, %c0_i32_0 : i32, i32
  }
  func.func @transform_4(%arg0: i32, %arg1: memref<1024xi32, #tpu.memory_space<smem>>) -> (i32, i32) {
    %c0_i32 = arith.constant 0 : i32
    %c0_i32_0 = arith.constant 0 : i32
    %c0_i32_1 = arith.constant 0 : i32
    return %c0_i32, %c0_i32_0 : i32, i32
  }
  func.func @transform_5(%arg0: i32, %arg1: memref<1024xi32, #tpu.memory_space<smem>>) -> (i32, i32) {
    %c0_i32 = arith.constant 0 : i32
    %c0_i32_0 = arith.constant 0 : i32
    %c0_i32_1 = arith.constant 0 : i32
    return %c0_i32, %c0_i32_0 : i32, i32
  }
  func.func @transform_6(%arg0: i32, %arg1: memref<1024xi32, #tpu.memory_space<smem>>) -> (i32, i32) {
    %c0_i32 = arith.constant 0 : i32
    %c0_i32_0 = arith.constant 0 : i32
    %c0_i32_1 = arith.constant 0 : i32
    return %c0_i32, %c0_i32_0 : i32, i32
  }
  func.func @transform_7(%arg0: i32, %arg1: memref<1024xi32, #tpu.memory_space<smem>>) -> (i32, i32) {
    %c0_i32 = arith.constant 0 : i32
    %c0_i32_0 = arith.constant 0 : i32
    %c0_i32_1 = arith.constant 0 : i32
    return %c0_i32, %c0_i32_0 : i32, i32
  }
  func.func @transform_8(%arg0: i32, %arg1: memref<1024xi32, #tpu.memory_space<smem>>) -> (i32, i32, i32) {
    %c0_i32 = arith.constant 0 : i32
    %c0_i32_0 = arith.constant 0 : i32
    %c0_i32_1 = arith.constant 0 : i32
    %c0_i32_2 = arith.constant 0 : i32
    return %c0_i32, %c0_i32_0, %c0_i32_1 : i32, i32, i32
  }
  func.func @transform_9(%arg0: i32, %arg1: memref<1024xi32, #tpu.memory_space<smem>>) -> (i32, i32, i32) {
    %c0_i32 = arith.constant 0 : i32
    %c0_i32_0 = arith.constant 0 : i32
    %c0_i32_1 = arith.constant 0 : i32
    %c0_i32_2 = arith.constant 0 : i32
    return %c0_i32, %c0_i32_0, %c0_i32_1 : i32, i32, i32
  }
  func.func @transform_10(%arg0: i32, %arg1: memref<1024xi32, #tpu.memory_space<smem>>) -> (i32, i32) {
    %c0_i32 = arith.constant 0 : i32
    %c0_i32_0 = arith.constant 0 : i32
    %c0_i32_1 = arith.constant 0 : i32
    return %c0_i32, %c0_i32_0 : i32, i32
  }
  func.func @transform_11(%arg0: i32, %arg1: memref<1024xi32, #tpu.memory_space<smem>>) -> (i32, i32) {
    %c0_i32 = arith.constant 0 : i32
    %c0_i32_0 = arith.constant 0 : i32
    %c0_i32_1 = arith.constant 0 : i32
    return %c0_i32, %c0_i32_0 : i32, i32
  }
  func.func @transform_12(%arg0: i32, %arg1: memref<1024xi32, #tpu.memory_space<smem>>) -> (i32, i32) {
    %c0_i32 = arith.constant 0 : i32
    %c0_i32_0 = arith.constant 0 : i32
    %c0_i32_1 = arith.constant 0 : i32
    return %c0_i32, %c0_i32_0 : i32, i32
  }
  func.func @transform_13(%arg0: i32, %arg1: memref<1024xi32, #tpu.memory_space<smem>>) -> (i32, i32) {
    %c0_i32 = arith.constant 0 : i32
    %c0_i32_0 = arith.constant 0 : i32
    %c0_i32_1 = arith.constant 0 : i32
    return %c0_i32, %c0_i32_0 : i32, i32
  }
  func.func @transform_14(%arg0: i32, %arg1: memref<1024xi32, #tpu.memory_space<smem>>) -> (i32, i32) {
    %c0_i32 = arith.constant 0 : i32
    %c0_i32_0 = arith.constant 0 : i32
    %c0_i32_1 = arith.constant 0 : i32
    return %c0_i32, %c0_i32_0 : i32, i32
  }
  func.func @transform_15(%arg0: i32, %arg1: memref<1024xi32, #tpu.memory_space<smem>>) -> (i32, i32) {
    %c0_i32 = arith.constant 0 : i32
    %c0_i32_0 = arith.constant 0 : i32
    %c0_i32_1 = arith.constant 0 : i32
    return %c0_i32, %c0_i32_0 : i32, i32
  }
  func.func @transform_16(%arg0: i32, %arg1: memref<1024xi32, #tpu.memory_space<smem>>) -> (i32, i32) {
    %c0_i32 = arith.constant 0 : i32
    %c0_i32_0 = arith.constant 0 : i32
    %c0_i32_1 = arith.constant 0 : i32
    return %c0_i32, %c0_i32_0 : i32, i32
  }
  func.func @transform_17(%arg0: i32, %arg1: memref<1024xi32, #tpu.memory_space<smem>>) -> (i32, i32) {
    %c0_i32 = arith.constant 0 : i32
    %c0_i32_0 = arith.constant 0 : i32
    %c0_i32_1 = arith.constant 0 : i32
    return %c0_i32, %c0_i32_0 : i32, i32
  }
  func.func @transform_18(%arg0: i32, %arg1: memref<1024xi32, #tpu.memory_space<smem>>) -> (i32, i32) {
    %c0_i32 = arith.constant 0 : i32
    %c0_i32_0 = arith.constant 0 : i32
    %c0_i32_1 = arith.constant 0 : i32
    return %c0_i32, %c0_i32_0 : i32, i32
  }
  func.func @transform_19(%arg0: i32, %arg1: memref<1024xi32, #tpu.memory_space<smem>>) -> (i32, i32) {
    %c0_i32 = arith.constant 0 : i32
    %c0_i32_0 = arith.constant 0 : i32
    %c0_i32_1 = arith.constant 0 : i32
    return %c0_i32, %c0_i32_0 : i32, i32
  }
  func.func @transform_20(%arg0: i32, %arg1: memref<1024xi32, #tpu.memory_space<smem>>) -> (i32, i32) {
    %c0_i32 = arith.constant 0 : i32
    %c0_i32_0 = arith.constant 0 : i32
    %c0_i32_1 = arith.constant 0 : i32
    return %c0_i32, %c0_i32_0 : i32, i32
  }
  func.func @transform_21(%arg0: i32, %arg1: memref<1024xi32, #tpu.memory_space<smem>>) -> (i32, i32) {
    %c0_i32 = arith.constant 0 : i32
    %c0_i32_0 = arith.constant 0 : i32
    %c0_i32_1 = arith.constant 0 : i32
    return %c0_i32, %c0_i32_0 : i32, i32
  }
  func.func @transform_22(%arg0: i32, %arg1: memref<1024xi32, #tpu.memory_space<smem>>) -> (i32, i32, i32) {
    %c0_i32 = arith.constant 0 : i32
    %c0_i32_0 = arith.constant 0 : i32
    %c0_i32_1 = arith.constant 0 : i32
    %c0_i32_2 = arith.constant 0 : i32
    return %c0_i32, %c0_i32_0, %c0_i32_1 : i32, i32, i32
  }
  func.func @transform_23(%arg0: i32, %arg1: memref<1024xi32, #tpu.memory_space<smem>>) -> (i32, i32, i32) {
    %c0_i32 = arith.constant 0 : i32
    %c0_i32_0 = arith.constant 0 : i32
    %c0_i32_1 = arith.constant 0 : i32
    %c0_i32_2 = arith.constant 0 : i32
    return %c0_i32, %c0_i32_0, %c0_i32_1 : i32, i32, i32
  }
  func.func @transform_24(%arg0: i32, %arg1: memref<1024xi32, #tpu.memory_space<smem>>) -> (i32, i32) {
    %c0_i32 = arith.constant 0 : i32
    %c0_i32_0 = arith.constant 0 : i32
    %c0_i32_1 = arith.constant 0 : i32
    return %c0_i32, %c0_i32_0 : i32, i32
  }
  func.func @transform_25(%arg0: i32, %arg1: memref<1024xi32, #tpu.memory_space<smem>>) -> (i32, i32) {
    %c0_i32 = arith.constant 0 : i32
    %c0_i32_0 = arith.constant 0 : i32
    %c0_i32_1 = arith.constant 0 : i32
    return %c0_i32, %c0_i32_0 : i32, i32
  }
  func.func @transform_26(%arg0: i32, %arg1: memref<1024xi32, #tpu.memory_space<smem>>) -> (i32, i32) {
    %c0_i32 = arith.constant 0 : i32
    %c0_i32_0 = arith.constant 0 : i32
    %c0_i32_1 = arith.constant 0 : i32
    return %c0_i32, %c0_i32_0 : i32, i32
  }
  func.func @transform_27(%arg0: i32, %arg1: memref<1024xi32, #tpu.memory_space<smem>>) -> (i32, i32) {
    %c0_i32 = arith.constant 0 : i32
    %c0_i32_0 = arith.constant 0 : i32
    %c0_i32_1 = arith.constant 0 : i32
    return %c0_i32, %c0_i32_0 : i32, i32
  }
  func.func @transform_28(%arg0: i32, %arg1: memref<1024xi32, #tpu.memory_space<smem>>) -> (i32, i32) {
    %c0_i32 = arith.constant 0 : i32
    %c0_i32_0 = arith.constant 0 : i32
    %c0_i32_1 = arith.constant 0 : i32
    return %c0_i32, %c0_i32_0 : i32, i32
  }
  func.func @transform_29(%arg0: i32, %arg1: memref<1024xi32, #tpu.memory_space<smem>>) -> (i32, i32) {
    %c0_i32 = arith.constant 0 : i32
    %c0_i32_0 = arith.constant 0 : i32
    %c0_i32_1 = arith.constant 0 : i32
    return %c0_i32, %c0_i32_0 : i32, i32
  }
  func.func @transform_30(%arg0: i32, %arg1: memref<1024xi32, #tpu.memory_space<smem>>) -> (i32, i32) {
    %c0_i32 = arith.constant 0 : i32
    %c0_i32_0 = arith.constant 0 : i32
    %c0_i32_1 = arith.constant 0 : i32
    return %c0_i32, %c0_i32_0 : i32, i32
  }
  func.func @transform_31(%arg0: i32, %arg1: memref<1024xi32, #tpu.memory_space<smem>>) -> (i32, i32) {
    %c0_i32 = arith.constant 0 : i32
    %c0_i32_0 = arith.constant 0 : i32
    %c0_i32_1 = arith.constant 0 : i32
    return %c0_i32, %c0_i32_0 : i32, i32
  }
  func.func @transform_32(%arg0: i32, %arg1: memref<1024xi32, #tpu.memory_space<smem>>) -> (i32, i32) {
    %c0_i32 = arith.constant 0 : i32
    %c0_i32_0 = arith.constant 0 : i32
    %c0_i32_1 = arith.constant 0 : i32
    return %c0_i32, %c0_i32_0 : i32, i32
  }
  func.func @transform_33(%arg0: i32, %arg1: memref<1024xi32, #tpu.memory_space<smem>>) -> (i32, i32) {
    %c0_i32 = arith.constant 0 : i32
    %c0_i32_0 = arith.constant 0 : i32
    %c0_i32_1 = arith.constant 0 : i32
    return %c0_i32, %c0_i32_0 : i32, i32
  }
  func.func @transform_34(%arg0: i32, %arg1: memref<1024xi32, #tpu.memory_space<smem>>) -> (i32, i32) {
    %c0_i32 = arith.constant 0 : i32
    %c0_i32_0 = arith.constant 0 : i32
    %c0_i32_1 = arith.constant 0 : i32
    return %c0_i32, %c0_i32_0 : i32, i32
  }
  func.func @transform_35(%arg0: i32, %arg1: memref<1024xi32, #tpu.memory_space<smem>>) -> (i32, i32) {
    %c0_i32 = arith.constant 0 : i32
    %c0_i32_0 = arith.constant 0 : i32
    %c0_i32_1 = arith.constant 0 : i32
    return %c0_i32, %c0_i32_0 : i32, i32
  }
  func.func @transform_36(%arg0: i32, %arg1: memref<1024xi32, #tpu.memory_space<smem>>) -> (i32, i32, i32) {
    %c0_i32 = arith.constant 0 : i32
    %c0_i32_0 = arith.constant 0 : i32
    %c0_i32_1 = arith.constant 0 : i32
    %c0_i32_2 = arith.constant 0 : i32
    return %c0_i32, %c0_i32_0, %c0_i32_1 : i32, i32, i32
  }
  func.func @transform_37(%arg0: i32, %arg1: memref<1024xi32, #tpu.memory_space<smem>>) -> (i32, i32, i32) {
    %c0_i32 = arith.constant 0 : i32
    %c0_i32_0 = arith.constant 0 : i32
    %c0_i32_1 = arith.constant 0 : i32
    %c0_i32_2 = arith.constant 0 : i32
    return %c0_i32, %c0_i32_0, %c0_i32_1 : i32, i32, i32
  }
  func.func @transform_38(%arg0: i32, %arg1: memref<1024xi32, #tpu.memory_space<smem>>) -> (i32, i32) {
    %c0_i32 = arith.constant 0 : i32
    %c0_i32_0 = arith.constant 0 : i32
    %c0_i32_1 = arith.constant 0 : i32
    return %c0_i32, %c0_i32_0 : i32, i32
  }
  func.func @transform_39(%arg0: i32, %arg1: memref<1024xi32, #tpu.memory_space<smem>>) -> (i32, i32) {
    %c0_i32 = arith.constant 0 : i32
    %c0_i32_0 = arith.constant 0 : i32
    %c0_i32_1 = arith.constant 0 : i32
    return %c0_i32, %c0_i32_0 : i32, i32
  }
  func.func @transform_40(%arg0: i32, %arg1: memref<1024xi32, #tpu.memory_space<smem>>) -> (i32, i32) {
    %c0_i32 = arith.constant 0 : i32
    %c0_i32_0 = arith.constant 0 : i32
    %c0_i32_1 = arith.constant 0 : i32
    return %c0_i32, %c0_i32_0 : i32, i32
  }
  func.func @transform_41(%arg0: i32, %arg1: memref<1024xi32, #tpu.memory_space<smem>>) -> (i32, i32) {
    %c0_i32 = arith.constant 0 : i32
    %c0_i32_0 = arith.constant 0 : i32
    %c0_i32_1 = arith.constant 0 : i32
    return %c0_i32, %c0_i32_0 : i32, i32
  }
  func.func @transform_42(%arg0: i32, %arg1: memref<1024xi32, #tpu.memory_space<smem>>) -> (i32, i32) {
    %c0_i32 = arith.constant 0 : i32
    %c0_i32_0 = arith.constant 0 : i32
    %c0_i32_1 = arith.constant 0 : i32
    return %c0_i32, %c0_i32_0 : i32, i32
  }
  func.func @transform_43(%arg0: i32, %arg1: memref<1024xi32, #tpu.memory_space<smem>>) -> (i32, i32) {
    %c0_i32 = arith.constant 0 : i32
    %c0_i32_0 = arith.constant 0 : i32
    %c0_i32_1 = arith.constant 0 : i32
    return %c0_i32, %c0_i32_0 : i32, i32
  }
  func.func @transform_44(%arg0: i32, %arg1: memref<1024xi32, #tpu.memory_space<smem>>) -> (i32, i32, i32) {
    %c0_i32 = arith.constant 0 : i32
    %c0_i32_0 = arith.constant 0 : i32
    %c0_i32_1 = arith.constant 0 : i32
    return %arg0, %c0_i32, %c0_i32_0 : i32, i32, i32
  }
}

</mosaic_0001>

<sc_bundles>
// kernel: gather_offload_async_start.1
scs
__scs_entry_jumppad:
0x0: {  	(pc) =	sbr.rel $0x88, $3  }
0x1: {  	(tag) =	ssettag $0x0;
	lr =	simm.s32 $0x1  }
0x2: {  	[smem:$0x3F58] =	sst lr;
	_ =	strace $0xD0000000  }
0x3: {  	_ = 	snop  }
0x4: {  	_ = 	snop  }
0x5: {  	_ = 	snop  }
0x6: {  	_ = 	snop  }
0x7: {  	_ = 	snop  }
__scs_overlays_trampoline_lowered:
0x8: {  	[smem:$0x3F67] =	sst s0  }
0x9: {  	[smem:$0x3F68] =	sst s1  }
0xa: {  	[smem:$0x3F69] =	sst s2  }
0xb: {  	[smem:$0x3F6A] =	sst s3  }
0xc: {  	[smem:$0x3F6B] =	sst s4  }
0xd: {  	[smem:$0x3F6C] =	sst s5  }
0xe: {  	[smem:$0x3F6D] =	sst s6  }
0xf: {  	[smem:$0x3F6E] =	sst s7  }
0x10: {  	[smem:$0x3F6F] =	sst s8  }
0x11: {  	[smem:$0x3F70] =	sst s9;
	s0 =	simm.s32 @!p0 $0x0  }
0x12: {  	s1 =	sld [smem:$0x3F56];
	s0 =	simm.s32 @p0 $0x1  }
0x13: {  	[smem:$0x3F71] =	sst s0;
	s0 =	simm.s32 @!p1 $0x0  }
0x14: {  	s2 =	sld [smem:$0x3F55];
	s0 =	simm.s32 @p1 $0x1  }
0x15: {  	[smem:$0x3F72] =	sst s0;
	s0 =	simm.s32 @!p2 $0x0  }
0x16: {  	s3 =	sld [smem:$0x3FDB];
	s0 =	simm.s32 @p2 $0x1  }
0x17: {  	s4 =	simm.s32 $0x1BF5;
	[smem:$0x3F74] =	sst s0  }
0x18: {  	s0 =	sld [smem:$0x3F57];
	_ =	swait.ge [sflag:s4], $0x0  }
0x19: {  	s7 =	sld [smem:$0x3F58]  }
0x1a: {  	s8 =	sadd.s32 $0xFFFFE003, lr  }
0x1b: {  	s9 =	sadd.s32 $0xFFFFFEF7, lr;
	s5 =	simm.s32 $0xFFFFFFFF;
	p2 =	slt.u32 s8, $0xFFFFF086  }
0x1c: {  	p1 =	slt.u32 s9, $0xF7A;
	s5 =	simm.s32 @!p2 $0x0  }
0x1d: {  	s5 =	simm.s32 @p1 $0x1;
	p0 =	seq.s32 s7, s2  }
0x1e: {  	s7 =	smul.u32 @!p0 $0xF7A, s2;
	p2 =	seq.s32 @!p0 s5, $0x0  }
0x1f: {  	s9 =	smul.u32 $0xF7A, s1;
	s8 =	simm.s32 @!p0 $0x1BF5;
	p2 =	por !p2, p0  }
0x20: {  	[sflag:s8] =	ssyncset.s32 @!p0 $0xFFFFF086;
	s6 =	sadd.s32 @!p0 s3, s7;
	s7 =	simm.s32 @!p0 $0x108  }
0x21: {  	s3 =	sadd.s32 s3, s9;
	s6 =	sadd.s32 @!p0 $0x88, s6;
	s7 =	simm.s32 @p2 $0x1082  }
0x22: {  	[simem:s7], [sflag:s8] =	dma.local @!p0 [hbm:s6], $0xF7A  }
0x23: {  	s9 =	sor.u32 $0xD0000000, s2;
	s6 =	simm.s32 $0x108;
	_ =	swait.ge @!p0 [sflag:s8], $0x0  }
0x24: {  	s3 =	sadd.s32 $0x88, s3;
	s6 =	simm.s32 @!p1 $0x1082;
	[sflag:s4] =	ssyncset.s32 $0xFFFFF086  }
0x25: {  	[simem:s6], [sflag:s4] =	dma.local [hbm:s3], $0xF7A  }
0x26: {  	[smem:$0x3F58] =	sst s1;
	(tag) =	ssettag s2;
	_ =	strace s9  }
0x27: {  	s1 =	sld [smem:$0x3F68]  }
0x28: {  	s2 =	sld [smem:$0x3F69]  }
0x29: {  	s4 =	sld [smem:$0x3F6B]  }
0x2a: {  	p0 =	seq.s32 s5, $0x0;
	s5 =	sld [smem:$0x3F6C]  }
0x2b: {  	s6 =	sld [smem:$0x3F6D]  }
0x2c: {  	s7 =	sld [smem:$0x3F6E]  }
0x2d: {  	s3 =	simm.s32 $0x108;
	s8 =	sld [smem:$0x3F6F]  }
0x2e: {  	s3 =	simm.s32 @!p0 $0x1082;
	s9 =	sld [smem:$0x3F70]  }
0x2f: {  	lr =	sadd.s32 s0, s3;
	s0 =	sld [smem:$0x3F67]  }
0x30: {  	s3 =	sld [smem:$0x3F6A]  }
0x31: {  	[smem:$0x3F73] =	sst s10  }
0x32: {  	s10 =	sld [smem:$0x3F71];
	_ =	sdelay $0x3  }
0x33: {  	p0 =	seq.s32 s10, $0x1;
	s10 =	sld [smem:$0x3F73];
	_ =	sdelay $0x3  }
0x34: {  	[smem:$0x3F73] =	sst s10  }
0x35: {  	s10 =	sld [smem:$0x3F72];
	_ =	sdelay $0x3  }
0x36: {  	p1 =	seq.s32 s10, $0x1;
	s10 =	sld [smem:$0x3F73];
	_ =	sdelay $0x3  }
0x37: {  	[smem:$0x3F73] =	sst s10  }
0x38: {  	s10 =	sld [smem:$0x3F74]  }
0x39: {  	_ = 	snop;
	(pc) =	sbr.ind lr, $3  }
0x3a: {  	_ = 	snop  }
0x3b: {  	_ = 	snop  }
0x3c: {  	p2 =	seq.s32 s10, $0x1;
	s10 =	sld [smem:$0x3F73]  }
0x3d: {  	_ =	shalt  }
0x3e: {  	_ =	shalt  }
0x3f: {  	_ =	shalt  }
0x40: {  	_ =	shalt  }
0x41: {  	_ =	shalt  }
0x42: {  	_ =	shalt  }
0x43: {  	_ =	shalt  }
0x44: {  	_ =	shalt  }
0x45: {  	_ =	shalt  }
0x46: {  	_ =	shalt  }
0x47: {  	_ =	shalt  }
0x48: {  	_ =	shalt  }
0x49: {  	_ =	shalt  }
0x4a: {  	_ =	shalt  }
0x4b: {  	_ =	shalt  }
0x4c: {  	_ =	shalt  }
0x4d: {  	_ =	shalt  }
0x4e: {  	_ =	shalt  }
0x4f: {  	_ =	shalt  }
0x50: {  	_ =	shalt  }
0x51: {  	_ =	shalt  }
0x52: {  	_ =	shalt  }
0x53: {  	_ =	shalt  }
0x54: {  	_ =	shalt  }
0x55: {  	_ =	shalt  }
0x56: {  	_ =	shalt  }
0x57: {  	_ =	shalt  }
0x58: {  	_ =	shalt  }
0x59: {  	_ =	shalt  }
0x5a: {  	_ =	shalt  }
0x5b: {  	_ =	shalt  }
0x5c: {  	_ =	shalt  }
0x5d: {  	_ =	shalt  }
0x5e: {  	_ =	shalt  }
0x5f: {  	_ =	shalt  }
0x60: {  	_ =	shalt  }
0x61: {  	_ =	shalt  }
0x62: {  	_ =	shalt  }
0x63: {  	_ =	shalt  }
0x64: {  	_ =	shalt  }
0x65: {  	_ =	shalt  }
0x66: {  	_ =	shalt  }
0x67: {  	_ =	shalt  }
0x68: {  	_ =	shalt  }
0x69: {  	_ =	shalt  }
0x6a: {  	_ =	shalt  }
0x6b: {  	_ =	shalt  }
0x6c: {  	_ =	shalt  }
0x6d: {  	_ =	shalt  }
0x6e: {  	_ =	shalt  }
0x6f: {  	_ =	shalt  }
0x70: {  	_ =	shalt  }
0x71: {  	_ =	shalt  }
0x72: {  	_ =	shalt  }
0x73: {  	_ =	shalt  }
0x74: {  	_ =	shalt  }
0x75: {  	_ =	shalt  }
0x76: {  	_ =	shalt  }
0x77: {  	_ =	shalt  }
0x78: {  	_ =	shalt  }
0x79: {  	_ =	shalt  }
0x7a: {  	_ =	shalt  }
0x7b: {  	_ =	shalt  }
0x7c: {  	_ =	shalt  }
0x7d: {  	_ =	shalt  }
0x7e: {  	_ =	shalt  }
0x7f: {  	_ =	shalt  }
0x80: {  	_ =	shalt  }
0x81: {  	_ =	shalt  }
0x82: {  	_ =	shalt  }
0x83: {  	_ =	shalt  }
0x84: {  	_ =	shalt  }
0x85: {  	_ =	shalt  }
0x86: {  	_ =	shalt  }
0x87: {  	_ =	shalt  }
.Lfunc_end0:
.L_simem_size_0:
called_computation.5_lowered:
.L_overlay_start_0:
0x88: {  	s0 =	sld [smem:$0x3FD9]  }
0x89: {  	s1 =	sld [smem:$0x3FFE];
	_ =	sdelay $0x3  }
0x8a: {  	s0 =	sadd.s32 s1, s0  }
0x8b: {  	[smem:$0x3F7F] =	sst s0  }
0x8c: {  	_ = 	snop  }
0x8d: {  	(tm) =	ssettm $0x1  }
0x8e: {  	s15 =	sld [smem:$0x3FFB];
	_ =	sdelay $0x3  }
0x8f: {  	_ =	strace s15  }
0x90: {  	s0 =	sld [smem:$0x3FFC];
	_ =	sdelay $0x3  }
0x91: {  	_ =	strace s0  }
0x92: {  	s0 =	sld [smem:$0x3FFD];
	_ =	sdelay $0x3  }
0x93: {  	_ =	strace s0  }
0x94: {  	_ =	strace $0x8FFFFFFF  }
0x95: {  	s16 =	sld [smem:$0x3FDB];
	_ =	sdelay $0x1  }
0x96: {  	s17 =	simm.s32 $_scs_section_size  }
0x97: {  	s2 =	simm.s32 $_size__tile_overlayer_lowered;
	s3 =	simm.s32 $_tile_overlayer_lowered  }
0x98: {  	s20 =	simm.s32 $0x1BFF;
	s19 =	sshll.u32 s3, $0x1;
	s0 =	sadd.s32 s17, s16  }
0x99: {  	s4 =	simm.s32 $0x0;
	s18 =	sshll.u32 s2, $0x1;
	s2 =	sadd.s32 s19, s0  }
0x9a: {  	[timem:s4], [sflag:s20] =	dma.local [hbm:s2], s18  }
0x9b: {  	_ =	swait.ge [sflag:s20], s18  }
0x9c: {  	s1 =	ssub.s32 $0x0, s18;
	[sflag:s20] =	ssyncset.done $0x0  }
0x9d: {  	[sflag:s20] =	ssyncadd.s32 s1;
	_ =	sdelay $0x1  }
0x9e: {  	s21 =	simm.s32 $0x1B8B  }
0x9f: {  	_ =	swait.ge [sflag:s21], $0x1  }
0xa0: {  	[sflag:s21] =	ssyncset.done $0x0  }
0xa1: {  	s23 =	simm.s32 $0x1B8E;
	s22 =	sld [smem:$0x3FFE];
	[sflag:s21] =	ssyncadd.s32 $0xFFFFFFFF  }
0xa2: {  	s24 =	simm.s32 $execute0_lowered;
	[smem:$0x3FD2] =	sst s23  }
0xa3: {  	s2 =	sshll.u32 s24, $0x1;
	_ =	strace $0x80000049;
	[dreg:$0x1] =	wrdreg $0xFFFFFFFF  }
0xa4: {  	s25 =	simm.s32 $_size_execute0_lowered;
	s0 =	sadd.s32 s0, s2;
	[dreg:$0x0] =	wrdreg $0x0  }
0xa5: {  	s2 =	sshll.u32 s25, $0x1;
	[dreg:$0x2] =	wrdreg s0  }
0xa6: {  	[dreg:$0x3] =	wrdreg s2  }
0xa7: {  	[dreg:$0x4] =	wrdreg $0xC0  }
0xa8: {  	_ =	task [dreg:s4], $0x5FFFF  }
0xa9: {  	[dreg:$0x1] =	wrdreg $0xFFFFFFFF  }
0xaa: {  	[dreg:$0x0] =	wrdreg $0x60  }
0xab: {  	[dreg:$0x2] =	wrdreg s22  }
0xac: {  	[dreg:$0x3] =	wrdreg $0xA  }
0xad: {  	_ =	task.clear_ibuf [dreg:s4], $0x4FFFF;
	_ =	strace $0x90000049  }
0xae: {  	s26 =	simm.s32 $0xA;
	_ =	strace $0x8000004B  }
0xaf: {  	_ =	swait.ge [sflag:s26], $0x1  }
0xb0: {  	[sflag:s26] =	ssyncadd.s32 $0xFFFFFFFF  }
0xb1: {  	_ =	strace $0x9000004B  }
0xb2: {  	_ =	sfence  }
0xb3: {  	s28 =	sld [smem:$0x0];
	_ =	sdelay $0x1  }
0xb4: {  	s29 =	srdreg.scid  }
0xb5: {  	s30 =	sshll.u32 s29, $0xD;
	s31 =	sshrl.u32 s29, $0x2  }
0xb6: {  	s1 =	sand.u32 $0x1, s29;
	s2 =	sand.u32 $0x4000, s30;
	s0 =	sadd.s32 s31, s28  }
0xb7: {  	s1 =	sor.u32 s2, s1;
	s0 =	sshll.u32 s0, $0x11  }
0xb8: {  	s0 =	sor.u32 s0, s1  }
0xb9: {  	s0 =	sadd.s32 $0x8F2B, s0  }
0xba: {  	[sflag:s0] =	ssyncadd.remote.s32 $0x1  }
0xbb: {  	_ =	sfence.sel $0xFFFF  }
0xbc: {  	[dreg:$0x0] =	wrdreg $0xFFFFFFFF;
	(pc) =	sbr.abs _section_cstart, $3  }
0xbd: {  	[dreg:$0x1] =	wrdreg $0xFFFFFFFF  }
0xbe: {  	_ =	task.clear_ibuf [dreg:s4], $0x2FFFF;
	_ =	strace $0x9FFFFFFF  }
0xbf: {  	(tm) =	ssettm $0x7FFFFFFF  }
tec
execute0_lowered:
.L_overlay_start_1:
0x0: {  	(tag) =	ssettag $0x1  }
0x1: {  	s0 =	stileid.u32  }
0x2: {  	s3 =	simm.s32 $0x400;
	s1 =	smul.u32 $0x3, s0  }
0x3: {  	s7 =	rddreg [dreg:$0x0];
	s10 =	simm.s32 $0x1;
	s2 =	smin.u32 s0, $0xD  }
0x4: {  	s6 =	simm.s32 $0x2;
	p0 =	slt.u32 s0, $0xD;
	s1 =	sadd.s32 s2, s1  }
0x5: {  	s11 =	simm.s32 $0x4;
	s3 =	simm.s32 @!p0 $0x300;
	s2 =	sshll.u32 s1, $0x8  }
0x6: {  	s12 =	simm.s32 $0xFFFFFE00;
	s13 =	simm.s32 $0xFFFFFF00;
	s1 =	sadd.s32 s3, s2  }
0x7: {  	s14 =	simm.s32 $0xFFFFFFFF;
	s18 =	simm.s32 $0x0;
	s3 =	smin.u32 s1, $0x3CC0  }
0x8: {  	s15 =	simm.s32 $0x0;
	s17 =	simm.s32 $0x0;
	s9 =	ssub.s32 s3, s2  }
0x9: {  	s4 =	sadd.s32 $0xA200, s7;
	s5 =	sadd.s32 $0x8C00, s7;
	p0 =	sgt.s32 s9, $0x0  }
0xa: {  	s1 =	rddreg [dreg:$0x1];
	_ =	strace $0x8000004A;
	s9 =	simm.s32 @!p0 $0x0  }
.Ltmp0:
0xb: {  	[sflag:s10] =	ssyncpa.u1 $0x0;
	s8 =	sand.u32 $0xC0, s9;
	(pc) =	sbr.rel .LBB2_1-.Ltmp0, $4  }
0xc: {  	s7 =	sadd.s32 $0x6C00, s7;
	[sflag:s6] =	ssyncpa.u1 $0x0;
	p0 =	sne.s32 s8, $0x0  }
0xd: {  	s9 =	sshrl.u32 s9, $0x8;
	s8 =	simm.s32 $0x3;
	s10 =	simm.s32 @!p0 $0x0  }
0xe: {  	s16 =	smov.u32 s2;
	[sflag:s8] =	ssyncpa.u1 $0x0;
	s9 =	sadd.s32 s10, s9  }
0xf: {  	v0 =	vlaneseq.u32;
	vm0 =	vmmov $0xffff;
	[sflag:s11] =	ssyncpa.u1 $0x0;
	s11 =	simm.s32 $0x0;
	s10 =	sadd.s32 $0x2, s9  }
.LBB2_7:
0x10: {  	p0 =	slt.u32 s17, $0x3  }
0x11: {  	s18 =	simm.s32 @!p0 $0x4  }
0x12: {  	_ =	swait.ge @!p0 [sflag:s18], $0x80  }
0x13: {  	s19 =	sadd.s32 $0x100, s16;
	[sflag:s18] =	ssyncset.done @!p0 $0x0  }
0x14: {  	s20 =	smov.u32 s2;
	[sflag:s18] =	ssyncadd.s32 @!p0 $0xFFFFFF80;
	p0 =	slt.s32 s19, s3  }
0x15: {  	s20 =	smov.u32 @p0 s19;
	p0 =	sne.s32 s17, s10  }
.Ltmp1:
0x16: {  	_ = 	snop;
	(pc) =	sbr.rel @!p0 .LBB2_8-.Ltmp1, $4  }
0x17: {  	_ = 	snop  }
0x18: {  	s31 =	sadd.s32 $0x1, s17;
	s12 =	sadd.s32 $0x200, s12  }
0x19: {  	s13 =	sadd.s32 $0x100, s13;
	s14 =	sadd.s32 $0x1, s14;
	s18 =	smov.u32 s15  }
0x1a: {  	s15 =	smov.u32 s16;
	s17 =	smov.u32 s31;
	s16 =	smov.u32 s20  }
.LBB2_1:
0x1b: {  	p0 =	sge.u32 s17, s9  }
0x1c: {  	s19 =	smulhi.u32 @!p0 $0xAAAAAAAB, s17;
	_ =	sdelay $0x1  }
0x1d: {  	s19 =	sshrl.u32 @!p0 s19, $0x1  }
0x1e: {  	s19 =	smul.u32 @!p0 $0x3, s19;
	_ =	sdelay $0x1  }
0x1f: {  	s31 =	sadd.s32 $0xFFFFFFFF, s17;
	s20 =	sshrl.u32 @!p0 s16, $0x3;
	s19 =	ssub.s32 @!p0 s17, s19  }
0x20: {  	s21 =	sand.u32 @!p0 $0x7, s16;
	s20 =	sadd.s32 @!p0 s5, s20;
	s19 =	sshll.u32 @!p0 s19, $0x8  }
0x21: {  	[tilespmem:s19], [sflag:$0x2] =	stream.linear.gather @!p0 [hbm4b:s20+s21], $0x100, $0x38;
	[tilespmem:$0x600] =	vst v63  }
0x22: {  	p0 =	sge.u32 s31, s9  }
.Ltmp2:
0x23: {  	_ = 	snop;
	(pc) =	sbr.rel @p0 .LBB2_5-.Ltmp2, $1  }
0x24: {  	_ =	sdelay $0x3  }
0x25: {  	s19 =	smulhi.u32 $0xAAAAAAAB, s14;
	_ =	sdelay $0x1  }
0x26: {  	s19 =	sshrl.u32 s19, $0x1  }
0x27: {  	s19 =	smul.u32 $0xFFFFF400, s19;
	_ =	sdelay $0x1  }
0x28: {  	_ =	swait.ge [sflag:s6], $0x100;
	s19 =	sshra.s32 s19, $0x2  }
0x29: {  	[sflag:s6] =	ssyncset.done $0x0;
	s20 =	sadd.s32 s19, s13  }
0x2a: {  	[sflag:s6] =	ssyncadd.s32 $0xFFFFFF00;
	(ifvalue) =	ssetifvalue $0x7FFFFFFF;
	v1 =	vld.msk [tilespmem:s20+$0x0 ss:$0x1], $0xffff  }
0x2b: {  	s21 =	sadd.s32 $0x10, s20  }
0x2c: {  	v2 =	vld.msk [tilespmem:s21+$0x0 ss:$0x1], $0xffff;
	_ =	sdelay $0x1  }
0x2d: {  	s19 =	ssub.s32 $0x3CC0, s15  }
0x2e: {  	p0 =	slt.s32 s19, $0x100;
	vm1 =	vgt.s32 v1, $0x0  }
0x2f: {  	s19 =	simm.s32 @!p0 $0x100;
	v1 =	vnsel vm1, $0x0, v1  }
0x30: {  	p0 =	sgt.s32 s19, $0x0;
	s22 =	smov.u32 s19;
	vm1 =	vgt.s32 v2, $0x0;
	v1 =	vmin.u32 v1, $0x222C  }
0x31: {  	s22 =	simm.s32 @!p0 $0x0;
	v2 =	vnsel vm1, $0x0, v2;
	v4 =	vshll.u32 v1, $0x1  }
0x32: {  	s22 =	smin.u32 s22, $0x10;
	v3 =	vshrl.u32 v1, $0x7;
	v1 =	vand.u32 $0x3F00, v1;
	v4 =	vand.u32 $0xFE, v4  }
0x33: {  	v5 =	vmin.u32 v2, $0x222C;
	v2 =	vmov s22;
	v1 =	vor.u32 v1, v4  }
0x34: {  	vm1 =	vgt.u32 v2, v0;
	v1 =	vshrl.u32 v1, $0x1  }
0x35: {  	s30 =	sshrl.u32 s12, $0x1;
	s23 =	sadd.s32 $0xFFFFFFF0, s19;
	v1 =	vnsel vm1, $0x7FFFFFFF, v1  }
0x36: {  	s19 =	sadd.s32 $0x10, s21;
	p0 =	sgt.s32 s23, $0x0;
	s25 =	smov.u32 s23;
	v3 =	vand.u32 $0x1, v3  }
0x37: {  	s31 =	sand.u32 $0x100, s30;
	s25 =	simm.s32 @!p0 $0x0;
	v2 =	vld.msk [tilespmem:s19+$0x0 ss:$0x1], $0xffff;
	v4 =	vshrl.u32 v5, $0x7;
	[tilespmem:s20+$0x0] =	vst v3;
	v3 =	vshll.u32 v5, $0x1  }
0x38: {  	s24 =	simm.s32 $0x30;
	s25 =	smin.u32 s25, $0x10;
	s22 =	sadd.s32 $0x300, s31;
	v5 =	vand.u32 $0x3F00, v5;
	v4 =	vand.u32 $0x1, v4;
	v6 =	vand.u32 $0xFE, v3  }
0x39: {  	s20 =	sadd.s32 $0x10, s19;
	v3 =	vmov s25;
	[tilespmem:s21+$0x0] =	vst v4;
	v4 =	vor.u32 v5, v6;
	(ifvalue) =	ssetifvalue $0x7FFFFFFF;
	s21 =	sadd.s32 $0x10, s22  }
.LBB2_3:
0x3a: {  	[tilespmem:s22], [sflag:$0x3] =	stream.indirect_vreg.gather [hbm4b:s4+s11], $0x1, v1, vm0, $0x4038;
	[tilespmem:$0x600] =	vst v63  }
0x3b: {  	s24 =	sadd.s32 $0x10, s24  }
0x3c: {  	vm1 =	vgt.s32 v2, $0x0;
	vm2 =	vgt.u32 v3, v0;
	v3 =	vshrl.u32 v4, $0x1;
	v1 =	vmovc v2;
	v2 =	vld.msk [tilespmem:s20+$0x0 ss:$0x1], $0xffff;
	p0 =	slt.u32 s24, $0xF0  }
.Ltmp3:
0x3d: {  	s23 =	sadd.s32 $0xFFFFFFF0, s23;
	v4 =	vnsel vm1, $0x0, v1;
	v1 =	vnsel vm2, $0x7FFFFFFF, v3;
	(pc) =	sbr.rel @p0 .LBB2_3-.Ltmp3, $4  }
0x3e: {  	s25 =	smov.u32 s19;
	p1 =	sgt.s32 s23, $0x0;
	s26 =	smov.u32 s23;
	v3 =	vmin.u32 v4, $0x222C  }
0x3f: {  	s19 =	smov.u32 s20;
	s22 =	smov.u32 s21;
	s26 =	simm.s32 @!p1 $0x0;
	v4 =	vshrl.u32 v3, $0x7;
	v5 =	vshll.u32 v3, $0x1  }
0x40: {  	s26 =	smin.u32 s26, $0x10;
	v6 =	vand.u32 $0x1, v4;
	v4 =	vand.u32 $0x3F00, v3;
	v5 =	vand.u32 $0xFE, v5  }
0x41: {  	s20 =	sadd.s32 $0x10, s20;
	s21 =	sadd.s32 $0x10, s21;
	v3 =	vmov s26;
	v4 =	vor.u32 v4, v5;
	[tilespmem:s25+$0x0] =	vst v6;
	(ifvalue) =	ssetifvalue $0x7FFFFFFF  }
0x42: {  	v5 =	vld.msk [tilespmem:s20+$0x0 ss:$0x1], $0xffff;
	_ =	sdelay $0x1  }
0x43: {  	s23 =	sadd.s32 $0xFFFFFFF0, s23;
	vm1 =	vgt.s32 v2, $0x0  }
0x44: {  	p0 =	sgt.s32 s23, $0x0;
	s24 =	smov.u32 s23;
	v2 =	vnsel vm1, $0x0, v2;
	vm1 =	vgt.u32 v3, v0;
	v3 =	vshrl.u32 v4, $0x1  }
0x45: {  	s24 =	simm.s32 @!p0 $0x0;
	v2 =	vmin.u32 v2, $0x222C;
	v3 =	vnsel vm1, $0x7FFFFFFF, v3  }
0x46: {  	s24 =	smin.u32 s24, $0x10;
	v60 =	vshll.u32 v2, $0x1;
	v7 =	vand.u32 $0x3F00, v2;
	vm1 =	vgt.s32 v5, $0x0  }
0x47: {  	s23 =	sadd.s32 $0xFFFFFFF0, s23;
	v2 =	vshrl.u32 v2, $0x7;
	v6 =	vmov s24;
	v5 =	vnsel vm1, $0x0, v5  }
0x48: {  	p0 =	sgt.s32 s23, $0x0;
	v4 =	vand.u32 $0xFE, v60;
	v2 =	vand.u32 $0x1, v2;
	v5 =	vmin.u32 v5, $0x222C  }
0x49: {  	s23 =	simm.s32 @!p0 $0x0;
	v4 =	vor.u32 v7, v4;
	vm1 =	vgt.u32 v6, v0;
	v61 =	vshll.u32 v5, $0x1  }
0x4a: {  	s23 =	smin.u32 s23, $0x10;
	v4 =	vshrl.u32 v4, $0x1;
	v62 =	vand.u32 $0x3F00, v5;
	v6 =	vand.u32 $0xFE, v61  }
0x4b: {  	v63 =	vmov s23;
	v4 =	vnsel vm1, $0x7FFFFFFF, v4;
	v6 =	vor.u32 v62, v6  }
0x4c: {  	[tilespmem:s22], [sflag:$0x3] =	stream.indirect_vreg.gather [hbm4b:s4+s11], $0x1, v1, vm0, $0x4038;
	[tilespmem:s19+$0x0] =	vst v2;
	vm1 =	vgt.u32 v63, v0;
	v2 =	vshrl.u32 v6, $0x1  }
0x4d: {  	(ifvalue) =	ssetifvalue $0x7FFFFFFF;
	v1 =	vshrl.u32 v5, $0x7;
	v2 =	vnsel vm1, $0x7FFFFFFF, v2  }
0x4e: {  	[tilespmem:s21], [sflag:$0x3] =	stream.indirect_vreg.gather [hbm4b:s4+s11], $0x1, v3, vm0, $0x4038;
	v1 =	vand.u32 $0x1, v1;
	[tilespmem:$0x600] =	vst v63  }
0x4f: {  	s31 =	sadd.s32 $0x10, s21;
	[tilespmem:s20+$0x0] =	vst v1;
	(ifvalue) =	ssetifvalue $0x7FFFFFFF  }
0x50: {  	[tilespmem:s31], [sflag:$0x3] =	stream.indirect_vreg.gather [hbm4b:s4+s11], $0x1, v4, vm0, $0x4038;
	[tilespmem:$0x600] =	vst v63  }
0x51: {  	s19 =	sadd.s32 $0x10, s31;
	(ifvalue) =	ssetifvalue $0x7FFFFFFF  }
0x52: {  	[tilespmem:s19], [sflag:$0x3] =	stream.indirect_vreg.gather [hbm4b:s4+s11], $0x1, v2, vm0, $0x4038;
	[tilespmem:$0x600] =	vst v63  }
.LBB2_5:
0x53: {  	p0 =	slt.u32 s17, $0x2  }
0x54: {  	p1 =	sge.u32 @!p0 s17, s10  }
0x55: {  	p0 =	por p0, p1  }
.Ltmp4:
0x56: {  	_ = 	snop;
	(pc) =	sbr.rel @p0 .LBB2_7-.Ltmp4, $1  }
0x57: {  	_ =	sdelay $0x3  }
0x58: {  	s19 =	sadd.s32 $0xFFFFFFFE, s17  }
0x59: {  	s20 =	smulhi.u32 $0xAAAAAAAB, s19;
	_ =	sdelay $0x1  }
0x5a: {  	s20 =	sshrl.u32 s20, $0x1  }
0x5b: {  	_ =	swait.ge [sflag:s8], $0x100;
	s20 =	smul.u32 $0x3, s20  }
0x5c: {  	s22 =	sand.u32 $0x1, s17;
	[sflag:s8] =	ssyncset.done $0x0  }
0x5d: {  	s26 =	sshll.u32 s22, $0x8;
	[sflag:s8] =	ssyncadd.s32 $0xFFFFFF00;
	s20 =	ssub.s32 s19, s20  }
0x5e: {  	v1 =	vld [tilespmem:s26+$0x300];
	s21 =	sshll.u32 s20, $0x8  }
0x5f: {  	v2 =	vld [tilespmem:s21+$0x0]  }
0x60: {  	v3 =	vld [tilespmem:s21+$0x80]  }
0x61: {  	v4 =	vld [tilespmem:s26+$0x380];
	_ =	sdelay $0x3  }
0x62: {  	v2 =	vshll.u32 v2, $0x4;
	v3 =	vshll.u32 v3, $0x4  }
0x63: {  	v1 =	vshrl.u32 v1, v2;
	v2 =	vshrl.u32 v4, v3  }
0x64: {  	v1 =	vand.u32 $0xFFFF, v1;
	v2 =	vshll.u32 v2, $0x10  }
0x65: {  	s28 =	sshll.u32 s22, $0x7;
	v1 =	vor.u32 v1, v2  }
0x66: {  	[tilespmem:s28+$0x500] =	vst v1  }
0x67: {  	v1 =	vld [tilespmem:s26+$0x310]  }
0x68: {  	v2 =	vld [tilespmem:s21+$0x10]  }
0x69: {  	v3 =	vld [tilespmem:s21+$0x90]  }
0x6a: {  	v57 =	vld [tilespmem:s26+$0x390];
	_ =	sdelay $0x3  }
0x6b: {  	v2 =	vshll.u32 v2, $0x4;
	v3 =	vshll.u32 v3, $0x4  }
0x6c: {  	v1 =	vshrl.u32 v1, v2;
	v2 =	vshrl.u32 v57, v3  }
0x6d: {  	v1 =	vand.u32 $0xFFFF, v1;
	v2 =	vshll.u32 v2, $0x10  }
0x6e: {  	v1 =	vor.u32 v1, v2  }
0x6f: {  	[tilespmem:s28+$0x510] =	vst v1  }
0x70: {  	v1 =	vld [tilespmem:s26+$0x320]  }
0x71: {  	v2 =	vld [tilespmem:s21+$0x20]  }
0x72: {  	v3 =	vld [tilespmem:s21+$0xA0]  }
0x73: {  	v58 =	vld [tilespmem:s26+$0x3A0];
	_ =	sdelay $0x3  }
0x74: {  	v2 =	vshll.u32 v2, $0x4;
	v3 =	vshll.u32 v3, $0x4  }
0x75: {  	v1 =	vshrl.u32 v1, v2;
	v2 =	vshrl.u32 v58, v3  }
0x76: {  	v1 =	vand.u32 $0xFFFF, v1;
	v2 =	vshll.u32 v2, $0x10  }
0x77: {  	v1 =	vor.u32 v1, v2  }
0x78: {  	[tilespmem:s28+$0x520] =	vst v1  }
0x79: {  	v1 =	vld [tilespmem:s26+$0x330]  }
0x7a: {  	v2 =	vld [tilespmem:s21+$0x30]  }
0x7b: {  	v3 =	vld [tilespmem:s21+$0xB0]  }
0x7c: {  	v59 =	vld [tilespmem:s26+$0x3B0];
	_ =	sdelay $0x3  }
0x7d: {  	v2 =	vshll.u32 v2, $0x4;
	v3 =	vshll.u32 v3, $0x4  }
0x7e: {  	v1 =	vshrl.u32 v1, v2;
	v2 =	vshrl.u32 v59, v3  }
0x7f: {  	v1 =	vand.u32 $0xFFFF, v1;
	v2 =	vshll.u32 v2, $0x10  }
0x80: {  	v1 =	vor.u32 v1, v2  }
0x81: {  	[tilespmem:s28+$0x530] =	vst v1  }
0x82: {  	v1 =	vld [tilespmem:s26+$0x340]  }
0x83: {  	v2 =	vld [tilespmem:s21+$0x40]  }
0x84: {  	v3 =	vld [tilespmem:s21+$0xC0]  }
0x85: {  	v60 =	vld [tilespmem:s26+$0x3C0];
	_ =	sdelay $0x3  }
0x86: {  	v2 =	vshll.u32 v2, $0x4;
	v3 =	vshll.u32 v3, $0x4  }
0x87: {  	v1 =	vshrl.u32 v1, v2;
	v2 =	vshrl.u32 v60, v3  }
0x88: {  	v1 =	vand.u32 $0xFFFF, v1;
	v2 =	vshll.u32 v2, $0x10  }
0x89: {  	v1 =	vor.u32 v1, v2  }
0x8a: {  	[tilespmem:s28+$0x540] =	vst v1  }
0x8b: {  	v1 =	vld [tilespmem:s26+$0x350]  }
0x8c: {  	v2 =	vld [tilespmem:s21+$0x50]  }
0x8d: {  	v3 =	vld [tilespmem:s21+$0xD0]  }
0x8e: {  	v61 =	vld [tilespmem:s26+$0x3D0];
	_ =	sdelay $0x3  }
0x8f: {  	v2 =	vshll.u32 v2, $0x4;
	v3 =	vshll.u32 v3, $0x4  }
0x90: {  	v1 =	vshrl.u32 v1, v2;
	v2 =	vshrl.u32 v61, v3  }
0x91: {  	v1 =	vand.u32 $0xFFFF, v1;
	v2 =	vshll.u32 v2, $0x10  }
0x92: {  	v1 =	vor.u32 v1, v2  }
0x93: {  	[tilespmem:s28+$0x550] =	vst v1  }
0x94: {  	v1 =	vld [tilespmem:s26+$0x360]  }
0x95: {  	v2 =	vld [tilespmem:s21+$0x60]  }
0x96: {  	v3 =	vld [tilespmem:s21+$0xE0]  }
0x97: {  	v62 =	vld [tilespmem:s26+$0x3E0];
	_ =	sdelay $0x3  }
0x98: {  	v2 =	vshll.u32 v2, $0x4;
	v3 =	vshll.u32 v3, $0x4  }
0x99: {  	v1 =	vshrl.u32 v1, v2;
	v2 =	vshrl.u32 v62, v3  }
0x9a: {  	v1 =	vand.u32 $0xFFFF, v1;
	v2 =	vshll.u32 v2, $0x10  }
0x9b: {  	v1 =	vor.u32 v1, v2  }
0x9c: {  	[tilespmem:s28+$0x560] =	vst v1  }
0x9d: {  	v1 =	vld [tilespmem:s26+$0x370]  }
0x9e: {  	v2 =	vld [tilespmem:s21+$0x70]  }
0x9f: {  	v3 =	vld [tilespmem:s21+$0xF0]  }
0xa0: {  	v63 =	vld [tilespmem:s26+$0x3F0];
	_ =	sdelay $0x3  }
0xa1: {  	v2 =	vshll.u32 v2, $0x4;
	v3 =	vshll.u32 v3, $0x4  }
.Ltmp5:
0xa2: {  	v1 =	vshrl.u32 v1, v2;
	v2 =	vshrl.u32 v63, v3;
	(pc) =	sbr.rel .LBB2_7-.Ltmp5, $4  }
0xa3: {  	v1 =	vand.u32 $0xFFFF, v1;
	v2 =	vshll.u32 v2, $0x10  }
0xa4: {  	s29 =	sshrl.u32 s18, $0x1;
	s30 =	sshrl.u32 s18, $0x4;
	v1 =	vor.u32 v1, v2  }
0xa5: {  	s18 =	sadd.s32 s7, s30;
	s31 =	sor.u32 $0x500, s28;
	s19 =	sand.u32 $0x7, s29;
	[tilespmem:s28+$0x570] =	vst v1  }
0xa6: {  	[hbm4b:s18+s19] =	stream.linear.scatter [tilespmem:s31], [sflag:$0x4], $0x80, $0x38;
	[tilespmem:$0x600] =	vst v63  }
.LBB2_8:
0xa7: {  	_ =	sfence.sel $0x180000  }
0xa8: {  	s2 =	simm.s32 $0x2;
	[bflag:$0x0] =	sbarrier.arrive $0xFFFF  }
0xa9: {  	s29 =	simm.s32 $0x3;
	[sflag:s2] =	ssyncpa.u1 $0x1  }
0xaa: {  	s30 =	simm.s32 $0x4;
	[sflag:s29] =	ssyncpa.u1 $0x1  }
0xab: {  	s31 =	simm.s32 $0x1;
	[sflag:s30] =	ssyncpa.u1 $0x1  }
0xac: {  	[sflag:s31] =	ssyncpa.u1 $0x1  }
0xad: {  	p0 =	sne.s32 s0, $0x0;
	_ =	strace $0x9000004A  }
0xae: {  	s0 =	sadd.s32 @!p0 $0x100000, s1;
	[bflag:$0x2] =	sbarrier.arrive $0xFFFF  }
0xaf: {  	[sflag:s0] =	ssyncadd.tile.s32 @!p0 $0x1;
	_ =	shalt  }
.Lfunc_end2:
_tile_overlayer_lowered:
.L_overlay_start_2:
0xb0: {  	(tag) =	ssettag $0x2  }
0xb1: {  	s0 =	rddreg [dreg:$0x0];
	s2 =	stileid.u32  }
0xb2: {  	s1 =	rddreg [dreg:$0x1];
	p0 =	sne.s32 s2, $0x0  }
0xb3: {  	s3 =	rddreg [dreg:$0x2];
	[bflag:$0x3] =	sbarrier.arrive $0xFFFF;
	s2 =	simm.s32 @!p0 $0x1C01  }
0xb4: {  	[timem:s3], [sflag:s2] =	dma.local @!p0 [hbm:s0], s1  }
0xb5: {  	s0 =	simm.s32 @!p0 $0x1  }
0xb6: {  	_ =	swait.ge @!p0 [sflag:s0], s1  }
0xb7: {  	s1 =	ssub.s32 @!p0 $0x0, s1;
	[sflag:s0] =	ssyncset.done @!p0 $0x0  }
0xb8: {  	[sflag:s0] =	ssyncadd.s32 @!p0 s1  }
0xb9: {  	[bflag:$0x3] =	sbarrier.arrive $0xFFFF  }
0xba: {  	_ =	shalt  }

// kernel: gather_offload_async_start.2
scs
__scs_entry_jumppad:
0x0: {  	(pc) =	sbr.rel $0x88, $3  }
0x1: {  	(tag) =	ssettag $0x0;
	lr =	simm.s32 $0x1  }
0x2: {  	[smem:$0x3F58] =	sst lr;
	_ =	strace $0xD0000000  }
0x3: {  	_ = 	snop  }
0x4: {  	_ = 	snop  }
0x5: {  	_ = 	snop  }
0x6: {  	_ = 	snop  }
0x7: {  	_ = 	snop  }
__scs_overlays_trampoline_lowered:
0x8: {  	[smem:$0x3F67] =	sst s0  }
0x9: {  	[smem:$0x3F68] =	sst s1  }
0xa: {  	[smem:$0x3F69] =	sst s2  }
0xb: {  	[smem:$0x3F6A] =	sst s3  }
0xc: {  	[smem:$0x3F6B] =	sst s4  }
0xd: {  	[smem:$0x3F6C] =	sst s5  }
0xe: {  	[smem:$0x3F6D] =	sst s6  }
0xf: {  	[smem:$0x3F6E] =	sst s7  }
0x10: {  	[smem:$0x3F6F] =	sst s8  }
0x11: {  	[smem:$0x3F70] =	sst s9;
	s0 =	simm.s32 @!p0 $0x0  }
0x12: {  	s1 =	sld [smem:$0x3F56];
	s0 =	simm.s32 @p0 $0x1  }
0x13: {  	[smem:$0x3F71] =	sst s0;
	s0 =	simm.s32 @!p1 $0x0  }
0x14: {  	s2 =	sld [smem:$0x3F55];
	s0 =	simm.s32 @p1 $0x1  }
0x15: {  	[smem:$0x3F72] =	sst s0;
	s0 =	simm.s32 @!p2 $0x0  }
0x16: {  	s3 =	sld [smem:$0x3FDB];
	s0 =	simm.s32 @p2 $0x1  }
0x17: {  	s4 =	simm.s32 $0x1BF5;
	[smem:$0x3F74] =	sst s0  }
0x18: {  	s0 =	sld [smem:$0x3F57];
	_ =	swait.ge [sflag:s4], $0x0  }
0x19: {  	s7 =	sld [smem:$0x3F58]  }
0x1a: {  	s8 =	sadd.s32 $0xFFFFE003, lr  }
0x1b: {  	s9 =	sadd.s32 $0xFFFFFEF7, lr;
	s5 =	simm.s32 $0xFFFFFFFF;
	p2 =	slt.u32 s8, $0xFFFFF086  }
0x1c: {  	p1 =	slt.u32 s9, $0xF7A;
	s5 =	simm.s32 @!p2 $0x0  }
0x1d: {  	s5 =	simm.s32 @p1 $0x1;
	p0 =	seq.s32 s7, s2  }
0x1e: {  	s7 =	smul.u32 @!p0 $0xF7A, s2;
	p2 =	seq.s32 @!p0 s5, $0x0  }
0x1f: {  	s9 =	smul.u32 $0xF7A, s1;
	s8 =	simm.s32 @!p0 $0x1BF5;
	p2 =	por !p2, p0  }
0x20: {  	[sflag:s8] =	ssyncset.s32 @!p0 $0xFFFFF086;
	s6 =	sadd.s32 @!p0 s3, s7;
	s7 =	simm.s32 @!p0 $0x108  }
0x21: {  	s3 =	sadd.s32 s3, s9;
	s6 =	sadd.s32 @!p0 $0x88, s6;
	s7 =	simm.s32 @p2 $0x1082  }
0x22: {  	[simem:s7], [sflag:s8] =	dma.local @!p0 [hbm:s6], $0xF7A  }
0x23: {  	s9 =	sor.u32 $0xD0000000, s2;
	s6 =	simm.s32 $0x108;
	_ =	swait.ge @!p0 [sflag:s8], $0x0  }
0x24: {  	s3 =	sadd.s32 $0x88, s3;
	s6 =	simm.s32 @!p1 $0x1082;
	[sflag:s4] =	ssyncset.s32 $0xFFFFF086  }
0x25: {  	[simem:s6], [sflag:s4] =	dma.local [hbm:s3], $0xF7A  }
0x26: {  	[smem:$0x3F58] =	sst s1;
	(tag) =	ssettag s2;
	_ =	strace s9  }
0x27: {  	s1 =	sld [smem:$0x3F68]  }
0x28: {  	s2 =	sld [smem:$0x3F69]  }
0x29: {  	s4 =	sld [smem:$0x3F6B]  }
0x2a: {  	p0 =	seq.s32 s5, $0x0;
	s5 =	sld [smem:$0x3F6C]  }
0x2b: {  	s6 =	sld [smem:$0x3F6D]  }
0x2c: {  	s7 =	sld [smem:$0x3F6E]  }
0x2d: {  	s3 =	simm.s32 $0x108;
	s8 =	sld [smem:$0x3F6F]  }
0x2e: {  	s3 =	simm.s32 @!p0 $0x1082;
	s9 =	sld [smem:$0x3F70]  }
0x2f: {  	lr =	sadd.s32 s0, s3;
	s0 =	sld [smem:$0x3F67]  }
0x30: {  	s3 =	sld [smem:$0x3F6A]  }
0x31: {  	[smem:$0x3F73] =	sst s10  }
0x32: {  	s10 =	sld [smem:$0x3F71];
	_ =	sdelay $0x3  }
0x33: {  	p0 =	seq.s32 s10, $0x1;
	s10 =	sld [smem:$0x3F73];
	_ =	sdelay $0x3  }
0x34: {  	[smem:$0x3F73] =	sst s10  }
0x35: {  	s10 =	sld [smem:$0x3F72];
	_ =	sdelay $0x3  }
0x36: {  	p1 =	seq.s32 s10, $0x1;
	s10 =	sld [smem:$0x3F73];
	_ =	sdelay $0x3  }
0x37: {  	[smem:$0x3F73] =	sst s10  }
0x38: {  	s10 =	sld [smem:$0x3F74]  }
0x39: {  	_ = 	snop;
	(pc) =	sbr.ind lr, $3  }
0x3a: {  	_ = 	snop  }
0x3b: {  	_ = 	snop  }
0x3c: {  	p2 =	seq.s32 s10, $0x1;
	s10 =	sld [smem:$0x3F73]  }
0x3d: {  	_ =	shalt  }
0x3e: {  	_ =	shalt  }
0x3f: {  	_ =	shalt  }
0x40: {  	_ =	shalt  }
0x41: {  	_ =	shalt  }
0x42: {  	_ =	shalt  }
0x43: {  	_ =	shalt  }
0x44: {  	_ =	shalt  }
0x45: {  	_ =	shalt  }
0x46: {  	_ =	shalt  }
0x47: {  	_ =	shalt  }
0x48: {  	_ =	shalt  }
0x49: {  	_ =	shalt  }
0x4a: {  	_ =	shalt  }
0x4b: {  	_ =	shalt  }
0x4c: {  	_ =	shalt  }
0x4d: {  	_ =	shalt  }
0x4e: {  	_ =	shalt  }
0x4f: {  	_ =	shalt  }
0x50: {  	_ =	shalt  }
0x51: {  	_ =	shalt  }
0x52: {  	_ =	shalt  }
0x53: {  	_ =	shalt  }
0x54: {  	_ =	shalt  }
0x55: {  	_ =	shalt  }
0x56: {  	_ =	shalt  }
0x57: {  	_ =	shalt  }
0x58: {  	_ =	shalt  }
0x59: {  	_ =	shalt  }
0x5a: {  	_ =	shalt  }
0x5b: {  	_ =	shalt  }
0x5c: {  	_ =	shalt  }
0x5d: {  	_ =	shalt  }
0x5e: {  	_ =	shalt  }
0x5f: {  	_ =	shalt  }
0x60: {  	_ =	shalt  }
0x61: {  	_ =	shalt  }
0x62: {  	_ =	shalt  }
0x63: {  	_ =	shalt  }
0x64: {  	_ =	shalt  }
0x65: {  	_ =	shalt  }
0x66: {  	_ =	shalt  }
0x67: {  	_ =	shalt  }
0x68: {  	_ =	shalt  }
0x69: {  	_ =	shalt  }
0x6a: {  	_ =	shalt  }
0x6b: {  	_ =	shalt  }
0x6c: {  	_ =	shalt  }
0x6d: {  	_ =	shalt  }
0x6e: {  	_ =	shalt  }
0x6f: {  	_ =	shalt  }
0x70: {  	_ =	shalt  }
0x71: {  	_ =	shalt  }
0x72: {  	_ =	shalt  }
0x73: {  	_ =	shalt  }
0x74: {  	_ =	shalt  }
0x75: {  	_ =	shalt  }
0x76: {  	_ =	shalt  }
0x77: {  	_ =	shalt  }
0x78: {  	_ =	shalt  }
0x79: {  	_ =	shalt  }
0x7a: {  	_ =	shalt  }
0x7b: {  	_ =	shalt  }
0x7c: {  	_ =	shalt  }
0x7d: {  	_ =	shalt  }
0x7e: {  	_ =	shalt  }
0x7f: {  	_ =	shalt  }
0x80: {  	_ =	shalt  }
0x81: {  	_ =	shalt  }
0x82: {  	_ =	shalt  }
0x83: {  	_ =	shalt  }
0x84: {  	_ =	shalt  }
0x85: {  	_ =	shalt  }
0x86: {  	_ =	shalt  }
0x87: {  	_ =	shalt  }
.Lfunc_end0:
.L_simem_size_0:
called_computation.6_lowered:
.L_overlay_start_0:
0x88: {  	s0 =	sld [smem:$0x3FD9]  }
0x89: {  	s1 =	sld [smem:$0x3FFE];
	_ =	sdelay $0x3  }
0x8a: {  	s0 =	sadd.s32 s1, s0  }
0x8b: {  	[smem:$0x3F7F] =	sst s0  }
0x8c: {  	_ = 	snop  }
0x8d: {  	(tm) =	ssettm $0x1  }
0x8e: {  	s15 =	sld [smem:$0x3FFB];
	_ =	sdelay $0x3  }
0x8f: {  	_ =	strace s15  }
0x90: {  	s0 =	sld [smem:$0x3FFC];
	_ =	sdelay $0x3  }
0x91: {  	_ =	strace s0  }
0x92: {  	s0 =	sld [smem:$0x3FFD];
	_ =	sdelay $0x3  }
0x93: {  	_ =	strace s0  }
0x94: {  	_ =	strace $0x8FFFFFFF  }
0x95: {  	s16 =	sld [smem:$0x3FDB];
	_ =	sdelay $0x1  }
0x96: {  	s17 =	simm.s32 $_scs_section_size  }
0x97: {  	s2 =	simm.s32 $_size__tile_overlayer_lowered;
	s3 =	simm.s32 $_tile_overlayer_lowered  }
0x98: {  	s20 =	simm.s32 $0x1BFF;
	s19 =	sshll.u32 s3, $0x1;
	s0 =	sadd.s32 s17, s16  }
0x99: {  	s4 =	simm.s32 $0x0;
	s18 =	sshll.u32 s2, $0x1;
	s2 =	sadd.s32 s19, s0  }
0x9a: {  	[timem:s4], [sflag:s20] =	dma.local [hbm:s2], s18  }
0x9b: {  	_ =	swait.ge [sflag:s20], s18  }
0x9c: {  	s1 =	ssub.s32 $0x0, s18;
	[sflag:s20] =	ssyncset.done $0x0  }
0x9d: {  	[sflag:s20] =	ssyncadd.s32 s1;
	_ =	sdelay $0x1  }
0x9e: {  	s21 =	simm.s32 $0x1B8B  }
0x9f: {  	_ =	swait.ge [sflag:s21], $0x1  }
0xa0: {  	[sflag:s21] =	ssyncset.done $0x0  }
0xa1: {  	s23 =	simm.s32 $0x1B8E;
	s22 =	sld [smem:$0x3FFE];
	[sflag:s21] =	ssyncadd.s32 $0xFFFFFFFF  }
0xa2: {  	s24 =	simm.s32 $execute0_lowered;
	[smem:$0x3FD2] =	sst s23  }
0xa3: {  	s2 =	sshll.u32 s24, $0x1;
	_ =	strace $0x8000004C;
	[dreg:$0x1] =	wrdreg $0xFFFFFFFF  }
0xa4: {  	s25 =	simm.s32 $_size_execute0_lowered;
	s0 =	sadd.s32 s0, s2;
	[dreg:$0x0] =	wrdreg $0x0  }
0xa5: {  	s2 =	sshll.u32 s25, $0x1;
	[dreg:$0x2] =	wrdreg s0  }
0xa6: {  	[dreg:$0x3] =	wrdreg s2  }
0xa7: {  	[dreg:$0x4] =	wrdreg $0xC0  }
0xa8: {  	_ =	task [dreg:s4], $0x5FFFF  }
0xa9: {  	[dreg:$0x1] =	wrdreg $0xFFFFFFFF  }
0xaa: {  	[dreg:$0x0] =	wrdreg $0x60  }
0xab: {  	[dreg:$0x2] =	wrdreg s22  }
0xac: {  	[dreg:$0x3] =	wrdreg $0xB  }
0xad: {  	_ =	task.clear_ibuf [dreg:s4], $0x4FFFF;
	_ =	strace $0x9000004C  }
0xae: {  	s26 =	simm.s32 $0xB;
	_ =	strace $0x8000004E  }
0xaf: {  	_ =	swait.ge [sflag:s26], $0x1  }
0xb0: {  	[sflag:s26] =	ssyncadd.s32 $0xFFFFFFFF  }
0xb1: {  	_ =	strace $0x9000004E  }
0xb2: {  	_ =	sfence  }
0xb3: {  	s28 =	sld [smem:$0x0];
	_ =	sdelay $0x1  }
0xb4: {  	s29 =	srdreg.scid  }
0xb5: {  	s30 =	sshll.u32 s29, $0xD;
	s31 =	sshrl.u32 s29, $0x2  }
0xb6: {  	s1 =	sand.u32 $0x1, s29;
	s2 =	sand.u32 $0x4000, s30;
	s0 =	sadd.s32 s31, s28  }
0xb7: {  	s1 =	sor.u32 s2, s1;
	s0 =	sshll.u32 s0, $0x11  }
0xb8: {  	s0 =	sor.u32 s0, s1  }
0xb9: {  	s0 =	sadd.s32 $0x8F2B, s0  }
0xba: {  	[sflag:s0] =	ssyncadd.remote.s32 $0x1  }
0xbb: {  	_ =	sfence.sel $0xFFFF  }
0xbc: {  	[dreg:$0x0] =	wrdreg $0xFFFFFFFF;
	(pc) =	sbr.abs _section_cstart, $3  }
0xbd: {  	[dreg:$0x1] =	wrdreg $0xFFFFFFFF  }
0xbe: {  	_ =	task.clear_ibuf [dreg:s4], $0x2FFFF;
	_ =	strace $0x9FFFFFFF  }
0xbf: {  	(tm) =	ssettm $0x7FFFFFFF  }
tec
execute0_lowered:
.L_overlay_start_1:
0x0: {  	(tag) =	ssettag $0x1  }
0x1: {  	s0 =	stileid.u32;
	s1 =	simm.s32 $0x500  }
0x2: {  	s7 =	rddreg [dreg:$0x0];
	s6 =	simm.s32 $0x1;
	s8 =	simm.s32 $0x3  }
0x3: {  	s11 =	simm.s32 $0x4;
	s2 =	smul.u32 $0x600, s0;
	p0 =	seq.s32 s0, $0xF  }
0x4: {  	s12 =	simm.s32 $0xFFFFFE00;
	s13 =	simm.s32 $0xFFFFFF00;
	s1 =	simm.s32 @!p0 $0x600  }
0x5: {  	s14 =	simm.s32 $0xFFFFFFFF;
	s18 =	simm.s32 $0x0;
	s3 =	sadd.s32 s2, s1  }
0x6: {  	s15 =	simm.s32 $0x0;
	s17 =	simm.s32 $0x0;
	s3 =	smin.u32 s3, $0x5E80  }
0x7: {  	s4 =	sadd.s32 $0xA600, s7;
	s5 =	sadd.s32 $0x9400, s7;
	s9 =	ssub.s32 s3, s2  }
0x8: {  	s7 =	sadd.s32 $0x7400, s7;
	s1 =	rddreg [dreg:$0x1];
	p0 =	sgt.s32 s9, $0x0  }
.Ltmp0:
0x9: {  	_ =	strace $0x8000004D;
	s9 =	simm.s32 @!p0 $0x0;
	(pc) =	sbr.rel .LBB2_1-.Ltmp0, $4  }
0xa: {  	[sflag:s6] =	ssyncpa.u1 $0x0;
	s6 =	simm.s32 $0x2;
	s10 =	sshrl.u32 s9, $0x7  }
0xb: {  	[sflag:s6] =	ssyncpa.u1 $0x0;
	s9 =	sshrl.u32 s9, $0x8;
	s10 =	sand.u32 $0x1, s10  }
0xc: {  	s16 =	smov.u32 s2;
	[sflag:s8] =	ssyncpa.u1 $0x0;
	s9 =	sadd.s32 s9, s10  }
0xd: {  	v0 =	vlaneseq.u32;
	vm0 =	vmmov $0xffff;
	[sflag:s11] =	ssyncpa.u1 $0x0;
	s11 =	simm.s32 $0x0;
	s10 =	sadd.s32 $0x2, s9  }
.LBB2_7:
0xe: {  	p0 =	slt.u32 s17, $0x3  }
0xf: {  	s18 =	simm.s32 @!p0 $0x4  }
0x10: {  	_ =	swait.ge @!p0 [sflag:s18], $0x80  }
0x11: {  	s19 =	sadd.s32 $0x100, s16;
	[sflag:s18] =	ssyncset.done @!p0 $0x0  }
0x12: {  	s20 =	smov.u32 s2;
	[sflag:s18] =	ssyncadd.s32 @!p0 $0xFFFFFF80;
	p0 =	slt.s32 s19, s3  }
0x13: {  	s20 =	smov.u32 @p0 s19;
	p0 =	sne.s32 s17, s10  }
.Ltmp1:
0x14: {  	_ = 	snop;
	(pc) =	sbr.rel @!p0 .LBB2_8-.Ltmp1, $4  }
0x15: {  	_ = 	snop  }
0x16: {  	s31 =	sadd.s32 $0x1, s17;
	s12 =	sadd.s32 $0x200, s12  }
0x17: {  	s13 =	sadd.s32 $0x100, s13;
	s14 =	sadd.s32 $0x1, s14;
	s18 =	smov.u32 s15  }
0x18: {  	s15 =	smov.u32 s16;
	s17 =	smov.u32 s31;
	s16 =	smov.u32 s20  }
.LBB2_1:
0x19: {  	p0 =	sge.u32 s17, s9  }
0x1a: {  	s19 =	smulhi.u32 @!p0 $0xAAAAAAAB, s17;
	_ =	sdelay $0x1  }
0x1b: {  	s19 =	sshrl.u32 @!p0 s19, $0x1  }
0x1c: {  	s19 =	smul.u32 @!p0 $0x3, s19;
	_ =	sdelay $0x1  }
0x1d: {  	s31 =	sadd.s32 $0xFFFFFFFF, s17;
	s20 =	sshrl.u32 @!p0 s16, $0x3;
	s19 =	ssub.s32 @!p0 s17, s19  }
0x1e: {  	s21 =	sand.u32 @!p0 $0x7, s16;
	s20 =	sadd.s32 @!p0 s5, s20;
	s19 =	sshll.u32 @!p0 s19, $0x8  }
0x1f: {  	[tilespmem:s19], [sflag:$0x2] =	stream.linear.gather @!p0 [hbm4b:s20+s21], $0x100, $0x38;
	[tilespmem:$0x600] =	vst v63  }
0x20: {  	p0 =	sge.u32 s31, s9  }
.Ltmp2:
0x21: {  	_ = 	snop;
	(pc) =	sbr.rel @p0 .LBB2_5-.Ltmp2, $1  }
0x22: {  	_ =	sdelay $0x3  }
0x23: {  	s19 =	smulhi.u32 $0xAAAAAAAB, s14;
	_ =	sdelay $0x1  }
0x24: {  	s19 =	sshrl.u32 s19, $0x1  }
0x25: {  	s19 =	smul.u32 $0xFFFFF400, s19;
	_ =	sdelay $0x1  }
0x26: {  	_ =	swait.ge [sflag:s6], $0x100;
	s19 =	sshra.s32 s19, $0x2  }
0x27: {  	[sflag:s6] =	ssyncset.done $0x0;
	s20 =	sadd.s32 s19, s13  }
0x28: {  	[sflag:s6] =	ssyncadd.s32 $0xFFFFFF00;
	(ifvalue) =	ssetifvalue $0x7FFFFFFF;
	v1 =	vld.msk [tilespmem:s20+$0x0 ss:$0x1], $0xffff  }
0x29: {  	s21 =	sadd.s32 $0x10, s20  }
0x2a: {  	v2 =	vld.msk [tilespmem:s21+$0x0 ss:$0x1], $0xffff;
	_ =	sdelay $0x1  }
0x2b: {  	s19 =	ssub.s32 $0x5E80, s15  }
0x2c: {  	p0 =	slt.s32 s19, $0x100;
	vm1 =	vgt.s32 v1, $0x0  }
0x2d: {  	s19 =	simm.s32 @!p0 $0x100;
	v1 =	vnsel vm1, $0x0, v1  }
0x2e: {  	p0 =	sgt.s32 s19, $0x0;
	s22 =	smov.u32 s19;
	vm1 =	vgt.s32 v2, $0x0;
	v1 =	vmin.u32 v1, $0x3528  }
0x2f: {  	s22 =	simm.s32 @!p0 $0x0;
	v2 =	vnsel vm1, $0x0, v2;
	v4 =	vshll.u32 v1, $0x1  }
0x30: {  	s22 =	smin.u32 s22, $0x10;
	v3 =	vshrl.u32 v1, $0x7;
	v1 =	vand.u32 $0x3F00, v1;
	v4 =	vand.u32 $0xFE, v4  }
0x31: {  	v5 =	vmin.u32 v2, $0x3528;
	v2 =	vmov s22;
	v1 =	vor.u32 v1, v4  }
0x32: {  	vm1 =	vgt.u32 v2, v0;
	v1 =	vshrl.u32 v1, $0x1  }
0x33: {  	s30 =	sshrl.u32 s12, $0x1;
	s23 =	sadd.s32 $0xFFFFFFF0, s19;
	v1 =	vnsel vm1, $0x7FFFFFFF, v1  }
0x34: {  	s19 =	sadd.s32 $0x10, s21;
	p0 =	sgt.s32 s23, $0x0;
	s25 =	smov.u32 s23;
	v3 =	vand.u32 $0x1, v3  }
0x35: {  	s31 =	sand.u32 $0x100, s30;
	s25 =	simm.s32 @!p0 $0x0;
	v2 =	vld.msk [tilespmem:s19+$0x0 ss:$0x1], $0xffff;
	v4 =	vshrl.u32 v5, $0x7;
	[tilespmem:s20+$0x0] =	vst v3;
	v3 =	vshll.u32 v5, $0x1  }
0x36: {  	s24 =	simm.s32 $0x30;
	s25 =	smin.u32 s25, $0x10;
	s22 =	sadd.s32 $0x300, s31;
	v5 =	vand.u32 $0x3F00, v5;
	v4 =	vand.u32 $0x1, v4;
	v6 =	vand.u32 $0xFE, v3  }
0x37: {  	s20 =	sadd.s32 $0x10, s19;
	v3 =	vmov s25;
	[tilespmem:s21+$0x0] =	vst v4;
	v4 =	vor.u32 v5, v6;
	(ifvalue) =	ssetifvalue $0x7FFFFFFF;
	s21 =	sadd.s32 $0x10, s22  }
.LBB2_3:
0x38: {  	[tilespmem:s22], [sflag:$0x3] =	stream.indirect_vreg.gather [hbm4b:s4+s11], $0x1, v1, vm0, $0x4038;
	[tilespmem:$0x600] =	vst v63  }
0x39: {  	s24 =	sadd.s32 $0x10, s24  }
0x3a: {  	vm1 =	vgt.s32 v2, $0x0;
	vm2 =	vgt.u32 v3, v0;
	v3 =	vshrl.u32 v4, $0x1;
	v1 =	vmovc v2;
	v2 =	vld.msk [tilespmem:s20+$0x0 ss:$0x1], $0xffff;
	p0 =	slt.u32 s24, $0xF0  }
.Ltmp3:
0x3b: {  	s23 =	sadd.s32 $0xFFFFFFF0, s23;
	v4 =	vnsel vm1, $0x0, v1;
	v1 =	vnsel vm2, $0x7FFFFFFF, v3;
	(pc) =	sbr.rel @p0 .LBB2_3-.Ltmp3, $4  }
0x3c: {  	s25 =	smov.u32 s19;
	p1 =	sgt.s32 s23, $0x0;
	s26 =	smov.u32 s23;
	v3 =	vmin.u32 v4, $0x3528  }
0x3d: {  	s19 =	smov.u32 s20;
	s22 =	smov.u32 s21;
	s26 =	simm.s32 @!p1 $0x0;
	v4 =	vshrl.u32 v3, $0x7;
	v5 =	vshll.u32 v3, $0x1  }
0x3e: {  	s26 =	smin.u32 s26, $0x10;
	v6 =	vand.u32 $0x1, v4;
	v4 =	vand.u32 $0x3F00, v3;
	v5 =	vand.u32 $0xFE, v5  }
0x3f: {  	s20 =	sadd.s32 $0x10, s20;
	s21 =	sadd.s32 $0x10, s21;
	v3 =	vmov s26;
	v4 =	vor.u32 v4, v5;
	[tilespmem:s25+$0x0] =	vst v6;
	(ifvalue) =	ssetifvalue $0x7FFFFFFF  }
0x40: {  	v5 =	vld.msk [tilespmem:s20+$0x0 ss:$0x1], $0xffff;
	_ =	sdelay $0x1  }
0x41: {  	s23 =	sadd.s32 $0xFFFFFFF0, s23;
	vm1 =	vgt.s32 v2, $0x0  }
0x42: {  	p0 =	sgt.s32 s23, $0x0;
	s24 =	smov.u32 s23;
	v2 =	vnsel vm1, $0x0, v2;
	vm1 =	vgt.u32 v3, v0;
	v3 =	vshrl.u32 v4, $0x1  }
0x43: {  	s24 =	simm.s32 @!p0 $0x0;
	v2 =	vmin.u32 v2, $0x3528;
	v3 =	vnsel vm1, $0x7FFFFFFF, v3  }
0x44: {  	s24 =	smin.u32 s24, $0x10;
	v60 =	vshll.u32 v2, $0x1;
	v7 =	vand.u32 $0x3F00, v2;
	vm1 =	vgt.s32 v5, $0x0  }
0x45: {  	s23 =	sadd.s32 $0xFFFFFFF0, s23;
	v2 =	vshrl.u32 v2, $0x7;
	v6 =	vmov s24;
	v5 =	vnsel vm1, $0x0, v5  }
0x46: {  	p0 =	sgt.s32 s23, $0x0;
	v4 =	vand.u32 $0xFE, v60;
	v2 =	vand.u32 $0x1, v2;
	v5 =	vmin.u32 v5, $0x3528  }
0x47: {  	s23 =	simm.s32 @!p0 $0x0;
	v4 =	vor.u32 v7, v4;
	vm1 =	vgt.u32 v6, v0;
	v61 =	vshll.u32 v5, $0x1  }
0x48: {  	s23 =	smin.u32 s23, $0x10;
	v4 =	vshrl.u32 v4, $0x1;
	v62 =	vand.u32 $0x3F00, v5;
	v6 =	vand.u32 $0xFE, v61  }
0x49: {  	v63 =	vmov s23;
	v4 =	vnsel vm1, $0x7FFFFFFF, v4;
	v6 =	vor.u32 v62, v6  }
0x4a: {  	[tilespmem:s22], [sflag:$0x3] =	stream.indirect_vreg.gather [hbm4b:s4+s11], $0x1, v1, vm0, $0x4038;
	[tilespmem:s19+$0x0] =	vst v2;
	vm1 =	vgt.u32 v63, v0;
	v2 =	vshrl.u32 v6, $0x1  }
0x4b: {  	(ifvalue) =	ssetifvalue $0x7FFFFFFF;
	v1 =	vshrl.u32 v5, $0x7;
	v2 =	vnsel vm1, $0x7FFFFFFF, v2  }
0x4c: {  	[tilespmem:s21], [sflag:$0x3] =	stream.indirect_vreg.gather [hbm4b:s4+s11], $0x1, v3, vm0, $0x4038;
	v1 =	vand.u32 $0x1, v1;
	[tilespmem:$0x600] =	vst v63  }
0x4d: {  	s31 =	sadd.s32 $0x10, s21;
	[tilespmem:s20+$0x0] =	vst v1;
	(ifvalue) =	ssetifvalue $0x7FFFFFFF  }
0x4e: {  	[tilespmem:s31], [sflag:$0x3] =	stream.indirect_vreg.gather [hbm4b:s4+s11], $0x1, v4, vm0, $0x4038;
	[tilespmem:$0x600] =	vst v63  }
0x4f: {  	s19 =	sadd.s32 $0x10, s31;
	(ifvalue) =	ssetifvalue $0x7FFFFFFF  }
0x50: {  	[tilespmem:s19], [sflag:$0x3] =	stream.indirect_vreg.gather [hbm4b:s4+s11], $0x1, v2, vm0, $0x4038;
	[tilespmem:$0x600] =	vst v63  }
.LBB2_5:
0x51: {  	p0 =	slt.u32 s17, $0x2  }
0x52: {  	p1 =	sge.u32 @!p0 s17, s10  }
0x53: {  	p0 =	por p0, p1  }
.Ltmp4:
0x54: {  	_ = 	snop;
	(pc) =	sbr.rel @p0 .LBB2_7-.Ltmp4, $1  }
0x55: {  	_ =	sdelay $0x3  }
0x56: {  	s19 =	sadd.s32 $0xFFFFFFFE, s17  }
0x57: {  	s20 =	smulhi.u32 $0xAAAAAAAB, s19;
	_ =	sdelay $0x1  }
0x58: {  	s20 =	sshrl.u32 s20, $0x1  }
0x59: {  	_ =	swait.ge [sflag:s8], $0x100;
	s20 =	smul.u32 $0x3, s20  }
0x5a: {  	s22 =	sand.u32 $0x1, s17;
	[sflag:s8] =	ssyncset.done $0x0  }
0x5b: {  	s26 =	sshll.u32 s22, $0x8;
	[sflag:s8] =	ssyncadd.s32 $0xFFFFFF00;
	s20 =	ssub.s32 s19, s20  }
0x5c: {  	v1 =	vld [tilespmem:s26+$0x300];
	s21 =	sshll.u32 s20, $0x8  }
0x5d: {  	v2 =	vld [tilespmem:s21+$0x0]  }
0x5e: {  	v3 =	vld [tilespmem:s21+$0x80]  }
0x5f: {  	v4 =	vld [tilespmem:s26+$0x380];
	_ =	sdelay $0x3  }
0x60: {  	v2 =	vshll.u32 v2, $0x4;
	v3 =	vshll.u32 v3, $0x4  }
0x61: {  	v1 =	vshrl.u32 v1, v2;
	v2 =	vshrl.u32 v4, v3  }
0x62: {  	v1 =	vand.u32 $0xFFFF, v1;
	v2 =	vshll.u32 v2, $0x10  }
0x63: {  	s28 =	sshll.u32 s22, $0x7;
	v1 =	vor.u32 v1, v2  }
0x64: {  	[tilespmem:s28+$0x500] =	vst v1  }
0x65: {  	v1 =	vld [tilespmem:s26+$0x310]  }
0x66: {  	v2 =	vld [tilespmem:s21+$0x10]  }
0x67: {  	v3 =	vld [tilespmem:s21+$0x90]  }
0x68: {  	v57 =	vld [tilespmem:s26+$0x390];
	_ =	sdelay $0x3  }
0x69: {  	v2 =	vshll.u32 v2, $0x4;
	v3 =	vshll.u32 v3, $0x4  }
0x6a: {  	v1 =	vshrl.u32 v1, v2;
	v2 =	vshrl.u32 v57, v3  }
0x6b: {  	v1 =	vand.u32 $0xFFFF, v1;
	v2 =	vshll.u32 v2, $0x10  }
0x6c: {  	v1 =	vor.u32 v1, v2  }
0x6d: {  	[tilespmem:s28+$0x510] =	vst v1  }
0x6e: {  	v1 =	vld [tilespmem:s26+$0x320]  }
0x6f: {  	v2 =	vld [tilespmem:s21+$0x20]  }
0x70: {  	v3 =	vld [tilespmem:s21+$0xA0]  }
0x71: {  	v58 =	vld [tilespmem:s26+$0x3A0];
	_ =	sdelay $0x3  }
0x72: {  	v2 =	vshll.u32 v2, $0x4;
	v3 =	vshll.u32 v3, $0x4  }
0x73: {  	v1 =	vshrl.u32 v1, v2;
	v2 =	vshrl.u32 v58, v3  }
0x74: {  	v1 =	vand.u32 $0xFFFF, v1;
	v2 =	vshll.u32 v2, $0x10  }
0x75: {  	v1 =	vor.u32 v1, v2  }
0x76: {  	[tilespmem:s28+$0x520] =	vst v1  }
0x77: {  	v1 =	vld [tilespmem:s26+$0x330]  }
0x78: {  	v2 =	vld [tilespmem:s21+$0x30]  }
0x79: {  	v3 =	vld [tilespmem:s21+$0xB0]  }
0x7a: {  	v59 =	vld [tilespmem:s26+$0x3B0];
	_ =	sdelay $0x3  }
0x7b: {  	v2 =	vshll.u32 v2, $0x4;
	v3 =	vshll.u32 v3, $0x4  }
0x7c: {  	v1 =	vshrl.u32 v1, v2;
	v2 =	vshrl.u32 v59, v3  }
0x7d: {  	v1 =	vand.u32 $0xFFFF, v1;
	v2 =	vshll.u32 v2, $0x10  }
0x7e: {  	v1 =	vor.u32 v1, v2  }
0x7f: {  	[tilespmem:s28+$0x530] =	vst v1  }
0x80: {  	v1 =	vld [tilespmem:s26+$0x340]  }
0x81: {  	v2 =	vld [tilespmem:s21+$0x40]  }
0x82: {  	v3 =	vld [tilespmem:s21+$0xC0]  }
0x83: {  	v60 =	vld [tilespmem:s26+$0x3C0];
	_ =	sdelay $0x3  }
0x84: {  	v2 =	vshll.u32 v2, $0x4;
	v3 =	vshll.u32 v3, $0x4  }
0x85: {  	v1 =	vshrl.u32 v1, v2;
	v2 =	vshrl.u32 v60, v3  }
0x86: {  	v1 =	vand.u32 $0xFFFF, v1;
	v2 =	vshll.u32 v2, $0x10  }
0x87: {  	v1 =	vor.u32 v1, v2  }
0x88: {  	[tilespmem:s28+$0x540] =	vst v1  }
0x89: {  	v1 =	vld [tilespmem:s26+$0x350]  }
0x8a: {  	v2 =	vld [tilespmem:s21+$0x50]  }
0x8b: {  	v3 =	vld [tilespmem:s21+$0xD0]  }
0x8c: {  	v61 =	vld [tilespmem:s26+$0x3D0];
	_ =	sdelay $0x3  }
0x8d: {  	v2 =	vshll.u32 v2, $0x4;
	v3 =	vshll.u32 v3, $0x4  }
0x8e: {  	v1 =	vshrl.u32 v1, v2;
	v2 =	vshrl.u32 v61, v3  }
0x8f: {  	v1 =	vand.u32 $0xFFFF, v1;
	v2 =	vshll.u32 v2, $0x10  }
0x90: {  	v1 =	vor.u32 v1, v2  }
0x91: {  	[tilespmem:s28+$0x550] =	vst v1  }
0x92: {  	v1 =	vld [tilespmem:s26+$0x360]  }
0x93: {  	v2 =	vld [tilespmem:s21+$0x60]  }
0x94: {  	v3 =	vld [tilespmem:s21+$0xE0]  }
0x95: {  	v62 =	vld [tilespmem:s26+$0x3E0];
	_ =	sdelay $0x3  }
0x96: {  	v2 =	vshll.u32 v2, $0x4;
	v3 =	vshll.u32 v3, $0x4  }
0x97: {  	v1 =	vshrl.u32 v1, v2;
	v2 =	vshrl.u32 v62, v3  }
0x98: {  	v1 =	vand.u32 $0xFFFF, v1;
	v2 =	vshll.u32 v2, $0x10  }
0x99: {  	v1 =	vor.u32 v1, v2  }
0x9a: {  	[tilespmem:s28+$0x560] =	vst v1  }
0x9b: {  	v1 =	vld [tilespmem:s26+$0x370]  }
0x9c: {  	v2 =	vld [tilespmem:s21+$0x70]  }
0x9d: {  	v3 =	vld [tilespmem:s21+$0xF0]  }
0x9e: {  	v63 =	vld [tilespmem:s26+$0x3F0];
	_ =	sdelay $0x3  }
0x9f: {  	v2 =	vshll.u32 v2, $0x4;
	v3 =	vshll.u32 v3, $0x4  }
.Ltmp5:
0xa0: {  	v1 =	vshrl.u32 v1, v2;
	v2 =	vshrl.u32 v63, v3;
	(pc) =	sbr.rel .LBB2_7-.Ltmp5, $4  }
0xa1: {  	v1 =	vand.u32 $0xFFFF, v1;
	v2 =	vshll.u32 v2, $0x10  }
0xa2: {  	s29 =	sshrl.u32 s18, $0x1;
	s30 =	sshrl.u32 s18, $0x4;
	v1 =	vor.u32 v1, v2  }
0xa3: {  	s18 =	sadd.s32 s7, s30;
	s31 =	sor.u32 $0x500, s28;
	s19 =	sand.u32 $0x7, s29;
	[tilespmem:s28+$0x570] =	vst v1  }
0xa4: {  	[hbm4b:s18+s19] =	stream.linear.scatter [tilespmem:s31], [sflag:$0x4], $0x80, $0x38;
	[tilespmem:$0x600] =	vst v63  }
.LBB2_8:
0xa5: {  	_ =	sfence.sel $0x180000  }
0xa6: {  	s2 =	simm.s32 $0x2;
	[bflag:$0x0] =	sbarrier.arrive $0xFFFF  }
0xa7: {  	s29 =	simm.s32 $0x3;
	[sflag:s2] =	ssyncpa.u1 $0x1  }
0xa8: {  	s30 =	simm.s32 $0x4;
	[sflag:s29] =	ssyncpa.u1 $0x1  }
0xa9: {  	s31 =	simm.s32 $0x1;
	[sflag:s30] =	ssyncpa.u1 $0x1  }
0xaa: {  	[sflag:s31] =	ssyncpa.u1 $0x1  }
0xab: {  	p0 =	sne.s32 s0, $0x0;
	_ =	strace $0x9000004D  }
0xac: {  	s0 =	sadd.s32 @!p0 $0x100000, s1;
	[bflag:$0x2] =	sbarrier.arrive $0xFFFF  }
0xad: {  	[sflag:s0] =	ssyncadd.tile.s32 @!p0 $0x1;
	_ =	shalt  }
.Lfunc_end2:
_tile_overlayer_lowered:
.L_overlay_start_2:
0xae: {  	(tag) =	ssettag $0x2  }
0xaf: {  	s0 =	rddreg [dreg:$0x0];
	s2 =	stileid.u32  }
0xb0: {  	s1 =	rddreg [dreg:$0x1];
	p0 =	sne.s32 s2, $0x0  }
0xb1: {  	s3 =	rddreg [dreg:$0x2];
	[bflag:$0x3] =	sbarrier.arrive $0xFFFF;
	s2 =	simm.s32 @!p0 $0x1C01  }
0xb2: {  	[timem:s3], [sflag:s2] =	dma.local @!p0 [hbm:s0], s1  }
0xb3: {  	s0 =	simm.s32 @!p0 $0x1  }
0xb4: {  	_ =	swait.ge @!p0 [sflag:s0], s1  }
0xb5: {  	s1 =	ssub.s32 @!p0 $0x0, s1;
	[sflag:s0] =	ssyncset.done @!p0 $0x0  }
0xb6: {  	[sflag:s0] =	ssyncadd.s32 @!p0 s1  }
0xb7: {  	[bflag:$0x3] =	sbarrier.arrive $0xFFFF  }
0xb8: {  	_ =	shalt  }

// kernel: gather_offload_async_start
scs
__scs_entry_jumppad:
0x0: {  	(pc) =	sbr.rel $0x88, $3  }
0x1: {  	(tag) =	ssettag $0x0;
	lr =	simm.s32 $0x1  }
0x2: {  	[smem:$0x3F58] =	sst lr;
	_ =	strace $0xD0000000  }
0x3: {  	_ = 	snop  }
0x4: {  	_ = 	snop  }
0x5: {  	_ = 	snop  }
0x6: {  	_ = 	snop  }
0x7: {  	_ = 	snop  }
__scs_overlays_trampoline_lowered:
0x8: {  	[smem:$0x3F67] =	sst s0  }
0x9: {  	[smem:$0x3F68] =	sst s1  }
0xa: {  	[smem:$0x3F69] =	sst s2  }
0xb: {  	[smem:$0x3F6A] =	sst s3  }
0xc: {  	[smem:$0x3F6B] =	sst s4  }
0xd: {  	[smem:$0x3F6C] =	sst s5  }
0xe: {  	[smem:$0x3F6D] =	sst s6  }
0xf: {  	[smem:$0x3F6E] =	sst s7  }
0x10: {  	[smem:$0x3F6F] =	sst s8  }
0x11: {  	[smem:$0x3F70] =	sst s9;
	s0 =	simm.s32 @!p0 $0x0  }
0x12: {  	s1 =	sld [smem:$0x3F56];
	s0 =	simm.s32 @p0 $0x1  }
0x13: {  	[smem:$0x3F71] =	sst s0;
	s0 =	simm.s32 @!p1 $0x0  }
0x14: {  	s2 =	sld [smem:$0x3F55];
	s0 =	simm.s32 @p1 $0x1  }
0x15: {  	[smem:$0x3F72] =	sst s0;
	s0 =	simm.s32 @!p2 $0x0  }
0x16: {  	s3 =	sld [smem:$0x3FDB];
	s0 =	simm.s32 @p2 $0x1  }
0x17: {  	s4 =	simm.s32 $0x1BF5;
	[smem:$0x3F74] =	sst s0  }
0x18: {  	s0 =	sld [smem:$0x3F57];
	_ =	swait.ge [sflag:s4], $0x0  }
0x19: {  	s7 =	sld [smem:$0x3F58]  }
0x1a: {  	s8 =	sadd.s32 $0xFFFFE003, lr  }
0x1b: {  	s9 =	sadd.s32 $0xFFFFFEF7, lr;
	s5 =	simm.s32 $0xFFFFFFFF;
	p2 =	slt.u32 s8, $0xFFFFF086  }
0x1c: {  	p1 =	slt.u32 s9, $0xF7A;
	s5 =	simm.s32 @!p2 $0x0  }
0x1d: {  	s5 =	simm.s32 @p1 $0x1;
	p0 =	seq.s32 s7, s2  }
0x1e: {  	s7 =	smul.u32 @!p0 $0xF7A, s2;
	p2 =	seq.s32 @!p0 s5, $0x0  }
0x1f: {  	s9 =	smul.u32 $0xF7A, s1;
	s8 =	simm.s32 @!p0 $0x1BF5;
	p2 =	por !p2, p0  }
0x20: {  	[sflag:s8] =	ssyncset.s32 @!p0 $0xFFFFF086;
	s6 =	sadd.s32 @!p0 s3, s7;
	s7 =	simm.s32 @!p0 $0x108  }
0x21: {  	s3 =	sadd.s32 s3, s9;
	s6 =	sadd.s32 @!p0 $0x88, s6;
	s7 =	simm.s32 @p2 $0x1082  }
0x22: {  	[simem:s7], [sflag:s8] =	dma.local @!p0 [hbm:s6], $0xF7A  }
0x23: {  	s9 =	sor.u32 $0xD0000000, s2;
	s6 =	simm.s32 $0x108;
	_ =	swait.ge @!p0 [sflag:s8], $0x0  }
0x24: {  	s3 =	sadd.s32 $0x88, s3;
	s6 =	simm.s32 @!p1 $0x1082;
	[sflag:s4] =	ssyncset.s32 $0xFFFFF086  }
0x25: {  	[simem:s6], [sflag:s4] =	dma.local [hbm:s3], $0xF7A  }
0x26: {  	[smem:$0x3F58] =	sst s1;
	(tag) =	ssettag s2;
	_ =	strace s9  }
0x27: {  	s1 =	sld [smem:$0x3F68]  }
0x28: {  	s2 =	sld [smem:$0x3F69]  }
0x29: {  	s4 =	sld [smem:$0x3F6B]  }
0x2a: {  	p0 =	seq.s32 s5, $0x0;
	s5 =	sld [smem:$0x3F6C]  }
0x2b: {  	s6 =	sld [smem:$0x3F6D]  }
0x2c: {  	s7 =	sld [smem:$0x3F6E]  }
0x2d: {  	s3 =	simm.s32 $0x108;
	s8 =	sld [smem:$0x3F6F]  }
0x2e: {  	s3 =	simm.s32 @!p0 $0x1082;
	s9 =	sld [smem:$0x3F70]  }
0x2f: {  	lr =	sadd.s32 s0, s3;
	s0 =	sld [smem:$0x3F67]  }
0x30: {  	s3 =	sld [smem:$0x3F6A]  }
0x31: {  	[smem:$0x3F73] =	sst s10  }
0x32: {  	s10 =	sld [smem:$0x3F71];
	_ =	sdelay $0x3  }
0x33: {  	p0 =	seq.s32 s10, $0x1;
	s10 =	sld [smem:$0x3F73];
	_ =	sdelay $0x3  }
0x34: {  	[smem:$0x3F73] =	sst s10  }
0x35: {  	s10 =	sld [smem:$0x3F72];
	_ =	sdelay $0x3  }
0x36: {  	p1 =	seq.s32 s10, $0x1;
	s10 =	sld [smem:$0x3F73];
	_ =	sdelay $0x3  }
0x37: {  	[smem:$0x3F73] =	sst s10  }
0x38: {  	s10 =	sld [smem:$0x3F74]  }
0x39: {  	_ = 	snop;
	(pc) =	sbr.ind lr, $3  }
0x3a: {  	_ = 	snop  }
0x3b: {  	_ = 	snop  }
0x3c: {  	p2 =	seq.s32 s10, $0x1;
	s10 =	sld [smem:$0x3F73]  }
0x3d: {  	_ =	shalt  }
0x3e: {  	_ =	shalt  }
0x3f: {  	_ =	shalt  }
0x40: {  	_ =	shalt  }
0x41: {  	_ =	shalt  }
0x42: {  	_ =	shalt  }
0x43: {  	_ =	shalt  }
0x44: {  	_ =	shalt  }
0x45: {  	_ =	shalt  }
0x46: {  	_ =	shalt  }
0x47: {  	_ =	shalt  }
0x48: {  	_ =	shalt  }
0x49: {  	_ =	shalt  }
0x4a: {  	_ =	shalt  }
0x4b: {  	_ =	shalt  }
0x4c: {  	_ =	shalt  }
0x4d: {  	_ =	shalt  }
0x4e: {  	_ =	shalt  }
0x4f: {  	_ =	shalt  }
0x50: {  	_ =	shalt  }
0x51: {  	_ =	shalt  }
0x52: {  	_ =	shalt  }
0x53: {  	_ =	shalt  }
0x54: {  	_ =	shalt  }
0x55: {  	_ =	shalt  }
0x56: {  	_ =	shalt  }
0x57: {  	_ =	shalt  }
0x58: {  	_ =	shalt  }
0x59: {  	_ =	shalt  }
0x5a: {  	_ =	shalt  }
0x5b: {  	_ =	shalt  }
0x5c: {  	_ =	shalt  }
0x5d: {  	_ =	shalt  }
0x5e: {  	_ =	shalt  }
0x5f: {  	_ =	shalt  }
0x60: {  	_ =	shalt  }
0x61: {  	_ =	shalt  }
0x62: {  	_ =	shalt  }
0x63: {  	_ =	shalt  }
0x64: {  	_ =	shalt  }
0x65: {  	_ =	shalt  }
0x66: {  	_ =	shalt  }
0x67: {  	_ =	shalt  }
0x68: {  	_ =	shalt  }
0x69: {  	_ =	shalt  }
0x6a: {  	_ =	shalt  }
0x6b: {  	_ =	shalt  }
0x6c: {  	_ =	shalt  }
0x6d: {  	_ =	shalt  }
0x6e: {  	_ =	shalt  }
0x6f: {  	_ =	shalt  }
0x70: {  	_ =	shalt  }
0x71: {  	_ =	shalt  }
0x72: {  	_ =	shalt  }
0x73: {  	_ =	shalt  }
0x74: {  	_ =	shalt  }
0x75: {  	_ =	shalt  }
0x76: {  	_ =	shalt  }
0x77: {  	_ =	shalt  }
0x78: {  	_ =	shalt  }
0x79: {  	_ =	shalt  }
0x7a: {  	_ =	shalt  }
0x7b: {  	_ =	shalt  }
0x7c: {  	_ =	shalt  }
0x7d: {  	_ =	shalt  }
0x7e: {  	_ =	shalt  }
0x7f: {  	_ =	shalt  }
0x80: {  	_ =	shalt  }
0x81: {  	_ =	shalt  }
0x82: {  	_ =	shalt  }
0x83: {  	_ =	shalt  }
0x84: {  	_ =	shalt  }
0x85: {  	_ =	shalt  }
0x86: {  	_ =	shalt  }
0x87: {  	_ =	shalt  }
.Lfunc_end0:
.L_simem_size_0:
called_computation.4_lowered:
.L_overlay_start_0:
0x88: {  	s0 =	sld [smem:$0x3FD9]  }
0x89: {  	s1 =	sld [smem:$0x3FFE];
	_ =	sdelay $0x3  }
0x8a: {  	s0 =	sadd.s32 s1, s0  }
0x8b: {  	[smem:$0x3F7F] =	sst s0  }
0x8c: {  	_ = 	snop  }
0x8d: {  	(tm) =	ssettm $0x1  }
0x8e: {  	s15 =	sld [smem:$0x3FFB];
	_ =	sdelay $0x3  }
0x8f: {  	_ =	strace s15  }
0x90: {  	s0 =	sld [smem:$0x3FFC];
	_ =	sdelay $0x3  }
0x91: {  	_ =	strace s0  }
0x92: {  	s0 =	sld [smem:$0x3FFD];
	_ =	sdelay $0x3  }
0x93: {  	_ =	strace s0  }
0x94: {  	_ =	strace $0x8FFFFFFF  }
0x95: {  	s16 =	sld [smem:$0x3FDB];
	_ =	sdelay $0x1  }
0x96: {  	s17 =	simm.s32 $_scs_section_size  }
0x97: {  	s2 =	simm.s32 $_size__tile_overlayer_lowered;
	s3 =	simm.s32 $_tile_overlayer_lowered  }
0x98: {  	s20 =	simm.s32 $0x1BFF;
	s19 =	sshll.u32 s3, $0x1;
	s0 =	sadd.s32 s17, s16  }
0x99: {  	s4 =	simm.s32 $0x0;
	s18 =	sshll.u32 s2, $0x1;
	s2 =	sadd.s32 s19, s0  }
0x9a: {  	[timem:s4], [sflag:s20] =	dma.local [hbm:s2], s18  }
0x9b: {  	_ =	swait.ge [sflag:s20], s18  }
0x9c: {  	s1 =	ssub.s32 $0x0, s18;
	[sflag:s20] =	ssyncset.done $0x0  }
0x9d: {  	[sflag:s20] =	ssyncadd.s32 s1;
	_ =	sdelay $0x1  }
0x9e: {  	s21 =	simm.s32 $0x1B8B  }
0x9f: {  	_ =	swait.ge [sflag:s21], $0x1  }
0xa0: {  	[sflag:s21] =	ssyncset.done $0x0  }
0xa1: {  	s23 =	simm.s32 $0x1B8E;
	s22 =	sld [smem:$0x3FFE];
	[sflag:s21] =	ssyncadd.s32 $0xFFFFFFFF  }
0xa2: {  	s24 =	simm.s32 $execute0_lowered;
	[smem:$0x3FD2] =	sst s23  }
0xa3: {  	s2 =	sshll.u32 s24, $0x1;
	_ =	strace $0x80000046;
	[dreg:$0x1] =	wrdreg $0xFFFFFFFF  }
0xa4: {  	s25 =	simm.s32 $_size_execute0_lowered;
	s0 =	sadd.s32 s0, s2;
	[dreg:$0x0] =	wrdreg $0x0  }
0xa5: {  	s2 =	sshll.u32 s25, $0x1;
	[dreg:$0x2] =	wrdreg s0  }
0xa6: {  	[dreg:$0x3] =	wrdreg s2  }
0xa7: {  	[dreg:$0x4] =	wrdreg $0xC0  }
0xa8: {  	_ =	task [dreg:s4], $0x5FFFF  }
0xa9: {  	[dreg:$0x1] =	wrdreg $0xFFFFFFFF  }
0xaa: {  	[dreg:$0x0] =	wrdreg $0x60  }
0xab: {  	[dreg:$0x2] =	wrdreg s22  }
0xac: {  	[dreg:$0x3] =	wrdreg $0x9  }
0xad: {  	_ =	task.clear_ibuf [dreg:s4], $0x4FFFF;
	_ =	strace $0x90000046  }
0xae: {  	s26 =	simm.s32 $0x9;
	_ =	strace $0x80000048  }
0xaf: {  	_ =	swait.ge [sflag:s26], $0x1  }
0xb0: {  	[sflag:s26] =	ssyncadd.s32 $0xFFFFFFFF  }
0xb1: {  	_ =	strace $0x90000048  }
0xb2: {  	_ =	sfence  }
0xb3: {  	s28 =	sld [smem:$0x0];
	_ =	sdelay $0x1  }
0xb4: {  	s29 =	srdreg.scid  }
0xb5: {  	s30 =	sshll.u32 s29, $0xD;
	s31 =	sshrl.u32 s29, $0x2  }
0xb6: {  	s1 =	sand.u32 $0x1, s29;
	s2 =	sand.u32 $0x4000, s30;
	s0 =	sadd.s32 s31, s28  }
0xb7: {  	s1 =	sor.u32 s2, s1;
	s0 =	sshll.u32 s0, $0x11  }
0xb8: {  	s0 =	sor.u32 s0, s1  }
0xb9: {  	s0 =	sadd.s32 $0x8F2B, s0  }
0xba: {  	[sflag:s0] =	ssyncadd.remote.s32 $0x1  }
0xbb: {  	_ =	sfence.sel $0xFFFF  }
0xbc: {  	[dreg:$0x0] =	wrdreg $0xFFFFFFFF;
	(pc) =	sbr.abs _section_cstart, $3  }
0xbd: {  	[dreg:$0x1] =	wrdreg $0xFFFFFFFF  }
0xbe: {  	_ =	task.clear_ibuf [dreg:s4], $0x2FFFF;
	_ =	strace $0x9FFFFFFF  }
0xbf: {  	(tm) =	ssettm $0x7FFFFFFF  }
tec
execute0_lowered:
.L_overlay_start_1:
0x0: {  	(tag) =	ssettag $0x1  }
0x1: {  	s0 =	stileid.u32  }
0x2: {  	s6 =	rddreg [dreg:$0x0];
	s3 =	simm.s32 $0x200;
	s7 =	simm.s32 $0x1  }
0x3: {  	s8 =	simm.s32 $0x3;
	s10 =	simm.s32 $0x4;
	s11 =	simm.s32 $0x0  }
0x4: {  	s12 =	simm.s32 $0xFFFFFE00;
	s13 =	simm.s32 $0xFFFFFF00;
	s1 =	smin.u32 s0, $0xB  }
0x5: {  	s14 =	simm.s32 $0xFFFFFFFF;
	p0 =	slt.u32 s0, $0xB;
	s2 =	sadd.s32 s0, s1  }
0x6: {  	s18 =	simm.s32 $0x0;
	s3 =	simm.s32 @!p0 $0x100;
	s2 =	sshll.u32 s2, $0x8  }
0x7: {  	s15 =	simm.s32 $0x0;
	s17 =	simm.s32 $0x0;
	s5 =	sadd.s32 s3, s2  }
0x8: {  	s4 =	sadd.s32 $0x6800, s6;
	s1 =	rddreg [dreg:$0x1];
	s5 =	smin.u32 s5, $0x1B00  }
.Ltmp0:
0x9: {  	_ =	strace $0x80000047;
	s9 =	ssub.s32 s5, s2;
	(pc) =	sbr.rel .LBB2_1-.Ltmp0, $4  }
0xa: {  	[sflag:s7] =	ssyncpa.u1 $0x0;
	s7 =	simm.s32 $0x2;
	p0 =	sgt.s32 s9, $0x0  }
0xb: {  	s3 =	sadd.s32 $0xA000, s6;
	[sflag:s7] =	ssyncpa.u1 $0x0;
	s9 =	simm.s32 @!p0 $0x0  }
0xc: {  	s6 =	sadd.s32 $0xAA00, s6;
	[sflag:s8] =	ssyncpa.u1 $0x0;
	s9 =	sshrl.u32 s9, $0x8  }
0xd: {  	v0 =	vlaneseq.u32;
	vm0 =	vmmov $0xffff;
	s16 =	smov.u32 s2;
	[sflag:s10] =	ssyncpa.u1 $0x0;
	s10 =	sadd.s32 $0x2, s9  }
.LBB2_7:
0xe: {  	p0 =	slt.u32 s17, $0x3  }
0xf: {  	s18 =	simm.s32 @!p0 $0x4  }
0x10: {  	_ =	swait.ge @!p0 [sflag:s18], $0x80  }
0x11: {  	s19 =	sadd.s32 $0x100, s16;
	[sflag:s18] =	ssyncset.done @!p0 $0x0  }
0x12: {  	s20 =	smov.u32 s2;
	[sflag:s18] =	ssyncadd.s32 @!p0 $0xFFFFFF80;
	p0 =	slt.s32 s19, s5  }
0x13: {  	s20 =	smov.u32 @p0 s19;
	p0 =	sne.s32 s17, s10  }
.Ltmp1:
0x14: {  	_ = 	snop;
	(pc) =	sbr.rel @!p0 .LBB2_8-.Ltmp1, $4  }
0x15: {  	_ = 	snop  }
0x16: {  	s31 =	sadd.s32 $0x1, s17;
	s12 =	sadd.s32 $0x200, s12  }
0x17: {  	s13 =	sadd.s32 $0x100, s13;
	s14 =	sadd.s32 $0x1, s14;
	s18 =	smov.u32 s15  }
0x18: {  	s15 =	smov.u32 s16;
	s17 =	smov.u32 s31;
	s16 =	smov.u32 s20  }
.LBB2_1:
0x19: {  	p0 =	sge.u32 s17, s9  }
0x1a: {  	s19 =	smulhi.u32 @!p0 $0xAAAAAAAB, s17;
	_ =	sdelay $0x1  }
0x1b: {  	s19 =	sshrl.u32 @!p0 s19, $0x1  }
0x1c: {  	s19 =	smul.u32 @!p0 $0x3, s19;
	_ =	sdelay $0x1  }
0x1d: {  	s31 =	sadd.s32 $0xFFFFFFFF, s17;
	s20 =	sshrl.u32 @!p0 s16, $0x3;
	s19 =	ssub.s32 @!p0 s17, s19  }
0x1e: {  	s21 =	sand.u32 @!p0 $0x7, s16;
	s20 =	sadd.s32 @!p0 s4, s20;
	s19 =	sshll.u32 @!p0 s19, $0x8  }
0x1f: {  	[tilespmem:s19], [sflag:$0x2] =	stream.linear.gather @!p0 [hbm4b:s20+s21], $0x100, $0x38;
	[tilespmem:$0x600] =	vst v63  }
0x20: {  	p0 =	sge.u32 s31, s9  }
.Ltmp2:
0x21: {  	_ = 	snop;
	(pc) =	sbr.rel @p0 .LBB2_5-.Ltmp2, $1  }
0x22: {  	_ =	sdelay $0x3  }
0x23: {  	s19 =	smulhi.u32 $0xAAAAAAAB, s14;
	_ =	sdelay $0x1  }
0x24: {  	s19 =	sshrl.u32 s19, $0x1  }
0x25: {  	s19 =	smul.u32 $0xFFFFF400, s19;
	_ =	sdelay $0x1  }
0x26: {  	_ =	swait.ge [sflag:s7], $0x100;
	s19 =	sshra.s32 s19, $0x2  }
0x27: {  	[sflag:s7] =	ssyncset.done $0x0;
	s20 =	sadd.s32 s19, s13  }
0x28: {  	[sflag:s7] =	ssyncadd.s32 $0xFFFFFF00;
	(ifvalue) =	ssetifvalue $0x7FFFFFFF;
	v1 =	vld.msk [tilespmem:s20+$0x0 ss:$0x1], $0xffff  }
0x29: {  	s21 =	sadd.s32 $0x10, s20  }
0x2a: {  	v2 =	vld.msk [tilespmem:s21+$0x0 ss:$0x1], $0xffff;
	_ =	sdelay $0x1  }
0x2b: {  	s19 =	ssub.s32 $0x1B00, s15  }
0x2c: {  	p0 =	slt.s32 s19, $0x100;
	vm1 =	vgt.s32 v1, $0x0  }
0x2d: {  	s19 =	simm.s32 @!p0 $0x100;
	v1 =	vnsel vm1, $0x0, v1  }
0x2e: {  	p0 =	sgt.s32 s19, $0x0;
	s22 =	smov.u32 s19;
	vm1 =	vgt.s32 v2, $0x0;
	v1 =	vmin.u32 v1, $0xF30  }
0x2f: {  	s22 =	simm.s32 @!p0 $0x0;
	v2 =	vnsel vm1, $0x0, v2;
	v4 =	vshll.u32 v1, $0x1  }
0x30: {  	s22 =	smin.u32 s22, $0x10;
	v3 =	vshrl.u32 v1, $0x7;
	v1 =	vand.u32 $0xF00, v1;
	v4 =	vand.u32 $0xFE, v4  }
0x31: {  	v5 =	vmin.u32 v2, $0xF30;
	v2 =	vmov s22;
	v1 =	vor.u32 v1, v4  }
0x32: {  	vm1 =	vgt.u32 v2, v0;
	v1 =	vshrl.u32 v1, $0x1  }
0x33: {  	s30 =	sshrl.u32 s12, $0x1;
	s23 =	sadd.s32 $0xFFFFFFF0, s19;
	v1 =	vnsel vm1, $0x7FFFFFFF, v1  }
0x34: {  	s19 =	sadd.s32 $0x10, s21;
	p0 =	sgt.s32 s23, $0x0;
	s25 =	smov.u32 s23;
	v3 =	vand.u32 $0x1, v3  }
0x35: {  	s31 =	sand.u32 $0x100, s30;
	s25 =	simm.s32 @!p0 $0x0;
	v2 =	vld.msk [tilespmem:s19+$0x0 ss:$0x1], $0xffff;
	v4 =	vshrl.u32 v5, $0x7;
	[tilespmem:s20+$0x0] =	vst v3;
	v3 =	vshll.u32 v5, $0x1  }
0x36: {  	s24 =	simm.s32 $0x30;
	s25 =	smin.u32 s25, $0x10;
	s22 =	sadd.s32 $0x300, s31;
	v5 =	vand.u32 $0xF00, v5;
	v4 =	vand.u32 $0x1, v4;
	v6 =	vand.u32 $0xFE, v3  }
0x37: {  	s20 =	sadd.s32 $0x10, s19;
	v3 =	vmov s25;
	[tilespmem:s21+$0x0] =	vst v4;
	v4 =	vor.u32 v5, v6;
	(ifvalue) =	ssetifvalue $0x7FFFFFFF;
	s21 =	sadd.s32 $0x10, s22  }
.LBB2_3:
0x38: {  	[tilespmem:s22], [sflag:$0x3] =	stream.indirect_vreg.gather [hbm4b:s3+s11], $0x1, v1, vm0, $0x4038;
	[tilespmem:$0x600] =	vst v63  }
0x39: {  	s24 =	sadd.s32 $0x10, s24  }
0x3a: {  	vm1 =	vgt.s32 v2, $0x0;
	vm2 =	vgt.u32 v3, v0;
	v3 =	vshrl.u32 v4, $0x1;
	v1 =	vmovc v2;
	v2 =	vld.msk [tilespmem:s20+$0x0 ss:$0x1], $0xffff;
	p0 =	slt.u32 s24, $0xF0  }
.Ltmp3:
0x3b: {  	s23 =	sadd.s32 $0xFFFFFFF0, s23;
	v4 =	vnsel vm1, $0x0, v1;
	v1 =	vnsel vm2, $0x7FFFFFFF, v3;
	(pc) =	sbr.rel @p0 .LBB2_3-.Ltmp3, $4  }
0x3c: {  	s25 =	smov.u32 s19;
	p1 =	sgt.s32 s23, $0x0;
	s26 =	smov.u32 s23;
	v3 =	vmin.u32 v4, $0xF30  }
0x3d: {  	s19 =	smov.u32 s20;
	s22 =	smov.u32 s21;
	s26 =	simm.s32 @!p1 $0x0;
	v4 =	vshrl.u32 v3, $0x7;
	v5 =	vshll.u32 v3, $0x1  }
0x3e: {  	s26 =	smin.u32 s26, $0x10;
	v6 =	vand.u32 $0x1, v4;
	v4 =	vand.u32 $0xF00, v3;
	v5 =	vand.u32 $0xFE, v5  }
0x3f: {  	s20 =	sadd.s32 $0x10, s20;
	s21 =	sadd.s32 $0x10, s21;
	v3 =	vmov s26;
	v4 =	vor.u32 v4, v5;
	[tilespmem:s25+$0x0] =	vst v6;
	(ifvalue) =	ssetifvalue $0x7FFFFFFF  }
0x40: {  	v5 =	vld.msk [tilespmem:s20+$0x0 ss:$0x1], $0xffff;
	_ =	sdelay $0x1  }
0x41: {  	s23 =	sadd.s32 $0xFFFFFFF0, s23;
	vm1 =	vgt.s32 v2, $0x0  }
0x42: {  	p0 =	sgt.s32 s23, $0x0;
	s24 =	smov.u32 s23;
	v2 =	vnsel vm1, $0x0, v2;
	vm1 =	vgt.u32 v3, v0;
	v3 =	vshrl.u32 v4, $0x1  }
0x43: {  	s24 =	simm.s32 @!p0 $0x0;
	v2 =	vmin.u32 v2, $0xF30;
	v3 =	vnsel vm1, $0x7FFFFFFF, v3  }
0x44: {  	s24 =	smin.u32 s24, $0x10;
	v60 =	vshll.u32 v2, $0x1;
	v7 =	vand.u32 $0xF00, v2;
	vm1 =	vgt.s32 v5, $0x0  }
0x45: {  	s23 =	sadd.s32 $0xFFFFFFF0, s23;
	v2 =	vshrl.u32 v2, $0x7;
	v6 =	vmov s24;
	v5 =	vnsel vm1, $0x0, v5  }
0x46: {  	p0 =	sgt.s32 s23, $0x0;
	v4 =	vand.u32 $0xFE, v60;
	v2 =	vand.u32 $0x1, v2;
	v5 =	vmin.u32 v5, $0xF30  }
0x47: {  	s23 =	simm.s32 @!p0 $0x0;
	v4 =	vor.u32 v7, v4;
	vm1 =	vgt.u32 v6, v0;
	v61 =	vshll.u32 v5, $0x1  }
0x48: {  	s23 =	smin.u32 s23, $0x10;
	v4 =	vshrl.u32 v4, $0x1;
	v62 =	vand.u32 $0xF00, v5;
	v6 =	vand.u32 $0xFE, v61  }
0x49: {  	v63 =	vmov s23;
	v4 =	vnsel vm1, $0x7FFFFFFF, v4;
	v6 =	vor.u32 v62, v6  }
0x4a: {  	[tilespmem:s22], [sflag:$0x3] =	stream.indirect_vreg.gather [hbm4b:s3+s11], $0x1, v1, vm0, $0x4038;
	[tilespmem:s19+$0x0] =	vst v2;
	vm1 =	vgt.u32 v63, v0;
	v2 =	vshrl.u32 v6, $0x1  }
0x4b: {  	(ifvalue) =	ssetifvalue $0x7FFFFFFF;
	v1 =	vshrl.u32 v5, $0x7;
	v2 =	vnsel vm1, $0x7FFFFFFF, v2  }
0x4c: {  	[tilespmem:s21], [sflag:$0x3] =	stream.indirect_vreg.gather [hbm4b:s3+s11], $0x1, v3, vm0, $0x4038;
	v1 =	vand.u32 $0x1, v1;
	[tilespmem:$0x600] =	vst v63  }
0x4d: {  	s31 =	sadd.s32 $0x10, s21;
	[tilespmem:s20+$0x0] =	vst v1;
	(ifvalue) =	ssetifvalue $0x7FFFFFFF  }
0x4e: {  	[tilespmem:s31], [sflag:$0x3] =	stream.indirect_vreg.gather [hbm4b:s3+s11], $0x1, v4, vm0, $0x4038;
	[tilespmem:$0x600] =	vst v63  }
0x4f: {  	s19 =	sadd.s32 $0x10, s31;
	(ifvalue) =	ssetifvalue $0x7FFFFFFF  }
0x50: {  	[tilespmem:s19], [sflag:$0x3] =	stream.indirect_vreg.gather [hbm4b:s3+s11], $0x1, v2, vm0, $0x4038;
	[tilespmem:$0x600] =	vst v63  }
.LBB2_5:
0x51: {  	p0 =	slt.u32 s17, $0x2  }
0x52: {  	p1 =	sge.u32 @!p0 s17, s10  }
0x53: {  	p0 =	por p0, p1  }
.Ltmp4:
0x54: {  	_ = 	snop;
	(pc) =	sbr.rel @p0 .LBB2_7-.Ltmp4, $1  }
0x55: {  	_ =	sdelay $0x3  }
0x56: {  	s19 =	sadd.s32 $0xFFFFFFFE, s17  }
0x57: {  	s20 =	smulhi.u32 $0xAAAAAAAB, s19;
	_ =	sdelay $0x1  }
0x58: {  	s20 =	sshrl.u32 s20, $0x1  }
0x59: {  	_ =	swait.ge [sflag:s8], $0x100;
	s20 =	smul.u32 $0x3, s20  }
0x5a: {  	s22 =	sand.u32 $0x1, s17;
	[sflag:s8] =	ssyncset.done $0x0  }
0x5b: {  	s26 =	sshll.u32 s22, $0x8;
	[sflag:s8] =	ssyncadd.s32 $0xFFFFFF00;
	s20 =	ssub.s32 s19, s20  }
0x5c: {  	v1 =	vld [tilespmem:s26+$0x300];
	s21 =	sshll.u32 s20, $0x8  }
0x5d: {  	v2 =	vld [tilespmem:s21+$0x0]  }
0x5e: {  	v3 =	vld [tilespmem:s21+$0x80]  }
0x5f: {  	v4 =	vld [tilespmem:s26+$0x380];
	_ =	sdelay $0x3  }
0x60: {  	v2 =	vshll.u32 v2, $0x4;
	v3 =	vshll.u32 v3, $0x4  }
0x61: {  	v1 =	vshrl.u32 v1, v2;
	v2 =	vshrl.u32 v4, v3  }
0x62: {  	v1 =	vand.u32 $0xFFFF, v1;
	v2 =	vshll.u32 v2, $0x10  }
0x63: {  	s28 =	sshll.u32 s22, $0x7;
	v1 =	vor.u32 v1, v2  }
0x64: {  	[tilespmem:s28+$0x500] =	vst v1  }
0x65: {  	v1 =	vld [tilespmem:s26+$0x310]  }
0x66: {  	v2 =	vld [tilespmem:s21+$0x10]  }
0x67: {  	v3 =	vld [tilespmem:s21+$0x90]  }
0x68: {  	v57 =	vld [tilespmem:s26+$0x390];
	_ =	sdelay $0x3  }
0x69: {  	v2 =	vshll.u32 v2, $0x4;
	v3 =	vshll.u32 v3, $0x4  }
0x6a: {  	v1 =	vshrl.u32 v1, v2;
	v2 =	vshrl.u32 v57, v3  }
0x6b: {  	v1 =	vand.u32 $0xFFFF, v1;
	v2 =	vshll.u32 v2, $0x10  }
0x6c: {  	v1 =	vor.u32 v1, v2  }
0x6d: {  	[tilespmem:s28+$0x510] =	vst v1  }
0x6e: {  	v1 =	vld [tilespmem:s26+$0x320]  }
0x6f: {  	v2 =	vld [tilespmem:s21+$0x20]  }
0x70: {  	v3 =	vld [tilespmem:s21+$0xA0]  }
0x71: {  	v58 =	vld [tilespmem:s26+$0x3A0];
	_ =	sdelay $0x3  }
0x72: {  	v2 =	vshll.u32 v2, $0x4;
	v3 =	vshll.u32 v3, $0x4  }
0x73: {  	v1 =	vshrl.u32 v1, v2;
	v2 =	vshrl.u32 v58, v3  }
0x74: {  	v1 =	vand.u32 $0xFFFF, v1;
	v2 =	vshll.u32 v2, $0x10  }
0x75: {  	v1 =	vor.u32 v1, v2  }
0x76: {  	[tilespmem:s28+$0x520] =	vst v1  }
0x77: {  	v1 =	vld [tilespmem:s26+$0x330]  }
0x78: {  	v2 =	vld [tilespmem:s21+$0x30]  }
0x79: {  	v3 =	vld [tilespmem:s21+$0xB0]  }
0x7a: {  	v59 =	vld [tilespmem:s26+$0x3B0];
	_ =	sdelay $0x3  }
0x7b: {  	v2 =	vshll.u32 v2, $0x4;
	v3 =	vshll.u32 v3, $0x4  }
0x7c: {  	v1 =	vshrl.u32 v1, v2;
	v2 =	vshrl.u32 v59, v3  }
0x7d: {  	v1 =	vand.u32 $0xFFFF, v1;
	v2 =	vshll.u32 v2, $0x10  }
0x7e: {  	v1 =	vor.u32 v1, v2  }
0x7f: {  	[tilespmem:s28+$0x530] =	vst v1  }
0x80: {  	v1 =	vld [tilespmem:s26+$0x340]  }
0x81: {  	v2 =	vld [tilespmem:s21+$0x40]  }
0x82: {  	v3 =	vld [tilespmem:s21+$0xC0]  }
0x83: {  	v60 =	vld [tilespmem:s26+$0x3C0];
	_ =	sdelay $0x3  }
0x84: {  	v2 =	vshll.u32 v2, $0x4;
	v3 =	vshll.u32 v3, $0x4  }
0x85: {  	v1 =	vshrl.u32 v1, v2;
	v2 =	vshrl.u32 v60, v3  }
0x86: {  	v1 =	vand.u32 $0xFFFF, v1;
	v2 =	vshll.u32 v2, $0x10  }
0x87: {  	v1 =	vor.u32 v1, v2  }
0x88: {  	[tilespmem:s28+$0x540] =	vst v1  }
0x89: {  	v1 =	vld [tilespmem:s26+$0x350]  }
0x8a: {  	v2 =	vld [tilespmem:s21+$0x50]  }
0x8b: {  	v3 =	vld [tilespmem:s21+$0xD0]  }
0x8c: {  	v61 =	vld [tilespmem:s26+$0x3D0];
	_ =	sdelay $0x3  }
0x8d: {  	v2 =	vshll.u32 v2, $0x4;
	v3 =	vshll.u32 v3, $0x4  }
0x8e: {  	v1 =	vshrl.u32 v1, v2;
	v2 =	vshrl.u32 v61, v3  }
0x8f: {  	v1 =	vand.u32 $0xFFFF, v1;
	v2 =	vshll.u32 v2, $0x10  }
0x90: {  	v1 =	vor.u32 v1, v2  }
0x91: {  	[tilespmem:s28+$0x550] =	vst v1  }
0x92: {  	v1 =	vld [tilespmem:s26+$0x360]  }
0x93: {  	v2 =	vld [tilespmem:s21+$0x60]  }
0x94: {  	v3 =	vld [tilespmem:s21+$0xE0]  }
0x95: {  	v62 =	vld [tilespmem:s26+$0x3E0];
	_ =	sdelay $0x3  }
0x96: {  	v2 =	vshll.u32 v2, $0x4;
	v3 =	vshll.u32 v3, $0x4  }
0x97: {  	v1 =	vshrl.u32 v1, v2;
	v2 =	vshrl.u32 v62, v3  }
0x98: {  	v1 =	vand.u32 $0xFFFF, v1;
	v2 =	vshll.u32 v2, $0x10  }
0x99: {  	v1 =	vor.u32 v1, v2  }
0x9a: {  	[tilespmem:s28+$0x560] =	vst v1  }
0x9b: {  	v1 =	vld [tilespmem:s26+$0x370]  }
0x9c: {  	v2 =	vld [tilespmem:s21+$0x70]  }
0x9d: {  	v3 =	vld [tilespmem:s21+$0xF0]  }
0x9e: {  	v63 =	vld [tilespmem:s26+$0x3F0];
	_ =	sdelay $0x3  }
0x9f: {  	v2 =	vshll.u32 v2, $0x4;
	v3 =	vshll.u32 v3, $0x4  }
.Ltmp5:
0xa0: {  	v1 =	vshrl.u32 v1, v2;
	v2 =	vshrl.u32 v63, v3;
	(pc) =	sbr.rel .LBB2_7-.Ltmp5, $4  }
0xa1: {  	v1 =	vand.u32 $0xFFFF, v1;
	v2 =	vshll.u32 v2, $0x10  }
0xa2: {  	s29 =	sshrl.u32 s18, $0x1;
	s30 =	sshrl.u32 s18, $0x4;
	v1 =	vor.u32 v1, v2  }
0xa3: {  	s18 =	sadd.s32 s6, s30;
	s31 =	sor.u32 $0x500, s28;
	s19 =	sand.u32 $0x7, s29;
	[tilespmem:s28+$0x570] =	vst v1  }
0xa4: {  	[hbm4b:s18+s19] =	stream.linear.scatter [tilespmem:s31], [sflag:$0x4], $0x80, $0x38;
	[tilespmem:$0x600] =	vst v63  }
.LBB2_8:
0xa5: {  	_ =	sfence.sel $0x180000  }
0xa6: {  	s2 =	simm.s32 $0x2;
	[bflag:$0x0] =	sbarrier.arrive $0xFFFF  }
0xa7: {  	s29 =	simm.s32 $0x3;
	[sflag:s2] =	ssyncpa.u1 $0x1  }
0xa8: {  	s30 =	simm.s32 $0x4;
	[sflag:s29] =	ssyncpa.u1 $0x1  }
0xa9: {  	s31 =	simm.s32 $0x1;
	[sflag:s30] =	ssyncpa.u1 $0x1  }
0xaa: {  	[sflag:s31] =	ssyncpa.u1 $0x1  }
0xab: {  	p0 =	sne.s32 s0, $0x0;
	_ =	strace $0x90000047  }
0xac: {  	s0 =	sadd.s32 @!p0 $0x100000, s1;
	[bflag:$0x2] =	sbarrier.arrive $0xFFFF  }
0xad: {  	[sflag:s0] =	ssyncadd.tile.s32 @!p0 $0x1;
	_ =	shalt  }
.Lfunc_end2:
_tile_overlayer_lowered:
.L_overlay_start_2:
0xae: {  	(tag) =	ssettag $0x2  }
0xaf: {  	s0 =	rddreg [dreg:$0x0];
	s2 =	stileid.u32  }
0xb0: {  	s1 =	rddreg [dreg:$0x1];
	p0 =	sne.s32 s2, $0x0  }
0xb1: {  	s3 =	rddreg [dreg:$0x2];
	[bflag:$0x3] =	sbarrier.arrive $0xFFFF;
	s2 =	simm.s32 @!p0 $0x1C01  }
0xb2: {  	[timem:s3], [sflag:s2] =	dma.local @!p0 [hbm:s0], s1  }
0xb3: {  	s0 =	simm.s32 @!p0 $0x1  }
0xb4: {  	_ =	swait.ge @!p0 [sflag:s0], s1  }
0xb5: {  	s1 =	ssub.s32 @!p0 $0x0, s1;
	[sflag:s0] =	ssyncset.done @!p0 $0x0  }
0xb6: {  	[sflag:s0] =	ssyncadd.s32 @!p0 s1  }
0xb7: {  	[bflag:$0x3] =	sbarrier.arrive $0xFFFF  }
0xb8: {  	_ =	shalt  }

// kernel: kernel.5.cloned.1.call-start
scs
__scs_entry_jumppad:
0x0: {  	(pc) =	sbr.rel $0x88, $3  }
0x1: {  	(tag) =	ssettag $0x0;
	lr =	simm.s32 $0x1  }
0x2: {  	[smem:$0x3F58] =	sst lr;
	_ =	strace $0xD0000000  }
0x3: {  	_ = 	snop  }
0x4: {  	_ = 	snop  }
0x5: {  	_ = 	snop  }
0x6: {  	_ = 	snop  }
0x7: {  	_ = 	snop  }
__scs_overlays_trampoline_lowered:
0x8: {  	[smem:$0x3F67] =	sst s0  }
0x9: {  	[smem:$0x3F68] =	sst s1  }
0xa: {  	[smem:$0x3F69] =	sst s2  }
0xb: {  	[smem:$0x3F6A] =	sst s3  }
0xc: {  	[smem:$0x3F6B] =	sst s4  }
0xd: {  	[smem:$0x3F6C] =	sst s5  }
0xe: {  	[smem:$0x3F6D] =	sst s6  }
0xf: {  	[smem:$0x3F6E] =	sst s7  }
0x10: {  	[smem:$0x3F6F] =	sst s8  }
0x11: {  	[smem:$0x3F70] =	sst s9;
	s0 =	simm.s32 @!p0 $0x0  }
0x12: {  	s1 =	sld [smem:$0x3F56];
	s0 =	simm.s32 @p0 $0x1  }
0x13: {  	[smem:$0x3F71] =	sst s0;
	s0 =	simm.s32 @!p1 $0x0  }
0x14: {  	s2 =	sld [smem:$0x3F55];
	s0 =	simm.s32 @p1 $0x1  }
0x15: {  	[smem:$0x3F72] =	sst s0;
	s0 =	simm.s32 @!p2 $0x0  }
0x16: {  	s3 =	sld [smem:$0x3FDB];
	s0 =	simm.s32 @p2 $0x1  }
0x17: {  	s4 =	simm.s32 $0x1BF5;
	[smem:$0x3F74] =	sst s0  }
0x18: {  	s0 =	sld [smem:$0x3F57];
	_ =	swait.ge [sflag:s4], $0x0  }
0x19: {  	s7 =	sld [smem:$0x3F58]  }
0x1a: {  	s8 =	sadd.s32 $0xFFFFE003, lr  }
0x1b: {  	s9 =	sadd.s32 $0xFFFFFEF7, lr;
	s5 =	simm.s32 $0xFFFFFFFF;
	p2 =	slt.u32 s8, $0xFFFFF086  }
0x1c: {  	p1 =	slt.u32 s9, $0xF7A;
	s5 =	simm.s32 @!p2 $0x0  }
0x1d: {  	s5 =	simm.s32 @p1 $0x1;
	p0 =	seq.s32 s7, s2  }
0x1e: {  	s7 =	smul.u32 @!p0 $0xF7A, s2;
	p2 =	seq.s32 @!p0 s5, $0x0  }
0x1f: {  	s9 =	smul.u32 $0xF7A, s1;
	s8 =	simm.s32 @!p0 $0x1BF5;
	p2 =	por !p2, p0  }
0x20: {  	[sflag:s8] =	ssyncset.s32 @!p0 $0xFFFFF086;
	s6 =	sadd.s32 @!p0 s3, s7;
	s7 =	simm.s32 @!p0 $0x108  }
0x21: {  	s3 =	sadd.s32 s3, s9;
	s6 =	sadd.s32 @!p0 $0x88, s6;
	s7 =	simm.s32 @p2 $0x1082  }
0x22: {  	[simem:s7], [sflag:s8] =	dma.local @!p0 [hbm:s6], $0xF7A  }
0x23: {  	s9 =	sor.u32 $0xD0000000, s2;
	s6 =	simm.s32 $0x108;
	_ =	swait.ge @!p0 [sflag:s8], $0x0  }
0x24: {  	s3 =	sadd.s32 $0x88, s3;
	s6 =	simm.s32 @!p1 $0x1082;
	[sflag:s4] =	ssyncset.s32 $0xFFFFF086  }
0x25: {  	[simem:s6], [sflag:s4] =	dma.local [hbm:s3], $0xF7A  }
0x26: {  	[smem:$0x3F58] =	sst s1;
	(tag) =	ssettag s2;
	_ =	strace s9  }
0x27: {  	s1 =	sld [smem:$0x3F68]  }
0x28: {  	s2 =	sld [smem:$0x3F69]  }
0x29: {  	s4 =	sld [smem:$0x3F6B]  }
0x2a: {  	p0 =	seq.s32 s5, $0x0;
	s5 =	sld [smem:$0x3F6C]  }
0x2b: {  	s6 =	sld [smem:$0x3F6D]  }
0x2c: {  	s7 =	sld [smem:$0x3F6E]  }
0x2d: {  	s3 =	simm.s32 $0x108;
	s8 =	sld [smem:$0x3F6F]  }
0x2e: {  	s3 =	simm.s32 @!p0 $0x1082;
	s9 =	sld [smem:$0x3F70]  }
0x2f: {  	lr =	sadd.s32 s0, s3;
	s0 =	sld [smem:$0x3F67]  }
0x30: {  	s3 =	sld [smem:$0x3F6A]  }
0x31: {  	[smem:$0x3F73] =	sst s10  }
0x32: {  	s10 =	sld [smem:$0x3F71];
	_ =	sdelay $0x3  }
0x33: {  	p0 =	seq.s32 s10, $0x1;
	s10 =	sld [smem:$0x3F73];
	_ =	sdelay $0x3  }
0x34: {  	[smem:$0x3F73] =	sst s10  }
0x35: {  	s10 =	sld [smem:$0x3F72];
	_ =	sdelay $0x3  }
0x36: {  	p1 =	seq.s32 s10, $0x1;
	s10 =	sld [smem:$0x3F73];
	_ =	sdelay $0x3  }
0x37: {  	[smem:$0x3F73] =	sst s10  }
0x38: {  	s10 =	sld [smem:$0x3F74]  }
0x39: {  	_ = 	snop;
	(pc) =	sbr.ind lr, $3  }
0x3a: {  	_ = 	snop  }
0x3b: {  	_ = 	snop  }
0x3c: {  	p2 =	seq.s32 s10, $0x1;
	s10 =	sld [smem:$0x3F73]  }
0x3d: {  	_ =	shalt  }
0x3e: {  	_ =	shalt  }
0x3f: {  	_ =	shalt  }
0x40: {  	_ =	shalt  }
0x41: {  	_ =	shalt  }
0x42: {  	_ =	shalt  }
0x43: {  	_ =	shalt  }
0x44: {  	_ =	shalt  }
0x45: {  	_ =	shalt  }
0x46: {  	_ =	shalt  }
0x47: {  	_ =	shalt  }
0x48: {  	_ =	shalt  }
0x49: {  	_ =	shalt  }
0x4a: {  	_ =	shalt  }
0x4b: {  	_ =	shalt  }
0x4c: {  	_ =	shalt  }
0x4d: {  	_ =	shalt  }
0x4e: {  	_ =	shalt  }
0x4f: {  	_ =	shalt  }
0x50: {  	_ =	shalt  }
0x51: {  	_ =	shalt  }
0x52: {  	_ =	shalt  }
0x53: {  	_ =	shalt  }
0x54: {  	_ =	shalt  }
0x55: {  	_ =	shalt  }
0x56: {  	_ =	shalt  }
0x57: {  	_ =	shalt  }
0x58: {  	_ =	shalt  }
0x59: {  	_ =	shalt  }
0x5a: {  	_ =	shalt  }
0x5b: {  	_ =	shalt  }
0x5c: {  	_ =	shalt  }
0x5d: {  	_ =	shalt  }
0x5e: {  	_ =	shalt  }
0x5f: {  	_ =	shalt  }
0x60: {  	_ =	shalt  }
0x61: {  	_ =	shalt  }
0x62: {  	_ =	shalt  }
0x63: {  	_ =	shalt  }
0x64: {  	_ =	shalt  }
0x65: {  	_ =	shalt  }
0x66: {  	_ =	shalt  }
0x67: {  	_ =	shalt  }
0x68: {  	_ =	shalt  }
0x69: {  	_ =	shalt  }
0x6a: {  	_ =	shalt  }
0x6b: {  	_ =	shalt  }
0x6c: {  	_ =	shalt  }
0x6d: {  	_ =	shalt  }
0x6e: {  	_ =	shalt  }
0x6f: {  	_ =	shalt  }
0x70: {  	_ =	shalt  }
0x71: {  	_ =	shalt  }
0x72: {  	_ =	shalt  }
0x73: {  	_ =	shalt  }
0x74: {  	_ =	shalt  }
0x75: {  	_ =	shalt  }
0x76: {  	_ =	shalt  }
0x77: {  	_ =	shalt  }
0x78: {  	_ =	shalt  }
0x79: {  	_ =	shalt  }
0x7a: {  	_ =	shalt  }
0x7b: {  	_ =	shalt  }
0x7c: {  	_ =	shalt  }
0x7d: {  	_ =	shalt  }
0x7e: {  	_ =	shalt  }
0x7f: {  	_ =	shalt  }
0x80: {  	_ =	shalt  }
0x81: {  	_ =	shalt  }
0x82: {  	_ =	shalt  }
0x83: {  	_ =	shalt  }
0x84: {  	_ =	shalt  }
0x85: {  	_ =	shalt  }
0x86: {  	_ =	shalt  }
0x87: {  	_ =	shalt  }
.Lfunc_end0:
.L_simem_size_0:
called_computation.7_lowered:
.L_overlay_start_0:
0x88: {  	s2 =	sld [smem:$0x3FD9]  }
0x89: {  	s3 =	sld [smem:$0x3FFE];
	_ =	sdelay $0x1  }
0x8a: {  	s1 =	srdreg.scid  }
0x8b: {  	s0 =	sand.u32 $0x1, s1  }
0x8c: {  	s15 =	sshll.u32 s0, $0xA;
	s2 =	sadd.s32 s3, s2  }
0x8d: {  	s2 =	sadd.s32 s2, s15  }
0x8e: {  	[smem:$0x3F7F] =	sst s2  }
0x8f: {  	_ = 	snop  }
0x90: {  	s2 =	sld [smem:$0x3FD0];
	_ =	sdelay $0x2  }
0x91: {  	s16 =	simm.s32 $0xD;
	s4 =	simm.s32 $0x10  }
0x92: {  	[smem:s4], [sflag:s16] =	dma.local [hbm:s2], $0x1  }
0x93: {  	_ =	swait.eq [sflag:s16], $0x1  }
0x94: {  	[sflag:s16] =	ssyncset.done $0x0  }
0x95: {  	[sflag:s16] =	ssyncadd.s32 $0xFFFFFFFF  }
0x96: {  	s17 =	sld [smem:$0x11];
	(tm) =	ssettm $0x1  }
0x97: {  	s18 =	sld [smem:$0x3FFB];
	_ =	sdelay $0x3  }
0x98: {  	_ =	strace s18  }
0x99: {  	s2 =	sld [smem:$0x3FFC];
	_ =	sdelay $0x3  }
0x9a: {  	_ =	strace s2  }
0x9b: {  	s2 =	sld [smem:$0x3FFD];
	_ =	sdelay $0x3  }
0x9c: {  	_ =	strace s2  }
0x9d: {  	_ =	strace $0x8FFFFFFF  }
0x9e: {  	s19 =	sld [smem:$0x3FDB];
	_ =	sdelay $0x1  }
0x9f: {  	s20 =	simm.s32 $_scs_section_size  }
0xa0: {  	s5 =	simm.s32 $_size__tile_overlayer_lowered;
	s6 =	simm.s32 $_tile_overlayer_lowered  }
0xa1: {  	s7 =	simm.s32 $0x1BFF;
	s21 =	sshll.u32 s6, $0x1;
	s4 =	sadd.s32 s20, s19  }
0xa2: {  	s22 =	simm.s32 $0x0;
	s5 =	sshll.u32 s5, $0x1;
	s6 =	sadd.s32 s21, s4  }
0xa3: {  	[timem:s22], [sflag:s7] =	dma.local [hbm:s6], s5  }
0xa4: {  	_ =	swait.ge [sflag:s7], s5  }
0xa5: {  	s5 =	ssub.s32 $0x0, s5;
	[sflag:s7] =	ssyncset.done $0x0  }
0xa6: {  	[sflag:s7] =	ssyncadd.s32 s5;
	_ =	sdelay $0x1  }
0xa7: {  	s23 =	simm.s32 $0x1B8B  }
0xa8: {  	_ =	swait.ge [sflag:s23], $0x1  }
0xa9: {  	[sflag:s23] =	ssyncset.done $0x0  }
0xaa: {  	[sflag:s23] =	ssyncadd.s32 $0xFFFFFFFF  }
0xab: {  	s5 =	sld [smem:$0x0]  }
0xac: {  	s6 =	sand.u32 $0xFFFFFFFE, s1  }
0xad: {  	p0 =	sne.s32 s1, s6  }
0xae: {  	s6 =	sshll.u32 @p0 s6, $0xE  }
0xaf: {  	s6 =	sadd.s32 @p0 $0x11B8D, s6;
	s7 =	sshll.u32 @p0 s5, $0x11  }
0xb0: {  	s6 =	sor.u32 @p0 s7, s6  }
0xb1: {  	[sflag:s6] =	ssyncadd.remote.s32 @p0 $0x1;
	_ =	sdelay $0x1  }
0xb2: {  	s6 =	simm.s32 @p0 $0x1B8D  }
0xb3: {  	_ =	swait.eq @p0 [sflag:s6], $0x1  }
0xb4: {  	[sflag:s6] =	ssyncadd.s32 @p0 $0xFFFFFFFF  }
0xb5: {  	s7 =	sshll.u32 @!p0 s1, $0xE  }
0xb6: {  	s7 =	sor.u32 @!p0 $0x4000, s7;
	s6 =	simm.s32 @!p0 $0x1B8D  }
0xb7: {  	s5 =	sshll.u32 @!p0 s5, $0x11;
	s7 =	sadd.s32 @!p0 $0x11B8D, s7;
	_ =	swait.eq @!p0 [sflag:s6], $0x1  }
0xb8: {  	s5 =	sor.u32 @!p0 s5, s7;
	[sflag:s6] =	ssyncadd.s32 @!p0 $0xFFFFFFFF  }
0xb9: {  	s25 =	simm.s32 $0x1B8E;
	s24 =	sld [smem:$0x3FFE];
	[sflag:s5] =	ssyncadd.remote.s32 @!p0 $0x1  }
0xba: {  	s26 =	simm.s32 $execute0_lowered;
	[smem:$0x3FD2] =	sst s25  }
0xbb: {  	s6 =	sshll.u32 s26, $0x1;
	_ =	strace $0x8000004F;
	[dreg:$0x1] =	wrdreg $0xFFFFFFFF  }
0xbc: {  	s28 =	simm.s32 $_size_execute0_lowered;
	s4 =	sadd.s32 s4, s6;
	[dreg:$0x0] =	wrdreg $0x0  }
0xbd: {  	s6 =	sshll.u32 s28, $0x1;
	[dreg:$0x2] =	wrdreg s4  }
0xbe: {  	[dreg:$0x3] =	wrdreg s6  }
0xbf: {  	[dreg:$0x4] =	wrdreg $0xC0  }
0xc0: {  	_ =	task [dreg:s22], $0x5FFFF  }
0xc1: {  	[dreg:$0x1] =	wrdreg $0xFFFFFFFF  }
0xc2: {  	[dreg:$0x0] =	wrdreg $0x60  }
0xc3: {  	[dreg:$0x2] =	wrdreg s24  }
0xc4: {  	[dreg:$0x3] =	wrdreg s17  }
0xc5: {  	[dreg:$0x4] =	wrdreg $0xC  }
0xc6: {  	_ =	task.clear_ibuf [dreg:s22], $0x5FFFF;
	_ =	strace $0x9000004F  }
0xc7: {  	s29 =	simm.s32 $0xC;
	_ =	strace $0x80000051  }
0xc8: {  	_ =	swait.ge [sflag:s29], $0x1  }
0xc9: {  	[sflag:s29] =	ssyncadd.s32 $0xFFFFFFFF  }
0xca: {  	_ =	strace $0x90000051  }
0xcb: {  	_ =	sfence  }
0xcc: {  	s30 =	sld [smem:$0x0];
	_ =	sdelay $0x2  }
0xcd: {  	s31 =	sshll.u32 s1, $0xD;
	s1 =	sshrl.u32 s1, $0x2  }
0xce: {  	s4 =	sand.u32 $0x4000, s31;
	s1 =	sadd.s32 s1, s30  }
0xcf: {  	s0 =	sor.u32 s4, s0;
	s1 =	sshll.u32 s1, $0x11  }
0xd0: {  	s0 =	sor.u32 s1, s0  }
0xd1: {  	s0 =	sadd.s32 $0x8F2B, s0  }
0xd2: {  	[sflag:s0] =	ssyncadd.remote.s32 $0x1  }
0xd3: {  	_ =	sfence.sel $0xFFFF  }
0xd4: {  	[dreg:$0x0] =	wrdreg $0xFFFFFFFF;
	(pc) =	sbr.abs _section_cstart, $3  }
0xd5: {  	[dreg:$0x1] =	wrdreg $0xFFFFFFFF  }
0xd6: {  	_ =	task.clear_ibuf [dreg:s22], $0x2FFFF;
	_ =	strace $0x9FFFFFFF  }
0xd7: {  	(tm) =	ssettm $0x7FFFFFFF  }
tec
execute0_lowered:
.L_overlay_start_1:
0x0: {  	(tag) =	ssettag $0x1  }
0x1: {  	s0 =	srdreg.scid  }
0x2: {  	s4 =	sand.u32 $0x1, s0;
	s0 =	stileid.u32  }
0x3: {  	s3 =	sor.u32 s0, s4  }
0x4: {  	p0 =	sne.s32 s3, $0x0  }
.Ltmp0:
0x5: {  	_ = 	snop;
	(pc) =	sbr.rel @p0 .LBB2_5-.Ltmp0, $4  }
0x6: {  	_ = 	snop  }
0x7: {  	s6 =	rddreg [dreg:$0x0]  }
0x8: {  	s2 =	rddreg [dreg:$0x1]  }
0x9: {  	s1 =	rddreg [dreg:$0x2];
	_ =	strace $0x80000050  }
0xa: {  	s3 =	sadd.s32 $0x7200, s6;
	s7 =	ssub.s32 $0x2, s4  }
0xb: {  	s4 =	sadd.s32 $0x7000, s6;
	s5 =	sadd.s32 $0x6600, s6;
	s6 =	sadd.s32 $0x7A00, s6  }
0xc: {  	s9 =	simm.s32 $0x1;
	s10 =	simm.s32 $0x400;
	s11 =	simm.s32 $0x800  }
0xd: {  	s12 =	simm.s32 $0xC00;
	s13 =	simm.s32 $0x1000;
	s8 =	sshrl.u32 s7, $0x1  }
0xe: {  	v0 =	vimm.s32 $0x1;
	v1 =	vimm.s32 $0x0;
	s14 =	simm.s32 $0x0;
	s7 =	ssub.s32 s7, s8;
	s8 =	simm.s32 $0x0  }
.LBB2_2:
0xf: {  	[tilespmem:s8], [sflag:$0x1] =	stream.linear.gather [hbm4b:s3+s8], $0x400, $0x38;
	[tilespmem:$0x1080] =	vst v63  }
0x10: {  	_ =	swait.ge [sflag:s9], $0x400  }
0x11: {  	[sflag:s9] =	ssyncset.done $0x0  }
0x12: {  	[sflag:s9] =	ssyncadd.s32 $0xFFFFFC00  }
0x13: {  	[tilespmem:s10], [sflag:$0x1] =	stream.linear.gather [hbm4b:s4+s8], $0x400, $0x38;
	[tilespmem:$0x1080] =	vst v63  }
0x14: {  	_ =	swait.ge [sflag:s9], $0x400  }
0x15: {  	[sflag:s9] =	ssyncset.done $0x0  }
0x16: {  	[sflag:s9] =	ssyncadd.s32 $0xFFFFFC00  }
0x17: {  	[tilespmem:s11], [sflag:$0x1] =	stream.linear.gather [hbm4b:s5+s8], $0x400, $0x38;
	[tilespmem:$0x1080] =	vst v63  }
0x18: {  	_ =	swait.ge [sflag:s9], $0x400  }
0x19: {  	[sflag:s9] =	ssyncset.done $0x0  }
0x1a: {  	s16 =	simm.s32 $0x0;
	[sflag:s9] =	ssyncadd.s32 $0xFFFFFC00  }
0x1b: {  	v2 =	vld [tilespmem:s16+$0x0]  }
0x1c: {  	v3 =	vld [tilespmem:s16+$0x400]  }
0x1d: {  	v4 =	vld [tilespmem:s16+$0x800];
	_ =	sdelay $0x4  }
0x1e: {  	s15 =	simm.s32 $0x10;
	vm0 =	vge.f32 v2, v3;
	vm1 =	vge.f32 v2, v4  }
0x1f: {  	vm0 =	vmand vm0, vm1;
	vm1 =	vge.f32 v3, v4;
	v3 =	vld [tilespmem:s15+$0x0]  }
0x20: {  	v4 =	vld [tilespmem:s15+$0x400]  }
0x21: {  	v7 =	vimm.s32 $0x0;
	v6 =	vimm.s32 $0x0;
	v5 =	vld [tilespmem:s15+$0x800];
	v2 =	vimm.s32 $0x0  }
0x22: {  	vm2 =	vmneg vm1;
	v8 =	vsel vm0, $0x1, v1;
	vm3 =	vmneg vm0  }
0x23: {  	s17 =	simm.s32 $0x80;
	v9 =	vsel vm2, $0x2, v0;
	vm1 =	vmor vm2, vm0;
	vm2 =	vmand vm3, vm2  }
.LBB2_3:
0x24: {  	s18 =	sshra.s32 s17, $0x2;
	v12 =	vsel vm0, $0x0, v9;
	vm0 =	vmneg vm1;
	v10 =	vsel vm2, $0x1, v1;
	v11 =	vmovc v3;
	p0 =	sne.s32 s17, $0xFC0  }
.Ltmp1:
0x25: {  	v7 =	vadd.s32 v8, v7;
	v3 =	vld [tilespmem:s18+$0x0];
	[tilespmem:s16+$0xC00] =	vst v12;
	v8 =	vsel vm0, $0x1, v1;
	v2 =	vadd.s32 v10, v2;
	v9 =	vmovc v4;
	s16 =	smov.u32 s15;
	s15 =	smov.u32 s18;
	(pc) =	sbr.rel @p0 .LBB2_3-.Ltmp1, $4  }
0x26: {  	s17 =	sadd.s32 $0x40, s17;
	v4 =	vld [tilespmem:s15+$0x400];
	vm0 =	vge.f32 v11, v9;
	vm1 =	vge.f32 v11, v5;
	v6 =	vadd.s32 v8, v6  }
0x27: {  	vm0 =	vmand vm0, vm1;
	vm1 =	vge.f32 v9, v5;
	v5 =	vld [tilespmem:s15+$0x800]  }
0x28: {  	vm2 =	vmneg vm1;
	v8 =	vsel vm0, $0x1, v1;
	vm3 =	vmneg vm0  }
0x29: {  	v9 =	vsel vm2, $0x2, v0;
	vm1 =	vmor vm2, vm0;
	vm2 =	vmand vm3, vm2  }
0x2a: {  	v9 =	vsel vm0, $0x0, v9;
	vm10 =	vmneg vm1  }
0x2b: {  	v10 =	vsel vm2, $0x1, v1;
	v7 =	vadd.s32 v8, v7;
	v59 =	vsel vm10, $0x1, v1  }
0x2c: {  	vm11 =	vge.f32 v3, v4;
	vm12 =	vge.f32 v3, v5;
	vm13 =	vge.f32 v4, v5  }
0x2d: {  	v3 =	vadd.s32 v59, v6;
	vm0 =	vmand vm11, vm12;
	vm14 =	vmneg vm13  }
0x2e: {  	v60 =	vsel vm0, $0x1, v1;
	v61 =	vsel vm14, $0x2, v0;
	vm2 =	vmor vm14, vm0  }
0x2f: {  	[tilespmem:s16+$0xC00] =	vst v9;
	vm3 =	vmneg vm0;
	v5 =	vsel vm0, $0x0, v61;
	vm15 =	vmneg vm2  }
0x30: {  	vm1 =	vmand vm3, vm14;
	v4 =	vadd.s32 v60, v7;
	[tilespmem:s15+$0xC00] =	vst v5;
	v62 =	vsel vm15, $0x1, v1  }
0x31: {  	v2 =	vadd.s32 v10, v2;
	v63 =	vsel vm1, $0x1, v1;
	v3 =	vadd.s32 v62, v3;
	[tilespmem:$0x1000] =	vst v4  }
0x32: {  	v2 =	vadd.s32 v63, v2;
	[tilespmem:$0x1010] =	vst v3  }
0x33: {  	[tilespmem:$0x1020] =	vst v2  }
0x34: {  	[hbm4b:s6+s8] =	stream.linear.scatter [tilespmem:s12], [sflag:$0x1], $0x400, $0x38;
	[tilespmem:$0x1080] =	vst v63  }
0x35: {  	s14 =	sadd.s32 $0x1, s14;
	_ =	swait.ge [sflag:s9], $0x400  }
0x36: {  	p0 =	sne.s32 s14, s7;
	[sflag:s9] =	ssyncset.done $0x0  }
.Ltmp2:
0x37: {  	[sflag:s9] =	ssyncadd.s32 $0xFFFFFC00;
	(pc) =	sbr.rel @p0 .LBB2_2-.Ltmp2, $4  }
0x38: {  	[hbm4b:s2+s8] =	stream.linear.scatter [tilespmem:s13], [sflag:$0x1], $0x80, $0x38;
	[tilespmem:$0x1080] =	vst v63  }
0x39: {  	_ =	swait.ge [sflag:s9], $0x80  }
0x3a: {  	[sflag:s9] =	ssyncset.done $0x0  }
0x3b: {  	[sflag:s9] =	ssyncadd.s32 $0xFFFFFF80  }
.LBB2_5:
0x3c: {  	_ =	sfence.sel $0x180000  }
0x3d: {  	[bflag:$0x0] =	sbarrier.arrive $0xFFFF  }
0x3e: {  	p0 =	sne.s32 s0, $0x0;
	_ =	strace $0x90000050  }
0x3f: {  	s0 =	sadd.s32 @!p0 $0x100000, s1;
	[bflag:$0x2] =	sbarrier.arrive $0xFFFF  }
0x40: {  	[sflag:s0] =	ssyncadd.tile.s32 @!p0 $0x1;
	_ =	shalt  }
.Lfunc_end2:
_tile_overlayer_lowered:
.L_overlay_start_2:
0x41: {  	(tag) =	ssettag $0x2  }
0x42: {  	s0 =	rddreg [dreg:$0x0];
	s2 =	stileid.u32  }
0x43: {  	s1 =	rddreg [dreg:$0x1];
	p0 =	sne.s32 s2, $0x0  }
0x44: {  	s3 =	rddreg [dreg:$0x2];
	[bflag:$0x3] =	sbarrier.arrive $0xFFFF;
	s2 =	simm.s32 @!p0 $0x1C01  }
0x45: {  	[timem:s3], [sflag:s2] =	dma.local @!p0 [hbm:s0], s1  }
0x46: {  	s0 =	simm.s32 @!p0 $0x1  }
0x47: {  	_ =	swait.ge @!p0 [sflag:s0], s1  }
0x48: {  	s1 =	ssub.s32 @!p0 $0x0, s1;
	[sflag:s0] =	ssyncset.done @!p0 $0x0  }
0x49: {  	[sflag:s0] =	ssyncadd.s32 @!p0 s1  }
0x4a: {  	[bflag:$0x3] =	sbarrier.arrive $0xFFFF  }
0x4b: {  	_ =	shalt  }

// kernel: sparse-core-data-format-call.1.cloned.1.call-start
scs
called_computation.1_lowered:
.L_overlay_start_0:
0x0: {  	s2 =	sld [smem:$0x3FD9]  }
0x1: {  	s3 =	sld [smem:$0x3FFE];
	_ =	sdelay $0x1  }
0x2: {  	s1 =	srdreg.scid  }
0x3: {  	s0 =	sand.u32 $0x1, s1  }
0x4: {  	s15 =	sshll.u32 s0, $0xA;
	s2 =	sadd.s32 s3, s2  }
0x5: {  	s2 =	sadd.s32 s2, s15  }
0x6: {  	[smem:$0x3F7F] =	sst s2  }
0x7: {  	_ = 	snop  }
0x8: {  	s2 =	sld [smem:$0x3FD0];
	_ =	sdelay $0x2  }
0x9: {  	s16 =	simm.s32 $0xD;
	s4 =	simm.s32 $0x10  }
0xa: {  	[smem:s4], [sflag:s16] =	dma.local [hbm:s2], $0x1  }
0xb: {  	_ =	swait.eq [sflag:s16], $0x1  }
0xc: {  	[sflag:s16] =	ssyncset.done $0x0  }
0xd: {  	[sflag:s16] =	ssyncadd.s32 $0xFFFFFFFF  }
0xe: {  	s17 =	sld [smem:$0x10];
	(tm) =	ssettm $0x1  }
0xf: {  	s18 =	sld [smem:$0x3FFB];
	_ =	sdelay $0x3  }
0x10: {  	_ =	strace s18  }
0x11: {  	s3 =	sld [smem:$0x3FFC];
	_ =	sdelay $0x3  }
0x12: {  	_ =	strace s3  }
0x13: {  	s3 =	sld [smem:$0x3FFD];
	_ =	sdelay $0x3  }
0x14: {  	_ =	strace s3  }
0x15: {  	_ =	strace $0x8FFFFFFF  }
0x16: {  	s19 =	sld [smem:$0x3FDB];
	_ =	sdelay $0x1  }
0x17: {  	s20 =	simm.s32 $_scs_section_size  }
0x18: {  	s5 =	simm.s32 $_size__tile_overlayer_lowered;
	s6 =	simm.s32 $_tile_overlayer_lowered  }
0x19: {  	s23 =	simm.s32 $0x1BFF;
	s22 =	sshll.u32 s6, $0x1;
	s3 =	sadd.s32 s20, s19  }
0x1a: {  	s7 =	simm.s32 $0x0;
	s21 =	sshll.u32 s5, $0x1;
	s5 =	sadd.s32 s22, s3  }
0x1b: {  	[timem:s7], [sflag:s23] =	dma.local [hbm:s5], s21  }
0x1c: {  	_ =	swait.ge [sflag:s23], s21  }
0x1d: {  	s4 =	ssub.s32 $0x0, s21;
	[sflag:s23] =	ssyncset.done $0x0  }
0x1e: {  	[sflag:s23] =	ssyncadd.s32 s4;
	_ =	sdelay $0x1  }
0x1f: {  	s24 =	simm.s32 $0x1B8B  }
0x20: {  	_ =	swait.ge [sflag:s24], $0x1  }
0x21: {  	[sflag:s24] =	ssyncset.done $0x0  }
0x22: {  	s26 =	simm.s32 $0x1B8E;
	s25 =	sld [smem:$0x3FFE];
	[sflag:s24] =	ssyncadd.s32 $0xFFFFFFFF  }
0x23: {  	s27 =	simm.s32 $execute0_lowered;
	[smem:$0x3FD2] =	sst s26  }
0x24: {  	s5 =	sshll.u32 s27, $0x1;
	_ =	strace $0x80000058;
	[dreg:$0x1] =	wrdreg $0xFFFFFFFF  }
0x25: {  	s28 =	simm.s32 $_size_execute0_lowered;
	s3 =	sadd.s32 s3, s5;
	[dreg:$0x0] =	wrdreg $0x0  }
0x26: {  	s5 =	sshll.u32 s28, $0x1;
	[dreg:$0x2] =	wrdreg s3  }
0x27: {  	[dreg:$0x3] =	wrdreg s5  }
0x28: {  	[dreg:$0x4] =	wrdreg $0xC0  }
0x29: {  	_ =	task [dreg:s7], $0x5FFFF  }
0x2a: {  	[dreg:$0x1] =	wrdreg $0xFFFFFFFF  }
0x2b: {  	[dreg:$0x0] =	wrdreg $0x60  }
0x2c: {  	[dreg:$0x2] =	wrdreg s25  }
0x2d: {  	[dreg:$0x3] =	wrdreg s17  }
0x2e: {  	[dreg:$0x4] =	wrdreg $0x9  }
0x2f: {  	_ =	task.clear_ibuf [dreg:s7], $0x5FFFF;
	_ =	strace $0x90000058  }
0x30: {  	s29 =	simm.s32 $0x9;
	_ =	strace $0x8000005A  }
0x31: {  	_ =	swait.ge [sflag:s29], $0x1  }
0x32: {  	[sflag:s29] =	ssyncadd.s32 $0xFFFFFFFF  }
0x33: {  	_ =	strace $0x9000005A  }
0x34: {  	_ =	sfence  }
0x35: {  	s30 =	sld [smem:$0x0];
	_ =	sdelay $0x2  }
0x36: {  	s31 =	sshll.u32 s1, $0xD;
	s1 =	sshrl.u32 s1, $0x2  }
0x37: {  	s3 =	sand.u32 $0x4000, s31;
	s1 =	sadd.s32 s1, s30  }
0x38: {  	s0 =	sor.u32 s3, s0;
	s1 =	sshll.u32 s1, $0x11  }
0x39: {  	s0 =	sor.u32 s1, s0  }
0x3a: {  	s0 =	sadd.s32 $0x8F2B, s0  }
0x3b: {  	[sflag:s0] =	ssyncadd.remote.s32 $0x1  }
0x3c: {  	_ =	sfence.sel $0xFFFF  }
0x3d: {  	[dreg:$0x0] =	wrdreg $0xFFFFFFFF;
	(pc) =	sbr.abs _section_cstart, $3  }
0x3e: {  	[dreg:$0x1] =	wrdreg $0xFFFFFFFF  }
0x3f: {  	_ =	task.clear_ibuf [dreg:s7], $0x2FFFF;
	_ =	strace $0x9FFFFFFF  }
0x40: {  	(tm) =	ssettm $0x7FFFFFFF  }
0x41: {  	_ =	shalt  }
tec
execute0_lowered:
.L_overlay_start_1:
0x0: {  	(tag) =	ssettag $0x1  }
0x1: {  	s3 =	rddreg [dreg:$0x0]  }
0x2: {  	s2 =	rddreg [dreg:$0x1]  }
0x3: {  	s1 =	srdreg.scid;
	s0 =	rddreg [dreg:$0x2];
	_ =	strace $0x80000059  }
0x4: {  	s7 =	simm.s32 $0x2;
	s15 =	simm.s32 $0x0;
	p0 =	por $0x0, $0x0  }
0x5: {  	s16 =	simm.s32 $0x0;
	s17 =	simm.s32 $0x0;
	s18 =	simm.s32 $0x0  }
0x6: {  	s20 =	simm.s32 $0x0;
	s19 =	simm.s32 $0x0;
	s9 =	simm.s32 $0x0  }
0x7: {  	s10 =	simm.s32 $0x0;
	s12 =	simm.s32 $0x0;
	s13 =	simm.s32 $0x0  }
.Ltmp0:
0x8: {  	s8 =	simm.s32 $0x0;
	s4 =	sshll.u32 s1, $0x4;
	(pc) =	sbr.rel .LBB1_1-.Ltmp0, $4  }
0x9: {  	s1 =	stileid.u32;
	s3 =	sadd.s32 $0x6600, s3;
	s4 =	sand.u32 $0x10, s4  }
0xa: {  	s5 =	sand.u32 $0x3, s1;
	s6 =	sor.u32 s1, s4;
	s4 =	simm.s32 $0x1  }
0xb: {  	s14 =	smov.u32 s5;
	[sflag:s4] =	ssyncpa.u1 $0x0;
	s6 =	sshrl.u32 s6, $0x2  }
0xc: {  	[sflag:s7] =	ssyncpa.u1 $0x0;
	s7 =	simm.s32 $0x1000;
	s11 =	smov.u32 s6  }
.LBB1_7:
0xd: {  	s21 =	sadd.s32 $0x200, s9  }
0xe: {  	s15 =	sadd.s32 $0x8, s10;
	s22 =	smov.u32 s10;
	p2 =	sgt.s32 s21, $0x3FF  }
0xf: {  	s22 =	smov.u32 @p2 s15  }
0x10: {  	s23 =	smov.u32 s11;
	s15 =	sadd.s32 $0x8, s11;
	p3 =	sgt.s32 s22, $0x1F  }
0x11: {  	s23 =	smov.u32 @p3 s15  }
0x12: {  	s15 =	simm.s32 $0x1;
	p4 =	sgt.s32 s23, $0x1F  }
0x13: {  	s25 =	smov.u32 s13;
	s15 =	simm.s32 @!p4 $0x0  }
0x14: {  	p1 =	slt.u32 s8, $0x2;
	s26 =	smov.u32 s14;
	s24 =	sadd.s32 s15, s12  }
0x15: {  	s8 =	sadd.s32 $0x1, s8;
	s15 =	sadd.s32 $0x4, s13;
	p5 =	sgt.s32 s24, $0x2  }
0x16: {  	s16 =	smov.u32 s10;
	s17 =	smov.u32 s11;
	s25 =	smov.u32 @p5 s15  }
0x17: {  	s21 =	simm.s32 @p2 $0x0;
	s15 =	sadd.s32 $0x4, s14;
	p2 =	sgt.s32 s25, $0x3  }
0x18: {  	s18 =	smov.u32 s12;
	s20 =	smov.u32 s13;
	s26 =	smov.u32 @p2 s15  }
0x19: {  	s27 =	simm.s32 @!p1 $0x2;
	s25 =	simm.s32 @p2 $0x0;
	p2 =	sgt.s32 s26, $0x3  }
0x1a: {  	_ =	swait.ge @!p1 [sflag:s27], $0x4000;
	s26 =	smov.u32 @p2 s5;
	p2 =	sne.s32 s8, $0x62  }
.Ltmp1:
0x1b: {  	s19 =	smov.u32 s14;
	[sflag:s27] =	ssyncset.done @!p1 $0x0;
	(pc) =	sbr.rel @!p2 .LBB1_8-.Ltmp1, $4  }
0x1c: {  	p0 =	por !p0, !p0;
	s22 =	simm.s32 @p3 $0x0;
	[sflag:s27] =	ssyncadd.s32 @!p1 $0xFFFFC000  }
0x1d: {  	s10 =	smov.u32 s22;
	s23 =	smov.u32 @p4 s6;
	s24 =	simm.s32 @p5 $0x0  }
0x1e: {  	s11 =	smov.u32 s23;
	s12 =	smov.u32 s24;
	s15 =	smov.u32 s9  }
0x1f: {  	s9 =	smov.u32 s21;
	s13 =	smov.u32 s25;
	s14 =	smov.u32 s26  }
.LBB1_1:
0x20: {  	p1 =	sgt.u32 s8, $0x5F  }
0x21: {  	s21 =	sxor.u32 @!p1 $0xFFFFFFFF, s8  }
0x22: {  	s22 =	sshll.u32 @!p1 s10, $0x7;
	s23 =	smul.u32 @!p1 $0x180000, s14;
	s24 =	sand.u32 @!p1 $0x78, s9  }
0x23: {  	s26 =	smul.u32 @!p1 $0x60000, s13;
	s21 =	sshll.u32 @!p1 s21, $0xE;
	s25 =	sand.u32 @!p1 $0x380, s22  }
0x24: {  	s22 =	sand.u32 @!p1 $0xC00, s22;
	s21 =	sand.u32 @!p1 $0x4000, s21;
	s23 =	sadd.s32 @!p1 s3, s23  }
0x25: {  	s24 =	sor.u32 @!p1 s24, s25;
	s25 =	sshll.u32 @!p1 s12, $0x11;
	s23 =	sadd.s32 @!p1 s26, s23  }
0x26: {  	s22 =	sadd.s32 @!p1 s9, s22;
	s26 =	sshll.u32 @!p1 s11, $0xC;
	s23 =	sadd.s32 @!p1 s25, s23  }
0x27: {  	s24 =	sshrl.u32 @!p1 s24, $0x3;
	s25 =	sand.u32 @!p1 $0x7, s9;
	s23 =	sadd.s32 @!p1 s26, s23  }
0x28: {  	s22 =	sand.u32 @!p1 $0xF80, s22;
	s23 =	sadd.s32 @!p1 s24, s23;
	s24 =	sshll.u32 @!p1 s25, $0x12  }
0x29: {  	s22 =	sadd.s32 @!p1 s22, s23;
	s23 =	sor.u32 @!p1 $0x1000, s24;
	s24 =	simm.s32 @!p1 $0x300000  }
0x2a: {  	[tilespmem:s21], [sflag:$0x1] =	stream.strided.gather @!p1 [hbm4b:s22+s23], $0x4000, s24, s23, $0x38;
	[tilespmem:$0x10000] =	vst v63  }
0x2b: {  	p1 =	seq.s32 s8, $0x0  }
0x2c: {  	p2 =	seq.s32 @!p1 s8, $0x61  }
0x2d: {  	p1 =	por p1, p2  }
.Ltmp2:
0x2e: {  	_ = 	snop;
	(pc) =	sbr.rel @p1 .LBB1_7-.Ltmp2, $1  }
0x2f: {  	_ =	sdelay $0x3  }
0x30: {  	s21 =	simm.s32 $0x1  }
0x31: {  	_ =	swait.ge [sflag:s4], $0x4000;
	s24 =	sshll.u32 s8, $0xE;
	s25 =	simm.s32 $0x0  }
0x32: {  	s26 =	simm.s32 $0x0;
	s21 =	simm.s32 @!p0 $0x0;
	[sflag:s4] =	ssyncset.done $0x0  }
0x33: {  	s24 =	sand.u32 $0x4000, s24;
	s21 =	sshll.u32 s21, $0xE;
	[sflag:s4] =	ssyncadd.s32 $0xFFFFC000  }
0x34: {  	s22 =	sor.u32 $0x8400, s21;
	s23 =	sor.u32 $0x810, s21;
	s21 =	sor.u32 $0x8000, s24  }
.LBB1_3:
0x35: {  	v4 =	vld [tilespmem:s23+$0xFFFFF7F0]  }
0x36: {  	v5 =	vld [tilespmem:s23+$0xFFFFF800]  }
0x37: {  	s27 =	sshll.u32 s26, $0xC;
	v6 =	vld [tilespmem:s23+$0xFFFFF810]  }
0x38: {  	v0 =	vmov s27  }
0x39: {  	v7 =	vld [tilespmem:s23+$0xFFFFF820]  }
0x3a: {  	s27 =	sand.u32 $0x200, s25;
	[tilespmem:s22+$0xFFFFFC00] =	vst v4;
	v4 =	vld [tilespmem:s23+$0xFFFFF860]  }
0x3b: {  	s28 =	sand.u32 $0x180, s25;
	s27 =	sadd.s32 s27, s24;
	[tilespmem:s22+$0xFFFFFC10] =	vst v5;
	v5 =	vld [tilespmem:s23+$0xFFFFFC00]  }
0x3c: {  	s27 =	sadd.s32 s28, s27;
	[tilespmem:s22+$0xFFFFFC20] =	vst v6;
	v6 =	vld [tilespmem:s23+$0xFFFFFC10]  }
0x3d: {  	v1 =	vld.idx.msk [tilespmem:v0+s27+$0xC00 ss:$0x1], $0xffff  }
0x3e: {  	v2 =	vld.idx.msk [tilespmem:v0+s27+$0x400 ss:$0x1], $0xffff  }
0x3f: {  	[tilespmem:s22+$0xFFFFFC30] =	vst v7;
	v3 =	vld.idx.msk [tilespmem:v0+s27+$0x800 ss:$0x1], $0xffff  }
0x40: {  	v7 =	vld [tilespmem:s23+$0x40];
	[tilespmem:s22+$0xFFFFFC70] =	vst v4  }
0x41: {  	v4 =	vld [tilespmem:s23+$0xFFFFFC50];
	[tilespmem:s22+$0xFFFFFE10] =	vst v5  }
0x42: {  	[tilespmem:s22+$0x200] =	vst v1;
	v1 =	vld [tilespmem:s23+$0xFFFFF830]  }
0x43: {  	[tilespmem:s22+$0xFFFFFE00] =	vst v2;
	v2 =	vld [tilespmem:s23+$0xFFFFF840]  }
0x44: {  	[tilespmem:s22+$0x0] =	vst v3;
	v3 =	vld [tilespmem:s23+$0xFFFFF850]  }
0x45: {  	v5 =	vld [tilespmem:s23+$0xFFFFFC60];
	[tilespmem:s22+$0xFFFFFE20] =	vst v6  }
0x46: {  	v6 =	vld [tilespmem:s23+$0x0];
	[tilespmem:s22+$0x50] =	vst v7  }
0x47: {  	[tilespmem:s22+$0xFFFFFC40] =	vst v1;
	v1 =	vld [tilespmem:s23+$0xFFFFFC20]  }
0x48: {  	[tilespmem:s22+$0xFFFFFC50] =	vst v2;
	v2 =	vld [tilespmem:s23+$0xFFFFFC30]  }
0x49: {  	[tilespmem:s22+$0xFFFFFC60] =	vst v3;
	v3 =	vld [tilespmem:s23+$0xFFFFFC40]  }
0x4a: {  	[tilespmem:s22+$0xFFFFFE70] =	vst v5;
	v5 =	vld [tilespmem:s23+$0x50]  }
0x4b: {  	[tilespmem:s22+$0x10] =	vst v6;
	v6 =	vld [tilespmem:s23+$0x60]  }
0x4c: {  	[tilespmem:s22+$0xFFFFFE30] =	vst v1;
	v1 =	vld [tilespmem:s23+$0x10]  }
0x4d: {  	[tilespmem:s22+$0xFFFFFE40] =	vst v2;
	v2 =	vld [tilespmem:s23+$0x20]  }
0x4e: {  	[tilespmem:s22+$0xFFFFFE50] =	vst v3;
	v3 =	vld [tilespmem:s23+$0x30]  }
0x4f: {  	[tilespmem:s22+$0xFFFFFE60] =	vst v4;
	v4 =	vld [tilespmem:s23+$0x400]  }
0x50: {  	[tilespmem:s22+$0x60] =	vst v5;
	v5 =	vld [tilespmem:s23+$0x440]  }
0x51: {  	[tilespmem:s22+$0x20] =	vst v1;
	v1 =	vld [tilespmem:s23+$0x410]  }
0x52: {  	s30 =	simm.s32 $0x80;
	s29 =	simm.s32 $0x100;
	[tilespmem:s22+$0x30] =	vst v2;
	v2 =	vld [tilespmem:s23+$0x420]  }
0x53: {  	s31 =	sand.u32 $0x200, s30;
	s28 =	smov.u32 s23;
	s27 =	smov.u32 s22;
	[tilespmem:s22+$0x40] =	vst v3;
	v3 =	vld [tilespmem:s23+$0x430]  }
.LBB1_4:
0x54: {  	p1 =	sne.s32 s29, $0x380;
	s30 =	sand.u32 $0x180, s30;
	s31 =	sadd.s32 s31, s24;
	[tilespmem:s27+$0x70] =	vst v6;
	v6 =	vld [tilespmem:s28+$0x450]  }
0x55: {  	s31 =	sadd.s32 s30, s31;
	[tilespmem:s27+$0x210] =	vst v4;
	v4 =	vld [tilespmem:s28+$0x460];
	s30 =	smov.u32 s29  }
0x56: {  	v7 =	vld.idx.msk [tilespmem:v0+s31+$0xC00 ss:$0x1], $0xffff;
	[tilespmem:s27+$0x220] =	vst v1  }
0x57: {  	v1 =	vld.idx.msk [tilespmem:v0+s31+$0x400 ss:$0x1], $0xffff;
	[tilespmem:s27+$0x230] =	vst v2  }
0x58: {  	s28 =	sadd.s32 $0x80, s28;
	v2 =	vld.idx.msk [tilespmem:v0+s31+$0x800 ss:$0x1], $0xffff;
	[tilespmem:s27+$0x240] =	vst v3  }
0x59: {  	v3 =	vld [tilespmem:s28+$0xFFFFF7F0];
	[tilespmem:s27+$0x250] =	vst v5  }
0x5a: {  	v5 =	vld [tilespmem:s28+$0xFFFFF800];
	[tilespmem:s27+$0x260] =	vst v6  }
0x5b: {  	v6 =	vld [tilespmem:s28+$0xFFFFF810];
	[tilespmem:s27+$0x270] =	vst v4;
	s27 =	sadd.s32 $0x800, s27  }
0x5c: {  	v4 =	vld [tilespmem:s28+$0xFFFFF820];
	[tilespmem:s27+$0x200] =	vst v7  }
0x5d: {  	v7 =	vld [tilespmem:s28+$0xFFFFF830];
	[tilespmem:s27+$0xFFFFFE00] =	vst v1  }
0x5e: {  	v1 =	vld [tilespmem:s28+$0xFFFFF840];
	[tilespmem:s27+$0x0] =	vst v2  }
0x5f: {  	[tilespmem:s27+$0xFFFFFC00] =	vst v3;
	v2 =	vld [tilespmem:s28+$0xFFFFF850]  }
0x60: {  	[tilespmem:s27+$0xFFFFFC10] =	vst v5;
	v3 =	vld [tilespmem:s28+$0xFFFFF860]  }
0x61: {  	[tilespmem:s27+$0xFFFFFC20] =	vst v6;
	v5 =	vld [tilespmem:s28+$0xFFFFFC00]  }
0x62: {  	[tilespmem:s27+$0xFFFFFC30] =	vst v4;
	v4 =	vld [tilespmem:s28+$0xFFFFFC10]  }
0x63: {  	[tilespmem:s27+$0xFFFFFC40] =	vst v7;
	v6 =	vld [tilespmem:s28+$0xFFFFFC20]  }
0x64: {  	[tilespmem:s27+$0xFFFFFC50] =	vst v1;
	v1 =	vld [tilespmem:s28+$0xFFFFFC30]  }
0x65: {  	[tilespmem:s27+$0xFFFFFC60] =	vst v2;
	v2 =	vld [tilespmem:s28+$0xFFFFFC40]  }
0x66: {  	[tilespmem:s27+$0xFFFFFC70] =	vst v3;
	v3 =	vld [tilespmem:s28+$0xFFFFFC50]  }
0x67: {  	[tilespmem:s27+$0xFFFFFE10] =	vst v5;
	v5 =	vld [tilespmem:s28+$0xFFFFFC60]  }
0x68: {  	[tilespmem:s27+$0xFFFFFE20] =	vst v4;
	v4 =	vld [tilespmem:s28+$0x0]  }
0x69: {  	[tilespmem:s27+$0xFFFFFE30] =	vst v6;
	v7 =	vld [tilespmem:s28+$0x10]  }
0x6a: {  	[tilespmem:s27+$0xFFFFFE40] =	vst v1;
	v1 =	vld [tilespmem:s28+$0x20]  }
0x6b: {  	[tilespmem:s27+$0xFFFFFE50] =	vst v2;
	v2 =	vld [tilespmem:s28+$0x30]  }
0x6c: {  	[tilespmem:s27+$0xFFFFFE60] =	vst v3;
	v3 =	vld [tilespmem:s28+$0x40]  }
0x6d: {  	[tilespmem:s27+$0xFFFFFE70] =	vst v5;
	v5 =	vld [tilespmem:s28+$0x50]  }
0x6e: {  	[tilespmem:s27+$0x10] =	vst v4;
	v6 =	vld [tilespmem:s28+$0x60]  }
.Ltmp3:
0x6f: {  	[tilespmem:s27+$0x20] =	vst v7;
	v4 =	vld [tilespmem:s28+$0x400];
	(pc) =	sbr.rel @p1 .LBB1_4-.Ltmp3, $4  }
0x70: {  	[tilespmem:s27+$0x30] =	vst v1;
	v1 =	vld [tilespmem:s28+$0x410]  }
0x71: {  	[tilespmem:s27+$0x40] =	vst v2;
	v2 =	vld [tilespmem:s28+$0x420]  }
0x72: {  	[tilespmem:s27+$0x50] =	vst v3;
	v3 =	vld [tilespmem:s28+$0x430]  }
0x73: {  	s29 =	sadd.s32 $0x80, s29;
	s31 =	sand.u32 $0x200, s30;
	[tilespmem:s27+$0x60] =	vst v5;
	v5 =	vld [tilespmem:s28+$0x440]  }
0x74: {  	[tilespmem:s27+$0x70] =	vst v6  }
0x75: {  	v30 =	vld [tilespmem:s28+$0x450];
	[tilespmem:s27+$0x210] =	vst v4  }
0x76: {  	s29 =	sand.u32 $0x180, s30;
	v31 =	vld [tilespmem:s28+$0x460];
	s30 =	sadd.s32 $0x80, s28;
	[tilespmem:s27+$0x220] =	vst v1  }
0x77: {  	v35 =	vld [tilespmem:s30+$0xFFFFF7F0];
	[tilespmem:s27+$0x230] =	vst v2  }
0x78: {  	v36 =	vld [tilespmem:s30+$0xFFFFF800];
	[tilespmem:s27+$0x240] =	vst v3  }
0x79: {  	v37 =	vld [tilespmem:s30+$0xFFFFF810];
	[tilespmem:s27+$0x250] =	vst v5  }
0x7a: {  	s31 =	sadd.s32 s31, s24;
	v38 =	vld [tilespmem:s30+$0xFFFFF820];
	[tilespmem:s27+$0x260] =	vst v30  }
0x7b: {  	s29 =	sadd.s32 s29, s31;
	s31 =	sadd.s32 $0x800, s27;
	v39 =	vld [tilespmem:s30+$0xFFFFF830];
	[tilespmem:s27+$0x270] =	vst v31  }
0x7c: {  	v40 =	vld [tilespmem:s30+$0xFFFFF840];
	[tilespmem:s31+$0xFFFFFC00] =	vst v35  }
0x7d: {  	v41 =	vld [tilespmem:s30+$0xFFFFF850];
	[tilespmem:s31+$0xFFFFFC10] =	vst v36  }
0x7e: {  	v42 =	vld [tilespmem:s30+$0xFFFFF860];
	[tilespmem:s31+$0xFFFFFC20] =	vst v37  }
0x7f: {  	v43 =	vld [tilespmem:s30+$0xFFFFFC00];
	[tilespmem:s31+$0xFFFFFC30] =	vst v38  }
0x80: {  	v44 =	vld [tilespmem:s30+$0xFFFFFC10];
	[tilespmem:s31+$0xFFFFFC40] =	vst v39  }
0x81: {  	v45 =	vld [tilespmem:s30+$0xFFFFFC20];
	[tilespmem:s31+$0xFFFFFC50] =	vst v40  }
0x82: {  	v46 =	vld [tilespmem:s30+$0xFFFFFC30];
	[tilespmem:s31+$0xFFFFFC60] =	vst v41  }
0x83: {  	v47 =	vld [tilespmem:s30+$0xFFFFFC40];
	[tilespmem:s31+$0xFFFFFC70] =	vst v42  }
0x84: {  	v48 =	vld [tilespmem:s30+$0xFFFFFC50];
	[tilespmem:s31+$0xFFFFFE10] =	vst v43  }
0x85: {  	v49 =	vld [tilespmem:s30+$0xFFFFFC60];
	[tilespmem:s31+$0xFFFFFE20] =	vst v44  }
0x86: {  	v50 =	vld [tilespmem:s30+$0x0];
	[tilespmem:s31+$0xFFFFFE30] =	vst v45  }
0x87: {  	v51 =	vld [tilespmem:s30+$0x10];
	[tilespmem:s31+$0xFFFFFE40] =	vst v46  }
0x88: {  	v52 =	vld [tilespmem:s30+$0x20];
	[tilespmem:s31+$0xFFFFFE50] =	vst v47  }
0x89: {  	v53 =	vld [tilespmem:s30+$0x30];
	[tilespmem:s31+$0xFFFFFE60] =	vst v48  }
0x8a: {  	v54 =	vld [tilespmem:s30+$0x40];
	[tilespmem:s31+$0xFFFFFE70] =	vst v49  }
0x8b: {  	v55 =	vld [tilespmem:s30+$0x50];
	[tilespmem:s31+$0x10] =	vst v50  }
0x8c: {  	v56 =	vld [tilespmem:s30+$0x60];
	[tilespmem:s31+$0x20] =	vst v51  }
0x8d: {  	v57 =	vld [tilespmem:s30+$0x400];
	[tilespmem:s31+$0x30] =	vst v52  }
0x8e: {  	v58 =	vld [tilespmem:s30+$0x410];
	[tilespmem:s31+$0x40] =	vst v53  }
0x8f: {  	v59 =	vld [tilespmem:s30+$0x420];
	[tilespmem:s31+$0x50] =	vst v54  }
0x90: {  	v60 =	vld [tilespmem:s30+$0x430];
	[tilespmem:s31+$0x60] =	vst v55  }
0x91: {  	v61 =	vld [tilespmem:s30+$0x440];
	[tilespmem:s31+$0x70] =	vst v56  }
0x92: {  	v62 =	vld [tilespmem:s30+$0x450];
	[tilespmem:s31+$0x210] =	vst v57  }
0x93: {  	v63 =	vld [tilespmem:s30+$0x460];
	[tilespmem:s31+$0x220] =	vst v58  }
0x94: {  	v32 =	vld.idx.msk [tilespmem:v0+s29+$0xC00 ss:$0x1], $0xffff;
	[tilespmem:s31+$0x230] =	vst v59  }
0x95: {  	s26 =	sadd.s32 $0x1, s26;
	v33 =	vld.idx.msk [tilespmem:v0+s29+$0x400 ss:$0x1], $0xffff;
	[tilespmem:s31+$0x240] =	vst v60  }
0x96: {  	p1 =	sne.s32 s26, $0x4;
	v34 =	vld.idx.msk [tilespmem:v0+s29+$0x800 ss:$0x1], $0xffff;
	[tilespmem:s31+$0x250] =	vst v61  }
.Ltmp4:
0x97: {  	[tilespmem:s31+$0x260] =	vst v62;
	(pc) =	sbr.rel @p1 .LBB1_3-.Ltmp4, $4  }
0x98: {  	[tilespmem:s31+$0x270] =	vst v63  }
0x99: {  	[tilespmem:s31+$0x200] =	vst v32  }
0x9a: {  	[tilespmem:s31+$0xFFFFFE00] =	vst v33  }
0x9b: {  	s22 =	sadd.s32 $0x80, s22;
	s23 =	sadd.s32 $0x1000, s23;
	[tilespmem:s31+$0x0] =	vst v34  }
0x9c: {  	s22 =	sand.u32 $0x78, s15  }
0x9d: {  	s23 =	sshll.u32 s15, $0x2;
	s20 =	sshll.u32 s20, $0x7;
	s19 =	sshll.u32 s19, $0xE  }
0x9e: {  	s18 =	sshll.u32 s18, $0x15;
	s17 =	sshll.u32 s17, $0x10;
	s16 =	sshll.u32 s16, $0x9  }
0x9f: {  	s28 =	sshrl.u32 s15, $0x1;
	s30 =	sand.u32 $0x7, s15;
	s19 =	sadd.s32 s2, s19  }
0xa0: {  	s20 =	sand.u32 $0x180, s20;
	s23 =	sand.u32 $0x200, s23;
	s18 =	sadd.s32 s18, s19  }
.Ltmp5:
0xa1: {  	s20 =	sor.u32 s20, s22;
	s17 =	sadd.s32 s17, s18;
	(pc) =	sbr.rel .LBB1_7-.Ltmp5, $4  }
0xa2: {  	s29 =	sand.u32 $0x180, s28;
	s20 =	sor.u32 s23, s20;
	s16 =	sadd.s32 s16, s17  }
0xa3: {  	s15 =	sshll.u32 s30, $0x12;
	s31 =	sshrl.u32 s20, $0x3;
	s16 =	sadd.s32 s29, s16  }
0xa4: {  	s15 =	sor.u32 $0x800, s15;
	s16 =	sadd.s32 s31, s16  }
0xa5: {  	[hbm4b:s16+s15] =	stream.strided.scatter [tilespmem:s21], [sflag:$0x2], $0x4000, s7, s15, $0x38;
	[tilespmem:$0x10000] =	vst v63  }
.LBB1_8:
0xa6: {  	_ =	sfence.sel $0x180000  }
0xa7: {  	s2 =	simm.s32 $0x1;
	[bflag:$0x0] =	sbarrier.arrive $0xFFFF  }
0xa8: {  	s31 =	simm.s32 $0x2;
	[sflag:s2] =	ssyncpa.u1 $0x1  }
0xa9: {  	[sflag:s31] =	ssyncpa.u1 $0x1  }
0xaa: {  	p0 =	sne.s32 s1, $0x0;
	_ =	strace $0x90000059  }
0xab: {  	s0 =	sadd.s32 @!p0 $0x100000, s0;
	[bflag:$0x2] =	sbarrier.arrive $0xFFFF  }
0xac: {  	[sflag:s0] =	ssyncadd.tile.s32 @!p0 $0x1;
	_ =	shalt  }
.Lfunc_end1:
_tile_overlayer_lowered:
.L_overlay_start_2:
0xad: {  	(tag) =	ssettag $0x2  }
0xae: {  	s0 =	rddreg [dreg:$0x0];
	s2 =	stileid.u32  }
0xaf: {  	s1 =	rddreg [dreg:$0x1];
	p0 =	sne.s32 s2, $0x0  }
0xb0: {  	s3 =	rddreg [dreg:$0x2];
	[bflag:$0x3] =	sbarrier.arrive $0xFFFF;
	s2 =	simm.s32 @!p0 $0x1C01  }
0xb1: {  	[timem:s3], [sflag:s2] =	dma.local @!p0 [hbm:s0], s1  }
0xb2: {  	s0 =	simm.s32 @!p0 $0x1  }
0xb3: {  	_ =	swait.ge @!p0 [sflag:s0], s1  }
0xb4: {  	s1 =	ssub.s32 @!p0 $0x0, s1;
	[sflag:s0] =	ssyncset.done @!p0 $0x0  }
0xb5: {  	[sflag:s0] =	ssyncadd.s32 @!p0 s1  }
0xb6: {  	[bflag:$0x3] =	sbarrier.arrive $0xFFFF  }
0xb7: {  	_ =	shalt  }

// kernel: sparse-core-data-format-call.2.cloned.1.call-start
scs
called_computation.2_lowered:
.L_overlay_start_0:
0x0: {  	s2 =	sld [smem:$0x3FD9]  }
0x1: {  	s3 =	sld [smem:$0x3FFE];
	_ =	sdelay $0x1  }
0x2: {  	s1 =	srdreg.scid  }
0x3: {  	s0 =	sand.u32 $0x1, s1  }
0x4: {  	s15 =	sshll.u32 s0, $0xA;
	s2 =	sadd.s32 s3, s2  }
0x5: {  	s2 =	sadd.s32 s2, s15  }
0x6: {  	[smem:$0x3F7F] =	sst s2  }
0x7: {  	_ = 	snop  }
0x8: {  	s2 =	sld [smem:$0x3FD0];
	_ =	sdelay $0x2  }
0x9: {  	s16 =	simm.s32 $0xD;
	s4 =	simm.s32 $0x10  }
0xa: {  	[smem:s4], [sflag:s16] =	dma.local [hbm:s2], $0x1  }
0xb: {  	_ =	swait.eq [sflag:s16], $0x1  }
0xc: {  	[sflag:s16] =	ssyncset.done $0x0  }
0xd: {  	[sflag:s16] =	ssyncadd.s32 $0xFFFFFFFF  }
0xe: {  	s17 =	sld [smem:$0x10];
	(tm) =	ssettm $0x1  }
0xf: {  	s18 =	sld [smem:$0x3FFB];
	_ =	sdelay $0x3  }
0x10: {  	_ =	strace s18  }
0x11: {  	s3 =	sld [smem:$0x3FFC];
	_ =	sdelay $0x3  }
0x12: {  	_ =	strace s3  }
0x13: {  	s3 =	sld [smem:$0x3FFD];
	_ =	sdelay $0x3  }
0x14: {  	_ =	strace s3  }
0x15: {  	_ =	strace $0x8FFFFFFF  }
0x16: {  	s19 =	sld [smem:$0x3FDB];
	_ =	sdelay $0x1  }
0x17: {  	s20 =	simm.s32 $_scs_section_size  }
0x18: {  	s5 =	simm.s32 $_size__tile_overlayer_lowered;
	s6 =	simm.s32 $_tile_overlayer_lowered  }
0x19: {  	s23 =	simm.s32 $0x1BFF;
	s22 =	sshll.u32 s6, $0x1;
	s3 =	sadd.s32 s20, s19  }
0x1a: {  	s7 =	simm.s32 $0x0;
	s21 =	sshll.u32 s5, $0x1;
	s5 =	sadd.s32 s22, s3  }
0x1b: {  	[timem:s7], [sflag:s23] =	dma.local [hbm:s5], s21  }
0x1c: {  	_ =	swait.ge [sflag:s23], s21  }
0x1d: {  	s4 =	ssub.s32 $0x0, s21;
	[sflag:s23] =	ssyncset.done $0x0  }
0x1e: {  	[sflag:s23] =	ssyncadd.s32 s4;
	_ =	sdelay $0x1  }
0x1f: {  	s24 =	simm.s32 $0x1B8B  }
0x20: {  	_ =	swait.ge [sflag:s24], $0x1  }
0x21: {  	[sflag:s24] =	ssyncset.done $0x0  }
0x22: {  	s26 =	simm.s32 $0x1B8E;
	s25 =	sld [smem:$0x3FFE];
	[sflag:s24] =	ssyncadd.s32 $0xFFFFFFFF  }
0x23: {  	s27 =	simm.s32 $execute0_lowered;
	[smem:$0x3FD2] =	sst s26  }
0x24: {  	s5 =	sshll.u32 s27, $0x1;
	_ =	strace $0x80000055;
	[dreg:$0x1] =	wrdreg $0xFFFFFFFF  }
0x25: {  	s28 =	simm.s32 $_size_execute0_lowered;
	s3 =	sadd.s32 s3, s5;
	[dreg:$0x0] =	wrdreg $0x0  }
0x26: {  	s5 =	sshll.u32 s28, $0x1;
	[dreg:$0x2] =	wrdreg s3  }
0x27: {  	[dreg:$0x3] =	wrdreg s5  }
0x28: {  	[dreg:$0x4] =	wrdreg $0xC0  }
0x29: {  	_ =	task [dreg:s7], $0x5FFFF  }
0x2a: {  	[dreg:$0x1] =	wrdreg $0xFFFFFFFF  }
0x2b: {  	[dreg:$0x0] =	wrdreg $0x60  }
0x2c: {  	[dreg:$0x2] =	wrdreg s17  }
0x2d: {  	[dreg:$0x3] =	wrdreg s25  }
0x2e: {  	[dreg:$0x4] =	wrdreg $0x9  }
0x2f: {  	_ =	task.clear_ibuf [dreg:s7], $0x5FFFF;
	_ =	strace $0x90000055  }
0x30: {  	s29 =	simm.s32 $0x9;
	_ =	strace $0x80000057  }
0x31: {  	_ =	swait.ge [sflag:s29], $0x1  }
0x32: {  	[sflag:s29] =	ssyncadd.s32 $0xFFFFFFFF  }
0x33: {  	_ =	strace $0x90000057  }
0x34: {  	_ =	sfence  }
0x35: {  	s30 =	sld [smem:$0x0];
	_ =	sdelay $0x2  }
0x36: {  	s31 =	sshll.u32 s1, $0xD;
	s1 =	sshrl.u32 s1, $0x2  }
0x37: {  	s3 =	sand.u32 $0x4000, s31;
	s1 =	sadd.s32 s1, s30  }
0x38: {  	s0 =	sor.u32 s3, s0;
	s1 =	sshll.u32 s1, $0x11  }
0x39: {  	s0 =	sor.u32 s1, s0  }
0x3a: {  	s0 =	sadd.s32 $0x8F2B, s0  }
0x3b: {  	[sflag:s0] =	ssyncadd.remote.s32 $0x1  }
0x3c: {  	_ =	sfence.sel $0xFFFF  }
0x3d: {  	[dreg:$0x0] =	wrdreg $0xFFFFFFFF;
	(pc) =	sbr.abs _section_cstart, $3  }
0x3e: {  	[dreg:$0x1] =	wrdreg $0xFFFFFFFF  }
0x3f: {  	_ =	task.clear_ibuf [dreg:s7], $0x2FFFF;
	_ =	strace $0x9FFFFFFF  }
0x40: {  	(tm) =	ssettm $0x7FFFFFFF  }
0x41: {  	_ =	shalt  }
tec
execute0_lowered:
.L_overlay_start_1:
0x0: {  	(tag) =	ssettag $0x1  }
0x1: {  	s2 =	rddreg [dreg:$0x0]  }
0x2: {  	s1 =	rddreg [dreg:$0x1]  }
0x3: {  	s0 =	rddreg [dreg:$0x2];
	_ =	strace $0x80000056;
	s4 =	srdreg.scid  }
0x4: {  	s6 =	simm.s32 $0x2;
	s12 =	simm.s32 $0x0;
	p0 =	por $0x0, $0x0  }
0x5: {  	s13 =	simm.s32 $0x0;
	s15 =	simm.s32 $0x0;
	s14 =	simm.s32 $0x0  }
.Ltmp0:
0x6: {  	s8 =	simm.s32 $0x0;
	s9 =	simm.s32 $0x0;
	(pc) =	sbr.rel .LBB1_1-.Ltmp0, $4  }
0x7: {  	s10 =	simm.s32 $0x0;
	s3 =	sadd.s32 $0x6600, s1;
	s5 =	sshll.u32 s4, $0x4  }
0x8: {  	s1 =	stileid.u32;
	s4 =	simm.s32 $0x1;
	s5 =	sand.u32 $0x10, s5  }
0x9: {  	s7 =	simm.s32 $0x0;
	[sflag:s4] =	ssyncpa.u1 $0x0;
	s5 =	sor.u32 s1, s5  }
0xa: {  	[sflag:s6] =	ssyncpa.u1 $0x0;
	s6 =	simm.s32 $0x100000;
	s11 =	smov.u32 s5  }
.LBB1_7:
0xb: {  	s16 =	sadd.s32 $0x100, s8  }
0xc: {  	s12 =	sadd.s32 $0x8, s9;
	s17 =	smov.u32 s9;
	p2 =	sgt.s32 s16, $0x3FF  }
0xd: {  	s17 =	smov.u32 @p2 s12  }
0xe: {  	s18 =	smov.u32 s10;
	s12 =	sadd.s32 $0x8, s10;
	p3 =	sgt.s32 s17, $0x2F  }
0xf: {  	s18 =	smov.u32 @p3 s12  }
0x10: {  	s19 =	smov.u32 s11;
	s12 =	sadd.s32 $0x20, s11;
	p4 =	sgt.s32 s18, $0x1F  }
0x11: {  	p1 =	slt.u32 s7, $0x2;
	s19 =	smov.u32 @p4 s12  }
0x12: {  	s7 =	sadd.s32 $0x1, s7;
	s16 =	simm.s32 @p2 $0x0;
	p2 =	sgt.s32 s19, $0x1F  }
0x13: {  	s20 =	simm.s32 @!p1 $0x2;
	s19 =	smov.u32 @p2 s5;
	p2 =	sne.s32 s7, $0x62  }
.Ltmp1:
0x14: {  	s13 =	smov.u32 s9;
	_ =	swait.ge @!p1 [sflag:s20], $0x4000;
	(pc) =	sbr.rel @!p2 .LBB1_8-.Ltmp1, $4  }
0x15: {  	s15 =	smov.u32 s10;
	s14 =	smov.u32 s11;
	[sflag:s20] =	ssyncset.done @!p1 $0x0  }
0x16: {  	p0 =	por !p0, !p0;
	s17 =	simm.s32 @p3 $0x0;
	[sflag:s20] =	ssyncadd.s32 @!p1 $0xFFFFC000  }
0x17: {  	s9 =	smov.u32 s17;
	s18 =	simm.s32 @p4 $0x0;
	s12 =	smov.u32 s8  }
0x18: {  	s8 =	smov.u32 s16;
	s10 =	smov.u32 s18;
	s11 =	smov.u32 s19  }
.LBB1_1:
0x19: {  	p1 =	sgt.u32 s7, $0x5F  }
0x1a: {  	s16 =	sshll.u32 @!p1 s9, $0xA  }
0x1b: {  	s17 =	sshll.u32 @!p1 s8, $0x3;
	s16 =	sand.u32 @!p1 $0xFFFFE000, s16  }
0x1c: {  	s16 =	sadd.s32 @!p1 s16, s17  }
0x1d: {  	s16 =	sshrl.u32 @!p1 s16, $0xA  }
0x1e: {  	s17 =	smulhi.u32 @!p1 $0x5555556, s16  }
0x1f: {  	s18 =	sxor.u32 @!p1 $0xFFFFFFFF, s7;
	s19 =	sshll.u32 @!p1 s9, $0x7;
	s21 =	smul.u32 @!p1 $0x30000, s11  }
0x20: {  	s20 =	sand.u32 @!p1 $0x78, s8;
	s19 =	sand.u32 @!p1 $0x380, s19;
	s17 =	smul.u32 @!p1 $0x30, s17  }
0x21: {  	s18 =	sshll.u32 @!p1 s18, $0xE;
	s19 =	sor.u32 @!p1 s20, s19;
	s20 =	smul.u32 @!p1 $0x1800, s10  }
0x22: {  	s16 =	ssub.s32 @!p1 s16, s17;
	s17 =	sand.u32 @!p1 $0x4000, s18;
	s18 =	sadd.s32 @!p1 s2, s21  }
0x23: {  	s19 =	sshrl.u32 @!p1 s19, $0x3;
	s18 =	sadd.s32 @!p1 s20, s18;
	s20 =	sand.u32 @!p1 $0x7, s8  }
0x24: {  	s16 =	sshll.u32 @!p1 s16, $0x7;
	s18 =	sadd.s32 @!p1 s19, s18;
	s19 =	sshll.u32 @!p1 s20, $0x12  }
0x25: {  	s16 =	sadd.s32 @!p1 s16, s18;
	s18 =	sor.u32 @!p1 $0x800, s19;
	s19 =	simm.s32 @!p1 $0xC000  }
0x26: {  	[tilespmem:s17], [sflag:$0x1] =	stream.strided.gather @!p1 [hbm4b:s16+s18], $0x4000, s19, s18, $0x38;
	[tilespmem:$0x10000] =	vst v63  }
0x27: {  	p1 =	seq.s32 s7, $0x0  }
0x28: {  	p2 =	seq.s32 @!p1 s7, $0x61  }
0x29: {  	p1 =	por p1, p2  }
.Ltmp2:
0x2a: {  	_ = 	snop;
	(pc) =	sbr.rel @p1 .LBB1_7-.Ltmp2, $1  }
0x2b: {  	_ =	sdelay $0x3  }
0x2c: {  	s16 =	simm.s32 $0x1;
	_ =	swait.ge [sflag:s4], $0x4000  }
0x2d: {  	s31 =	sshll.u32 s7, $0xE;
	s21 =	simm.s32 $0x0;
	p1 =	por $0x0, $0x0  }
0x2e: {  	s22 =	simm.s32 $0x0;
	s23 =	simm.s32 $0x0;
	s16 =	simm.s32 @!p0 $0x0  }
0x2f: {  	[sflag:s4] =	ssyncset.done $0x0;
	s19 =	sand.u32 $0x4000, s31;
	s16 =	sshll.u32 s16, $0x10  }
0x30: {  	[sflag:s4] =	ssyncadd.s32 $0xFFFFC000;
	s20 =	sshrl.u32 s16, $0x2;
	s16 =	sor.u32 $0x8000, s19  }
0x31: {  	s17 =	sor.u32 $0x40, s20;
	s18 =	sor.u32 $0x8410, s20;
	s20 =	sadd.s32 $0x8400, s20  }
.LBB1_3:
0x32: {  	v1 =	vld [tilespmem:s17+$0xFFFFFFD0]  }
0x33: {  	v2 =	vld [tilespmem:s17+$0x430]  }
0x34: {  	s24 =	sshll.u32 s23, $0xB;
	v4 =	vld [tilespmem:s17+$0xFFFFFFE0]  }
0x35: {  	v7 =	vld [tilespmem:s17+$0xFFFFFFF0];
	v0 =	vmov s24  }
0x36: {  	v8 =	vld [tilespmem:s17+$0x0]  }
0x37: {  	s30 =	sand.u32 $0x300, s21;
	v9 =	vld [tilespmem:s17+$0x10]  }
0x38: {  	s25 =	sand.u32 $0x80, s21;
	v10 =	vld [tilespmem:s17+$0x20];
	s24 =	sadd.s32 s30, s19  }
0x39: {  	v11 =	vld [tilespmem:s17+$0x30];
	s24 =	sadd.s32 s25, s24;
	s25 =	simm.s32 $0x1;
	[tilespmem:s18+$0x60] =	vst v2  }
0x3a: {  	s31 =	sshll.u32 s22, $0x2;
	s25 =	simm.s32 @!p1 $0x0;
	[tilespmem:s18+$0xFFFFFC00] =	vst v1;
	v3 =	vld.idx.msk [tilespmem:v0+s24+$0x400 ss:$0x1], $0xffff  }
0x3b: {  	v6 =	vld [tilespmem:s17+$0x3D0];
	s25 =	sshll.u32 s25, $0x9;
	[tilespmem:s18+$0xFFFFFC10] =	vst v4;
	s24 =	sand.u32 $0xFFFFFC00, s31  }
0x3c: {  	v5 =	vld [tilespmem:s17+$0x3E0];
	[tilespmem:s18+$0xFFFFFC20] =	vst v7;
	s24 =	sor.u32 s25, s24  }
0x3d: {  	[tilespmem:s18+$0xFFFFFC30] =	vst v8;
	v4 =	vld [tilespmem:s17+$0x400];
	s24 =	sshrl.u32 s24, $0x2  }
0x3e: {  	[tilespmem:s18+$0xFFFFFC40] =	vst v9;
	v1 =	vld [tilespmem:s17+$0x410];
	s24 =	sadd.s32 s24, s20  }
0x3f: {  	[tilespmem:s24+$0x0] =	vst v3;
	v3 =	vld [tilespmem:s17+$0x3F0]  }
0x40: {  	s28 =	simm.s32 $0x80;
	s27 =	simm.s32 $0x100;
	[tilespmem:s18+$0xFFFFFC50] =	vst v10;
	v2 =	vld [tilespmem:s17+$0x420]  }
0x41: {  	s26 =	smov.u32 s18;
	s29 =	sand.u32 $0x300, s28;
	v7 =	vld [tilespmem:s17+$0xFFFFFFC0];
	[tilespmem:s18+$0xFFFFFC60] =	vst v11;
	s25 =	sadd.s32 $0x80, s17  }
.LBB1_4:
0x42: {  	p2 =	sne.s32 s27, $0x380;
	v8 =	vld [tilespmem:s25+$0xFFFFFFD0];
	s28 =	sand.u32 $0x80, s28;
	s29 =	sadd.s32 s29, s19;
	[tilespmem:s26+$0x0] =	vst v6  }
0x43: {  	s29 =	sadd.s32 s28, s29;
	v6 =	vld [tilespmem:s25+$0x430];
	[tilespmem:s26+$0x10] =	vst v5;
	s28 =	smov.u32 s27  }
0x44: {  	v5 =	vld.idx.msk [tilespmem:v0+s29+$0x400 ss:$0x1], $0xffff;
	[tilespmem:s26+$0x20] =	vst v3  }
0x45: {  	v3 =	vld [tilespmem:s25+$0xFFFFFFE0];
	[tilespmem:s26+$0x30] =	vst v4  }
0x46: {  	v4 =	vld [tilespmem:s25+$0xFFFFFFF0];
	[tilespmem:s26+$0xFFFFFBF0] =	vst v7  }
0x47: {  	v7 =	vld [tilespmem:s25+$0x0];
	[tilespmem:s26+$0x40] =	vst v1  }
0x48: {  	v1 =	vld [tilespmem:s25+$0x10];
	[tilespmem:s26+$0x50] =	vst v2;
	s26 =	sadd.s32 $0x800, s26  }
0x49: {  	s24 =	sadd.s32 $0x800, s24;
	v2 =	vld [tilespmem:s25+$0x20];
	[tilespmem:s26+$0x60] =	vst v6  }
0x4a: {  	v9 =	vld [tilespmem:s25+$0x30];
	[tilespmem:s24+$0x0] =	vst v5  }
0x4b: {  	[tilespmem:s26+$0xFFFFFC00] =	vst v8;
	v6 =	vld [tilespmem:s25+$0x3D0]  }
0x4c: {  	[tilespmem:s26+$0xFFFFFC10] =	vst v3;
	v5 =	vld [tilespmem:s25+$0x3E0]  }
.Ltmp3:
0x4d: {  	[tilespmem:s26+$0xFFFFFC20] =	vst v4;
	v3 =	vld [tilespmem:s25+$0x3F0];
	(pc) =	sbr.rel @p2 .LBB1_4-.Ltmp3, $4  }
0x4e: {  	[tilespmem:s26+$0xFFFFFC30] =	vst v7;
	v4 =	vld [tilespmem:s25+$0x400]  }
0x4f: {  	[tilespmem:s26+$0xFFFFFC40] =	vst v1;
	v1 =	vld [tilespmem:s25+$0x410]  }
0x50: {  	[tilespmem:s26+$0xFFFFFC50] =	vst v2;
	v2 =	vld [tilespmem:s25+$0x420]  }
0x51: {  	s27 =	sadd.s32 $0x80, s27;
	s29 =	sand.u32 $0x300, s28;
	v7 =	vld [tilespmem:s25+$0xFFFFFFC0];
	[tilespmem:s26+$0xFFFFFC60] =	vst v9;
	s25 =	sadd.s32 $0x80, s25  }
0x52: {  	[tilespmem:s26+$0x0] =	vst v6  }
0x53: {  	[tilespmem:s26+$0x10] =	vst v5  }
0x54: {  	v49 =	vld [tilespmem:s25+$0x430];
	[tilespmem:s26+$0x20] =	vst v3  }
0x55: {  	v50 =	vld [tilespmem:s25+$0xFFFFFFD0];
	[tilespmem:s26+$0x30] =	vst v4  }
0x56: {  	v51 =	vld [tilespmem:s25+$0xFFFFFFE0];
	[tilespmem:s26+$0x40] =	vst v1  }
0x57: {  	v52 =	vld [tilespmem:s25+$0xFFFFFFF0];
	[tilespmem:s26+$0x50] =	vst v2  }
0x58: {  	s31 =	sadd.s32 $0x800, s26;
	v53 =	vld [tilespmem:s25+$0x0];
	[tilespmem:s26+$0xFFFFFBF0] =	vst v7  }
0x59: {  	v54 =	vld [tilespmem:s25+$0x10];
	[tilespmem:s31+$0x60] =	vst v49  }
0x5a: {  	v55 =	vld [tilespmem:s25+$0x20];
	[tilespmem:s31+$0xFFFFFC00] =	vst v50  }
0x5b: {  	v56 =	vld [tilespmem:s25+$0x30];
	[tilespmem:s31+$0xFFFFFC10] =	vst v51  }
0x5c: {  	v57 =	vld [tilespmem:s25+$0x3D0];
	[tilespmem:s31+$0xFFFFFC20] =	vst v52  }
0x5d: {  	v58 =	vld [tilespmem:s25+$0x3E0];
	[tilespmem:s31+$0xFFFFFC30] =	vst v53  }
0x5e: {  	v59 =	vld [tilespmem:s25+$0x3F0];
	[tilespmem:s31+$0xFFFFFC40] =	vst v54  }
0x5f: {  	v60 =	vld [tilespmem:s25+$0x400];
	[tilespmem:s31+$0xFFFFFC50] =	vst v55  }
0x60: {  	v61 =	vld [tilespmem:s25+$0xFFFFFFC0];
	[tilespmem:s31+$0xFFFFFC60] =	vst v56  }
0x61: {  	s27 =	sand.u32 $0x80, s28;
	s30 =	sadd.s32 s29, s19;
	v62 =	vld [tilespmem:s25+$0x410];
	[tilespmem:s31+$0x0] =	vst v57  }
0x62: {  	v63 =	vld [tilespmem:s25+$0x420];
	s23 =	sadd.s32 $0x1, s23;
	s27 =	sadd.s32 s27, s30;
	[tilespmem:s31+$0x10] =	vst v58  }
0x63: {  	p2 =	sne.s32 s23, $0x8;
	v0 =	vld.idx.msk [tilespmem:v0+s27+$0x400 ss:$0x1], $0xffff;
	[tilespmem:s31+$0x20] =	vst v59  }
.Ltmp4:
0x64: {  	[tilespmem:s31+$0x30] =	vst v60;
	(pc) =	sbr.rel @p2 .LBB1_3-.Ltmp4, $4  }
0x65: {  	[tilespmem:s31+$0xFFFFFBF0] =	vst v61  }
0x66: {  	[tilespmem:s31+$0x40] =	vst v62  }
0x67: {  	s24 =	sadd.s32 $0x800, s24;
	s17 =	sadd.s32 $0x800, s17;
	[tilespmem:s31+$0x50] =	vst v63  }
0x68: {  	s22 =	sadd.s32 $0x80, s22;
	p1 =	por !p1, !p1;
	s18 =	sadd.s32 $0x80, s18;
	[tilespmem:s24+$0x0] =	vst v0  }
0x69: {  	s15 =	sshll.u32 s15, $0x7  }
0x6a: {  	s17 =	sand.u32 $0x78, s12;
	s14 =	sshll.u32 s14, $0xC;
	s13 =	sshll.u32 s13, $0x11  }
0x6b: {  	s30 =	sand.u32 $0x7, s12;
	s18 =	sand.u32 $0x380, s15;
	s15 =	sand.u32 $0xC00, s15  }
.Ltmp5:
0x6c: {  	s14 =	sadd.s32 s3, s14;
	s17 =	sor.u32 s18, s17;
	(pc) =	sbr.rel .LBB1_7-.Ltmp5, $4  }
0x6d: {  	s15 =	sadd.s32 s12, s15;
	s13 =	sadd.s32 s13, s14;
	s17 =	sshrl.u32 s17, $0x3  }
0x6e: {  	s12 =	sshll.u32 s30, $0x12;
	s31 =	sand.u32 $0xF80, s15;
	s13 =	sadd.s32 s17, s13  }
0x6f: {  	s12 =	sor.u32 $0x800, s12;
	s13 =	sadd.s32 s31, s13  }
0x70: {  	[hbm4b:s13+s12] =	stream.strided.scatter [tilespmem:s16], [sflag:$0x2], $0x4000, s6, s12, $0x38;
	[tilespmem:$0x10000] =	vst v63  }
.LBB1_8:
0x71: {  	_ =	sfence.sel $0x180000  }
0x72: {  	s2 =	simm.s32 $0x1;
	[bflag:$0x0] =	sbarrier.arrive $0xFFFF  }
0x73: {  	s31 =	simm.s32 $0x2;
	[sflag:s2] =	ssyncpa.u1 $0x1  }
0x74: {  	[sflag:s31] =	ssyncpa.u1 $0x1  }
0x75: {  	p0 =	sne.s32 s1, $0x0;
	_ =	strace $0x90000056  }
0x76: {  	s0 =	sadd.s32 @!p0 $0x100000, s0;
	[bflag:$0x2] =	sbarrier.arrive $0xFFFF  }
0x77: {  	[sflag:s0] =	ssyncadd.tile.s32 @!p0 $0x1;
	_ =	shalt  }
.Lfunc_end1:
_tile_overlayer_lowered:
.L_overlay_start_2:
0x78: {  	(tag) =	ssettag $0x2  }
0x79: {  	s0 =	rddreg [dreg:$0x0];
	s2 =	stileid.u32  }
0x7a: {  	s1 =	rddreg [dreg:$0x1];
	p0 =	sne.s32 s2, $0x0  }
0x7b: {  	s3 =	rddreg [dreg:$0x2];
	[bflag:$0x3] =	sbarrier.arrive $0xFFFF;
	s2 =	simm.s32 @!p0 $0x1C01  }
0x7c: {  	[timem:s3], [sflag:s2] =	dma.local @!p0 [hbm:s0], s1  }
0x7d: {  	s0 =	simm.s32 @!p0 $0x1  }
0x7e: {  	_ =	swait.ge @!p0 [sflag:s0], s1  }
0x7f: {  	s1 =	ssub.s32 @!p0 $0x0, s1;
	[sflag:s0] =	ssyncset.done @!p0 $0x0  }
0x80: {  	[sflag:s0] =	ssyncadd.s32 @!p0 s1  }
0x81: {  	[bflag:$0x3] =	sbarrier.arrive $0xFFFF  }
0x82: {  	_ =	shalt  }

// kernel: sparse-core-data-format-call.3.cloned.1.call-start
scs
called_computation.3_lowered:
.L_overlay_start_0:
0x0: {  	s1 =	sld [smem:$0x3FD9]  }
0x1: {  	s2 =	sld [smem:$0x3FFE];
	_ =	sdelay $0x1  }
0x2: {  	s3 =	srdreg.scid  }
0x3: {  	s0 =	sand.u32 $0x1, s3  }
0x4: {  	s17 =	sshll.u32 s0, $0xA;
	s1 =	sadd.s32 s2, s1  }
0x5: {  	s1 =	sadd.s32 s1, s17  }
0x6: {  	[smem:$0x3F7F] =	sst s1  }
0x7: {  	_ = 	snop  }
0x8: {  	(tm) =	ssettm $0x1  }
0x9: {  	s18 =	sld [smem:$0x3FFB];
	_ =	sdelay $0x3  }
0xa: {  	_ =	strace s18  }
0xb: {  	s1 =	sld [smem:$0x3FFC];
	_ =	sdelay $0x3  }
0xc: {  	_ =	strace s1  }
0xd: {  	s1 =	sld [smem:$0x3FFD];
	_ =	sdelay $0x3  }
0xe: {  	_ =	strace s1  }
0xf: {  	_ =	strace $0x8FFFFFFF  }
0x10: {  	s19 =	sld [smem:$0x3FDB];
	_ =	sdelay $0x1  }
0x11: {  	s20 =	simm.s32 $_scs_section_size  }
0x12: {  	s4 =	simm.s32 $_size__tile_overlayer_lowered;
	s5 =	simm.s32 $_tile_overlayer_lowered  }
0x13: {  	s23 =	simm.s32 $0x1BFF;
	s22 =	sshll.u32 s5, $0x1;
	s1 =	sadd.s32 s20, s19  }
0x14: {  	s6 =	simm.s32 $0x0;
	s21 =	sshll.u32 s4, $0x1;
	s4 =	sadd.s32 s22, s1  }
0x15: {  	[timem:s6], [sflag:s23] =	dma.local [hbm:s4], s21  }
0x16: {  	_ =	swait.ge [sflag:s23], s21  }
0x17: {  	s2 =	ssub.s32 $0x0, s21;
	[sflag:s23] =	ssyncset.done $0x0  }
0x18: {  	[sflag:s23] =	ssyncadd.s32 s2;
	_ =	sdelay $0x1  }
0x19: {  	s24 =	simm.s32 $0x1B8B  }
0x1a: {  	_ =	swait.ge [sflag:s24], $0x1  }
0x1b: {  	[sflag:s24] =	ssyncset.done $0x0  }
0x1c: {  	s26 =	simm.s32 $0x1B8E;
	s25 =	sld [smem:$0x3FFE];
	[sflag:s24] =	ssyncadd.s32 $0xFFFFFFFF  }
0x1d: {  	s27 =	simm.s32 $execute0_lowered;
	[smem:$0x3FD2] =	sst s26  }
0x1e: {  	s4 =	sshll.u32 s27, $0x1;
	_ =	strace $0x80000052;
	[dreg:$0x1] =	wrdreg $0xFFFFFFFF  }
0x1f: {  	s28 =	simm.s32 $_size_execute0_lowered;
	s1 =	sadd.s32 s1, s4;
	[dreg:$0x0] =	wrdreg $0x0  }
0x20: {  	s4 =	sshll.u32 s28, $0x1;
	[dreg:$0x2] =	wrdreg s1  }
0x21: {  	[dreg:$0x3] =	wrdreg s4  }
0x22: {  	[dreg:$0x4] =	wrdreg $0xC0  }
0x23: {  	_ =	task [dreg:s6], $0x5FFFF  }
0x24: {  	[dreg:$0x1] =	wrdreg $0xFFFFFFFF  }
0x25: {  	[dreg:$0x0] =	wrdreg $0x60  }
0x26: {  	[dreg:$0x2] =	wrdreg s25  }
0x27: {  	[dreg:$0x3] =	wrdreg $0x9  }
0x28: {  	_ =	task.clear_ibuf [dreg:s6], $0x4FFFF;
	_ =	strace $0x90000052  }
0x29: {  	s29 =	simm.s32 $0x9;
	_ =	strace $0x80000054  }
0x2a: {  	_ =	swait.ge [sflag:s29], $0x1  }
0x2b: {  	[sflag:s29] =	ssyncadd.s32 $0xFFFFFFFF  }
0x2c: {  	_ =	strace $0x90000054  }
0x2d: {  	_ =	sfence  }
0x2e: {  	s30 =	sld [smem:$0x0];
	_ =	sdelay $0x2  }
0x2f: {  	s31 =	sshll.u32 s3, $0xD;
	s3 =	sshrl.u32 s3, $0x2  }
0x30: {  	s2 =	sand.u32 $0x4000, s31;
	s1 =	sadd.s32 s3, s30  }
0x31: {  	s0 =	sor.u32 s2, s0;
	s1 =	sshll.u32 s1, $0x11  }
0x32: {  	s0 =	sor.u32 s1, s0  }
0x33: {  	s0 =	sadd.s32 $0x8F2B, s0  }
0x34: {  	[sflag:s0] =	ssyncadd.remote.s32 $0x1  }
0x35: {  	_ =	sfence.sel $0xFFFF  }
0x36: {  	[dreg:$0x0] =	wrdreg $0xFFFFFFFF;
	(pc) =	sbr.abs _section_cstart, $3  }
0x37: {  	[dreg:$0x1] =	wrdreg $0xFFFFFFFF  }
0x38: {  	_ =	task.clear_ibuf [dreg:s6], $0x2FFFF;
	_ =	strace $0x9FFFFFFF  }
0x39: {  	(tm) =	ssettm $0x7FFFFFFF  }
tec
execute0_lowered:
.L_overlay_start_1:
0x0: {  	(tag) =	ssettag $0x1  }
0x1: {  	s1 =	srdreg.scid;
	s0 =	stileid.u32  }
0x2: {  	s7 =	rddreg [dreg:$0x0];
	s8 =	simm.s32 $0x2;
	s1 =	sshll.u32 s1, $0x4  }
0x3: {  	s17 =	simm.s32 $0x0;
	s31 =	sshll.u32 s0, $0x7;
	s2 =	sor.u32 s0, s1  }
0x4: {  	s9 =	simm.s32 $0x6000;
	s1 =	sand.u32 $0x380, s31;
	s2 =	sshrl.u32 s2, $0x2  }
0x5: {  	s19 =	simm.s32 $0x0;
	s3 =	ssub.s32 $0x400, s1;
	s2 =	sand.u32 $0x6, s2  }
0x6: {  	s18 =	simm.s32 $0x0;
	s4 =	sand.u32 $0x380, s3;
	s5 =	ssub.s32 $0x30, s2  }
0x7: {  	p0 =	sne.s32 s4, $0x0;
	s4 =	simm.s32 $0x1;
	s6 =	sand.u32 $0x6, s5  }
0x8: {  	s4 =	simm.s32 @!p0 $0x0;
	p0 =	sne.s32 s6, $0x0;
	s6 =	simm.s32 $0x1  }
0x9: {  	s3 =	sshrl.u32 s3, $0xA;
	s5 =	sshrl.u32 s5, $0x3;
	s6 =	simm.s32 @!p0 $0x0  }
0xa: {  	s10 =	simm.s32 $0x0;
	s4 =	sadd.s32 s4, s3;
	s5 =	sadd.s32 s6, s5  }
0xb: {  	s11 =	simm.s32 $0x0;
	s12 =	simm.s32 $0x0;
	s6 =	smul.u32 s5, s4  }
.Ltmp0:
0xc: {  	s13 =	simm.s32 $0x0;
	s16 =	simm.s32 $0x0;
	(pc) =	sbr.rel .LBB1_1-.Ltmp0, $4  }
0xd: {  	s15 =	smov.u32 s1;
	s14 =	smov.u32 s2;
	s3 =	rddreg [dreg:$0x1]  }
0xe: {  	_ =	strace $0x80000053;
	s5 =	simm.s32 $0x1;
	s6 =	smul.u32 $0xA, s6  }
0xf: {  	p0 =	por $0x0, $0x0;
	s4 =	sadd.s32 $0x6600, s7;
	[sflag:s5] =	ssyncpa.u1 $0x0  }
0x10: {  	s7 =	sadd.s32 $0x3C6600, s7;
	[sflag:s8] =	ssyncpa.u1 $0x0;
	s8 =	sor.u32 $0x1, s6  }
.LBB1_4:
0x11: {  	s24 =	sshra.s32 s24, $0x2;
	s25 =	sshll.u32 s11, $0xA;
	s26 =	sshll.u32 s12, $0x3  }
0x12: {  	p1 =	sgt.s32 s10, $0x404;
	s27 =	sshra.s32 s10, $0x1F;
	s28 =	sshra.s32 s11, $0x1F  }
0x13: {  	s23 =	sadd.s32 s24, s23;
	s25 =	sand.u32 $0xFFFFE000, s25;
	s26 =	sand.u32 $0xFFFFFC00, s26  }
0x14: {  	s24 =	sadd.s32 s26, s25;
	s25 =	smov.u32 s10;
	s26 =	sand.u32 s27, s10  }
0x15: {  	s27 =	smov.u32 s11;
	s25 =	simm.s32 @!p1 $0x404;
	p1 =	sgt.s32 s11, $0x2E  }
0x16: {  	s29 =	sshra.s32 s12, $0x1F;
	s25 =	ssub.s32 s25, s26;
	s27 =	simm.s32 @!p1 $0x2E  }
0x17: {  	s26 =	sand.u32 s28, s11;
	p1 =	sgt.s32 s12, $0x380;
	s28 =	smov.u32 s12  }
0x18: {  	s29 =	sand.u32 s29, s12;
	s28 =	simm.s32 @!p1 $0x380  }
0x19: {  	v5 =	vld [tilespmem:s21+$0xFFFFFFD0];
	[tilespmem:s22+$0x2040 ss:$0x81] =	vst.msk $0xffff, v4;
	s24 =	sshrl.u32 s24, $0xA;
	s26 =	ssub.s32 s27, s26;
	s27 =	ssub.s32 s28, s29  }
0x1a: {  	v58 =	vld [tilespmem:s21+$0xFFFFFFE0];
	[tilespmem:s22+$0x2850 ss:$0x81] =	vst.msk $0xffff, v3;
	s30 =	sadd.s32 $0xFFFFFFD2, s26;
	s26 =	ssub.s32 $0x30, s26;
	s29 =	smulhi.u32 $0x5555556, s24  }
0x1b: {  	v59 =	vld [tilespmem:s21+$0xFFFFFFF0];
	[tilespmem:s22+$0x3060 ss:$0x81] =	vst.msk $0xffff, v2;
	s28 =	sshll.u32 s12, $0x1;
	p1 =	sgt.s32 s30, $0x1;
	s31 =	sadd.s32 $0xFFFFFC80, s27  }
0x1c: {  	v60 =	vld [tilespmem:s21+$0x0];
	[tilespmem:s22+$0x0 ss:$0x81] =	vst.msk $0xffff, v1;
	s27 =	ssub.s32 $0x400, s27;
	s30 =	sadd.s32 $0xFFFFFBFC, s25;
	s25 =	ssub.s32 $0x484, s25  }
0x1d: {  	v61 =	vld [tilespmem:s21+$0x10];
	[tilespmem:s23+$0x3870 ss:$0x81] =	vst.msk $0xffff, v0;
	s26 =	simm.s32 @p1 $0x0;
	p1 =	sgt.s32 s31, $0x7F;
	s22 =	smul.u32 $0x30, s29  }
0x1e: {  	v62 =	vld [tilespmem:s21+$0x20];
	[tilespmem:s23+$0x810 ss:$0x81] =	vst.msk $0xffff, v5;
	s31 =	sshll.u32 s11, $0x7;
	s29 =	sand.u32 $0xF0, s28;
	s27 =	simm.s32 @p1 $0x0  }
0x1f: {  	v63 =	vld [tilespmem:s21+$0xFFFFFFC0];
	[tilespmem:s23+$0x1020 ss:$0x81] =	vst.msk $0xffff, v58;
	s28 =	sand.u32 $0x7, s12;
	p1 =	sgt.s32 s30, $0x7F;
	s26 =	smul.u32 s27, s26  }
0x20: {  	[tilespmem:s23+$0x1830 ss:$0x81] =	vst.msk $0xffff, v59;
	s21 =	sand.u32 $0x300, s31;
	s30 =	smul.u32 $0xC00, s10;
	s25 =	simm.s32 @p1 $0x0  }
0x21: {  	[tilespmem:s23+$0x2040 ss:$0x81] =	vst.msk $0xffff, v60;
	s21 =	sor.u32 s29, s21;
	s22 =	ssub.s32 s24, s22;
	s25 =	smul.u32 s25, s26  }
0x22: {  	[tilespmem:s23+$0x2850 ss:$0x81] =	vst.msk $0xffff, v61;
	s29 =	sshll.u32 s28, $0x12;
	s21 =	sshrl.u32 s21, $0x4;
	s27 =	sadd.s32 s7, s30  }
0x23: {  	[tilespmem:s23+$0x3060 ss:$0x81] =	vst.msk $0xffff, v62;
	s22 =	sshll.u32 s22, $0x6;
	s21 =	sadd.s32 s21, s27;
	s31 =	sshrl.u32 s25, $0x1  }
0x24: {  	[tilespmem:s23+$0x0 ss:$0x81] =	vst.msk $0xffff, v63;
	s21 =	sadd.s32 s22, s21;
	s30 =	sand.u32 $0x3FFFFFFF, s31;
	s31 =	sor.u32 $0x80, s29  }
0x25: {  	[hbm4b:s21+s31] =	stream.strided.scatter [tilespmem:s20], [sflag:$0x2], s30, s9, s31, $0x20;
	[tilespmem:$0x10100] =	vst v63  }
.LBB1_5:
0x26: {  	p1 =	slt.u32 s16, $0x2;
	s20 =	smov.u32 s19  }
0x27: {  	p2 =	sgt.s32 @!p1 s19, $0x2E;
	s21 =	sshra.s32 @!p1 s19, $0x1F;
	p3 =	sgt.s32 @!p1 s17, $0x404  }
0x28: {  	p2 =	por !p2, p1;
	s19 =	sand.u32 @!p1 s21, s19;
	s21 =	sshra.s32 @!p1 s17, $0x1F  }
0x29: {  	p3 =	por !p3, p1;
	s20 =	simm.s32 @p2 $0x2E;
	p2 =	sgt.s32 @!p1 s18, $0x380  }
0x2a: {  	s19 =	ssub.s32 @!p1 s20, s19;
	s20 =	sshra.s32 @!p1 s18, $0x1F;
	p2 =	por !p2, p1  }
0x2b: {  	s21 =	sand.u32 @!p1 s21, s17;
	s20 =	sand.u32 @!p1 s20, s18;
	s18 =	simm.s32 @p2 $0x380  }
0x2c: {  	s17 =	simm.s32 @p3 $0x404;
	s18 =	ssub.s32 @!p1 s18, s20;
	s20 =	sadd.s32 @!p1 $0xFFFFFFD2, s19  }
0x2d: {  	s17 =	ssub.s32 @!p1 s17, s21;
	p2 =	sgt.s32 @!p1 s20, $0x1;
	s20 =	sadd.s32 @!p1 $0xFFFFFC80, s18  }
0x2e: {  	s21 =	sadd.s32 @!p1 $0xFFFFFBFC, s17;
	s19 =	ssub.s32 @!p1 $0x30, s19;
	p3 =	sgt.s32 @!p1 s20, $0x7F  }
0x2f: {  	s18 =	ssub.s32 @!p1 $0x400, s18;
	p2 =	por !p2, p1;
	p3 =	por !p3, p1  }
0x30: {  	s19 =	simm.s32 @!p2 $0x0;
	p2 =	sgt.s32 @!p1 s21, $0x7F;
	s18 =	simm.s32 @!p3 $0x0  }
0x31: {  	s17 =	ssub.s32 @!p1 $0x484, s17;
	p2 =	por !p2, p1;
	s18 =	smul.u32 @!p1 s18, s19  }
0x32: {  	s20 =	sadd.s32 $0x80, s13;
	s21 =	smov.u32 s14;
	s17 =	simm.s32 @!p2 $0x0  }
0x33: {  	p2 =	sgt.s32 s20, $0x483;
	s17 =	smul.u32 @!p1 s17, s18;
	s18 =	sadd.s32 $0x8, s14  }
0x34: {  	s22 =	smov.u32 s15;
	s21 =	smov.u32 @p2 s18  }
0x35: {  	p0 =	por !p0, !p0;
	s18 =	sadd.s32 $0x400, s15;
	p3 =	sgt.s32 s21, $0x2F  }
0x36: {  	s23 =	simm.s32 @!p1 $0x2;
	s19 =	smov.u32 s11;
	s22 =	smov.u32 @p3 s18  }
0x37: {  	s11 =	smov.u32 s14;
	s20 =	simm.s32 @p2 $0x0;
	p2 =	sgt.s32 s22, $0x3FF  }
0x38: {  	s17 =	sshrl.u32 @!p1 s17, $0x1;
	s22 =	smov.u32 @p2 s1;
	p2 =	sne.s32 s16, s8  }
.Ltmp1:
0x39: {  	s17 =	sand.u32 @!p1 $0x3FFFFFFF, s17;
	s21 =	smov.u32 @p3 s2;
	(pc) =	sbr.rel @!p2 .LBB1_6-.Ltmp1, $4  }
0x3a: {  	s18 =	smov.u32 s12;
	s12 =	smov.u32 s15;
	_ =	swait.ge @!p1 [sflag:s23], s17  }
0x3b: {  	s24 =	ssub.s32 @!p1 $0x0, s17;
	s17 =	smov.u32 s10;
	s10 =	smov.u32 s13  }
0x3c: {  	s13 =	smov.u32 s20;
	s14 =	smov.u32 s21;
	[sflag:s23] =	ssyncset.done @!p1 $0x0  }
0x3d: {  	s16 =	sadd.s32 $0x1, s16;
	[sflag:s23] =	ssyncadd.s32 @!p1 s24;
	s15 =	smov.u32 s22  }
.LBB1_1:
0x3e: {  	p1 =	sge.u32 s16, s6  }
0x3f: {  	s20 =	sshrl.u32 @!p1 s14, $0x3  }
0x40: {  	s21 =	sshll.u32 @!p1 s13, $0x3;
	s20 =	smul.u32 @!p1 $0x2800, s20  }
0x41: {  	s22 =	sshll.u32 @!p1 s14, $0x7;
	s21 =	sand.u32 @!p1 $0xFFFFFC00, s21  }
0x42: {  	s20 =	sadd.s32 @!p1 s20, s21;
	s21 =	sand.u32 @!p1 $0x300, s22;
	s22 =	sshll.u32 @!p1 s13, $0x1  }
0x43: {  	s23 =	sand.u32 @!p1 $0x1, s14;
	s20 =	sor.u32 @!p1 s21, s20;
	s21 =	sand.u32 @!p1 $0xFE, s22  }
0x44: {  	s21 =	sor.u32 @!p1 s23, s21;
	s22 =	smulhi.u32 @!p1 $0xCCCCCCCD, s20  }
0x45: {  	s20 =	sor.u32 @!p1 s20, s21  }
0x46: {  	s21 =	smulhi.u32 @!p1 $0xCCCCCCCD, s20;
	s22 =	sshrl.u32 @!p1 s22, $0xA  }
0x47: {  	s23 =	smulhi.u32 @!p1 $0x5555556, s22;
	_ =	sdelay $0x1  }
0x48: {  	s21 =	sshrl.u32 @!p1 s21, $0xA;
	s23 =	smul.u32 @!p1 $0x30, s23  }
0x49: {  	s21 =	smul.u32 @!p1 $0x500, s21  }
0x4a: {  	s22 =	ssub.s32 @!p1 s22, s23;
	s23 =	smul.u32 @!p1 $0xF00, s15  }
0x4b: {  	s31 =	sadd.s32 $0xFFFFFFFF, s16;
	s22 =	smul.u32 @!p1 $0x50, s22  }
0x4c: {  	s24 =	sxor.u32 @!p1 $0xFFFFFFFF, s16;
	s20 =	ssub.s32 @!p1 s20, s21;
	s21 =	sadd.s32 @!p1 s4, s23  }
0x4d: {  	s23 =	sshrl.u32 @!p1 s20, $0x4;
	s20 =	sshll.u32 @!p1 s20, $0x11;
	s21 =	sadd.s32 @!p1 s22, s21  }
0x4e: {  	s22 =	sshll.u32 @!p1 s24, $0xE;
	s20 =	sand.u32 @!p1 $0x1C0000, s20;
	s21 =	sadd.s32 @!p1 s23, s21  }
0x4f: {  	s22 =	sand.u32 @!p1 $0x4000, s22;
	s20 =	sor.u32 @!p1 $0x80, s20;
	s23 =	simm.s32 @!p1 $0x7800  }
0x50: {  	[tilespmem:s22], [sflag:$0x1] =	stream.strided.gather @!p1 [hbm4b:s21+s20], $0x4000, s23, s20, $0x38;
	[tilespmem:$0x10100] =	vst v63  }
0x51: {  	p1 =	sge.u32 s31, s6  }
.Ltmp2:
0x52: {  	_ = 	snop;
	(pc) =	sbr.rel @p1 .LBB1_5-.Ltmp2, $1  }
0x53: {  	_ =	sdelay $0x3  }
0x54: {  	s20 =	simm.s32 $0x1  }
0x55: {  	_ =	swait.ge [sflag:s5], $0x4000;
	s20 =	simm.s32 @!p0 $0x0  }
0x56: {  	[sflag:s5] =	ssyncset.done $0x0;
	s21 =	sshll.u32 s20, $0xE  }
0x57: {  	[sflag:s5] =	ssyncadd.s32 $0xFFFFC000;
	s21 =	sor.u32 $0x40, s21  }
0x58: {  	s20 =	smul.u32 $0x10200, s20;
	v0 =	vld [tilespmem:s21+$0x30]  }
0x59: {  	v1 =	vld [tilespmem:s21+$0xFFFFFFD0]  }
0x5a: {  	s20 =	sshrl.u32 s20, $0x2;
	v5 =	vld [tilespmem:s21+$0xFFFFFFE0]  }
0x5b: {  	v6 =	vld [tilespmem:s21+$0xFFFFFFF0];
	s23 =	sor.u32 $0x8000, s20  }
0x5c: {  	s31 =	sand.u32 $0x1, s16;
	v4 =	vld [tilespmem:s21+$0x0];
	s22 =	sadd.s32 $0x0, s23  }
0x5d: {  	v3 =	vld [tilespmem:s21+$0x10];
	s20 =	smul.u32 $0x10200, s31;
	[tilespmem:s22+$0x3870 ss:$0x81] =	vst.msk $0xffff, v0  }
0x5e: {  	v2 =	vld [tilespmem:s21+$0x20];
	[tilespmem:s22+$0x810 ss:$0x81] =	vst.msk $0xffff, v1  }
0x5f: {  	s20 =	sshrl.u32 s20, $0x2;
	v1 =	vld [tilespmem:s21+$0xFFFFFFC0];
	[tilespmem:s22+$0x1020 ss:$0x81] =	vst.msk $0xffff, v5;
	s21 =	sadd.s32 $0x80, s21  }
0x60: {  	s24 =	simm.s32 $0x4;
	s25 =	simm.s32 $0x8;
	s20 =	sor.u32 $0x8000, s20;
	[tilespmem:s22+$0x1830 ss:$0x81] =	vst.msk $0xffff, v6;
	v0 =	vld [tilespmem:s21+$0x30]  }
.LBB1_3:
0x61: {  	p1 =	sne.s32 s25, $0x1FC;
	v5 =	vld [tilespmem:s21+$0xFFFFFFD0];
	[tilespmem:s22+$0x2040 ss:$0x81] =	vst.msk $0xffff, v4  }
0x62: {  	v6 =	vld [tilespmem:s21+$0xFFFFFFE0];
	[tilespmem:s22+$0x2850 ss:$0x81] =	vst.msk $0xffff, v3  }
0x63: {  	s26 =	sshra.s32 s24, $0x2;
	s24 =	smov.u32 s25;
	v7 =	vld [tilespmem:s21+$0xFFFFFFF0];
	[tilespmem:s22+$0x3060 ss:$0x81] =	vst.msk $0xffff, v2  }
.Ltmp3:
0x64: {  	v4 =	vld [tilespmem:s21+$0x0];
	[tilespmem:s22+$0x0 ss:$0x81] =	vst.msk $0xffff, v1;
	s22 =	sadd.s32 s26, s23;
	(pc) =	sbr.rel @p1 .LBB1_3-.Ltmp3, $4  }
0x65: {  	v3 =	vld [tilespmem:s21+$0x10];
	[tilespmem:s22+$0x3870 ss:$0x81] =	vst.msk $0xffff, v0  }
0x66: {  	[tilespmem:s22+$0x810 ss:$0x81] =	vst.msk $0xffff, v5;
	v2 =	vld [tilespmem:s21+$0x20]  }
0x67: {  	v1 =	vld [tilespmem:s21+$0xFFFFFFC0];
	[tilespmem:s22+$0x1020 ss:$0x81] =	vst.msk $0xffff, v6;
	s21 =	sadd.s32 $0x80, s21  }
0x68: {  	s25 =	sadd.s32 $0x4, s25;
	v0 =	vld [tilespmem:s21+$0x30];
	[tilespmem:s22+$0x1830 ss:$0x81] =	vst.msk $0xffff, v7  }
.Ltmp4:
0x69: {  	_ = 	snop;
	(pc) =	sbr.rel .LBB1_4-.Ltmp4, $1  }
0x6a: {  	_ =	sdelay $0x3  }
.LBB1_6:
0x6b: {  	_ =	sfence.sel $0x180000  }
0x6c: {  	s1 =	simm.s32 $0x1;
	[bflag:$0x0] =	sbarrier.arrive $0xFFFF  }
0x6d: {  	s31 =	simm.s32 $0x2;
	[sflag:s1] =	ssyncpa.u1 $0x1  }
0x6e: {  	[sflag:s31] =	ssyncpa.u1 $0x1  }
0x6f: {  	p0 =	sne.s32 s0, $0x0;
	_ =	strace $0x90000053  }
0x70: {  	s0 =	sadd.s32 @!p0 $0x100000, s3;
	[bflag:$0x2] =	sbarrier.arrive $0xFFFF  }
0x71: {  	[sflag:s0] =	ssyncadd.tile.s32 @!p0 $0x1;
	_ =	shalt  }
.Lfunc_end1:
_tile_overlayer_lowered:
.L_overlay_start_2:
0x72: {  	(tag) =	ssettag $0x2  }
0x73: {  	s0 =	rddreg [dreg:$0x0];
	s2 =	stileid.u32  }
0x74: {  	s1 =	rddreg [dreg:$0x1];
	p0 =	sne.s32 s2, $0x0  }
0x75: {  	s3 =	rddreg [dreg:$0x2];
	[bflag:$0x3] =	sbarrier.arrive $0xFFFF;
	s2 =	simm.s32 @!p0 $0x1C01  }
0x76: {  	[timem:s3], [sflag:s2] =	dma.local @!p0 [hbm:s0], s1  }
0x77: {  	s0 =	simm.s32 @!p0 $0x1  }
0x78: {  	_ =	swait.ge @!p0 [sflag:s0], s1  }
0x79: {  	s1 =	ssub.s32 @!p0 $0x0, s1;
	[sflag:s0] =	ssyncset.done @!p0 $0x0  }
0x7a: {  	[sflag:s0] =	ssyncadd.s32 @!p0 s1  }
0x7b: {  	[bflag:$0x3] =	sbarrier.arrive $0xFFFF  }
0x7c: {  	_ =	shalt  }

// kernel: sparse-core-data-format-call.cloned.1.call-start
scs
called_computation_lowered:
.L_overlay_start_0:
0x0: {  	s2 =	sld [smem:$0x3FD9]  }
0x1: {  	s3 =	sld [smem:$0x3FFE];
	_ =	sdelay $0x1  }
0x2: {  	s1 =	srdreg.scid  }
0x3: {  	s0 =	sand.u32 $0x1, s1  }
0x4: {  	s15 =	sshll.u32 s0, $0xA;
	s2 =	sadd.s32 s3, s2  }
0x5: {  	s2 =	sadd.s32 s2, s15  }
0x6: {  	[smem:$0x3F7F] =	sst s2  }
0x7: {  	_ = 	snop  }
0x8: {  	s2 =	sld [smem:$0x3FD0];
	_ =	sdelay $0x2  }
0x9: {  	s16 =	simm.s32 $0xD;
	s4 =	simm.s32 $0x10  }
0xa: {  	[smem:s4], [sflag:s16] =	dma.local [hbm:s2], $0x1  }
0xb: {  	_ =	swait.eq [sflag:s16], $0x1  }
0xc: {  	[sflag:s16] =	ssyncset.done $0x0  }
0xd: {  	[sflag:s16] =	ssyncadd.s32 $0xFFFFFFFF  }
0xe: {  	s17 =	sld [smem:$0x10];
	(tm) =	ssettm $0x1  }
0xf: {  	s18 =	sld [smem:$0x3FFB];
	_ =	sdelay $0x3  }
0x10: {  	_ =	strace s18  }
0x11: {  	s3 =	sld [smem:$0x3FFC];
	_ =	sdelay $0x3  }
0x12: {  	_ =	strace s3  }
0x13: {  	s3 =	sld [smem:$0x3FFD];
	_ =	sdelay $0x3  }
0x14: {  	_ =	strace s3  }
0x15: {  	_ =	strace $0x8FFFFFFF  }
0x16: {  	s19 =	sld [smem:$0x3FDB];
	_ =	sdelay $0x1  }
0x17: {  	s20 =	simm.s32 $_scs_section_size  }
0x18: {  	s5 =	simm.s32 $_size__tile_overlayer_lowered;
	s6 =	simm.s32 $_tile_overlayer_lowered  }
0x19: {  	s23 =	simm.s32 $0x1BFF;
	s22 =	sshll.u32 s6, $0x1;
	s3 =	sadd.s32 s20, s19  }
0x1a: {  	s7 =	simm.s32 $0x0;
	s21 =	sshll.u32 s5, $0x1;
	s5 =	sadd.s32 s22, s3  }
0x1b: {  	[timem:s7], [sflag:s23] =	dma.local [hbm:s5], s21  }
0x1c: {  	_ =	swait.ge [sflag:s23], s21  }
0x1d: {  	s4 =	ssub.s32 $0x0, s21;
	[sflag:s23] =	ssyncset.done $0x0  }
0x1e: {  	[sflag:s23] =	ssyncadd.s32 s4;
	_ =	sdelay $0x1  }
0x1f: {  	s24 =	simm.s32 $0x1B8B  }
0x20: {  	_ =	swait.ge [sflag:s24], $0x1  }
0x21: {  	[sflag:s24] =	ssyncset.done $0x0  }
0x22: {  	s26 =	simm.s32 $0x1B8E;
	s25 =	sld [smem:$0x3FFE];
	[sflag:s24] =	ssyncadd.s32 $0xFFFFFFFF  }
0x23: {  	s27 =	simm.s32 $execute0_lowered;
	[smem:$0x3FD2] =	sst s26  }
0x24: {  	s5 =	sshll.u32 s27, $0x1;
	_ =	strace $0x8000005B;
	[dreg:$0x1] =	wrdreg $0xFFFFFFFF  }
0x25: {  	s28 =	simm.s32 $_size_execute0_lowered;
	s3 =	sadd.s32 s3, s5;
	[dreg:$0x0] =	wrdreg $0x0  }
0x26: {  	s5 =	sshll.u32 s28, $0x1;
	[dreg:$0x2] =	wrdreg s3  }
0x27: {  	[dreg:$0x3] =	wrdreg s5  }
0x28: {  	[dreg:$0x4] =	wrdreg $0xC0  }
0x29: {  	_ =	task [dreg:s7], $0x5FFFF  }
0x2a: {  	[dreg:$0x1] =	wrdreg $0xFFFFFFFF  }
0x2b: {  	[dreg:$0x0] =	wrdreg $0x60  }
0x2c: {  	[dreg:$0x2] =	wrdreg s25  }
0x2d: {  	[dreg:$0x3] =	wrdreg s17  }
0x2e: {  	[dreg:$0x4] =	wrdreg $0x9  }
0x2f: {  	_ =	task.clear_ibuf [dreg:s7], $0x5FFFF;
	_ =	strace $0x9000005B  }
0x30: {  	s29 =	simm.s32 $0x9;
	_ =	strace $0x8000005D  }
0x31: {  	_ =	swait.ge [sflag:s29], $0x1  }
0x32: {  	[sflag:s29] =	ssyncadd.s32 $0xFFFFFFFF  }
0x33: {  	_ =	strace $0x9000005D  }
0x34: {  	_ =	sfence  }
0x35: {  	s30 =	sld [smem:$0x0];
	_ =	sdelay $0x2  }
0x36: {  	s31 =	sshll.u32 s1, $0xD;
	s1 =	sshrl.u32 s1, $0x2  }
0x37: {  	s3 =	sand.u32 $0x4000, s31;
	s1 =	sadd.s32 s1, s30  }
0x38: {  	s0 =	sor.u32 s3, s0;
	s1 =	sshll.u32 s1, $0x11  }
0x39: {  	s0 =	sor.u32 s1, s0  }
0x3a: {  	s0 =	sadd.s32 $0x8F2B, s0  }
0x3b: {  	[sflag:s0] =	ssyncadd.remote.s32 $0x1  }
0x3c: {  	_ =	sfence.sel $0xFFFF  }
0x3d: {  	[dreg:$0x0] =	wrdreg $0xFFFFFFFF;
	(pc) =	sbr.abs _section_cstart, $3  }
0x3e: {  	[dreg:$0x1] =	wrdreg $0xFFFFFFFF  }
0x3f: {  	_ =	task.clear_ibuf [dreg:s7], $0x2FFFF;
	_ =	strace $0x9FFFFFFF  }
0x40: {  	(tm) =	ssettm $0x7FFFFFFF  }
0x41: {  	_ =	shalt  }
tec
execute0_lowered:
.L_overlay_start_1:
0x0: {  	(tag) =	ssettag $0x1  }
0x1: {  	s1 =	rddreg [dreg:$0x0]  }
0x2: {  	s2 =	rddreg [dreg:$0x1]  }
0x3: {  	s0 =	rddreg [dreg:$0x2];
	_ =	strace $0x8000005C;
	s4 =	srdreg.scid  }
0x4: {  	s6 =	simm.s32 $0x2;
	s13 =	simm.s32 $0x0;
	p0 =	por $0x0, $0x0  }
0x5: {  	s12 =	simm.s32 $0x0;
	s15 =	simm.s32 $0x0;
	s14 =	simm.s32 $0x0  }
.Ltmp0:
0x6: {  	s8 =	simm.s32 $0x0;
	s9 =	simm.s32 $0x0;
	(pc) =	sbr.rel .LBB1_1-.Ltmp0, $4  }
0x7: {  	s11 =	simm.s32 $0x0;
	s3 =	sadd.s32 $0x6600, s1;
	s5 =	sshll.u32 s4, $0x4  }
0x8: {  	s1 =	stileid.u32;
	s4 =	simm.s32 $0x1;
	s5 =	sand.u32 $0x10, s5  }
0x9: {  	s7 =	simm.s32 $0x0;
	[sflag:s4] =	ssyncpa.u1 $0x0;
	s5 =	sor.u32 s1, s5  }
0xa: {  	[sflag:s6] =	ssyncpa.u1 $0x0;
	s6 =	simm.s32 $0xC000;
	s10 =	smov.u32 s5  }
.LBB1_5:
0xb: {  	s16 =	sadd.s32 $0x80, s8  }
0xc: {  	s12 =	sadd.s32 $0x80, s9;
	s17 =	smov.u32 s9;
	p2 =	sgt.s32 s16, $0x3FF  }
0xd: {  	s17 =	smov.u32 @p2 s12  }
0xe: {  	s18 =	smov.u32 s10;
	s12 =	sadd.s32 $0x20, s10;
	p3 =	sgt.s32 s17, $0x7F  }
0xf: {  	s18 =	smov.u32 @p3 s12  }
0x10: {  	s12 =	simm.s32 $0x1;
	p4 =	sgt.s32 s18, $0x7F  }
0x11: {  	s12 =	simm.s32 @!p4 $0x0  }
0x12: {  	p1 =	slt.u32 s7, $0x2;
	s20 =	sadd.s32 s12, s11  }
0x13: {  	s7 =	sadd.s32 $0x1, s7;
	s16 =	simm.s32 @p2 $0x0;
	p2 =	sgt.s32 s20, $0x2  }
0x14: {  	s13 =	smov.u32 s8;
	s20 =	simm.s32 @p2 $0x0;
	p2 =	sne.s32 s7, $0x62  }
.Ltmp1:
0x15: {  	s15 =	smov.u32 s10;
	s19 =	simm.s32 @!p1 $0x2;
	(pc) =	sbr.rel @!p2 .LBB1_6-.Ltmp1, $4  }
0x16: {  	s14 =	smov.u32 s11;
	p0 =	por !p0, !p0;
	_ =	swait.ge @!p1 [sflag:s19], $0x4000  }
0x17: {  	[sflag:s19] =	ssyncset.done @!p1 $0x0;
	s8 =	smov.u32 s16;
	s17 =	simm.s32 @p3 $0x0  }
0x18: {  	[sflag:s19] =	ssyncadd.s32 @!p1 $0xFFFFC000;
	s18 =	smov.u32 @p4 s5;
	s12 =	smov.u32 s9  }
0x19: {  	s9 =	smov.u32 s17;
	s10 =	smov.u32 s18;
	s11 =	smov.u32 s20  }
.LBB1_1:
0x1a: {  	p1 =	sgt.u32 s7, $0x5F  }
0x1b: {  	s16 =	sxor.u32 @!p1 $0xFFFFFFFF, s7;
	s17 =	sshll.u32 @!p1 s9, $0x7;
	s18 =	sand.u32 @!p1 $0x78, s8  }
0x1c: {  	s20 =	sshll.u32 @!p1 s10, $0xE;
	s16 =	sshll.u32 @!p1 s16, $0xE;
	s19 =	sand.u32 @!p1 $0x380, s17  }
0x1d: {  	s17 =	sand.u32 @!p1 $0x3C00, s17;
	s18 =	sor.u32 @!p1 s18, s19;
	s19 =	sshll.u32 @!p1 s11, $0x15  }
0x1e: {  	s16 =	sand.u32 @!p1 $0x4000, s16;
	s17 =	sadd.s32 @!p1 s8, s17;
	s19 =	sadd.s32 @!p1 s3, s19  }
0x1f: {  	s18 =	sshrl.u32 @!p1 s18, $0x3;
	s19 =	sadd.s32 @!p1 s20, s19;
	s20 =	sand.u32 @!p1 $0x7, s8  }
0x20: {  	s17 =	sand.u32 @!p1 $0x3F80, s17;
	s18 =	sadd.s32 @!p1 s18, s19;
	s19 =	sshll.u32 @!p1 s20, $0x12  }
0x21: {  	s17 =	sadd.s32 @!p1 s17, s18;
	s18 =	sor.u32 @!p1 $0x400, s19;
	s19 =	simm.s32 @!p1 $0x2000  }
0x22: {  	[tilespmem:s16], [sflag:$0x1] =	stream.strided.gather @!p1 [hbm4b:s17+s18], $0x4000, s19, s18, $0x38;
	[tilespmem:$0x10100] =	vst v63  }
0x23: {  	p1 =	seq.s32 s7, $0x0  }
0x24: {  	p2 =	seq.s32 @!p1 s7, $0x61  }
0x25: {  	p1 =	por p1, p2  }
.Ltmp2:
0x26: {  	_ = 	snop;
	(pc) =	sbr.rel @p1 .LBB1_5-.Ltmp2, $1  }
0x27: {  	_ =	sdelay $0x3  }
0x28: {  	s16 =	simm.s32 $0x1  }
0x29: {  	_ =	swait.ge [sflag:s4], $0x4000;
	s16 =	simm.s32 @!p0 $0x0  }
0x2a: {  	[sflag:s4] =	ssyncset.done $0x0;
	s17 =	sshll.u32 s16, $0xE  }
0x2b: {  	[sflag:s4] =	ssyncadd.s32 $0xFFFFC000;
	s18 =	sor.u32 $0x40, s17  }
0x2c: {  	s16 =	smul.u32 $0x10200, s16;
	v0 =	vld [tilespmem:s18+$0x30]  }
0x2d: {  	v3 =	vld [tilespmem:s18+$0xFFFFFFD0]  }
0x2e: {  	s16 =	sshrl.u32 s16, $0x2;
	v4 =	vld [tilespmem:s18+$0xFFFFFFE0]  }
0x2f: {  	v5 =	vld [tilespmem:s18+$0xFFFFFFF0];
	s17 =	sor.u32 $0x8000, s16  }
0x30: {  	s31 =	sand.u32 $0x1, s7;
	v1 =	vld [tilespmem:s18+$0x0];
	s19 =	sadd.s32 $0x0, s17  }
0x31: {  	v2 =	vld [tilespmem:s18+$0x10];
	s16 =	smul.u32 $0x10200, s31;
	[tilespmem:s19+$0x3870 ss:$0x81] =	vst.msk $0xffff, v0  }
0x32: {  	[tilespmem:s19+$0x810 ss:$0x81] =	vst.msk $0xffff, v3;
	v3 =	vld [tilespmem:s18+$0x20]  }
0x33: {  	s16 =	sshrl.u32 s16, $0x2;
	v0 =	vld [tilespmem:s18+$0xFFFFFFC0];
	[tilespmem:s19+$0x1020 ss:$0x81] =	vst.msk $0xffff, v4;
	s18 =	sadd.s32 $0x80, s18  }
0x34: {  	s20 =	simm.s32 $0x4;
	s21 =	simm.s32 $0x8;
	s16 =	sor.u32 $0x8000, s16;
	[tilespmem:s19+$0x1830 ss:$0x81] =	vst.msk $0xffff, v5;
	v4 =	vld [tilespmem:s18+$0x30]  }
.LBB1_3:
0x35: {  	p1 =	sne.s32 s21, $0x1FC;
	v5 =	vld [tilespmem:s18+$0xFFFFFFD0];
	[tilespmem:s19+$0x2040 ss:$0x81] =	vst.msk $0xffff, v1  }
0x36: {  	v6 =	vld [tilespmem:s18+$0xFFFFFFE0];
	[tilespmem:s19+$0x2850 ss:$0x81] =	vst.msk $0xffff, v2  }
0x37: {  	s22 =	sshra.s32 s20, $0x2;
	s20 =	smov.u32 s21;
	v7 =	vld [tilespmem:s18+$0xFFFFFFF0];
	[tilespmem:s19+$0x3060 ss:$0x81] =	vst.msk $0xffff, v3  }
.Ltmp3:
0x38: {  	v1 =	vld [tilespmem:s18+$0x0];
	[tilespmem:s19+$0x0 ss:$0x81] =	vst.msk $0xffff, v0;
	s19 =	sadd.s32 s22, s17;
	(pc) =	sbr.rel @p1 .LBB1_3-.Ltmp3, $4  }
0x39: {  	v2 =	vld [tilespmem:s18+$0x10];
	[tilespmem:s19+$0x3870 ss:$0x81] =	vst.msk $0xffff, v4  }
0x3a: {  	[tilespmem:s19+$0x810 ss:$0x81] =	vst.msk $0xffff, v5;
	v3 =	vld [tilespmem:s18+$0x20]  }
0x3b: {  	v0 =	vld [tilespmem:s18+$0xFFFFFFC0];
	[tilespmem:s19+$0x1020 ss:$0x81] =	vst.msk $0xffff, v6;
	s18 =	sadd.s32 $0x80, s18  }
0x3c: {  	s21 =	sadd.s32 $0x4, s21;
	v4 =	vld [tilespmem:s18+$0x30];
	[tilespmem:s19+$0x1830 ss:$0x81] =	vst.msk $0xffff, v7  }
0x3d: {  	v5 =	vld [tilespmem:s18+$0xFFFFFFD0];
	[tilespmem:s19+$0x2040 ss:$0x81] =	vst.msk $0xffff, v1  }
0x3e: {  	v58 =	vld [tilespmem:s18+$0xFFFFFFE0];
	[tilespmem:s19+$0x2850 ss:$0x81] =	vst.msk $0xffff, v2  }
0x3f: {  	s20 =	sshra.s32 s20, $0x2;
	v59 =	vld [tilespmem:s18+$0xFFFFFFF0];
	[tilespmem:s19+$0x3060 ss:$0x81] =	vst.msk $0xffff, v3  }
0x40: {  	v60 =	vld [tilespmem:s18+$0x0];
	s17 =	sadd.s32 s20, s17;
	[tilespmem:s19+$0x0 ss:$0x81] =	vst.msk $0xffff, v0  }
0x41: {  	v61 =	vld [tilespmem:s18+$0x10];
	s15 =	sshll.u32 s15, $0x7;
	[tilespmem:s17+$0x3870 ss:$0x81] =	vst.msk $0xffff, v4  }
0x42: {  	s26 =	sshll.u32 s12, $0x3;
	v62 =	vld [tilespmem:s18+$0x20];
	s13 =	smul.u32 $0x1800, s13;
	s14 =	sshll.u32 s14, $0xB;
	[tilespmem:s17+$0x810 ss:$0x81] =	vst.msk $0xffff, v5  }
0x43: {  	v63 =	vld [tilespmem:s18+$0xFFFFFFC0];
	s29 =	sshrl.u32 s12, $0x3;
	s27 =	sand.u32 $0x3C00, s15;
	s19 =	sand.u32 $0x3C00, s26;
	[tilespmem:s17+$0x1020 ss:$0x81] =	vst.msk $0xffff, v58  }
0x44: {  	s30 =	sand.u32 $0x7, s12;
	s15 =	sand.u32 $0x380, s15;
	s28 =	sadd.s32 s27, s19;
	[tilespmem:s17+$0x1830 ss:$0x81] =	vst.msk $0xffff, v59  }
.Ltmp4:
0x45: {  	s14 =	sadd.s32 s2, s14;
	s15 =	sor.u32 s15, s28;
	[tilespmem:s17+$0x2040 ss:$0x81] =	vst.msk $0xffff, v60;
	(pc) =	sbr.rel .LBB1_5-.Ltmp4, $4  }
0x46: {  	s18 =	sand.u32 $0xF, s29;
	s13 =	sadd.s32 s13, s14;
	[tilespmem:s17+$0x2850 ss:$0x81] =	vst.msk $0xffff, v61;
	s15 =	sshrl.u32 s15, $0x3  }
0x47: {  	s12 =	sshll.u32 s30, $0x12;
	s13 =	sadd.s32 s18, s13;
	[tilespmem:s17+$0x3060 ss:$0x81] =	vst.msk $0xffff, v62;
	s31 =	sand.u32 $0x7F0, s15  }
0x48: {  	s12 =	sor.u32 $0x80, s12;
	[tilespmem:s17+$0x0 ss:$0x81] =	vst.msk $0xffff, v63;
	s13 =	sadd.s32 s31, s13  }
0x49: {  	[hbm4b:s13+s12] =	stream.strided.scatter [tilespmem:s16], [sflag:$0x2], $0x4000, s6, s12, $0x20;
	[tilespmem:$0x10100] =	vst v63  }
.LBB1_6:
0x4a: {  	_ =	sfence.sel $0x180000  }
0x4b: {  	s2 =	simm.s32 $0x1;
	[bflag:$0x0] =	sbarrier.arrive $0xFFFF  }
0x4c: {  	s31 =	simm.s32 $0x2;
	[sflag:s2] =	ssyncpa.u1 $0x1  }
0x4d: {  	[sflag:s31] =	ssyncpa.u1 $0x1  }
0x4e: {  	p0 =	sne.s32 s1, $0x0;
	_ =	strace $0x9000005C  }
0x4f: {  	s0 =	sadd.s32 @!p0 $0x100000, s0;
	[bflag:$0x2] =	sbarrier.arrive $0xFFFF  }
0x50: {  	[sflag:s0] =	ssyncadd.tile.s32 @!p0 $0x1;
	_ =	shalt  }
.Lfunc_end1:
_tile_overlayer_lowered:
.L_overlay_start_2:
0x51: {  	(tag) =	ssettag $0x2  }
0x52: {  	s0 =	rddreg [dreg:$0x0];
	s2 =	stileid.u32  }
0x53: {  	s1 =	rddreg [dreg:$0x1];
	p0 =	sne.s32 s2, $0x0  }
0x54: {  	s3 =	rddreg [dreg:$0x2];
	[bflag:$0x3] =	sbarrier.arrive $0xFFFF;
	s2 =	simm.s32 @!p0 $0x1C01  }
0x55: {  	[timem:s3], [sflag:s2] =	dma.local @!p0 [hbm:s0], s1  }
0x56: {  	s0 =	simm.s32 @!p0 $0x1  }
0x57: {  	_ =	swait.ge @!p0 [sflag:s0], s1  }
0x58: {  	s1 =	ssub.s32 @!p0 $0x0, s1;
	[sflag:s0] =	ssyncset.done @!p0 $0x0  }
0x59: {  	[sflag:s0] =	ssyncadd.s32 @!p0 s1  }
0x5a: {  	[bflag:$0x3] =	sbarrier.arrive $0xFFFF  }
0x5b: {  	_ =	shalt  }

</sc_bundles>
